<compile_context>
chip_gen: v7x
topology: tpu7x:2x2x1
jax: 0.10.2.dev20260603
libtpu: 0.0.44.dev20260713+nightly
codegen_flags: <defaults>
</compile_context>

<pallas_src>
import jax
import jax.numpy as jnp
from jax import lax
from jax.experimental import pallas as pl
from jax.experimental.pallas import tpu as pltpu
from jax.experimental.pallas import tpu_sc as plsc

NC = 2
NS = 16
NW = NC * NS


def _sc_edge_segment_sum(values, src, dst, num_segments, chunk=128):
    n_rows, d = values.shape
    n_edges = dst.shape[0]
    block = chunk * NW
    cpw = -(-n_edges // block)
    cpw = -(-cpw // 16) * 16
    e_pad = cpw * block
    pad = e_pad - n_edges
    n_dummy = 512
    if pad:
        src = jnp.concatenate(
            [src, jnp.arange(pad, dtype=jnp.int32) % n_rows])
        dst = jnp.concatenate(
            [dst, num_segments + (jnp.arange(pad, dtype=jnp.int32) % n_dummy)])
    idx4 = jnp.stack(
        [src.reshape(NW, cpw, chunk), dst.reshape(NW, cpw, chunk)], axis=2)
    seg_pad = num_segments + n_dummy
    rpt = (num_segments // NS) // 8 * 8
    tail = num_segments - rpt * NS
    zeros = jnp.zeros((seg_pad, d), jnp.float32)
    mesh = plsc.VectorSubcoreMesh(core_axis_name="c", subcore_axis_name="s")

    NI = 8
    scratch = [
        pltpu.VMEM((NI, 2, chunk), jnp.int32),
        pltpu.VMEM((2, chunk, d), jnp.float32),
        pltpu.VMEM_SHARED((seg_pad, d), jnp.float32),
    ] + [pltpu.SemaphoreType.DMA] * (NI + 4)

    def body(val_hbm, idx_hbm, zero_hbm, out_hbm, idx_v, rows_v, acc, *sems):
        cid = lax.axis_index("c")
        sid = lax.axis_index("s")
        wid = sid * NC + cid
        isem = sems[:NI]
        gsem = sems[NI:NI + 2]
        ssem = sems[NI + 2:]

        def idx_copy(c, s):
            return pltpu.make_async_copy(idx_hbm.at[wid, c], idx_v.at[s],
                                         isem[s])

        def gather(b, s):
            return pltpu.make_async_copy(val_hbm.at[idx_v.at[s, 0]],
                                         rows_v.at[b], gsem[b])

        def scatter_start(b, s):
            pltpu.async_copy(rows_v.at[b], acc.at[idx_v.at[s, 1]],
                             ssem[b], add=True)

        def scatter_wait(b, s):
            pltpu.make_async_copy(rows_v.at[b], acc.at[idx_v.at[s, 1]],
                                  ssem[b]).wait()

        for t in range(4):
            idx_copy(t, t).start()
        pltpu.sync_copy(zero_hbm.at[pl.ds(sid * rpt, rpt)],
                        acc.at[pl.ds(sid * rpt, rpt)])
        rest = seg_pad - rpt * NS
        @pl.when(sid == 0)
        def _():
            pltpu.sync_copy(zero_hbm.at[pl.ds(rpt * NS, rest)],
                            acc.at[pl.ds(rpt * NS, rest)])
        plsc.subcore_barrier()

        idx_copy(0, 0).wait()
        gather(0, 0).start()

        def step(j, carry):
            for k in range(NI):
                c = NI * j + k
                b = k % 2
                nb = 1 - b
                s = k
                ns = (k + 1) % NI
                @pl.when(c + 1 < cpw)
                def _():
                    idx_copy(c + 1, ns).wait()
                @pl.when(c >= 1)
                def _():
                    scatter_wait(nb, (k - 1) % NI)
                @pl.when(c + 1 < cpw)
                def _():
                    gather(nb, ns).start()
                gather(b, s).wait()
                scatter_start(b, s)
                @pl.when(c + 4 < cpw)
                def _():
                    idx_copy(c + 4, (k + 4) % NI).start()
            return carry

        lax.fori_loop(0, cpw // NI, step, 0)
        scatter_wait((cpw - 1) % 2, (cpw - 1) % NI)
        plsc.subcore_barrier()
        pltpu.sync_copy(acc.at[pl.ds(sid * rpt, rpt)],
                        out_hbm.at[cid, pl.ds(sid * rpt, rpt)])
        if tail:
            @pl.when(sid == 0)
            def _():
                pltpu.sync_copy(acc.at[pl.ds(rpt * NS, tail)],
                                out_hbm.at[cid, pl.ds(rpt * NS, tail)])

    return pl.kernel(
        body,
        out_type=jax.ShapeDtypeStruct((NC, num_segments, d), jnp.float32),
        mesh=mesh,
        scratch_types=scratch,
    )(values, idx4, zeros)


def _sc_pool_segment_sum(values, dst, num_segments, chunk=80):
    n_rows, d = values.shape
    n_chunks = n_rows // chunk
    rpt = (num_segments // NS) // 8 * 8
    tail = num_segments - rpt * NS
    zeros = jnp.zeros((num_segments, d), jnp.float32)
    mesh = plsc.VectorSubcoreMesh(core_axis_name="c", subcore_axis_name="s")

    scratch = [
        pltpu.VMEM((1, chunk), jnp.int32),
        pltpu.VMEM((chunk, d), jnp.float32),
        pltpu.VMEM_SHARED((num_segments, d), jnp.float32),
        pltpu.SemaphoreType.DMA,
    ]

    def body(val_hbm, dst_hbm, zero_hbm, out_hbm, dst_v, rows_v, acc, sem):
        cid = lax.axis_index("c")
        sid = lax.axis_index("s")
        wid = sid * NC + cid

        pltpu.sync_copy(zero_hbm.at[pl.ds(sid * rpt, rpt)],
                        acc.at[pl.ds(sid * rpt, rpt)])
        if tail:
            @pl.when(sid == 0)
            def _():
                pltpu.sync_copy(zero_hbm.at[pl.ds(rpt * NS, tail)],
                                acc.at[pl.ds(rpt * NS, tail)])
        plsc.subcore_barrier()

        n_my = (n_chunks - wid + NW - 1) // NW

        def step(i, carry):
            c = wid + i * NW
            off = c * chunk
            pltpu.sync_copy(dst_hbm.at[pl.ds(off, chunk)], dst_v.at[0])
            pltpu.sync_copy(val_hbm.at[pl.ds(off, chunk)], rows_v)
            pltpu.sync_copy(rows_v, acc.at[dst_v.at[0]], add=True)
            return carry

        lax.fori_loop(0, n_my, step, 0)
        plsc.subcore_barrier()
        pltpu.sync_copy(acc.at[pl.ds(sid * rpt, rpt)],
                        out_hbm.at[cid, pl.ds(sid * rpt, rpt)])
        if tail:
            @pl.when(sid == 0)
            def _():
                pltpu.sync_copy(acc.at[pl.ds(rpt * NS, tail)],
                                out_hbm.at[cid, pl.ds(rpt * NS, tail)])

    return pl.kernel(
        body,
        out_type=jax.ShapeDtypeStruct((NC, num_segments, d), jnp.float32),
        mesh=mesh,
        scratch_types=scratch,
    )(values, dst, zeros)


def _tc_layer(h, parts, eps, w1, b1, w2, b2, gamma, beta):
    n, d = h.shape

    def body(eps_ref, h_ref, p_ref, w1_ref, b1_ref, w2_ref, b2_ref,
             g_ref, be_ref, o_ref):
        hv = h_ref[...]
        z = hv + eps_ref[0] * hv + p_ref[0] + p_ref[1]
        a = jnp.dot(z, w1_ref[...], preferred_element_type=jnp.float32,
                    precision=lax.Precision.HIGHEST) + b1_ref[...]
        a = jnp.maximum(a, 0.0)
        z2 = jnp.dot(a, w2_ref[...], preferred_element_type=jnp.float32,
                     precision=lax.Precision.HIGHEST) + b2_ref[...]
        mu = jnp.mean(z2, axis=0, keepdims=True)
        var = jnp.mean(z2 * z2, axis=0, keepdims=True) - mu * mu
        zn = (z2 - mu) * lax.rsqrt(var + 1e-5) * g_ref[...] + be_ref[...]
        o_ref[...] = jnp.maximum(zn, 0.0) + hv

    smem = pl.BlockSpec(memory_space=pltpu.SMEM)
    vmem = pl.BlockSpec(memory_space=pltpu.VMEM)
    return pl.pallas_call(
        body,
        out_shape=jax.ShapeDtypeStruct((n, d), jnp.float32),
        in_specs=[smem] + [vmem] * 8,
        out_specs=vmem,
    )(jnp.reshape(eps, (1,)), h, parts, w1, jnp.reshape(b1, (1, d)), w2,
      jnp.reshape(b2, (1, d)), jnp.reshape(gamma, (1, d)),
      jnp.reshape(beta, (1, d)))


def _tc_head(parts, w1, b1, w2, b2):
    g, d = parts.shape[1], parts.shape[2]
    d_out = w2.shape[1]

    def body(p_ref, w1_ref, b1_ref, w2_ref, b2_ref, o_ref):
        zp = p_ref[0] + p_ref[1]
        a = jnp.dot(zp, w1_ref[...], preferred_element_type=jnp.float32,
                    precision=lax.Precision.HIGHEST) + b1_ref[...]
        a = jnp.maximum(a, 0.0)
        o_ref[...] = jnp.dot(a, w2_ref[...], preferred_element_type=jnp.float32,
                             precision=lax.Precision.HIGHEST) + b2_ref[...]

    vmem = pl.BlockSpec(memory_space=pltpu.VMEM)
    return pl.pallas_call(
        body,
        out_shape=jax.ShapeDtypeStruct((g, d_out), jnp.float32),
        in_specs=[vmem] * 5,
        out_specs=vmem,
    )(parts, w1, jnp.reshape(b1, (1, d)), w2, jnp.reshape(b2, (1, d_out)))


def kernel(x, edge_index, batch, l0_eps, l0_W1, l0_b1, l0_W2, l0_b2, l0_gamma,
           l0_beta, l1_eps, l1_W1, l1_b1, l1_W2, l1_b2, l1_gamma, l1_beta,
           l2_eps, l2_W1, l2_b1, l2_W2, l2_b2, l2_gamma, l2_beta, head_W1,
           head_b1, head_W2, head_b2):
    src = edge_index[0]
    dst = edge_index[1]
    n = x.shape[0]
    g = 512

    layers = [
        (l0_eps, l0_W1, l0_b1, l0_W2, l0_b2, l0_gamma, l0_beta),
        (l1_eps, l1_W1, l1_b1, l1_W2, l1_b2, l1_gamma, l1_beta),
        (l2_eps, l2_W1, l2_b1, l2_W2, l2_b2, l2_gamma, l2_beta),
    ]
    h = x
    for (eps, w1, b1, w2, b2, gamma, beta) in layers:
        parts = _sc_edge_segment_sum(h, src, dst, n, chunk=128)
        h = _tc_layer(h, parts, eps, w1, b1, w2, b2, gamma, beta)

    pool_parts = _sc_pool_segment_sum(h, batch, g, chunk=80)
    return _tc_head(pool_parts, head_W1, head_b1, head_W2, head_b2)

# --- scband reference (transcript-rebuilt; emitter-appended) ---
"""Pipeline reference for scband-gincontext-subgraph-classifier-26731876451138 (READ-ONLY COPY).

The authoritative reference and input builder live on the scoring server;
editing this copy changes nothing except your own understanding.
"""

import jax, jax.numpy as jnp
import numpy as np

N = 10000
E = 320000
D_IN = 128
D_H = 128
D_OUT = 16
G = 512
L = 3


def _linear_init(key, fan_in, shape):
    s = 1.0 / np.sqrt(fan_in)
    return jax.random.uniform(key, shape, dtype=jnp.float32, minval=-s, maxval=s)


def setup_inputs(seed: int = 0) -> dict:
    key = jax.random.key(seed)
    ks = jax.random.split(key, 64)
    inp = {}
    inp["x"] = jax.random.normal(ks[0], (N, D_IN), dtype=jnp.float32)
    inp["edge_index"] = jax.random.randint(ks[1], (2, E), 0, N, dtype=jnp.int32)
    inp["batch"] = jnp.sort(jax.random.randint(ks[2], (N,), 0, G, dtype=jnp.int32))
    ki = 3
    for i in range(L):
        fi = D_IN if i == 0 else D_H
        inp[f"l{i}_eps"] = jnp.zeros((), dtype=jnp.float32)
        inp[f"l{i}_W1"] = _linear_init(ks[ki], fi, (fi, D_H)); ki += 1
        inp[f"l{i}_b1"] = _linear_init(ks[ki], fi, (D_H,)); ki += 1
        inp[f"l{i}_W2"] = _linear_init(ks[ki], D_H, (D_H, D_H)); ki += 1
        inp[f"l{i}_b2"] = _linear_init(ks[ki], D_H, (D_H,)); ki += 1
        inp[f"l{i}_gamma"] = jnp.ones((D_H,), dtype=jnp.float32)
        inp[f"l{i}_beta"] = jnp.zeros((D_H,), dtype=jnp.float32)
    inp["head_W1"] = _linear_init(ks[ki], D_H, (D_H, D_H)); ki += 1
    inp["head_b1"] = _linear_init(ks[ki], D_H, (D_H,)); ki += 1
    inp["head_W2"] = _linear_init(ks[ki], D_H, (D_H, D_OUT)); ki += 1
    inp["head_b2"] = _linear_init(ks[ki], D_H, (D_OUT,)); ki += 1
    return inp


def _forward(x, edge_index, batch, layer_params, head_params):
    src = edge_index[0]
    dst = edge_index[1]
    h = x
    for (eps, W1, b1, W2, b2, gamma, beta) in layer_params:
        h_in = h
        # GINConv (train_eps): out = MLP((1+eps)*x_i + sum_{j->i} x_j)
        agg = jax.ops.segment_sum(h[src], dst, num_segments=N)
        z = (1.0 + eps) * h + agg
        z = jnp.maximum(z @ W1 + b1, 0.0) @ W2 + b2
        # BatchNorm1d (training mode: batch statistics over nodes)
        mu = jnp.mean(z, axis=0)
        var = jnp.var(z, axis=0)
        z = (z - mu) * jax.lax.rsqrt(var + 1e-5) * gamma + beta
        z = jnp.maximum(z, 0.0)
        if h_in.shape[1] == z.shape[1]:
            z = z + h_in
        # dropout p=0.0 -> identity
        h = z
    # global_add_pool
    Z = jax.ops.segment_sum(h, batch, num_segments=G)
    hW1, hb1, hW2, hb2 = head_params
    logits = jnp.maximum(Z @ hW1 + hb1, 0.0) @ hW2 + hb2
    return logits


def reference(x, edge_index, batch, l0_eps, l0_W1, l0_b1, l0_W2, l0_b2, l0_gamma, l0_beta, l1_eps, l1_W1, l1_b1, l1_W2, l1_b2, l1_gamma, l1_beta, l2_eps, l2_W1, l2_b1, l2_W2, l2_b2, l2_gamma, l2_beta, head_W1, head_b1, head_W2, head_b2):
    layers = [
        (l0_eps, l0_W1, l0_b1, l0_W2, l0_b2, l0_gamma, l0_beta),
        (l1_eps, l1_W1, l1_b1, l1_W2, l1_b2, l1_gamma, l1_beta),
        (l2_eps, l2_W1, l2_b1, l2_W2, l2_b2, l2_gamma, l2_beta),
    ]
    head = (head_W1, head_b1, head_W2, head_b2)
    return _forward(x, edge_index, batch, layers, head)

if __name__ == "__main__":
    import jax
    _d = setup_inputs()
    print(jax.jit(kernel)(*tuple(_d.values())))

</pallas_src>

<mosaic_0001>
#map = affine_map<(d0, d1) -> (0, 0)>
#map1 = affine_map<(d0, d1) -> (0, 0, 0, 0)>
#map2 = affine_map<(d0, d1) -> (0, 0, 0)>
module attributes {stable_mosaic.version = 14 : i64} {
  func.func @body(%arg0: i32, %arg1: i32, %arg2: memref<10000x128xf32, #tpu.memory_space<hbm>>, %arg3: memref<32x80x2x128xi32, #tpu.memory_space<hbm>>, %arg4: memref<10512x128xf32, #tpu.memory_space<hbm>>, %arg5: memref<2x10000x128xf32, #tpu.memory_space<hbm>>, %arg6: memref<8x2x128xi32, #tpu.memory_space<vmem>>, %arg7: memref<2x128x128xf32, #tpu.memory_space<vmem>>, %arg8: memref<10512x128xf32, #tpu.memory_space<vmem_shared>>, %arg9: memref<!tpu.dma_semaphore, #tpu.memory_space<semaphore_mem>>, %arg10: memref<!tpu.dma_semaphore, #tpu.memory_space<semaphore_mem>>, %arg11: memref<!tpu.dma_semaphore, #tpu.memory_space<semaphore_mem>>, %arg12: memref<!tpu.dma_semaphore, #tpu.memory_space<semaphore_mem>>, %arg13: memref<!tpu.dma_semaphore, #tpu.memory_space<semaphore_mem>>, %arg14: memref<!tpu.dma_semaphore, #tpu.memory_space<semaphore_mem>>, %arg15: memref<!tpu.dma_semaphore, #tpu.memory_space<semaphore_mem>>, %arg16: memref<!tpu.dma_semaphore, #tpu.memory_space<semaphore_mem>>, %arg17: memref<!tpu.dma_semaphore, #tpu.memory_space<semaphore_mem>>, %arg18: memref<!tpu.dma_semaphore, #tpu.memory_space<semaphore_mem>>, %arg19: memref<!tpu.dma_semaphore, #tpu.memory_space<semaphore_mem>>, %arg20: memref<!tpu.dma_semaphore, #tpu.memory_space<semaphore_mem>>) attributes {dimension_semantics = [#tpu.dimension_semantics<core_parallel>, #tpu.dimension_semantics<subcore_parallel>], iteration_bounds = array<i64: 2, 16>, scalar_prefetch = 0 : i64, scratch_operands = 15 : i64, tpu.core_type = #tpu.core_type<sc_vector_subcore>, window_params = [{transform_indices = #map}, {transform_indices = #map1}, {transform_indices = #map}, {transform_indices = #map2}]} {
    %mul3A = arith.constant 2 : i32
    %mul3A_0 = arith.muli %arg1, %mul3A : i32
    %add3A = arith.addi %mul3A_0, %arg0 : i32
    %dma_start3A = arith.constant 0 : i32
    %dma_start3A_1 = arith.constant 0 : i32
    %dma_start3A_2 = arith.constant 0 : i32
    %dma_start3A_3 = arith.constant 0 : i32
    %dma_start3A_4 = tpu.memref_slice %arg6[%dma_start3A_1, %dma_start3A_2, %dma_start3A_3] : memref<8x2x128xi32, #tpu.memory_space<vmem>> -> memref<1x2x128xi32, #tpu.memory_space<vmem>>
    %dma_start3A_5 = tpu.memref_squeeze %dma_start3A_4 : memref<1x2x128xi32, #tpu.memory_space<vmem>> -> memref<2x128xi32, #tpu.memory_space<vmem>>
    %dma_start3A_6 = arith.constant 0 : i32
    %dma_start3A_7 = arith.constant 0 : i32
    %dma_start3A_8 = tpu.memref_slice %arg3[%add3A, %dma_start3A, %dma_start3A_6, %dma_start3A_7] : memref<32x80x2x128xi32, #tpu.memory_space<hbm>> -> memref<1x1x2x128xi32, #tpu.memory_space<hbm>>
    %dma_start3A_9 = tpu.memref_squeeze %dma_start3A_8 : memref<1x1x2x128xi32, #tpu.memory_space<hbm>> -> memref<2x128xi32, #tpu.memory_space<hbm>>
    %dma_start3A_10 = arith.constant 0 : i32
    %dma_start3A_11 = arith.constant 0 : i32
    %dma_start3A_12 = tpu.memref_slice %arg6[%dma_start3A_1, %dma_start3A_10, %dma_start3A_11] : memref<8x2x128xi32, #tpu.memory_space<vmem>> -> memref<1x2x128xi32, #tpu.memory_space<vmem>>
    %dma_start3A_13 = tpu.memref_squeeze %dma_start3A_12 : memref<1x2x128xi32, #tpu.memory_space<vmem>> -> memref<2x128xi32, #tpu.memory_space<vmem>>
    %dma_start3A_14 = arith.constant 0 : i32
    %dma_start3A_15 = arith.constant 0 : i32
    %dma_start3A_16 = tpu.memref_slice %arg3[%add3A, %dma_start3A, %dma_start3A_14, %dma_start3A_15] : memref<32x80x2x128xi32, #tpu.memory_space<hbm>> -> memref<1x1x2x128xi32, #tpu.memory_space<hbm>>
    %dma_start3A_17 = tpu.memref_squeeze %dma_start3A_16 : memref<1x1x2x128xi32, #tpu.memory_space<hbm>> -> memref<2x128xi32, #tpu.memory_space<hbm>>
    tpu.enqueue_dma source(%dma_start3A_17 : memref<2x128xi32, #tpu.memory_space<hbm>>) target(%dma_start3A_13 : memref<2x128xi32, #tpu.memory_space<vmem>>) target_semaphore(%arg9 : memref<!tpu.dma_semaphore, #tpu.memory_space<semaphore_mem>>)
    %dma_start3A_18 = arith.constant 1 : i32
    %dma_start3A_19 = arith.constant 1 : i32
    %dma_start3A_20 = arith.constant 0 : i32
    %dma_start3A_21 = arith.constant 0 : i32
    %dma_start3A_22 = tpu.memref_slice %arg6[%dma_start3A_19, %dma_start3A_20, %dma_start3A_21] : memref<8x2x128xi32, #tpu.memory_space<vmem>> -> memref<1x2x128xi32, #tpu.memory_space<vmem>>
    %dma_start3A_23 = tpu.memref_squeeze %dma_start3A_22 : memref<1x2x128xi32, #tpu.memory_space<vmem>> -> memref<2x128xi32, #tpu.memory_space<vmem>>
    %dma_start3A_24 = arith.constant 0 : i32
    %dma_start3A_25 = arith.constant 0 : i32
    %dma_start3A_26 = tpu.memref_slice %arg3[%add3A, %dma_start3A_18, %dma_start3A_24, %dma_start3A_25] : memref<32x80x2x128xi32, #tpu.memory_space<hbm>> -> memref<1x1x2x128xi32, #tpu.memory_space<hbm>>
    %dma_start3A_27 = tpu.memref_squeeze %dma_start3A_26 : memref<1x1x2x128xi32, #tpu.memory_space<hbm>> -> memref<2x128xi32, #tpu.memory_space<hbm>>
    %dma_start3A_28 = arith.constant 0 : i32
    %dma_start3A_29 = arith.constant 0 : i32
    %dma_start3A_30 = tpu.memref_slice %arg6[%dma_start3A_19, %dma_start3A_28, %dma_start3A_29] : memref<8x2x128xi32, #tpu.memory_space<vmem>> -> memref<1x2x128xi32, #tpu.memory_space<vmem>>
    %dma_start3A_31 = tpu.memref_squeeze %dma_start3A_30 : memref<1x2x128xi32, #tpu.memory_space<vmem>> -> memref<2x128xi32, #tpu.memory_space<vmem>>
    %dma_start3A_32 = arith.constant 0 : i32
    %dma_start3A_33 = arith.constant 0 : i32
    %dma_start3A_34 = tpu.memref_slice %arg3[%add3A, %dma_start3A_18, %dma_start3A_32, %dma_start3A_33] : memref<32x80x2x128xi32, #tpu.memory_space<hbm>> -> memref<1x1x2x128xi32, #tpu.memory_space<hbm>>
    %dma_start3A_35 = tpu.memref_squeeze %dma_start3A_34 : memref<1x1x2x128xi32, #tpu.memory_space<hbm>> -> memref<2x128xi32, #tpu.memory_space<hbm>>
    tpu.enqueue_dma source(%dma_start3A_35 : memref<2x128xi32, #tpu.memory_space<hbm>>) target(%dma_start3A_31 : memref<2x128xi32, #tpu.memory_space<vmem>>) target_semaphore(%arg10 : memref<!tpu.dma_semaphore, #tpu.memory_space<semaphore_mem>>)
    %dma_start3A_36 = arith.constant 2 : i32
    %dma_start3A_37 = arith.constant 2 : i32
    %dma_start3A_38 = arith.constant 0 : i32
    %dma_start3A_39 = arith.constant 0 : i32
    %dma_start3A_40 = tpu.memref_slice %arg6[%dma_start3A_37, %dma_start3A_38, %dma_start3A_39] : memref<8x2x128xi32, #tpu.memory_space<vmem>> -> memref<1x2x128xi32, #tpu.memory_space<vmem>>
    %dma_start3A_41 = tpu.memref_squeeze %dma_start3A_40 : memref<1x2x128xi32, #tpu.memory_space<vmem>> -> memref<2x128xi32, #tpu.memory_space<vmem>>
    %dma_start3A_42 = arith.constant 0 : i32
    %dma_start3A_43 = arith.constant 0 : i32
    %dma_start3A_44 = tpu.memref_slice %arg3[%add3A, %dma_start3A_36, %dma_start3A_42, %dma_start3A_43] : memref<32x80x2x128xi32, #tpu.memory_space<hbm>> -> memref<1x1x2x128xi32, #tpu.memory_space<hbm>>
    %dma_start3A_45 = tpu.memref_squeeze %dma_start3A_44 : memref<1x1x2x128xi32, #tpu.memory_space<hbm>> -> memref<2x128xi32, #tpu.memory_space<hbm>>
    %dma_start3A_46 = arith.constant 0 : i32
    %dma_start3A_47 = arith.constant 0 : i32
    %dma_start3A_48 = tpu.memref_slice %arg6[%dma_start3A_37, %dma_start3A_46, %dma_start3A_47] : memref<8x2x128xi32, #tpu.memory_space<vmem>> -> memref<1x2x128xi32, #tpu.memory_space<vmem>>
    %dma_start3A_49 = tpu.memref_squeeze %dma_start3A_48 : memref<1x2x128xi32, #tpu.memory_space<vmem>> -> memref<2x128xi32, #tpu.memory_space<vmem>>
    %dma_start3A_50 = arith.constant 0 : i32
    %dma_start3A_51 = arith.constant 0 : i32
    %dma_start3A_52 = tpu.memref_slice %arg3[%add3A, %dma_start3A_36, %dma_start3A_50, %dma_start3A_51] : memref<32x80x2x128xi32, #tpu.memory_space<hbm>> -> memref<1x1x2x128xi32, #tpu.memory_space<hbm>>
    %dma_start3A_53 = tpu.memref_squeeze %dma_start3A_52 : memref<1x1x2x128xi32, #tpu.memory_space<hbm>> -> memref<2x128xi32, #tpu.memory_space<hbm>>
    tpu.enqueue_dma source(%dma_start3A_53 : memref<2x128xi32, #tpu.memory_space<hbm>>) target(%dma_start3A_49 : memref<2x128xi32, #tpu.memory_space<vmem>>) target_semaphore(%arg11 : memref<!tpu.dma_semaphore, #tpu.memory_space<semaphore_mem>>)
    %dma_start3A_54 = arith.constant 3 : i32
    %dma_start3A_55 = arith.constant 3 : i32
    %dma_start3A_56 = arith.constant 0 : i32
    %dma_start3A_57 = arith.constant 0 : i32
    %dma_start3A_58 = tpu.memref_slice %arg6[%dma_start3A_55, %dma_start3A_56, %dma_start3A_57] : memref<8x2x128xi32, #tpu.memory_space<vmem>> -> memref<1x2x128xi32, #tpu.memory_space<vmem>>
    %dma_start3A_59 = tpu.memref_squeeze %dma_start3A_58 : memref<1x2x128xi32, #tpu.memory_space<vmem>> -> memref<2x128xi32, #tpu.memory_space<vmem>>
    %dma_start3A_60 = arith.constant 0 : i32
    %dma_start3A_61 = arith.constant 0 : i32
    %dma_start3A_62 = tpu.memref_slice %arg3[%add3A, %dma_start3A_54, %dma_start3A_60, %dma_start3A_61] : memref<32x80x2x128xi32, #tpu.memory_space<hbm>> -> memref<1x1x2x128xi32, #tpu.memory_space<hbm>>
    %dma_start3A_63 = tpu.memref_squeeze %dma_start3A_62 : memref<1x1x2x128xi32, #tpu.memory_space<hbm>> -> memref<2x128xi32, #tpu.memory_space<hbm>>
    %dma_start3A_64 = arith.constant 0 : i32
    %dma_start3A_65 = arith.constant 0 : i32
    %dma_start3A_66 = tpu.memref_slice %arg6[%dma_start3A_55, %dma_start3A_64, %dma_start3A_65] : memref<8x2x128xi32, #tpu.memory_space<vmem>> -> memref<1x2x128xi32, #tpu.memory_space<vmem>>
    %dma_start3A_67 = tpu.memref_squeeze %dma_start3A_66 : memref<1x2x128xi32, #tpu.memory_space<vmem>> -> memref<2x128xi32, #tpu.memory_space<vmem>>
    %dma_start3A_68 = arith.constant 0 : i32
    %dma_start3A_69 = arith.constant 0 : i32
    %dma_start3A_70 = tpu.memref_slice %arg3[%add3A, %dma_start3A_54, %dma_start3A_68, %dma_start3A_69] : memref<32x80x2x128xi32, #tpu.memory_space<hbm>> -> memref<1x1x2x128xi32, #tpu.memory_space<hbm>>
    %dma_start3A_71 = tpu.memref_squeeze %dma_start3A_70 : memref<1x1x2x128xi32, #tpu.memory_space<hbm>> -> memref<2x128xi32, #tpu.memory_space<hbm>>
    tpu.enqueue_dma source(%dma_start3A_71 : memref<2x128xi32, #tpu.memory_space<hbm>>) target(%dma_start3A_67 : memref<2x128xi32, #tpu.memory_space<vmem>>) target_semaphore(%arg12 : memref<!tpu.dma_semaphore, #tpu.memory_space<semaphore_mem>>)
    %mul3A_72 = arith.constant 624 : i32
    %mul3A_73 = arith.muli %arg1, %mul3A_72 : i32
    %mul3A_74 = arith.constant 624 : i32
    %mul3A_75 = arith.muli %arg1, %mul3A_74 : i32
    "tpu.region"() ({
      %run_scoped3A = tpu.sem_alloc : memref<!tpu.dma_semaphore, #tpu.memory_space<semaphore_mem>>
      %dma_start3A_136 = arith.constant 0 : i32
      %dma_start3A_137 = tpu.memref_slice %arg8[%mul3A_75, %dma_start3A_136] : memref<10512x128xf32, #tpu.memory_space<vmem_shared>> -> memref<624x128xf32, #tpu.memory_space<vmem_shared>>
      %dma_start3A_138 = arith.constant 0 : i32
      %dma_start3A_139 = tpu.memref_slice %arg4[%mul3A_73, %dma_start3A_138] : memref<10512x128xf32, #tpu.memory_space<hbm>> -> memref<624x128xf32, #tpu.memory_space<hbm>>
      tpu.enqueue_dma source(%dma_start3A_139 : memref<624x128xf32, #tpu.memory_space<hbm>>) target(%dma_start3A_137 : memref<624x128xf32, #tpu.memory_space<vmem_shared>>) target_semaphore(%run_scoped3A : memref<!tpu.dma_semaphore, #tpu.memory_space<semaphore_mem>>)
      %dma_wait3A_140 = arith.constant 0 : i32
      %dma_wait3A_141 = tpu.memref_slice %arg8[%mul3A_75, %dma_wait3A_140] : memref<10512x128xf32, #tpu.memory_space<vmem_shared>> -> memref<624x128xf32, #tpu.memory_space<vmem_shared>>
      %dma_wait3A_142 = arith.constant 0 : i32
      %dma_wait3A_143 = tpu.memref_slice %arg4[%mul3A_73, %dma_wait3A_142] : memref<10512x128xf32, #tpu.memory_space<hbm>> -> memref<624x128xf32, #tpu.memory_space<hbm>>
      tpu.wait_dma2 semaphore(%run_scoped3A : memref<!tpu.dma_semaphore, #tpu.memory_space<semaphore_mem>>) src(%dma_wait3A_143 : memref<624x128xf32, #tpu.memory_space<hbm>>) dst(%dma_wait3A_141 : memref<624x128xf32, #tpu.memory_space<vmem_shared>>)
      tpu.yield
    }) : () -> ()
    %eq3A = arith.constant 0 : i32
    %eq3A_76 = arith.cmpi eq, %arg1, %eq3A : i32
    %convert_element_type3A = arith.extui %eq3A_76 : i1 to i32
    %cond3A = arith.constant 0 : i32
    %cond3A_77 = arith.cmpi ne, %convert_element_type3A, %cond3A : i32
    scf.if %cond3A_77 {
      "tpu.region"() ({
        %run_scoped3A = tpu.sem_alloc : memref<!tpu.dma_semaphore, #tpu.memory_space<semaphore_mem>>
        %dma_start3A_136 = arith.constant 9984 : i32
        %dma_start3A_137 = arith.constant 0 : i32
        %dma_start3A_138 = tpu.memref_slice %arg8[%dma_start3A_136, %dma_start3A_137] : memref<10512x128xf32, #tpu.memory_space<vmem_shared>> -> memref<528x128xf32, #tpu.memory_space<vmem_shared>>
        %dma_start3A_139 = arith.constant 9984 : i32
        %dma_start3A_140 = arith.constant 0 : i32
        %dma_start3A_141 = tpu.memref_slice %arg4[%dma_start3A_139, %dma_start3A_140] : memref<10512x128xf32, #tpu.memory_space<hbm>> -> memref<528x128xf32, #tpu.memory_space<hbm>>
        tpu.enqueue_dma source(%dma_start3A_141 : memref<528x128xf32, #tpu.memory_space<hbm>>) target(%dma_start3A_138 : memref<528x128xf32, #tpu.memory_space<vmem_shared>>) target_semaphore(%run_scoped3A : memref<!tpu.dma_semaphore, #tpu.memory_space<semaphore_mem>>)
        %dma_wait3A_142 = arith.constant 9984 : i32
        %dma_wait3A_143 = arith.constant 0 : i32
        %dma_wait3A_144 = tpu.memref_slice %arg8[%dma_wait3A_142, %dma_wait3A_143] : memref<10512x128xf32, #tpu.memory_space<vmem_shared>> -> memref<528x128xf32, #tpu.memory_space<vmem_shared>>
        %dma_wait3A_145 = arith.constant 9984 : i32
        %dma_wait3A_146 = arith.constant 0 : i32
        %dma_wait3A_147 = tpu.memref_slice %arg4[%dma_wait3A_145, %dma_wait3A_146] : memref<10512x128xf32, #tpu.memory_space<hbm>> -> memref<528x128xf32, #tpu.memory_space<hbm>>
        tpu.wait_dma2 semaphore(%run_scoped3A : memref<!tpu.dma_semaphore, #tpu.memory_space<semaphore_mem>>) src(%dma_wait3A_147 : memref<528x128xf32, #tpu.memory_space<hbm>>) dst(%dma_wait3A_144 : memref<528x128xf32, #tpu.memory_space<vmem_shared>>)
        tpu.yield
      }) : () -> ()
    } else {
    }
    %barrier3A = arith.constant 0 : index
    tpu.barrier barrier_id(%barrier3A)
    %dma_wait3A = arith.constant 0 : i32
    %dma_wait3A_78 = arith.constant 0 : i32
    %dma_wait3A_79 = arith.constant 0 : i32
    %dma_wait3A_80 = arith.constant 0 : i32
    %dma_wait3A_81 = tpu.memref_slice %arg6[%dma_wait3A_78, %dma_wait3A_79, %dma_wait3A_80] : memref<8x2x128xi32, #tpu.memory_space<vmem>> -> memref<1x2x128xi32, #tpu.memory_space<vmem>>
    %dma_wait3A_82 = tpu.memref_squeeze %dma_wait3A_81 : memref<1x2x128xi32, #tpu.memory_space<vmem>> -> memref<2x128xi32, #tpu.memory_space<vmem>>
    %dma_wait3A_83 = arith.constant 0 : i32
    %dma_wait3A_84 = arith.constant 0 : i32
    %dma_wait3A_85 = tpu.memref_slice %arg3[%add3A, %dma_wait3A, %dma_wait3A_83, %dma_wait3A_84] : memref<32x80x2x128xi32, #tpu.memory_space<hbm>> -> memref<1x1x2x128xi32, #tpu.memory_space<hbm>>
    %dma_wait3A_86 = tpu.memref_squeeze %dma_wait3A_85 : memref<1x1x2x128xi32, #tpu.memory_space<hbm>> -> memref<2x128xi32, #tpu.memory_space<hbm>>
    %dma_wait3A_87 = arith.constant 0 : i32
    %dma_wait3A_88 = arith.constant 0 : i32
    %dma_wait3A_89 = tpu.memref_slice %arg6[%dma_wait3A_78, %dma_wait3A_87, %dma_wait3A_88] : memref<8x2x128xi32, #tpu.memory_space<vmem>> -> memref<1x2x128xi32, #tpu.memory_space<vmem>>
    %dma_wait3A_90 = tpu.memref_squeeze %dma_wait3A_89 : memref<1x2x128xi32, #tpu.memory_space<vmem>> -> memref<2x128xi32, #tpu.memory_space<vmem>>
    %dma_wait3A_91 = arith.constant 0 : i32
    %dma_wait3A_92 = arith.constant 0 : i32
    %dma_wait3A_93 = tpu.memref_slice %arg3[%add3A, %dma_wait3A, %dma_wait3A_91, %dma_wait3A_92] : memref<32x80x2x128xi32, #tpu.memory_space<hbm>> -> memref<1x1x2x128xi32, #tpu.memory_space<hbm>>
    %dma_wait3A_94 = tpu.memref_squeeze %dma_wait3A_93 : memref<1x1x2x128xi32, #tpu.memory_space<hbm>> -> memref<2x128xi32, #tpu.memory_space<hbm>>
    tpu.wait_dma2 semaphore(%arg9 : memref<!tpu.dma_semaphore, #tpu.memory_space<semaphore_mem>>) src(%dma_wait3A_94 : memref<2x128xi32, #tpu.memory_space<hbm>>) dst(%dma_wait3A_90 : memref<2x128xi32, #tpu.memory_space<vmem>>)
    %dma_start3A_95 = arith.constant 0 : i32
    %dma_start3A_96 = arith.constant 0 : i32
    %dma_start3A_97 = arith.constant 0 : i32
    %dma_start3A_98 = arith.constant 0 : i32
    %dma_start3A_99 = arith.constant 0 : i32
    %dma_start3A_100 = tpu.memref_slice %arg7[%dma_start3A_97, %dma_start3A_98, %dma_start3A_99] : memref<2x128x128xf32, #tpu.memory_space<vmem>> -> memref<1x128x128xf32, #tpu.memory_space<vmem>>
    %dma_start3A_101 = tpu.memref_squeeze %dma_start3A_100 : memref<1x128x128xf32, #tpu.memory_space<vmem>> -> memref<128x128xf32, #tpu.memory_space<vmem>>
    %dma_start3A_102 = arith.constant 0 : i32
    %dma_start3A_103 = tpu.memref_slice %arg6[%dma_start3A_95, %dma_start3A_96, %dma_start3A_102] : memref<8x2x128xi32, #tpu.memory_space<vmem>> -> memref<1x1x128xi32, #tpu.memory_space<vmem>>
    %dma_start3A_104 = tpu.memref_squeeze %dma_start3A_103 : memref<1x1x128xi32, #tpu.memory_space<vmem>> -> memref<128xi32, #tpu.memory_space<vmem>>
    %dma_start3A_105 = arith.constant 0 : i32
    %dma_start3A_106 = arith.constant 0 : i32
    %dma_start3A_107 = tpu.memref_slice %arg2[%dma_start3A_105, %dma_start3A_106] : memref<10000x128xf32, #tpu.memory_space<hbm>> -> memref<10000x128xf32, #tpu.memory_space<hbm>>
    tpu.enqueue_indirect_dma source(%dma_start3A_107 : memref<10000x128xf32, #tpu.memory_space<hbm>>) target(%dma_start3A_101 : memref<128x128xf32, #tpu.memory_space<vmem>>) offsets(%dma_start3A_104 : memref<128xi32, #tpu.memory_space<vmem>>) semaphore(%arg17 : memref<!tpu.dma_semaphore, #tpu.memory_space<semaphore_mem>>)
    %scan3A = arith.constant 0 : i32
    %scan3A_108 = arith.constant 0 : i32
    %scan3A_109 = arith.constant 10 : i32
    %scan3A_110 = arith.addi %scan3A_108, %scan3A_109 : i32
    %scan3A_111 = arith.constant 1 : i32
    scf.for %scan3A_136 = %scan3A_108 to %scan3A_110 step %scan3A_111  : i32 {
      %mul3A_137 = arith.constant 8 : i32
      %mul3A_138 = arith.muli %mul3A_137, %scan3A_136 : i32
      %add3A_139 = arith.constant 0 : i32
      %add3A_140 = arith.addi %mul3A_138, %add3A_139 : i32
      %add3A_141 = arith.constant 1 : i32
      %add3A_142 = arith.addi %add3A_140, %add3A_141 : i32
      %lt3A = arith.constant 80 : i32
      %lt3A_143 = arith.cmpi slt, %add3A_142, %lt3A : i32
      %convert_element_type3A_144 = arith.extui %lt3A_143 : i1 to i32
      %cond3A_145 = arith.constant 0 : i32
      %cond3A_146 = arith.cmpi ne, %convert_element_type3A_144, %cond3A_145 : i32
      scf.if %cond3A_146 {
        %add3A_583 = arith.constant 1 : i32
        %add3A_584 = arith.addi %add3A_140, %add3A_583 : i32
        %dma_wait3A_585 = arith.constant 1 : i32
        %dma_wait3A_586 = arith.constant 0 : i32
        %dma_wait3A_587 = arith.constant 0 : i32
        %dma_wait3A_588 = tpu.memref_slice %arg6[%dma_wait3A_585, %dma_wait3A_586, %dma_wait3A_587] : memref<8x2x128xi32, #tpu.memory_space<vmem>> -> memref<1x2x128xi32, #tpu.memory_space<vmem>>
        %dma_wait3A_589 = tpu.memref_squeeze %dma_wait3A_588 : memref<1x2x128xi32, #tpu.memory_space<vmem>> -> memref<2x128xi32, #tpu.memory_space<vmem>>
        %dma_wait3A_590 = arith.constant 0 : i32
        %dma_wait3A_591 = arith.constant 0 : i32
        %dma_wait3A_592 = tpu.memref_slice %arg3[%add3A, %add3A_584, %dma_wait3A_590, %dma_wait3A_591] : memref<32x80x2x128xi32, #tpu.memory_space<hbm>> -> memref<1x1x2x128xi32, #tpu.memory_space<hbm>>
        %dma_wait3A_593 = tpu.memref_squeeze %dma_wait3A_592 : memref<1x1x2x128xi32, #tpu.memory_space<hbm>> -> memref<2x128xi32, #tpu.memory_space<hbm>>
        %dma_wait3A_594 = arith.constant 0 : i32
        %dma_wait3A_595 = arith.constant 0 : i32
        %dma_wait3A_596 = tpu.memref_slice %arg6[%dma_wait3A_585, %dma_wait3A_594, %dma_wait3A_595] : memref<8x2x128xi32, #tpu.memory_space<vmem>> -> memref<1x2x128xi32, #tpu.memory_space<vmem>>
        %dma_wait3A_597 = tpu.memref_squeeze %dma_wait3A_596 : memref<1x2x128xi32, #tpu.memory_space<vmem>> -> memref<2x128xi32, #tpu.memory_space<vmem>>
        %dma_wait3A_598 = arith.constant 0 : i32
        %dma_wait3A_599 = arith.constant 0 : i32
        %dma_wait3A_600 = tpu.memref_slice %arg3[%add3A, %add3A_584, %dma_wait3A_598, %dma_wait3A_599] : memref<32x80x2x128xi32, #tpu.memory_space<hbm>> -> memref<1x1x2x128xi32, #tpu.memory_space<hbm>>
        %dma_wait3A_601 = tpu.memref_squeeze %dma_wait3A_600 : memref<1x1x2x128xi32, #tpu.memory_space<hbm>> -> memref<2x128xi32, #tpu.memory_space<hbm>>
        tpu.wait_dma2 semaphore(%arg10 : memref<!tpu.dma_semaphore, #tpu.memory_space<semaphore_mem>>) src(%dma_wait3A_601 : memref<2x128xi32, #tpu.memory_space<hbm>>) dst(%dma_wait3A_597 : memref<2x128xi32, #tpu.memory_space<vmem>>)
      } else {
      }
      %ge3A = arith.constant 1 : i32
      %ge3A_147 = arith.cmpi sge, %add3A_140, %ge3A : i32
      %convert_element_type3A_148 = arith.extui %ge3A_147 : i1 to i32
      %cond3A_149 = arith.constant 0 : i32
      %cond3A_150 = arith.cmpi ne, %convert_element_type3A_148, %cond3A_149 : i32
      scf.if %cond3A_150 {
        %dma_wait3A_583 = arith.constant 1 : i32
        %dma_wait3A_584 = arith.constant 7 : i32
        %dma_wait3A_585 = arith.constant 1 : i32
        %dma_wait3A_586 = arith.constant 0 : i32
        %dma_wait3A_587 = arith.constant 0 : i32
        %dma_wait3A_588 = tpu.memref_slice %arg7[%dma_wait3A_583, %dma_wait3A_586, %dma_wait3A_587] : memref<2x128x128xf32, #tpu.memory_space<vmem>> -> memref<1x128x128xf32, #tpu.memory_space<vmem>>
        %dma_wait3A_589 = tpu.memref_squeeze %dma_wait3A_588 : memref<1x128x128xf32, #tpu.memory_space<vmem>> -> memref<128x128xf32, #tpu.memory_space<vmem>>
        %dma_wait3A_590 = arith.constant 0 : i32
        %dma_wait3A_591 = tpu.memref_slice %arg6[%dma_wait3A_584, %dma_wait3A_585, %dma_wait3A_590] : memref<8x2x128xi32, #tpu.memory_space<vmem>> -> memref<1x1x128xi32, #tpu.memory_space<vmem>>
        %dma_wait3A_592 = tpu.memref_squeeze %dma_wait3A_591 : memref<1x1x128xi32, #tpu.memory_space<vmem>> -> memref<128xi32, #tpu.memory_space<vmem>>
        %dma_wait3A_593 = arith.constant 0 : i32
        %dma_wait3A_594 = arith.constant 0 : i32
        %dma_wait3A_595 = tpu.memref_slice %arg8[%dma_wait3A_593, %dma_wait3A_594] : memref<10512x128xf32, #tpu.memory_space<vmem_shared>> -> memref<10512x128xf32, #tpu.memory_space<vmem_shared>>
        tpu.wait_indirect_dma semaphore(%arg20 : memref<!tpu.dma_semaphore, #tpu.memory_space<semaphore_mem>>) src(%dma_wait3A_589 : memref<128x128xf32, #tpu.memory_space<vmem>>) dst(%dma_wait3A_595 : memref<10512x128xf32, #tpu.memory_space<vmem_shared>>)
      } else {
      }
      %add3A_151 = arith.constant 1 : i32
      %add3A_152 = arith.addi %add3A_140, %add3A_151 : i32
      %lt3A_153 = arith.constant 80 : i32
      %lt3A_154 = arith.cmpi slt, %add3A_152, %lt3A_153 : i32
      %convert_element_type3A_155 = arith.extui %lt3A_154 : i1 to i32
      %cond3A_156 = arith.constant 0 : i32
      %cond3A_157 = arith.cmpi ne, %convert_element_type3A_155, %cond3A_156 : i32
      scf.if %cond3A_157 {
        %dma_start3A_583 = arith.constant 1 : i32
        %dma_start3A_584 = arith.constant 0 : i32
        %dma_start3A_585 = arith.constant 1 : i32
        %dma_start3A_586 = arith.constant 0 : i32
        %dma_start3A_587 = arith.constant 0 : i32
        %dma_start3A_588 = tpu.memref_slice %arg7[%dma_start3A_585, %dma_start3A_586, %dma_start3A_587] : memref<2x128x128xf32, #tpu.memory_space<vmem>> -> memref<1x128x128xf32, #tpu.memory_space<vmem>>
        %dma_start3A_589 = tpu.memref_squeeze %dma_start3A_588 : memref<1x128x128xf32, #tpu.memory_space<vmem>> -> memref<128x128xf32, #tpu.memory_space<vmem>>
        %dma_start3A_590 = arith.constant 0 : i32
        %dma_start3A_591 = tpu.memref_slice %arg6[%dma_start3A_583, %dma_start3A_584, %dma_start3A_590] : memref<8x2x128xi32, #tpu.memory_space<vmem>> -> memref<1x1x128xi32, #tpu.memory_space<vmem>>
        %dma_start3A_592 = tpu.memref_squeeze %dma_start3A_591 : memref<1x1x128xi32, #tpu.memory_space<vmem>> -> memref<128xi32, #tpu.memory_space<vmem>>
        %dma_start3A_593 = arith.constant 0 : i32
        %dma_start3A_594 = arith.constant 0 : i32
        %dma_start3A_595 = tpu.memref_slice %arg2[%dma_start3A_593, %dma_start3A_594] : memref<10000x128xf32, #tpu.memory_space<hbm>> -> memref<10000x128xf32, #tpu.memory_space<hbm>>
        tpu.enqueue_indirect_dma source(%dma_start3A_595 : memref<10000x128xf32, #tpu.memory_space<hbm>>) target(%dma_start3A_589 : memref<128x128xf32, #tpu.memory_space<vmem>>) offsets(%dma_start3A_592 : memref<128xi32, #tpu.memory_space<vmem>>) semaphore(%arg18 : memref<!tpu.dma_semaphore, #tpu.memory_space<semaphore_mem>>)
      } else {
      }
      %dma_wait3A_158 = arith.constant 0 : i32
      %dma_wait3A_159 = arith.constant 0 : i32
      %dma_wait3A_160 = arith.constant 0 : i32
      %dma_wait3A_161 = arith.constant 0 : i32
      %dma_wait3A_162 = arith.constant 0 : i32
      %dma_wait3A_163 = tpu.memref_slice %arg7[%dma_wait3A_160, %dma_wait3A_161, %dma_wait3A_162] : memref<2x128x128xf32, #tpu.memory_space<vmem>> -> memref<1x128x128xf32, #tpu.memory_space<vmem>>
      %dma_wait3A_164 = tpu.memref_squeeze %dma_wait3A_163 : memref<1x128x128xf32, #tpu.memory_space<vmem>> -> memref<128x128xf32, #tpu.memory_space<vmem>>
      %dma_wait3A_165 = arith.constant 0 : i32
      %dma_wait3A_166 = tpu.memref_slice %arg6[%dma_wait3A_158, %dma_wait3A_159, %dma_wait3A_165] : memref<8x2x128xi32, #tpu.memory_space<vmem>> -> memref<1x1x128xi32, #tpu.memory_space<vmem>>
      %dma_wait3A_167 = tpu.memref_squeeze %dma_wait3A_166 : memref<1x1x128xi32, #tpu.memory_space<vmem>> -> memref<128xi32, #tpu.memory_space<vmem>>
      %dma_wait3A_168 = arith.constant 0 : i32
      %dma_wait3A_169 = arith.constant 0 : i32
      %dma_wait3A_170 = tpu.memref_slice %arg2[%dma_wait3A_168, %dma_wait3A_169] : memref<10000x128xf32, #tpu.memory_space<hbm>> -> memref<10000x128xf32, #tpu.memory_space<hbm>>
      tpu.wait_indirect_dma semaphore(%arg17 : memref<!tpu.dma_semaphore, #tpu.memory_space<semaphore_mem>>) src(%dma_wait3A_170 : memref<10000x128xf32, #tpu.memory_space<hbm>>) dst(%dma_wait3A_164 : memref<128x128xf32, #tpu.memory_space<vmem>>)
      %dma_start3A_171 = arith.constant 0 : i32
      %dma_start3A_172 = arith.constant 0 : i32
      %dma_start3A_173 = arith.constant 1 : i32
      %dma_start3A_174 = arith.constant 0 : i32
      %dma_start3A_175 = arith.constant 0 : i32
      %dma_start3A_176 = tpu.memref_slice %arg7[%dma_start3A_171, %dma_start3A_174, %dma_start3A_175] : memref<2x128x128xf32, #tpu.memory_space<vmem>> -> memref<1x128x128xf32, #tpu.memory_space<vmem>>
      %dma_start3A_177 = tpu.memref_squeeze %dma_start3A_176 : memref<1x128x128xf32, #tpu.memory_space<vmem>> -> memref<128x128xf32, #tpu.memory_space<vmem>>
      %dma_start3A_178 = arith.constant 0 : i32
      %dma_start3A_179 = tpu.memref_slice %arg6[%dma_start3A_172, %dma_start3A_173, %dma_start3A_178] : memref<8x2x128xi32, #tpu.memory_space<vmem>> -> memref<1x1x128xi32, #tpu.memory_space<vmem>>
      %dma_start3A_180 = tpu.memref_squeeze %dma_start3A_179 : memref<1x1x128xi32, #tpu.memory_space<vmem>> -> memref<128xi32, #tpu.memory_space<vmem>>
      %dma_start3A_181 = arith.constant 0 : i32
      %dma_start3A_182 = arith.constant 0 : i32
      %dma_start3A_183 = tpu.memref_slice %arg8[%dma_start3A_181, %dma_start3A_182] : memref<10512x128xf32, #tpu.memory_space<vmem_shared>> -> memref<10512x128xf32, #tpu.memory_space<vmem_shared>>
      tpu.enqueue_indirect_dma source(%dma_start3A_177 : memref<128x128xf32, #tpu.memory_space<vmem>>) target(%dma_start3A_183 : memref<10512x128xf32, #tpu.memory_space<vmem_shared>>) offsets(%dma_start3A_180 : memref<128xi32, #tpu.memory_space<vmem>>) semaphore(%arg19 : memref<!tpu.dma_semaphore, #tpu.memory_space<semaphore_mem>>) {add = true}
      %add3A_184 = arith.constant 4 : i32
      %add3A_185 = arith.addi %add3A_140, %add3A_184 : i32
      %lt3A_186 = arith.constant 80 : i32
      %lt3A_187 = arith.cmpi slt, %add3A_185, %lt3A_186 : i32
      %convert_element_type3A_188 = arith.extui %lt3A_187 : i1 to i32
      %cond3A_189 = arith.constant 0 : i32
      %cond3A_190 = arith.cmpi ne, %convert_element_type3A_188, %cond3A_189 : i32
      scf.if %cond3A_190 {
        %add3A_583 = arith.constant 4 : i32
        %add3A_584 = arith.addi %add3A_140, %add3A_583 : i32
        %dma_start3A_585 = arith.constant 4 : i32
        %dma_start3A_586 = arith.constant 0 : i32
        %dma_start3A_587 = arith.constant 0 : i32
        %dma_start3A_588 = tpu.memref_slice %arg6[%dma_start3A_585, %dma_start3A_586, %dma_start3A_587] : memref<8x2x128xi32, #tpu.memory_space<vmem>> -> memref<1x2x128xi32, #tpu.memory_space<vmem>>
        %dma_start3A_589 = tpu.memref_squeeze %dma_start3A_588 : memref<1x2x128xi32, #tpu.memory_space<vmem>> -> memref<2x128xi32, #tpu.memory_space<vmem>>
        %dma_start3A_590 = arith.constant 0 : i32
        %dma_start3A_591 = arith.constant 0 : i32
        %dma_start3A_592 = tpu.memref_slice %arg3[%add3A, %add3A_584, %dma_start3A_590, %dma_start3A_591] : memref<32x80x2x128xi32, #tpu.memory_space<hbm>> -> memref<1x1x2x128xi32, #tpu.memory_space<hbm>>
        %dma_start3A_593 = tpu.memref_squeeze %dma_start3A_592 : memref<1x1x2x128xi32, #tpu.memory_space<hbm>> -> memref<2x128xi32, #tpu.memory_space<hbm>>
        %dma_start3A_594 = arith.constant 0 : i32
        %dma_start3A_595 = arith.constant 0 : i32
        %dma_start3A_596 = tpu.memref_slice %arg6[%dma_start3A_585, %dma_start3A_594, %dma_start3A_595] : memref<8x2x128xi32, #tpu.memory_space<vmem>> -> memref<1x2x128xi32, #tpu.memory_space<vmem>>
        %dma_start3A_597 = tpu.memref_squeeze %dma_start3A_596 : memref<1x2x128xi32, #tpu.memory_space<vmem>> -> memref<2x128xi32, #tpu.memory_space<vmem>>
        %dma_start3A_598 = arith.constant 0 : i32
        %dma_start3A_599 = arith.constant 0 : i32
        %dma_start3A_600 = tpu.memref_slice %arg3[%add3A, %add3A_584, %dma_start3A_598, %dma_start3A_599] : memref<32x80x2x128xi32, #tpu.memory_space<hbm>> -> memref<1x1x2x128xi32, #tpu.memory_space<hbm>>
        %dma_start3A_601 = tpu.memref_squeeze %dma_start3A_600 : memref<1x1x2x128xi32, #tpu.memory_space<hbm>> -> memref<2x128xi32, #tpu.memory_space<hbm>>
        tpu.enqueue_dma source(%dma_start3A_601 : memref<2x128xi32, #tpu.memory_space<hbm>>) target(%dma_start3A_597 : memref<2x128xi32, #tpu.memory_space<vmem>>) target_semaphore(%arg13 : memref<!tpu.dma_semaphore, #tpu.memory_space<semaphore_mem>>)
      } else {
      }
      %mul3A_191 = arith.constant 8 : i32
      %mul3A_192 = arith.muli %mul3A_191, %scan3A_136 : i32
      %add3A_193 = arith.constant 1 : i32
      %add3A_194 = arith.addi %mul3A_192, %add3A_193 : i32
      %add3A_195 = arith.constant 1 : i32
      %add3A_196 = arith.addi %add3A_194, %add3A_195 : i32
      %lt3A_197 = arith.constant 80 : i32
      %lt3A_198 = arith.cmpi slt, %add3A_196, %lt3A_197 : i32
      %convert_element_type3A_199 = arith.extui %lt3A_198 : i1 to i32
      %cond3A_200 = arith.constant 0 : i32
      %cond3A_201 = arith.cmpi ne, %convert_element_type3A_199, %cond3A_200 : i32
      scf.if %cond3A_201 {
        %add3A_583 = arith.constant 1 : i32
        %add3A_584 = arith.addi %add3A_194, %add3A_583 : i32
        %dma_wait3A_585 = arith.constant 2 : i32
        %dma_wait3A_586 = arith.constant 0 : i32
        %dma_wait3A_587 = arith.constant 0 : i32
        %dma_wait3A_588 = tpu.memref_slice %arg6[%dma_wait3A_585, %dma_wait3A_586, %dma_wait3A_587] : memref<8x2x128xi32, #tpu.memory_space<vmem>> -> memref<1x2x128xi32, #tpu.memory_space<vmem>>
        %dma_wait3A_589 = tpu.memref_squeeze %dma_wait3A_588 : memref<1x2x128xi32, #tpu.memory_space<vmem>> -> memref<2x128xi32, #tpu.memory_space<vmem>>
        %dma_wait3A_590 = arith.constant 0 : i32
        %dma_wait3A_591 = arith.constant 0 : i32
        %dma_wait3A_592 = tpu.memref_slice %arg3[%add3A, %add3A_584, %dma_wait3A_590, %dma_wait3A_591] : memref<32x80x2x128xi32, #tpu.memory_space<hbm>> -> memref<1x1x2x128xi32, #tpu.memory_space<hbm>>
        %dma_wait3A_593 = tpu.memref_squeeze %dma_wait3A_592 : memref<1x1x2x128xi32, #tpu.memory_space<hbm>> -> memref<2x128xi32, #tpu.memory_space<hbm>>
        %dma_wait3A_594 = arith.constant 0 : i32
        %dma_wait3A_595 = arith.constant 0 : i32
        %dma_wait3A_596 = tpu.memref_slice %arg6[%dma_wait3A_585, %dma_wait3A_594, %dma_wait3A_595] : memref<8x2x128xi32, #tpu.memory_space<vmem>> -> memref<1x2x128xi32, #tpu.memory_space<vmem>>
        %dma_wait3A_597 = tpu.memref_squeeze %dma_wait3A_596 : memref<1x2x128xi32, #tpu.memory_space<vmem>> -> memref<2x128xi32, #tpu.memory_space<vmem>>
        %dma_wait3A_598 = arith.constant 0 : i32
        %dma_wait3A_599 = arith.constant 0 : i32
        %dma_wait3A_600 = tpu.memref_slice %arg3[%add3A, %add3A_584, %dma_wait3A_598, %dma_wait3A_599] : memref<32x80x2x128xi32, #tpu.memory_space<hbm>> -> memref<1x1x2x128xi32, #tpu.memory_space<hbm>>
        %dma_wait3A_601 = tpu.memref_squeeze %dma_wait3A_600 : memref<1x1x2x128xi32, #tpu.memory_space<hbm>> -> memref<2x128xi32, #tpu.memory_space<hbm>>
        tpu.wait_dma2 semaphore(%arg11 : memref<!tpu.dma_semaphore, #tpu.memory_space<semaphore_mem>>) src(%dma_wait3A_601 : memref<2x128xi32, #tpu.memory_space<hbm>>) dst(%dma_wait3A_597 : memref<2x128xi32, #tpu.memory_space<vmem>>)
      } else {
      }
      %ge3A_202 = arith.constant 1 : i32
      %ge3A_203 = arith.cmpi sge, %add3A_194, %ge3A_202 : i32
      %convert_element_type3A_204 = arith.extui %ge3A_203 : i1 to i32
      %cond3A_205 = arith.constant 0 : i32
      %cond3A_206 = arith.cmpi ne, %convert_element_type3A_204, %cond3A_205 : i32
      scf.if %cond3A_206 {
        %dma_wait3A_583 = arith.constant 0 : i32
        %dma_wait3A_584 = arith.constant 0 : i32
        %dma_wait3A_585 = arith.constant 1 : i32
        %dma_wait3A_586 = arith.constant 0 : i32
        %dma_wait3A_587 = arith.constant 0 : i32
        %dma_wait3A_588 = tpu.memref_slice %arg7[%dma_wait3A_583, %dma_wait3A_586, %dma_wait3A_587] : memref<2x128x128xf32, #tpu.memory_space<vmem>> -> memref<1x128x128xf32, #tpu.memory_space<vmem>>
        %dma_wait3A_589 = tpu.memref_squeeze %dma_wait3A_588 : memref<1x128x128xf32, #tpu.memory_space<vmem>> -> memref<128x128xf32, #tpu.memory_space<vmem>>
        %dma_wait3A_590 = arith.constant 0 : i32
        %dma_wait3A_591 = tpu.memref_slice %arg6[%dma_wait3A_584, %dma_wait3A_585, %dma_wait3A_590] : memref<8x2x128xi32, #tpu.memory_space<vmem>> -> memref<1x1x128xi32, #tpu.memory_space<vmem>>
        %dma_wait3A_592 = tpu.memref_squeeze %dma_wait3A_591 : memref<1x1x128xi32, #tpu.memory_space<vmem>> -> memref<128xi32, #tpu.memory_space<vmem>>
        %dma_wait3A_593 = arith.constant 0 : i32
        %dma_wait3A_594 = arith.constant 0 : i32
        %dma_wait3A_595 = tpu.memref_slice %arg8[%dma_wait3A_593, %dma_wait3A_594] : memref<10512x128xf32, #tpu.memory_space<vmem_shared>> -> memref<10512x128xf32, #tpu.memory_space<vmem_shared>>
        tpu.wait_indirect_dma semaphore(%arg19 : memref<!tpu.dma_semaphore, #tpu.memory_space<semaphore_mem>>) src(%dma_wait3A_589 : memref<128x128xf32, #tpu.memory_space<vmem>>) dst(%dma_wait3A_595 : memref<10512x128xf32, #tpu.memory_space<vmem_shared>>)
      } else {
      }
      %add3A_207 = arith.constant 1 : i32
      %add3A_208 = arith.addi %add3A_194, %add3A_207 : i32
      %lt3A_209 = arith.constant 80 : i32
      %lt3A_210 = arith.cmpi slt, %add3A_208, %lt3A_209 : i32
      %convert_element_type3A_211 = arith.extui %lt3A_210 : i1 to i32
      %cond3A_212 = arith.constant 0 : i32
      %cond3A_213 = arith.cmpi ne, %convert_element_type3A_211, %cond3A_212 : i32
      scf.if %cond3A_213 {
        %dma_start3A_583 = arith.constant 2 : i32
        %dma_start3A_584 = arith.constant 0 : i32
        %dma_start3A_585 = arith.constant 0 : i32
        %dma_start3A_586 = arith.constant 0 : i32
        %dma_start3A_587 = arith.constant 0 : i32
        %dma_start3A_588 = tpu.memref_slice %arg7[%dma_start3A_585, %dma_start3A_586, %dma_start3A_587] : memref<2x128x128xf32, #tpu.memory_space<vmem>> -> memref<1x128x128xf32, #tpu.memory_space<vmem>>
        %dma_start3A_589 = tpu.memref_squeeze %dma_start3A_588 : memref<1x128x128xf32, #tpu.memory_space<vmem>> -> memref<128x128xf32, #tpu.memory_space<vmem>>
        %dma_start3A_590 = arith.constant 0 : i32
        %dma_start3A_591 = tpu.memref_slice %arg6[%dma_start3A_583, %dma_start3A_584, %dma_start3A_590] : memref<8x2x128xi32, #tpu.memory_space<vmem>> -> memref<1x1x128xi32, #tpu.memory_space<vmem>>
        %dma_start3A_592 = tpu.memref_squeeze %dma_start3A_591 : memref<1x1x128xi32, #tpu.memory_space<vmem>> -> memref<128xi32, #tpu.memory_space<vmem>>
        %dma_start3A_593 = arith.constant 0 : i32
        %dma_start3A_594 = arith.constant 0 : i32
        %dma_start3A_595 = tpu.memref_slice %arg2[%dma_start3A_593, %dma_start3A_594] : memref<10000x128xf32, #tpu.memory_space<hbm>> -> memref<10000x128xf32, #tpu.memory_space<hbm>>
        tpu.enqueue_indirect_dma source(%dma_start3A_595 : memref<10000x128xf32, #tpu.memory_space<hbm>>) target(%dma_start3A_589 : memref<128x128xf32, #tpu.memory_space<vmem>>) offsets(%dma_start3A_592 : memref<128xi32, #tpu.memory_space<vmem>>) semaphore(%arg17 : memref<!tpu.dma_semaphore, #tpu.memory_space<semaphore_mem>>)
      } else {
      }
      %dma_wait3A_214 = arith.constant 1 : i32
      %dma_wait3A_215 = arith.constant 0 : i32
      %dma_wait3A_216 = arith.constant 1 : i32
      %dma_wait3A_217 = arith.constant 0 : i32
      %dma_wait3A_218 = arith.constant 0 : i32
      %dma_wait3A_219 = tpu.memref_slice %arg7[%dma_wait3A_216, %dma_wait3A_217, %dma_wait3A_218] : memref<2x128x128xf32, #tpu.memory_space<vmem>> -> memref<1x128x128xf32, #tpu.memory_space<vmem>>
      %dma_wait3A_220 = tpu.memref_squeeze %dma_wait3A_219 : memref<1x128x128xf32, #tpu.memory_space<vmem>> -> memref<128x128xf32, #tpu.memory_space<vmem>>
      %dma_wait3A_221 = arith.constant 0 : i32
      %dma_wait3A_222 = tpu.memref_slice %arg6[%dma_wait3A_214, %dma_wait3A_215, %dma_wait3A_221] : memref<8x2x128xi32, #tpu.memory_space<vmem>> -> memref<1x1x128xi32, #tpu.memory_space<vmem>>
      %dma_wait3A_223 = tpu.memref_squeeze %dma_wait3A_222 : memref<1x1x128xi32, #tpu.memory_space<vmem>> -> memref<128xi32, #tpu.memory_space<vmem>>
      %dma_wait3A_224 = arith.constant 0 : i32
      %dma_wait3A_225 = arith.constant 0 : i32
      %dma_wait3A_226 = tpu.memref_slice %arg2[%dma_wait3A_224, %dma_wait3A_225] : memref<10000x128xf32, #tpu.memory_space<hbm>> -> memref<10000x128xf32, #tpu.memory_space<hbm>>
      tpu.wait_indirect_dma semaphore(%arg18 : memref<!tpu.dma_semaphore, #tpu.memory_space<semaphore_mem>>) src(%dma_wait3A_226 : memref<10000x128xf32, #tpu.memory_space<hbm>>) dst(%dma_wait3A_220 : memref<128x128xf32, #tpu.memory_space<vmem>>)
      %dma_start3A_227 = arith.constant 1 : i32
      %dma_start3A_228 = arith.constant 1 : i32
      %dma_start3A_229 = arith.constant 1 : i32
      %dma_start3A_230 = arith.constant 0 : i32
      %dma_start3A_231 = arith.constant 0 : i32
      %dma_start3A_232 = tpu.memref_slice %arg7[%dma_start3A_227, %dma_start3A_230, %dma_start3A_231] : memref<2x128x128xf32, #tpu.memory_space<vmem>> -> memref<1x128x128xf32, #tpu.memory_space<vmem>>
      %dma_start3A_233 = tpu.memref_squeeze %dma_start3A_232 : memref<1x128x128xf32, #tpu.memory_space<vmem>> -> memref<128x128xf32, #tpu.memory_space<vmem>>
      %dma_start3A_234 = arith.constant 0 : i32
      %dma_start3A_235 = tpu.memref_slice %arg6[%dma_start3A_228, %dma_start3A_229, %dma_start3A_234] : memref<8x2x128xi32, #tpu.memory_space<vmem>> -> memref<1x1x128xi32, #tpu.memory_space<vmem>>
      %dma_start3A_236 = tpu.memref_squeeze %dma_start3A_235 : memref<1x1x128xi32, #tpu.memory_space<vmem>> -> memref<128xi32, #tpu.memory_space<vmem>>
      %dma_start3A_237 = arith.constant 0 : i32
      %dma_start3A_238 = arith.constant 0 : i32
      %dma_start3A_239 = tpu.memref_slice %arg8[%dma_start3A_237, %dma_start3A_238] : memref<10512x128xf32, #tpu.memory_space<vmem_shared>> -> memref<10512x128xf32, #tpu.memory_space<vmem_shared>>
      tpu.enqueue_indirect_dma source(%dma_start3A_233 : memref<128x128xf32, #tpu.memory_space<vmem>>) target(%dma_start3A_239 : memref<10512x128xf32, #tpu.memory_space<vmem_shared>>) offsets(%dma_start3A_236 : memref<128xi32, #tpu.memory_space<vmem>>) semaphore(%arg20 : memref<!tpu.dma_semaphore, #tpu.memory_space<semaphore_mem>>) {add = true}
      %add3A_240 = arith.constant 4 : i32
      %add3A_241 = arith.addi %add3A_194, %add3A_240 : i32
      %lt3A_242 = arith.constant 80 : i32
      %lt3A_243 = arith.cmpi slt, %add3A_241, %lt3A_242 : i32
      %convert_element_type3A_244 = arith.extui %lt3A_243 : i1 to i32
      %cond3A_245 = arith.constant 0 : i32
      %cond3A_246 = arith.cmpi ne, %convert_element_type3A_244, %cond3A_245 : i32
      scf.if %cond3A_246 {
        %add3A_583 = arith.constant 4 : i32
        %add3A_584 = arith.addi %add3A_194, %add3A_583 : i32
        %dma_start3A_585 = arith.constant 5 : i32
        %dma_start3A_586 = arith.constant 0 : i32
        %dma_start3A_587 = arith.constant 0 : i32
        %dma_start3A_588 = tpu.memref_slice %arg6[%dma_start3A_585, %dma_start3A_586, %dma_start3A_587] : memref<8x2x128xi32, #tpu.memory_space<vmem>> -> memref<1x2x128xi32, #tpu.memory_space<vmem>>
        %dma_start3A_589 = tpu.memref_squeeze %dma_start3A_588 : memref<1x2x128xi32, #tpu.memory_space<vmem>> -> memref<2x128xi32, #tpu.memory_space<vmem>>
        %dma_start3A_590 = arith.constant 0 : i32
        %dma_start3A_591 = arith.constant 0 : i32
        %dma_start3A_592 = tpu.memref_slice %arg3[%add3A, %add3A_584, %dma_start3A_590, %dma_start3A_591] : memref<32x80x2x128xi32, #tpu.memory_space<hbm>> -> memref<1x1x2x128xi32, #tpu.memory_space<hbm>>
        %dma_start3A_593 = tpu.memref_squeeze %dma_start3A_592 : memref<1x1x2x128xi32, #tpu.memory_space<hbm>> -> memref<2x128xi32, #tpu.memory_space<hbm>>
        %dma_start3A_594 = arith.constant 0 : i32
        %dma_start3A_595 = arith.constant 0 : i32
        %dma_start3A_596 = tpu.memref_slice %arg6[%dma_start3A_585, %dma_start3A_594, %dma_start3A_595] : memref<8x2x128xi32, #tpu.memory_space<vmem>> -> memref<1x2x128xi32, #tpu.memory_space<vmem>>
        %dma_start3A_597 = tpu.memref_squeeze %dma_start3A_596 : memref<1x2x128xi32, #tpu.memory_space<vmem>> -> memref<2x128xi32, #tpu.memory_space<vmem>>
        %dma_start3A_598 = arith.constant 0 : i32
        %dma_start3A_599 = arith.constant 0 : i32
        %dma_start3A_600 = tpu.memref_slice %arg3[%add3A, %add3A_584, %dma_start3A_598, %dma_start3A_599] : memref<32x80x2x128xi32, #tpu.memory_space<hbm>> -> memref<1x1x2x128xi32, #tpu.memory_space<hbm>>
        %dma_start3A_601 = tpu.memref_squeeze %dma_start3A_600 : memref<1x1x2x128xi32, #tpu.memory_space<hbm>> -> memref<2x128xi32, #tpu.memory_space<hbm>>
        tpu.enqueue_dma source(%dma_start3A_601 : memref<2x128xi32, #tpu.memory_space<hbm>>) target(%dma_start3A_597 : memref<2x128xi32, #tpu.memory_space<vmem>>) target_semaphore(%arg14 : memref<!tpu.dma_semaphore, #tpu.memory_space<semaphore_mem>>)
      } else {
      }
      %mul3A_247 = arith.constant 8 : i32
      %mul3A_248 = arith.muli %mul3A_247, %scan3A_136 : i32
      %add3A_249 = arith.constant 2 : i32
      %add3A_250 = arith.addi %mul3A_248, %add3A_249 : i32
      %add3A_251 = arith.constant 1 : i32
      %add3A_252 = arith.addi %add3A_250, %add3A_251 : i32
      %lt3A_253 = arith.constant 80 : i32
      %lt3A_254 = arith.cmpi slt, %add3A_252, %lt3A_253 : i32
      %convert_element_type3A_255 = arith.extui %lt3A_254 : i1 to i32
      %cond3A_256 = arith.constant 0 : i32
      %cond3A_257 = arith.cmpi ne, %convert_element_type3A_255, %cond3A_256 : i32
      scf.if %cond3A_257 {
        %add3A_583 = arith.constant 1 : i32
        %add3A_584 = arith.addi %add3A_250, %add3A_583 : i32
        %dma_wait3A_585 = arith.constant 3 : i32
        %dma_wait3A_586 = arith.constant 0 : i32
        %dma_wait3A_587 = arith.constant 0 : i32
        %dma_wait3A_588 = tpu.memref_slice %arg6[%dma_wait3A_585, %dma_wait3A_586, %dma_wait3A_587] : memref<8x2x128xi32, #tpu.memory_space<vmem>> -> memref<1x2x128xi32, #tpu.memory_space<vmem>>
        %dma_wait3A_589 = tpu.memref_squeeze %dma_wait3A_588 : memref<1x2x128xi32, #tpu.memory_space<vmem>> -> memref<2x128xi32, #tpu.memory_space<vmem>>
        %dma_wait3A_590 = arith.constant 0 : i32
        %dma_wait3A_591 = arith.constant 0 : i32
        %dma_wait3A_592 = tpu.memref_slice %arg3[%add3A, %add3A_584, %dma_wait3A_590, %dma_wait3A_591] : memref<32x80x2x128xi32, #tpu.memory_space<hbm>> -> memref<1x1x2x128xi32, #tpu.memory_space<hbm>>
        %dma_wait3A_593 = tpu.memref_squeeze %dma_wait3A_592 : memref<1x1x2x128xi32, #tpu.memory_space<hbm>> -> memref<2x128xi32, #tpu.memory_space<hbm>>
        %dma_wait3A_594 = arith.constant 0 : i32
        %dma_wait3A_595 = arith.constant 0 : i32
        %dma_wait3A_596 = tpu.memref_slice %arg6[%dma_wait3A_585, %dma_wait3A_594, %dma_wait3A_595] : memref<8x2x128xi32, #tpu.memory_space<vmem>> -> memref<1x2x128xi32, #tpu.memory_space<vmem>>
        %dma_wait3A_597 = tpu.memref_squeeze %dma_wait3A_596 : memref<1x2x128xi32, #tpu.memory_space<vmem>> -> memref<2x128xi32, #tpu.memory_space<vmem>>
        %dma_wait3A_598 = arith.constant 0 : i32
        %dma_wait3A_599 = arith.constant 0 : i32
        %dma_wait3A_600 = tpu.memref_slice %arg3[%add3A, %add3A_584, %dma_wait3A_598, %dma_wait3A_599] : memref<32x80x2x128xi32, #tpu.memory_space<hbm>> -> memref<1x1x2x128xi32, #tpu.memory_space<hbm>>
        %dma_wait3A_601 = tpu.memref_squeeze %dma_wait3A_600 : memref<1x1x2x128xi32, #tpu.memory_space<hbm>> -> memref<2x128xi32, #tpu.memory_space<hbm>>
        tpu.wait_dma2 semaphore(%arg12 : memref<!tpu.dma_semaphore, #tpu.memory_space<semaphore_mem>>) src(%dma_wait3A_601 : memref<2x128xi32, #tpu.memory_space<hbm>>) dst(%dma_wait3A_597 : memref<2x128xi32, #tpu.memory_space<vmem>>)
      } else {
      }
      %ge3A_258 = arith.constant 1 : i32
      %ge3A_259 = arith.cmpi sge, %add3A_250, %ge3A_258 : i32
      %convert_element_type3A_260 = arith.extui %ge3A_259 : i1 to i32
      %cond3A_261 = arith.constant 0 : i32
      %cond3A_262 = arith.cmpi ne, %convert_element_type3A_260, %cond3A_261 : i32
      scf.if %cond3A_262 {
        %dma_wait3A_583 = arith.constant 1 : i32
        %dma_wait3A_584 = arith.constant 1 : i32
        %dma_wait3A_585 = arith.constant 1 : i32
        %dma_wait3A_586 = arith.constant 0 : i32
        %dma_wait3A_587 = arith.constant 0 : i32
        %dma_wait3A_588 = tpu.memref_slice %arg7[%dma_wait3A_583, %dma_wait3A_586, %dma_wait3A_587] : memref<2x128x128xf32, #tpu.memory_space<vmem>> -> memref<1x128x128xf32, #tpu.memory_space<vmem>>
        %dma_wait3A_589 = tpu.memref_squeeze %dma_wait3A_588 : memref<1x128x128xf32, #tpu.memory_space<vmem>> -> memref<128x128xf32, #tpu.memory_space<vmem>>
        %dma_wait3A_590 = arith.constant 0 : i32
        %dma_wait3A_591 = tpu.memref_slice %arg6[%dma_wait3A_584, %dma_wait3A_585, %dma_wait3A_590] : memref<8x2x128xi32, #tpu.memory_space<vmem>> -> memref<1x1x128xi32, #tpu.memory_space<vmem>>
        %dma_wait3A_592 = tpu.memref_squeeze %dma_wait3A_591 : memref<1x1x128xi32, #tpu.memory_space<vmem>> -> memref<128xi32, #tpu.memory_space<vmem>>
        %dma_wait3A_593 = arith.constant 0 : i32
        %dma_wait3A_594 = arith.constant 0 : i32
        %dma_wait3A_595 = tpu.memref_slice %arg8[%dma_wait3A_593, %dma_wait3A_594] : memref<10512x128xf32, #tpu.memory_space<vmem_shared>> -> memref<10512x128xf32, #tpu.memory_space<vmem_shared>>
        tpu.wait_indirect_dma semaphore(%arg20 : memref<!tpu.dma_semaphore, #tpu.memory_space<semaphore_mem>>) src(%dma_wait3A_589 : memref<128x128xf32, #tpu.memory_space<vmem>>) dst(%dma_wait3A_595 : memref<10512x128xf32, #tpu.memory_space<vmem_shared>>)
      } else {
      }
      %add3A_263 = arith.constant 1 : i32
      %add3A_264 = arith.addi %add3A_250, %add3A_263 : i32
      %lt3A_265 = arith.constant 80 : i32
      %lt3A_266 = arith.cmpi slt, %add3A_264, %lt3A_265 : i32
      %convert_element_type3A_267 = arith.extui %lt3A_266 : i1 to i32
      %cond3A_268 = arith.constant 0 : i32
      %cond3A_269 = arith.cmpi ne, %convert_element_type3A_267, %cond3A_268 : i32
      scf.if %cond3A_269 {
        %dma_start3A_583 = arith.constant 3 : i32
        %dma_start3A_584 = arith.constant 0 : i32
        %dma_start3A_585 = arith.constant 1 : i32
        %dma_start3A_586 = arith.constant 0 : i32
        %dma_start3A_587 = arith.constant 0 : i32
        %dma_start3A_588 = tpu.memref_slice %arg7[%dma_start3A_585, %dma_start3A_586, %dma_start3A_587] : memref<2x128x128xf32, #tpu.memory_space<vmem>> -> memref<1x128x128xf32, #tpu.memory_space<vmem>>
        %dma_start3A_589 = tpu.memref_squeeze %dma_start3A_588 : memref<1x128x128xf32, #tpu.memory_space<vmem>> -> memref<128x128xf32, #tpu.memory_space<vmem>>
        %dma_start3A_590 = arith.constant 0 : i32
        %dma_start3A_591 = tpu.memref_slice %arg6[%dma_start3A_583, %dma_start3A_584, %dma_start3A_590] : memref<8x2x128xi32, #tpu.memory_space<vmem>> -> memref<1x1x128xi32, #tpu.memory_space<vmem>>
        %dma_start3A_592 = tpu.memref_squeeze %dma_start3A_591 : memref<1x1x128xi32, #tpu.memory_space<vmem>> -> memref<128xi32, #tpu.memory_space<vmem>>
        %dma_start3A_593 = arith.constant 0 : i32
        %dma_start3A_594 = arith.constant 0 : i32
        %dma_start3A_595 = tpu.memref_slice %arg2[%dma_start3A_593, %dma_start3A_594] : memref<10000x128xf32, #tpu.memory_space<hbm>> -> memref<10000x128xf32, #tpu.memory_space<hbm>>
        tpu.enqueue_indirect_dma source(%dma_start3A_595 : memref<10000x128xf32, #tpu.memory_space<hbm>>) target(%dma_start3A_589 : memref<128x128xf32, #tpu.memory_space<vmem>>) offsets(%dma_start3A_592 : memref<128xi32, #tpu.memory_space<vmem>>) semaphore(%arg18 : memref<!tpu.dma_semaphore, #tpu.memory_space<semaphore_mem>>)
      } else {
      }
      %dma_wait3A_270 = arith.constant 2 : i32
      %dma_wait3A_271 = arith.constant 0 : i32
      %dma_wait3A_272 = arith.constant 0 : i32
      %dma_wait3A_273 = arith.constant 0 : i32
      %dma_wait3A_274 = arith.constant 0 : i32
      %dma_wait3A_275 = tpu.memref_slice %arg7[%dma_wait3A_272, %dma_wait3A_273, %dma_wait3A_274] : memref<2x128x128xf32, #tpu.memory_space<vmem>> -> memref<1x128x128xf32, #tpu.memory_space<vmem>>
      %dma_wait3A_276 = tpu.memref_squeeze %dma_wait3A_275 : memref<1x128x128xf32, #tpu.memory_space<vmem>> -> memref<128x128xf32, #tpu.memory_space<vmem>>
      %dma_wait3A_277 = arith.constant 0 : i32
      %dma_wait3A_278 = tpu.memref_slice %arg6[%dma_wait3A_270, %dma_wait3A_271, %dma_wait3A_277] : memref<8x2x128xi32, #tpu.memory_space<vmem>> -> memref<1x1x128xi32, #tpu.memory_space<vmem>>
      %dma_wait3A_279 = tpu.memref_squeeze %dma_wait3A_278 : memref<1x1x128xi32, #tpu.memory_space<vmem>> -> memref<128xi32, #tpu.memory_space<vmem>>
      %dma_wait3A_280 = arith.constant 0 : i32
      %dma_wait3A_281 = arith.constant 0 : i32
      %dma_wait3A_282 = tpu.memref_slice %arg2[%dma_wait3A_280, %dma_wait3A_281] : memref<10000x128xf32, #tpu.memory_space<hbm>> -> memref<10000x128xf32, #tpu.memory_space<hbm>>
      tpu.wait_indirect_dma semaphore(%arg17 : memref<!tpu.dma_semaphore, #tpu.memory_space<semaphore_mem>>) src(%dma_wait3A_282 : memref<10000x128xf32, #tpu.memory_space<hbm>>) dst(%dma_wait3A_276 : memref<128x128xf32, #tpu.memory_space<vmem>>)
      %dma_start3A_283 = arith.constant 0 : i32
      %dma_start3A_284 = arith.constant 2 : i32
      %dma_start3A_285 = arith.constant 1 : i32
      %dma_start3A_286 = arith.constant 0 : i32
      %dma_start3A_287 = arith.constant 0 : i32
      %dma_start3A_288 = tpu.memref_slice %arg7[%dma_start3A_283, %dma_start3A_286, %dma_start3A_287] : memref<2x128x128xf32, #tpu.memory_space<vmem>> -> memref<1x128x128xf32, #tpu.memory_space<vmem>>
      %dma_start3A_289 = tpu.memref_squeeze %dma_start3A_288 : memref<1x128x128xf32, #tpu.memory_space<vmem>> -> memref<128x128xf32, #tpu.memory_space<vmem>>
      %dma_start3A_290 = arith.constant 0 : i32
      %dma_start3A_291 = tpu.memref_slice %arg6[%dma_start3A_284, %dma_start3A_285, %dma_start3A_290] : memref<8x2x128xi32, #tpu.memory_space<vmem>> -> memref<1x1x128xi32, #tpu.memory_space<vmem>>
      %dma_start3A_292 = tpu.memref_squeeze %dma_start3A_291 : memref<1x1x128xi32, #tpu.memory_space<vmem>> -> memref<128xi32, #tpu.memory_space<vmem>>
      %dma_start3A_293 = arith.constant 0 : i32
      %dma_start3A_294 = arith.constant 0 : i32
      %dma_start3A_295 = tpu.memref_slice %arg8[%dma_start3A_293, %dma_start3A_294] : memref<10512x128xf32, #tpu.memory_space<vmem_shared>> -> memref<10512x128xf32, #tpu.memory_space<vmem_shared>>
      tpu.enqueue_indirect_dma source(%dma_start3A_289 : memref<128x128xf32, #tpu.memory_space<vmem>>) target(%dma_start3A_295 : memref<10512x128xf32, #tpu.memory_space<vmem_shared>>) offsets(%dma_start3A_292 : memref<128xi32, #tpu.memory_space<vmem>>) semaphore(%arg19 : memref<!tpu.dma_semaphore, #tpu.memory_space<semaphore_mem>>) {add = true}
      %add3A_296 = arith.constant 4 : i32
      %add3A_297 = arith.addi %add3A_250, %add3A_296 : i32
      %lt3A_298 = arith.constant 80 : i32
      %lt3A_299 = arith.cmpi slt, %add3A_297, %lt3A_298 : i32
      %convert_element_type3A_300 = arith.extui %lt3A_299 : i1 to i32
      %cond3A_301 = arith.constant 0 : i32
      %cond3A_302 = arith.cmpi ne, %convert_element_type3A_300, %cond3A_301 : i32
      scf.if %cond3A_302 {
        %add3A_583 = arith.constant 4 : i32
        %add3A_584 = arith.addi %add3A_250, %add3A_583 : i32
        %dma_start3A_585 = arith.constant 6 : i32
        %dma_start3A_586 = arith.constant 0 : i32
        %dma_start3A_587 = arith.constant 0 : i32
        %dma_start3A_588 = tpu.memref_slice %arg6[%dma_start3A_585, %dma_start3A_586, %dma_start3A_587] : memref<8x2x128xi32, #tpu.memory_space<vmem>> -> memref<1x2x128xi32, #tpu.memory_space<vmem>>
        %dma_start3A_589 = tpu.memref_squeeze %dma_start3A_588 : memref<1x2x128xi32, #tpu.memory_space<vmem>> -> memref<2x128xi32, #tpu.memory_space<vmem>>
        %dma_start3A_590 = arith.constant 0 : i32
        %dma_start3A_591 = arith.constant 0 : i32
        %dma_start3A_592 = tpu.memref_slice %arg3[%add3A, %add3A_584, %dma_start3A_590, %dma_start3A_591] : memref<32x80x2x128xi32, #tpu.memory_space<hbm>> -> memref<1x1x2x128xi32, #tpu.memory_space<hbm>>
        %dma_start3A_593 = tpu.memref_squeeze %dma_start3A_592 : memref<1x1x2x128xi32, #tpu.memory_space<hbm>> -> memref<2x128xi32, #tpu.memory_space<hbm>>
        %dma_start3A_594 = arith.constant 0 : i32
        %dma_start3A_595 = arith.constant 0 : i32
        %dma_start3A_596 = tpu.memref_slice %arg6[%dma_start3A_585, %dma_start3A_594, %dma_start3A_595] : memref<8x2x128xi32, #tpu.memory_space<vmem>> -> memref<1x2x128xi32, #tpu.memory_space<vmem>>
        %dma_start3A_597 = tpu.memref_squeeze %dma_start3A_596 : memref<1x2x128xi32, #tpu.memory_space<vmem>> -> memref<2x128xi32, #tpu.memory_space<vmem>>
        %dma_start3A_598 = arith.constant 0 : i32
        %dma_start3A_599 = arith.constant 0 : i32
        %dma_start3A_600 = tpu.memref_slice %arg3[%add3A, %add3A_584, %dma_start3A_598, %dma_start3A_599] : memref<32x80x2x128xi32, #tpu.memory_space<hbm>> -> memref<1x1x2x128xi32, #tpu.memory_space<hbm>>
        %dma_start3A_601 = tpu.memref_squeeze %dma_start3A_600 : memref<1x1x2x128xi32, #tpu.memory_space<hbm>> -> memref<2x128xi32, #tpu.memory_space<hbm>>
        tpu.enqueue_dma source(%dma_start3A_601 : memref<2x128xi32, #tpu.memory_space<hbm>>) target(%dma_start3A_597 : memref<2x128xi32, #tpu.memory_space<vmem>>) target_semaphore(%arg15 : memref<!tpu.dma_semaphore, #tpu.memory_space<semaphore_mem>>)
      } else {
      }
      %mul3A_303 = arith.constant 8 : i32
      %mul3A_304 = arith.muli %mul3A_303, %scan3A_136 : i32
      %add3A_305 = arith.constant 3 : i32
      %add3A_306 = arith.addi %mul3A_304, %add3A_305 : i32
      %add3A_307 = arith.constant 1 : i32
      %add3A_308 = arith.addi %add3A_306, %add3A_307 : i32
      %lt3A_309 = arith.constant 80 : i32
      %lt3A_310 = arith.cmpi slt, %add3A_308, %lt3A_309 : i32
      %convert_element_type3A_311 = arith.extui %lt3A_310 : i1 to i32
      %cond3A_312 = arith.constant 0 : i32
      %cond3A_313 = arith.cmpi ne, %convert_element_type3A_311, %cond3A_312 : i32
      scf.if %cond3A_313 {
        %add3A_583 = arith.constant 1 : i32
        %add3A_584 = arith.addi %add3A_306, %add3A_583 : i32
        %dma_wait3A_585 = arith.constant 4 : i32
        %dma_wait3A_586 = arith.constant 0 : i32
        %dma_wait3A_587 = arith.constant 0 : i32
        %dma_wait3A_588 = tpu.memref_slice %arg6[%dma_wait3A_585, %dma_wait3A_586, %dma_wait3A_587] : memref<8x2x128xi32, #tpu.memory_space<vmem>> -> memref<1x2x128xi32, #tpu.memory_space<vmem>>
        %dma_wait3A_589 = tpu.memref_squeeze %dma_wait3A_588 : memref<1x2x128xi32, #tpu.memory_space<vmem>> -> memref<2x128xi32, #tpu.memory_space<vmem>>
        %dma_wait3A_590 = arith.constant 0 : i32
        %dma_wait3A_591 = arith.constant 0 : i32
        %dma_wait3A_592 = tpu.memref_slice %arg3[%add3A, %add3A_584, %dma_wait3A_590, %dma_wait3A_591] : memref<32x80x2x128xi32, #tpu.memory_space<hbm>> -> memref<1x1x2x128xi32, #tpu.memory_space<hbm>>
        %dma_wait3A_593 = tpu.memref_squeeze %dma_wait3A_592 : memref<1x1x2x128xi32, #tpu.memory_space<hbm>> -> memref<2x128xi32, #tpu.memory_space<hbm>>
        %dma_wait3A_594 = arith.constant 0 : i32
        %dma_wait3A_595 = arith.constant 0 : i32
        %dma_wait3A_596 = tpu.memref_slice %arg6[%dma_wait3A_585, %dma_wait3A_594, %dma_wait3A_595] : memref<8x2x128xi32, #tpu.memory_space<vmem>> -> memref<1x2x128xi32, #tpu.memory_space<vmem>>
        %dma_wait3A_597 = tpu.memref_squeeze %dma_wait3A_596 : memref<1x2x128xi32, #tpu.memory_space<vmem>> -> memref<2x128xi32, #tpu.memory_space<vmem>>
        %dma_wait3A_598 = arith.constant 0 : i32
        %dma_wait3A_599 = arith.constant 0 : i32
        %dma_wait3A_600 = tpu.memref_slice %arg3[%add3A, %add3A_584, %dma_wait3A_598, %dma_wait3A_599] : memref<32x80x2x128xi32, #tpu.memory_space<hbm>> -> memref<1x1x2x128xi32, #tpu.memory_space<hbm>>
        %dma_wait3A_601 = tpu.memref_squeeze %dma_wait3A_600 : memref<1x1x2x128xi32, #tpu.memory_space<hbm>> -> memref<2x128xi32, #tpu.memory_space<hbm>>
        tpu.wait_dma2 semaphore(%arg13 : memref<!tpu.dma_semaphore, #tpu.memory_space<semaphore_mem>>) src(%dma_wait3A_601 : memref<2x128xi32, #tpu.memory_space<hbm>>) dst(%dma_wait3A_597 : memref<2x128xi32, #tpu.memory_space<vmem>>)
      } else {
      }
      %ge3A_314 = arith.constant 1 : i32
      %ge3A_315 = arith.cmpi sge, %add3A_306, %ge3A_314 : i32
      %convert_element_type3A_316 = arith.extui %ge3A_315 : i1 to i32
      %cond3A_317 = arith.constant 0 : i32
      %cond3A_318 = arith.cmpi ne, %convert_element_type3A_316, %cond3A_317 : i32
      scf.if %cond3A_318 {
        %dma_wait3A_583 = arith.constant 0 : i32
        %dma_wait3A_584 = arith.constant 2 : i32
        %dma_wait3A_585 = arith.constant 1 : i32
        %dma_wait3A_586 = arith.constant 0 : i32
        %dma_wait3A_587 = arith.constant 0 : i32
        %dma_wait3A_588 = tpu.memref_slice %arg7[%dma_wait3A_583, %dma_wait3A_586, %dma_wait3A_587] : memref<2x128x128xf32, #tpu.memory_space<vmem>> -> memref<1x128x128xf32, #tpu.memory_space<vmem>>
        %dma_wait3A_589 = tpu.memref_squeeze %dma_wait3A_588 : memref<1x128x128xf32, #tpu.memory_space<vmem>> -> memref<128x128xf32, #tpu.memory_space<vmem>>
        %dma_wait3A_590 = arith.constant 0 : i32
        %dma_wait3A_591 = tpu.memref_slice %arg6[%dma_wait3A_584, %dma_wait3A_585, %dma_wait3A_590] : memref<8x2x128xi32, #tpu.memory_space<vmem>> -> memref<1x1x128xi32, #tpu.memory_space<vmem>>
        %dma_wait3A_592 = tpu.memref_squeeze %dma_wait3A_591 : memref<1x1x128xi32, #tpu.memory_space<vmem>> -> memref<128xi32, #tpu.memory_space<vmem>>
        %dma_wait3A_593 = arith.constant 0 : i32
        %dma_wait3A_594 = arith.constant 0 : i32
        %dma_wait3A_595 = tpu.memref_slice %arg8[%dma_wait3A_593, %dma_wait3A_594] : memref<10512x128xf32, #tpu.memory_space<vmem_shared>> -> memref<10512x128xf32, #tpu.memory_space<vmem_shared>>
        tpu.wait_indirect_dma semaphore(%arg19 : memref<!tpu.dma_semaphore, #tpu.memory_space<semaphore_mem>>) src(%dma_wait3A_589 : memref<128x128xf32, #tpu.memory_space<vmem>>) dst(%dma_wait3A_595 : memref<10512x128xf32, #tpu.memory_space<vmem_shared>>)
      } else {
      }
      %add3A_319 = arith.constant 1 : i32
      %add3A_320 = arith.addi %add3A_306, %add3A_319 : i32
      %lt3A_321 = arith.constant 80 : i32
      %lt3A_322 = arith.cmpi slt, %add3A_320, %lt3A_321 : i32
      %convert_element_type3A_323 = arith.extui %lt3A_322 : i1 to i32
      %cond3A_324 = arith.constant 0 : i32
      %cond3A_325 = arith.cmpi ne, %convert_element_type3A_323, %cond3A_324 : i32
      scf.if %cond3A_325 {
        %dma_start3A_583 = arith.constant 4 : i32
        %dma_start3A_584 = arith.constant 0 : i32
        %dma_start3A_585 = arith.constant 0 : i32
        %dma_start3A_586 = arith.constant 0 : i32
        %dma_start3A_587 = arith.constant 0 : i32
        %dma_start3A_588 = tpu.memref_slice %arg7[%dma_start3A_585, %dma_start3A_586, %dma_start3A_587] : memref<2x128x128xf32, #tpu.memory_space<vmem>> -> memref<1x128x128xf32, #tpu.memory_space<vmem>>
        %dma_start3A_589 = tpu.memref_squeeze %dma_start3A_588 : memref<1x128x128xf32, #tpu.memory_space<vmem>> -> memref<128x128xf32, #tpu.memory_space<vmem>>
        %dma_start3A_590 = arith.constant 0 : i32
        %dma_start3A_591 = tpu.memref_slice %arg6[%dma_start3A_583, %dma_start3A_584, %dma_start3A_590] : memref<8x2x128xi32, #tpu.memory_space<vmem>> -> memref<1x1x128xi32, #tpu.memory_space<vmem>>
        %dma_start3A_592 = tpu.memref_squeeze %dma_start3A_591 : memref<1x1x128xi32, #tpu.memory_space<vmem>> -> memref<128xi32, #tpu.memory_space<vmem>>
        %dma_start3A_593 = arith.constant 0 : i32
        %dma_start3A_594 = arith.constant 0 : i32
        %dma_start3A_595 = tpu.memref_slice %arg2[%dma_start3A_593, %dma_start3A_594] : memref<10000x128xf32, #tpu.memory_space<hbm>> -> memref<10000x128xf32, #tpu.memory_space<hbm>>
        tpu.enqueue_indirect_dma source(%dma_start3A_595 : memref<10000x128xf32, #tpu.memory_space<hbm>>) target(%dma_start3A_589 : memref<128x128xf32, #tpu.memory_space<vmem>>) offsets(%dma_start3A_592 : memref<128xi32, #tpu.memory_space<vmem>>) semaphore(%arg17 : memref<!tpu.dma_semaphore, #tpu.memory_space<semaphore_mem>>)
      } else {
      }
      %dma_wait3A_326 = arith.constant 3 : i32
      %dma_wait3A_327 = arith.constant 0 : i32
      %dma_wait3A_328 = arith.constant 1 : i32
      %dma_wait3A_329 = arith.constant 0 : i32
      %dma_wait3A_330 = arith.constant 0 : i32
      %dma_wait3A_331 = tpu.memref_slice %arg7[%dma_wait3A_328, %dma_wait3A_329, %dma_wait3A_330] : memref<2x128x128xf32, #tpu.memory_space<vmem>> -> memref<1x128x128xf32, #tpu.memory_space<vmem>>
      %dma_wait3A_332 = tpu.memref_squeeze %dma_wait3A_331 : memref<1x128x128xf32, #tpu.memory_space<vmem>> -> memref<128x128xf32, #tpu.memory_space<vmem>>
      %dma_wait3A_333 = arith.constant 0 : i32
      %dma_wait3A_334 = tpu.memref_slice %arg6[%dma_wait3A_326, %dma_wait3A_327, %dma_wait3A_333] : memref<8x2x128xi32, #tpu.memory_space<vmem>> -> memref<1x1x128xi32, #tpu.memory_space<vmem>>
      %dma_wait3A_335 = tpu.memref_squeeze %dma_wait3A_334 : memref<1x1x128xi32, #tpu.memory_space<vmem>> -> memref<128xi32, #tpu.memory_space<vmem>>
      %dma_wait3A_336 = arith.constant 0 : i32
      %dma_wait3A_337 = arith.constant 0 : i32
      %dma_wait3A_338 = tpu.memref_slice %arg2[%dma_wait3A_336, %dma_wait3A_337] : memref<10000x128xf32, #tpu.memory_space<hbm>> -> memref<10000x128xf32, #tpu.memory_space<hbm>>
      tpu.wait_indirect_dma semaphore(%arg18 : memref<!tpu.dma_semaphore, #tpu.memory_space<semaphore_mem>>) src(%dma_wait3A_338 : memref<10000x128xf32, #tpu.memory_space<hbm>>) dst(%dma_wait3A_332 : memref<128x128xf32, #tpu.memory_space<vmem>>)
      %dma_start3A_339 = arith.constant 1 : i32
      %dma_start3A_340 = arith.constant 3 : i32
      %dma_start3A_341 = arith.constant 1 : i32
      %dma_start3A_342 = arith.constant 0 : i32
      %dma_start3A_343 = arith.constant 0 : i32
      %dma_start3A_344 = tpu.memref_slice %arg7[%dma_start3A_339, %dma_start3A_342, %dma_start3A_343] : memref<2x128x128xf32, #tpu.memory_space<vmem>> -> memref<1x128x128xf32, #tpu.memory_space<vmem>>
      %dma_start3A_345 = tpu.memref_squeeze %dma_start3A_344 : memref<1x128x128xf32, #tpu.memory_space<vmem>> -> memref<128x128xf32, #tpu.memory_space<vmem>>
      %dma_start3A_346 = arith.constant 0 : i32
      %dma_start3A_347 = tpu.memref_slice %arg6[%dma_start3A_340, %dma_start3A_341, %dma_start3A_346] : memref<8x2x128xi32, #tpu.memory_space<vmem>> -> memref<1x1x128xi32, #tpu.memory_space<vmem>>
      %dma_start3A_348 = tpu.memref_squeeze %dma_start3A_347 : memref<1x1x128xi32, #tpu.memory_space<vmem>> -> memref<128xi32, #tpu.memory_space<vmem>>
      %dma_start3A_349 = arith.constant 0 : i32
      %dma_start3A_350 = arith.constant 0 : i32
      %dma_start3A_351 = tpu.memref_slice %arg8[%dma_start3A_349, %dma_start3A_350] : memref<10512x128xf32, #tpu.memory_space<vmem_shared>> -> memref<10512x128xf32, #tpu.memory_space<vmem_shared>>
      tpu.enqueue_indirect_dma source(%dma_start3A_345 : memref<128x128xf32, #tpu.memory_space<vmem>>) target(%dma_start3A_351 : memref<10512x128xf32, #tpu.memory_space<vmem_shared>>) offsets(%dma_start3A_348 : memref<128xi32, #tpu.memory_space<vmem>>) semaphore(%arg20 : memref<!tpu.dma_semaphore, #tpu.memory_space<semaphore_mem>>) {add = true}
      %add3A_352 = arith.constant 4 : i32
      %add3A_353 = arith.addi %add3A_306, %add3A_352 : i32
      %lt3A_354 = arith.constant 80 : i32
      %lt3A_355 = arith.cmpi slt, %add3A_353, %lt3A_354 : i32
      %convert_element_type3A_356 = arith.extui %lt3A_355 : i1 to i32
      %cond3A_357 = arith.constant 0 : i32
      %cond3A_358 = arith.cmpi ne, %convert_element_type3A_356, %cond3A_357 : i32
      scf.if %cond3A_358 {
        %add3A_583 = arith.constant 4 : i32
        %add3A_584 = arith.addi %add3A_306, %add3A_583 : i32
        %dma_start3A_585 = arith.constant 7 : i32
        %dma_start3A_586 = arith.constant 0 : i32
        %dma_start3A_587 = arith.constant 0 : i32
        %dma_start3A_588 = tpu.memref_slice %arg6[%dma_start3A_585, %dma_start3A_586, %dma_start3A_587] : memref<8x2x128xi32, #tpu.memory_space<vmem>> -> memref<1x2x128xi32, #tpu.memory_space<vmem>>
        %dma_start3A_589 = tpu.memref_squeeze %dma_start3A_588 : memref<1x2x128xi32, #tpu.memory_space<vmem>> -> memref<2x128xi32, #tpu.memory_space<vmem>>
        %dma_start3A_590 = arith.constant 0 : i32
        %dma_start3A_591 = arith.constant 0 : i32
        %dma_start3A_592 = tpu.memref_slice %arg3[%add3A, %add3A_584, %dma_start3A_590, %dma_start3A_591] : memref<32x80x2x128xi32, #tpu.memory_space<hbm>> -> memref<1x1x2x128xi32, #tpu.memory_space<hbm>>
        %dma_start3A_593 = tpu.memref_squeeze %dma_start3A_592 : memref<1x1x2x128xi32, #tpu.memory_space<hbm>> -> memref<2x128xi32, #tpu.memory_space<hbm>>
        %dma_start3A_594 = arith.constant 0 : i32
        %dma_start3A_595 = arith.constant 0 : i32
        %dma_start3A_596 = tpu.memref_slice %arg6[%dma_start3A_585, %dma_start3A_594, %dma_start3A_595] : memref<8x2x128xi32, #tpu.memory_space<vmem>> -> memref<1x2x128xi32, #tpu.memory_space<vmem>>
        %dma_start3A_597 = tpu.memref_squeeze %dma_start3A_596 : memref<1x2x128xi32, #tpu.memory_space<vmem>> -> memref<2x128xi32, #tpu.memory_space<vmem>>
        %dma_start3A_598 = arith.constant 0 : i32
        %dma_start3A_599 = arith.constant 0 : i32
        %dma_start3A_600 = tpu.memref_slice %arg3[%add3A, %add3A_584, %dma_start3A_598, %dma_start3A_599] : memref<32x80x2x128xi32, #tpu.memory_space<hbm>> -> memref<1x1x2x128xi32, #tpu.memory_space<hbm>>
        %dma_start3A_601 = tpu.memref_squeeze %dma_start3A_600 : memref<1x1x2x128xi32, #tpu.memory_space<hbm>> -> memref<2x128xi32, #tpu.memory_space<hbm>>
        tpu.enqueue_dma source(%dma_start3A_601 : memref<2x128xi32, #tpu.memory_space<hbm>>) target(%dma_start3A_597 : memref<2x128xi32, #tpu.memory_space<vmem>>) target_semaphore(%arg16 : memref<!tpu.dma_semaphore, #tpu.memory_space<semaphore_mem>>)
      } else {
      }
      %mul3A_359 = arith.constant 8 : i32
      %mul3A_360 = arith.muli %mul3A_359, %scan3A_136 : i32
      %add3A_361 = arith.constant 4 : i32
      %add3A_362 = arith.addi %mul3A_360, %add3A_361 : i32
      %add3A_363 = arith.constant 1 : i32
      %add3A_364 = arith.addi %add3A_362, %add3A_363 : i32
      %lt3A_365 = arith.constant 80 : i32
      %lt3A_366 = arith.cmpi slt, %add3A_364, %lt3A_365 : i32
      %convert_element_type3A_367 = arith.extui %lt3A_366 : i1 to i32
      %cond3A_368 = arith.constant 0 : i32
      %cond3A_369 = arith.cmpi ne, %convert_element_type3A_367, %cond3A_368 : i32
      scf.if %cond3A_369 {
        %add3A_583 = arith.constant 1 : i32
        %add3A_584 = arith.addi %add3A_362, %add3A_583 : i32
        %dma_wait3A_585 = arith.constant 5 : i32
        %dma_wait3A_586 = arith.constant 0 : i32
        %dma_wait3A_587 = arith.constant 0 : i32
        %dma_wait3A_588 = tpu.memref_slice %arg6[%dma_wait3A_585, %dma_wait3A_586, %dma_wait3A_587] : memref<8x2x128xi32, #tpu.memory_space<vmem>> -> memref<1x2x128xi32, #tpu.memory_space<vmem>>
        %dma_wait3A_589 = tpu.memref_squeeze %dma_wait3A_588 : memref<1x2x128xi32, #tpu.memory_space<vmem>> -> memref<2x128xi32, #tpu.memory_space<vmem>>
        %dma_wait3A_590 = arith.constant 0 : i32
        %dma_wait3A_591 = arith.constant 0 : i32
        %dma_wait3A_592 = tpu.memref_slice %arg3[%add3A, %add3A_584, %dma_wait3A_590, %dma_wait3A_591] : memref<32x80x2x128xi32, #tpu.memory_space<hbm>> -> memref<1x1x2x128xi32, #tpu.memory_space<hbm>>
        %dma_wait3A_593 = tpu.memref_squeeze %dma_wait3A_592 : memref<1x1x2x128xi32, #tpu.memory_space<hbm>> -> memref<2x128xi32, #tpu.memory_space<hbm>>
        %dma_wait3A_594 = arith.constant 0 : i32
        %dma_wait3A_595 = arith.constant 0 : i32
        %dma_wait3A_596 = tpu.memref_slice %arg6[%dma_wait3A_585, %dma_wait3A_594, %dma_wait3A_595] : memref<8x2x128xi32, #tpu.memory_space<vmem>> -> memref<1x2x128xi32, #tpu.memory_space<vmem>>
        %dma_wait3A_597 = tpu.memref_squeeze %dma_wait3A_596 : memref<1x2x128xi32, #tpu.memory_space<vmem>> -> memref<2x128xi32, #tpu.memory_space<vmem>>
        %dma_wait3A_598 = arith.constant 0 : i32
        %dma_wait3A_599 = arith.constant 0 : i32
        %dma_wait3A_600 = tpu.memref_slice %arg3[%add3A, %add3A_584, %dma_wait3A_598, %dma_wait3A_599] : memref<32x80x2x128xi32, #tpu.memory_space<hbm>> -> memref<1x1x2x128xi32, #tpu.memory_space<hbm>>
        %dma_wait3A_601 = tpu.memref_squeeze %dma_wait3A_600 : memref<1x1x2x128xi32, #tpu.memory_space<hbm>> -> memref<2x128xi32, #tpu.memory_space<hbm>>
        tpu.wait_dma2 semaphore(%arg14 : memref<!tpu.dma_semaphore, #tpu.memory_space<semaphore_mem>>) src(%dma_wait3A_601 : memref<2x128xi32, #tpu.memory_space<hbm>>) dst(%dma_wait3A_597 : memref<2x128xi32, #tpu.memory_space<vmem>>)
      } else {
      }
      %ge3A_370 = arith.constant 1 : i32
      %ge3A_371 = arith.cmpi sge, %add3A_362, %ge3A_370 : i32
      %convert_element_type3A_372 = arith.extui %ge3A_371 : i1 to i32
      %cond3A_373 = arith.constant 0 : i32
      %cond3A_374 = arith.cmpi ne, %convert_element_type3A_372, %cond3A_373 : i32
      scf.if %cond3A_374 {
        %dma_wait3A_583 = arith.constant 1 : i32
        %dma_wait3A_584 = arith.constant 3 : i32
        %dma_wait3A_585 = arith.constant 1 : i32
        %dma_wait3A_586 = arith.constant 0 : i32
        %dma_wait3A_587 = arith.constant 0 : i32
        %dma_wait3A_588 = tpu.memref_slice %arg7[%dma_wait3A_583, %dma_wait3A_586, %dma_wait3A_587] : memref<2x128x128xf32, #tpu.memory_space<vmem>> -> memref<1x128x128xf32, #tpu.memory_space<vmem>>
        %dma_wait3A_589 = tpu.memref_squeeze %dma_wait3A_588 : memref<1x128x128xf32, #tpu.memory_space<vmem>> -> memref<128x128xf32, #tpu.memory_space<vmem>>
        %dma_wait3A_590 = arith.constant 0 : i32
        %dma_wait3A_591 = tpu.memref_slice %arg6[%dma_wait3A_584, %dma_wait3A_585, %dma_wait3A_590] : memref<8x2x128xi32, #tpu.memory_space<vmem>> -> memref<1x1x128xi32, #tpu.memory_space<vmem>>
        %dma_wait3A_592 = tpu.memref_squeeze %dma_wait3A_591 : memref<1x1x128xi32, #tpu.memory_space<vmem>> -> memref<128xi32, #tpu.memory_space<vmem>>
        %dma_wait3A_593 = arith.constant 0 : i32
        %dma_wait3A_594 = arith.constant 0 : i32
        %dma_wait3A_595 = tpu.memref_slice %arg8[%dma_wait3A_593, %dma_wait3A_594] : memref<10512x128xf32, #tpu.memory_space<vmem_shared>> -> memref<10512x128xf32, #tpu.memory_space<vmem_shared>>
        tpu.wait_indirect_dma semaphore(%arg20 : memref<!tpu.dma_semaphore, #tpu.memory_space<semaphore_mem>>) src(%dma_wait3A_589 : memref<128x128xf32, #tpu.memory_space<vmem>>) dst(%dma_wait3A_595 : memref<10512x128xf32, #tpu.memory_space<vmem_shared>>)
      } else {
      }
      %add3A_375 = arith.constant 1 : i32
      %add3A_376 = arith.addi %add3A_362, %add3A_375 : i32
      %lt3A_377 = arith.constant 80 : i32
      %lt3A_378 = arith.cmpi slt, %add3A_376, %lt3A_377 : i32
      %convert_element_type3A_379 = arith.extui %lt3A_378 : i1 to i32
      %cond3A_380 = arith.constant 0 : i32
      %cond3A_381 = arith.cmpi ne, %convert_element_type3A_379, %cond3A_380 : i32
      scf.if %cond3A_381 {
        %dma_start3A_583 = arith.constant 5 : i32
        %dma_start3A_584 = arith.constant 0 : i32
        %dma_start3A_585 = arith.constant 1 : i32
        %dma_start3A_586 = arith.constant 0 : i32
        %dma_start3A_587 = arith.constant 0 : i32
        %dma_start3A_588 = tpu.memref_slice %arg7[%dma_start3A_585, %dma_start3A_586, %dma_start3A_587] : memref<2x128x128xf32, #tpu.memory_space<vmem>> -> memref<1x128x128xf32, #tpu.memory_space<vmem>>
        %dma_start3A_589 = tpu.memref_squeeze %dma_start3A_588 : memref<1x128x128xf32, #tpu.memory_space<vmem>> -> memref<128x128xf32, #tpu.memory_space<vmem>>
        %dma_start3A_590 = arith.constant 0 : i32
        %dma_start3A_591 = tpu.memref_slice %arg6[%dma_start3A_583, %dma_start3A_584, %dma_start3A_590] : memref<8x2x128xi32, #tpu.memory_space<vmem>> -> memref<1x1x128xi32, #tpu.memory_space<vmem>>
        %dma_start3A_592 = tpu.memref_squeeze %dma_start3A_591 : memref<1x1x128xi32, #tpu.memory_space<vmem>> -> memref<128xi32, #tpu.memory_space<vmem>>
        %dma_start3A_593 = arith.constant 0 : i32
        %dma_start3A_594 = arith.constant 0 : i32
        %dma_start3A_595 = tpu.memref_slice %arg2[%dma_start3A_593, %dma_start3A_594] : memref<10000x128xf32, #tpu.memory_space<hbm>> -> memref<10000x128xf32, #tpu.memory_space<hbm>>
        tpu.enqueue_indirect_dma source(%dma_start3A_595 : memref<10000x128xf32, #tpu.memory_space<hbm>>) target(%dma_start3A_589 : memref<128x128xf32, #tpu.memory_space<vmem>>) offsets(%dma_start3A_592 : memref<128xi32, #tpu.memory_space<vmem>>) semaphore(%arg18 : memref<!tpu.dma_semaphore, #tpu.memory_space<semaphore_mem>>)
      } else {
      }
      %dma_wait3A_382 = arith.constant 4 : i32
      %dma_wait3A_383 = arith.constant 0 : i32
      %dma_wait3A_384 = arith.constant 0 : i32
      %dma_wait3A_385 = arith.constant 0 : i32
      %dma_wait3A_386 = arith.constant 0 : i32
      %dma_wait3A_387 = tpu.memref_slice %arg7[%dma_wait3A_384, %dma_wait3A_385, %dma_wait3A_386] : memref<2x128x128xf32, #tpu.memory_space<vmem>> -> memref<1x128x128xf32, #tpu.memory_space<vmem>>
      %dma_wait3A_388 = tpu.memref_squeeze %dma_wait3A_387 : memref<1x128x128xf32, #tpu.memory_space<vmem>> -> memref<128x128xf32, #tpu.memory_space<vmem>>
      %dma_wait3A_389 = arith.constant 0 : i32
      %dma_wait3A_390 = tpu.memref_slice %arg6[%dma_wait3A_382, %dma_wait3A_383, %dma_wait3A_389] : memref<8x2x128xi32, #tpu.memory_space<vmem>> -> memref<1x1x128xi32, #tpu.memory_space<vmem>>
      %dma_wait3A_391 = tpu.memref_squeeze %dma_wait3A_390 : memref<1x1x128xi32, #tpu.memory_space<vmem>> -> memref<128xi32, #tpu.memory_space<vmem>>
      %dma_wait3A_392 = arith.constant 0 : i32
      %dma_wait3A_393 = arith.constant 0 : i32
      %dma_wait3A_394 = tpu.memref_slice %arg2[%dma_wait3A_392, %dma_wait3A_393] : memref<10000x128xf32, #tpu.memory_space<hbm>> -> memref<10000x128xf32, #tpu.memory_space<hbm>>
      tpu.wait_indirect_dma semaphore(%arg17 : memref<!tpu.dma_semaphore, #tpu.memory_space<semaphore_mem>>) src(%dma_wait3A_394 : memref<10000x128xf32, #tpu.memory_space<hbm>>) dst(%dma_wait3A_388 : memref<128x128xf32, #tpu.memory_space<vmem>>)
      %dma_start3A_395 = arith.constant 0 : i32
      %dma_start3A_396 = arith.constant 4 : i32
      %dma_start3A_397 = arith.constant 1 : i32
      %dma_start3A_398 = arith.constant 0 : i32
      %dma_start3A_399 = arith.constant 0 : i32
      %dma_start3A_400 = tpu.memref_slice %arg7[%dma_start3A_395, %dma_start3A_398, %dma_start3A_399] : memref<2x128x128xf32, #tpu.memory_space<vmem>> -> memref<1x128x128xf32, #tpu.memory_space<vmem>>
      %dma_start3A_401 = tpu.memref_squeeze %dma_start3A_400 : memref<1x128x128xf32, #tpu.memory_space<vmem>> -> memref<128x128xf32, #tpu.memory_space<vmem>>
      %dma_start3A_402 = arith.constant 0 : i32
      %dma_start3A_403 = tpu.memref_slice %arg6[%dma_start3A_396, %dma_start3A_397, %dma_start3A_402] : memref<8x2x128xi32, #tpu.memory_space<vmem>> -> memref<1x1x128xi32, #tpu.memory_space<vmem>>
      %dma_start3A_404 = tpu.memref_squeeze %dma_start3A_403 : memref<1x1x128xi32, #tpu.memory_space<vmem>> -> memref<128xi32, #tpu.memory_space<vmem>>
      %dma_start3A_405 = arith.constant 0 : i32
      %dma_start3A_406 = arith.constant 0 : i32
      %dma_start3A_407 = tpu.memref_slice %arg8[%dma_start3A_405, %dma_start3A_406] : memref<10512x128xf32, #tpu.memory_space<vmem_shared>> -> memref<10512x128xf32, #tpu.memory_space<vmem_shared>>
      tpu.enqueue_indirect_dma source(%dma_start3A_401 : memref<128x128xf32, #tpu.memory_space<vmem>>) target(%dma_start3A_407 : memref<10512x128xf32, #tpu.memory_space<vmem_shared>>) offsets(%dma_start3A_404 : memref<128xi32, #tpu.memory_space<vmem>>) semaphore(%arg19 : memref<!tpu.dma_semaphore, #tpu.memory_space<semaphore_mem>>) {add = true}
      %add3A_408 = arith.constant 4 : i32
      %add3A_409 = arith.addi %add3A_362, %add3A_408 : i32
      %lt3A_410 = arith.constant 80 : i32
      %lt3A_411 = arith.cmpi slt, %add3A_409, %lt3A_410 : i32
      %convert_element_type3A_412 = arith.extui %lt3A_411 : i1 to i32
      %cond3A_413 = arith.constant 0 : i32
      %cond3A_414 = arith.cmpi ne, %convert_element_type3A_412, %cond3A_413 : i32
      scf.if %cond3A_414 {
        %add3A_583 = arith.constant 4 : i32
        %add3A_584 = arith.addi %add3A_362, %add3A_583 : i32
        %dma_start3A_585 = arith.constant 0 : i32
        %dma_start3A_586 = arith.constant 0 : i32
        %dma_start3A_587 = arith.constant 0 : i32
        %dma_start3A_588 = tpu.memref_slice %arg6[%dma_start3A_585, %dma_start3A_586, %dma_start3A_587] : memref<8x2x128xi32, #tpu.memory_space<vmem>> -> memref<1x2x128xi32, #tpu.memory_space<vmem>>
        %dma_start3A_589 = tpu.memref_squeeze %dma_start3A_588 : memref<1x2x128xi32, #tpu.memory_space<vmem>> -> memref<2x128xi32, #tpu.memory_space<vmem>>
        %dma_start3A_590 = arith.constant 0 : i32
        %dma_start3A_591 = arith.constant 0 : i32
        %dma_start3A_592 = tpu.memref_slice %arg3[%add3A, %add3A_584, %dma_start3A_590, %dma_start3A_591] : memref<32x80x2x128xi32, #tpu.memory_space<hbm>> -> memref<1x1x2x128xi32, #tpu.memory_space<hbm>>
        %dma_start3A_593 = tpu.memref_squeeze %dma_start3A_592 : memref<1x1x2x128xi32, #tpu.memory_space<hbm>> -> memref<2x128xi32, #tpu.memory_space<hbm>>
        %dma_start3A_594 = arith.constant 0 : i32
        %dma_start3A_595 = arith.constant 0 : i32
        %dma_start3A_596 = tpu.memref_slice %arg6[%dma_start3A_585, %dma_start3A_594, %dma_start3A_595] : memref<8x2x128xi32, #tpu.memory_space<vmem>> -> memref<1x2x128xi32, #tpu.memory_space<vmem>>
        %dma_start3A_597 = tpu.memref_squeeze %dma_start3A_596 : memref<1x2x128xi32, #tpu.memory_space<vmem>> -> memref<2x128xi32, #tpu.memory_space<vmem>>
        %dma_start3A_598 = arith.constant 0 : i32
        %dma_start3A_599 = arith.constant 0 : i32
        %dma_start3A_600 = tpu.memref_slice %arg3[%add3A, %add3A_584, %dma_start3A_598, %dma_start3A_599] : memref<32x80x2x128xi32, #tpu.memory_space<hbm>> -> memref<1x1x2x128xi32, #tpu.memory_space<hbm>>
        %dma_start3A_601 = tpu.memref_squeeze %dma_start3A_600 : memref<1x1x2x128xi32, #tpu.memory_space<hbm>> -> memref<2x128xi32, #tpu.memory_space<hbm>>
        tpu.enqueue_dma source(%dma_start3A_601 : memref<2x128xi32, #tpu.memory_space<hbm>>) target(%dma_start3A_597 : memref<2x128xi32, #tpu.memory_space<vmem>>) target_semaphore(%arg9 : memref<!tpu.dma_semaphore, #tpu.memory_space<semaphore_mem>>)
      } else {
      }
      %mul3A_415 = arith.constant 8 : i32
      %mul3A_416 = arith.muli %mul3A_415, %scan3A_136 : i32
      %add3A_417 = arith.constant 5 : i32
      %add3A_418 = arith.addi %mul3A_416, %add3A_417 : i32
      %add3A_419 = arith.constant 1 : i32
      %add3A_420 = arith.addi %add3A_418, %add3A_419 : i32
      %lt3A_421 = arith.constant 80 : i32
      %lt3A_422 = arith.cmpi slt, %add3A_420, %lt3A_421 : i32
      %convert_element_type3A_423 = arith.extui %lt3A_422 : i1 to i32
      %cond3A_424 = arith.constant 0 : i32
      %cond3A_425 = arith.cmpi ne, %convert_element_type3A_423, %cond3A_424 : i32
      scf.if %cond3A_425 {
        %add3A_583 = arith.constant 1 : i32
        %add3A_584 = arith.addi %add3A_418, %add3A_583 : i32
        %dma_wait3A_585 = arith.constant 6 : i32
        %dma_wait3A_586 = arith.constant 0 : i32
        %dma_wait3A_587 = arith.constant 0 : i32
        %dma_wait3A_588 = tpu.memref_slice %arg6[%dma_wait3A_585, %dma_wait3A_586, %dma_wait3A_587] : memref<8x2x128xi32, #tpu.memory_space<vmem>> -> memref<1x2x128xi32, #tpu.memory_space<vmem>>
        %dma_wait3A_589 = tpu.memref_squeeze %dma_wait3A_588 : memref<1x2x128xi32, #tpu.memory_space<vmem>> -> memref<2x128xi32, #tpu.memory_space<vmem>>
        %dma_wait3A_590 = arith.constant 0 : i32
        %dma_wait3A_591 = arith.constant 0 : i32
        %dma_wait3A_592 = tpu.memref_slice %arg3[%add3A, %add3A_584, %dma_wait3A_590, %dma_wait3A_591] : memref<32x80x2x128xi32, #tpu.memory_space<hbm>> -> memref<1x1x2x128xi32, #tpu.memory_space<hbm>>
        %dma_wait3A_593 = tpu.memref_squeeze %dma_wait3A_592 : memref<1x1x2x128xi32, #tpu.memory_space<hbm>> -> memref<2x128xi32, #tpu.memory_space<hbm>>
        %dma_wait3A_594 = arith.constant 0 : i32
        %dma_wait3A_595 = arith.constant 0 : i32
        %dma_wait3A_596 = tpu.memref_slice %arg6[%dma_wait3A_585, %dma_wait3A_594, %dma_wait3A_595] : memref<8x2x128xi32, #tpu.memory_space<vmem>> -> memref<1x2x128xi32, #tpu.memory_space<vmem>>
        %dma_wait3A_597 = tpu.memref_squeeze %dma_wait3A_596 : memref<1x2x128xi32, #tpu.memory_space<vmem>> -> memref<2x128xi32, #tpu.memory_space<vmem>>
        %dma_wait3A_598 = arith.constant 0 : i32
        %dma_wait3A_599 = arith.constant 0 : i32
        %dma_wait3A_600 = tpu.memref_slice %arg3[%add3A, %add3A_584, %dma_wait3A_598, %dma_wait3A_599] : memref<32x80x2x128xi32, #tpu.memory_space<hbm>> -> memref<1x1x2x128xi32, #tpu.memory_space<hbm>>
        %dma_wait3A_601 = tpu.memref_squeeze %dma_wait3A_600 : memref<1x1x2x128xi32, #tpu.memory_space<hbm>> -> memref<2x128xi32, #tpu.memory_space<hbm>>
        tpu.wait_dma2 semaphore(%arg15 : memref<!tpu.dma_semaphore, #tpu.memory_space<semaphore_mem>>) src(%dma_wait3A_601 : memref<2x128xi32, #tpu.memory_space<hbm>>) dst(%dma_wait3A_597 : memref<2x128xi32, #tpu.memory_space<vmem>>)
      } else {
      }
      %ge3A_426 = arith.constant 1 : i32
      %ge3A_427 = arith.cmpi sge, %add3A_418, %ge3A_426 : i32
      %convert_element_type3A_428 = arith.extui %ge3A_427 : i1 to i32
      %cond3A_429 = arith.constant 0 : i32
      %cond3A_430 = arith.cmpi ne, %convert_element_type3A_428, %cond3A_429 : i32
      scf.if %cond3A_430 {
        %dma_wait3A_583 = arith.constant 0 : i32
        %dma_wait3A_584 = arith.constant 4 : i32
        %dma_wait3A_585 = arith.constant 1 : i32
        %dma_wait3A_586 = arith.constant 0 : i32
        %dma_wait3A_587 = arith.constant 0 : i32
        %dma_wait3A_588 = tpu.memref_slice %arg7[%dma_wait3A_583, %dma_wait3A_586, %dma_wait3A_587] : memref<2x128x128xf32, #tpu.memory_space<vmem>> -> memref<1x128x128xf32, #tpu.memory_space<vmem>>
        %dma_wait3A_589 = tpu.memref_squeeze %dma_wait3A_588 : memref<1x128x128xf32, #tpu.memory_space<vmem>> -> memref<128x128xf32, #tpu.memory_space<vmem>>
        %dma_wait3A_590 = arith.constant 0 : i32
        %dma_wait3A_591 = tpu.memref_slice %arg6[%dma_wait3A_584, %dma_wait3A_585, %dma_wait3A_590] : memref<8x2x128xi32, #tpu.memory_space<vmem>> -> memref<1x1x128xi32, #tpu.memory_space<vmem>>
        %dma_wait3A_592 = tpu.memref_squeeze %dma_wait3A_591 : memref<1x1x128xi32, #tpu.memory_space<vmem>> -> memref<128xi32, #tpu.memory_space<vmem>>
        %dma_wait3A_593 = arith.constant 0 : i32
        %dma_wait3A_594 = arith.constant 0 : i32
        %dma_wait3A_595 = tpu.memref_slice %arg8[%dma_wait3A_593, %dma_wait3A_594] : memref<10512x128xf32, #tpu.memory_space<vmem_shared>> -> memref<10512x128xf32, #tpu.memory_space<vmem_shared>>
        tpu.wait_indirect_dma semaphore(%arg19 : memref<!tpu.dma_semaphore, #tpu.memory_space<semaphore_mem>>) src(%dma_wait3A_589 : memref<128x128xf32, #tpu.memory_space<vmem>>) dst(%dma_wait3A_595 : memref<10512x128xf32, #tpu.memory_space<vmem_shared>>)
      } else {
      }
      %add3A_431 = arith.constant 1 : i32
      %add3A_432 = arith.addi %add3A_418, %add3A_431 : i32
      %lt3A_433 = arith.constant 80 : i32
      %lt3A_434 = arith.cmpi slt, %add3A_432, %lt3A_433 : i32
      %convert_element_type3A_435 = arith.extui %lt3A_434 : i1 to i32
      %cond3A_436 = arith.constant 0 : i32
      %cond3A_437 = arith.cmpi ne, %convert_element_type3A_435, %cond3A_436 : i32
      scf.if %cond3A_437 {
        %dma_start3A_583 = arith.constant 6 : i32
        %dma_start3A_584 = arith.constant 0 : i32
        %dma_start3A_585 = arith.constant 0 : i32
        %dma_start3A_586 = arith.constant 0 : i32
        %dma_start3A_587 = arith.constant 0 : i32
        %dma_start3A_588 = tpu.memref_slice %arg7[%dma_start3A_585, %dma_start3A_586, %dma_start3A_587] : memref<2x128x128xf32, #tpu.memory_space<vmem>> -> memref<1x128x128xf32, #tpu.memory_space<vmem>>
        %dma_start3A_589 = tpu.memref_squeeze %dma_start3A_588 : memref<1x128x128xf32, #tpu.memory_space<vmem>> -> memref<128x128xf32, #tpu.memory_space<vmem>>
        %dma_start3A_590 = arith.constant 0 : i32
        %dma_start3A_591 = tpu.memref_slice %arg6[%dma_start3A_583, %dma_start3A_584, %dma_start3A_590] : memref<8x2x128xi32, #tpu.memory_space<vmem>> -> memref<1x1x128xi32, #tpu.memory_space<vmem>>
        %dma_start3A_592 = tpu.memref_squeeze %dma_start3A_591 : memref<1x1x128xi32, #tpu.memory_space<vmem>> -> memref<128xi32, #tpu.memory_space<vmem>>
        %dma_start3A_593 = arith.constant 0 : i32
        %dma_start3A_594 = arith.constant 0 : i32
        %dma_start3A_595 = tpu.memref_slice %arg2[%dma_start3A_593, %dma_start3A_594] : memref<10000x128xf32, #tpu.memory_space<hbm>> -> memref<10000x128xf32, #tpu.memory_space<hbm>>
        tpu.enqueue_indirect_dma source(%dma_start3A_595 : memref<10000x128xf32, #tpu.memory_space<hbm>>) target(%dma_start3A_589 : memref<128x128xf32, #tpu.memory_space<vmem>>) offsets(%dma_start3A_592 : memref<128xi32, #tpu.memory_space<vmem>>) semaphore(%arg17 : memref<!tpu.dma_semaphore, #tpu.memory_space<semaphore_mem>>)
      } else {
      }
      %dma_wait3A_438 = arith.constant 5 : i32
      %dma_wait3A_439 = arith.constant 0 : i32
      %dma_wait3A_440 = arith.constant 1 : i32
      %dma_wait3A_441 = arith.constant 0 : i32
      %dma_wait3A_442 = arith.constant 0 : i32
      %dma_wait3A_443 = tpu.memref_slice %arg7[%dma_wait3A_440, %dma_wait3A_441, %dma_wait3A_442] : memref<2x128x128xf32, #tpu.memory_space<vmem>> -> memref<1x128x128xf32, #tpu.memory_space<vmem>>
      %dma_wait3A_444 = tpu.memref_squeeze %dma_wait3A_443 : memref<1x128x128xf32, #tpu.memory_space<vmem>> -> memref<128x128xf32, #tpu.memory_space<vmem>>
      %dma_wait3A_445 = arith.constant 0 : i32
      %dma_wait3A_446 = tpu.memref_slice %arg6[%dma_wait3A_438, %dma_wait3A_439, %dma_wait3A_445] : memref<8x2x128xi32, #tpu.memory_space<vmem>> -> memref<1x1x128xi32, #tpu.memory_space<vmem>>
      %dma_wait3A_447 = tpu.memref_squeeze %dma_wait3A_446 : memref<1x1x128xi32, #tpu.memory_space<vmem>> -> memref<128xi32, #tpu.memory_space<vmem>>
      %dma_wait3A_448 = arith.constant 0 : i32
      %dma_wait3A_449 = arith.constant 0 : i32
      %dma_wait3A_450 = tpu.memref_slice %arg2[%dma_wait3A_448, %dma_wait3A_449] : memref<10000x128xf32, #tpu.memory_space<hbm>> -> memref<10000x128xf32, #tpu.memory_space<hbm>>
      tpu.wait_indirect_dma semaphore(%arg18 : memref<!tpu.dma_semaphore, #tpu.memory_space<semaphore_mem>>) src(%dma_wait3A_450 : memref<10000x128xf32, #tpu.memory_space<hbm>>) dst(%dma_wait3A_444 : memref<128x128xf32, #tpu.memory_space<vmem>>)
      %dma_start3A_451 = arith.constant 1 : i32
      %dma_start3A_452 = arith.constant 5 : i32
      %dma_start3A_453 = arith.constant 1 : i32
      %dma_start3A_454 = arith.constant 0 : i32
      %dma_start3A_455 = arith.constant 0 : i32
      %dma_start3A_456 = tpu.memref_slice %arg7[%dma_start3A_451, %dma_start3A_454, %dma_start3A_455] : memref<2x128x128xf32, #tpu.memory_space<vmem>> -> memref<1x128x128xf32, #tpu.memory_space<vmem>>
      %dma_start3A_457 = tpu.memref_squeeze %dma_start3A_456 : memref<1x128x128xf32, #tpu.memory_space<vmem>> -> memref<128x128xf32, #tpu.memory_space<vmem>>
      %dma_start3A_458 = arith.constant 0 : i32
      %dma_start3A_459 = tpu.memref_slice %arg6[%dma_start3A_452, %dma_start3A_453, %dma_start3A_458] : memref<8x2x128xi32, #tpu.memory_space<vmem>> -> memref<1x1x128xi32, #tpu.memory_space<vmem>>
      %dma_start3A_460 = tpu.memref_squeeze %dma_start3A_459 : memref<1x1x128xi32, #tpu.memory_space<vmem>> -> memref<128xi32, #tpu.memory_space<vmem>>
      %dma_start3A_461 = arith.constant 0 : i32
      %dma_start3A_462 = arith.constant 0 : i32
      %dma_start3A_463 = tpu.memref_slice %arg8[%dma_start3A_461, %dma_start3A_462] : memref<10512x128xf32, #tpu.memory_space<vmem_shared>> -> memref<10512x128xf32, #tpu.memory_space<vmem_shared>>
      tpu.enqueue_indirect_dma source(%dma_start3A_457 : memref<128x128xf32, #tpu.memory_space<vmem>>) target(%dma_start3A_463 : memref<10512x128xf32, #tpu.memory_space<vmem_shared>>) offsets(%dma_start3A_460 : memref<128xi32, #tpu.memory_space<vmem>>) semaphore(%arg20 : memref<!tpu.dma_semaphore, #tpu.memory_space<semaphore_mem>>) {add = true}
      %add3A_464 = arith.constant 4 : i32
      %add3A_465 = arith.addi %add3A_418, %add3A_464 : i32
      %lt3A_466 = arith.constant 80 : i32
      %lt3A_467 = arith.cmpi slt, %add3A_465, %lt3A_466 : i32
      %convert_element_type3A_468 = arith.extui %lt3A_467 : i1 to i32
      %cond3A_469 = arith.constant 0 : i32
      %cond3A_470 = arith.cmpi ne, %convert_element_type3A_468, %cond3A_469 : i32
      scf.if %cond3A_470 {
        %add3A_583 = arith.constant 4 : i32
        %add3A_584 = arith.addi %add3A_418, %add3A_583 : i32
        %dma_start3A_585 = arith.constant 1 : i32
        %dma_start3A_586 = arith.constant 0 : i32
        %dma_start3A_587 = arith.constant 0 : i32
        %dma_start3A_588 = tpu.memref_slice %arg6[%dma_start3A_585, %dma_start3A_586, %dma_start3A_587] : memref<8x2x128xi32, #tpu.memory_space<vmem>> -> memref<1x2x128xi32, #tpu.memory_space<vmem>>
        %dma_start3A_589 = tpu.memref_squeeze %dma_start3A_588 : memref<1x2x128xi32, #tpu.memory_space<vmem>> -> memref<2x128xi32, #tpu.memory_space<vmem>>
        %dma_start3A_590 = arith.constant 0 : i32
        %dma_start3A_591 = arith.constant 0 : i32
        %dma_start3A_592 = tpu.memref_slice %arg3[%add3A, %add3A_584, %dma_start3A_590, %dma_start3A_591] : memref<32x80x2x128xi32, #tpu.memory_space<hbm>> -> memref<1x1x2x128xi32, #tpu.memory_space<hbm>>
        %dma_start3A_593 = tpu.memref_squeeze %dma_start3A_592 : memref<1x1x2x128xi32, #tpu.memory_space<hbm>> -> memref<2x128xi32, #tpu.memory_space<hbm>>
        %dma_start3A_594 = arith.constant 0 : i32
        %dma_start3A_595 = arith.constant 0 : i32
        %dma_start3A_596 = tpu.memref_slice %arg6[%dma_start3A_585, %dma_start3A_594, %dma_start3A_595] : memref<8x2x128xi32, #tpu.memory_space<vmem>> -> memref<1x2x128xi32, #tpu.memory_space<vmem>>
        %dma_start3A_597 = tpu.memref_squeeze %dma_start3A_596 : memref<1x2x128xi32, #tpu.memory_space<vmem>> -> memref<2x128xi32, #tpu.memory_space<vmem>>
        %dma_start3A_598 = arith.constant 0 : i32
        %dma_start3A_599 = arith.constant 0 : i32
        %dma_start3A_600 = tpu.memref_slice %arg3[%add3A, %add3A_584, %dma_start3A_598, %dma_start3A_599] : memref<32x80x2x128xi32, #tpu.memory_space<hbm>> -> memref<1x1x2x128xi32, #tpu.memory_space<hbm>>
        %dma_start3A_601 = tpu.memref_squeeze %dma_start3A_600 : memref<1x1x2x128xi32, #tpu.memory_space<hbm>> -> memref<2x128xi32, #tpu.memory_space<hbm>>
        tpu.enqueue_dma source(%dma_start3A_601 : memref<2x128xi32, #tpu.memory_space<hbm>>) target(%dma_start3A_597 : memref<2x128xi32, #tpu.memory_space<vmem>>) target_semaphore(%arg10 : memref<!tpu.dma_semaphore, #tpu.memory_space<semaphore_mem>>)
      } else {
      }
      %mul3A_471 = arith.constant 8 : i32
      %mul3A_472 = arith.muli %mul3A_471, %scan3A_136 : i32
      %add3A_473 = arith.constant 6 : i32
      %add3A_474 = arith.addi %mul3A_472, %add3A_473 : i32
      %add3A_475 = arith.constant 1 : i32
      %add3A_476 = arith.addi %add3A_474, %add3A_475 : i32
      %lt3A_477 = arith.constant 80 : i32
      %lt3A_478 = arith.cmpi slt, %add3A_476, %lt3A_477 : i32
      %convert_element_type3A_479 = arith.extui %lt3A_478 : i1 to i32
      %cond3A_480 = arith.constant 0 : i32
      %cond3A_481 = arith.cmpi ne, %convert_element_type3A_479, %cond3A_480 : i32
      scf.if %cond3A_481 {
        %add3A_583 = arith.constant 1 : i32
        %add3A_584 = arith.addi %add3A_474, %add3A_583 : i32
        %dma_wait3A_585 = arith.constant 7 : i32
        %dma_wait3A_586 = arith.constant 0 : i32
        %dma_wait3A_587 = arith.constant 0 : i32
        %dma_wait3A_588 = tpu.memref_slice %arg6[%dma_wait3A_585, %dma_wait3A_586, %dma_wait3A_587] : memref<8x2x128xi32, #tpu.memory_space<vmem>> -> memref<1x2x128xi32, #tpu.memory_space<vmem>>
        %dma_wait3A_589 = tpu.memref_squeeze %dma_wait3A_588 : memref<1x2x128xi32, #tpu.memory_space<vmem>> -> memref<2x128xi32, #tpu.memory_space<vmem>>
        %dma_wait3A_590 = arith.constant 0 : i32
        %dma_wait3A_591 = arith.constant 0 : i32
        %dma_wait3A_592 = tpu.memref_slice %arg3[%add3A, %add3A_584, %dma_wait3A_590, %dma_wait3A_591] : memref<32x80x2x128xi32, #tpu.memory_space<hbm>> -> memref<1x1x2x128xi32, #tpu.memory_space<hbm>>
        %dma_wait3A_593 = tpu.memref_squeeze %dma_wait3A_592 : memref<1x1x2x128xi32, #tpu.memory_space<hbm>> -> memref<2x128xi32, #tpu.memory_space<hbm>>
        %dma_wait3A_594 = arith.constant 0 : i32
        %dma_wait3A_595 = arith.constant 0 : i32
        %dma_wait3A_596 = tpu.memref_slice %arg6[%dma_wait3A_585, %dma_wait3A_594, %dma_wait3A_595] : memref<8x2x128xi32, #tpu.memory_space<vmem>> -> memref<1x2x128xi32, #tpu.memory_space<vmem>>
        %dma_wait3A_597 = tpu.memref_squeeze %dma_wait3A_596 : memref<1x2x128xi32, #tpu.memory_space<vmem>> -> memref<2x128xi32, #tpu.memory_space<vmem>>
        %dma_wait3A_598 = arith.constant 0 : i32
        %dma_wait3A_599 = arith.constant 0 : i32
        %dma_wait3A_600 = tpu.memref_slice %arg3[%add3A, %add3A_584, %dma_wait3A_598, %dma_wait3A_599] : memref<32x80x2x128xi32, #tpu.memory_space<hbm>> -> memref<1x1x2x128xi32, #tpu.memory_space<hbm>>
        %dma_wait3A_601 = tpu.memref_squeeze %dma_wait3A_600 : memref<1x1x2x128xi32, #tpu.memory_space<hbm>> -> memref<2x128xi32, #tpu.memory_space<hbm>>
        tpu.wait_dma2 semaphore(%arg16 : memref<!tpu.dma_semaphore, #tpu.memory_space<semaphore_mem>>) src(%dma_wait3A_601 : memref<2x128xi32, #tpu.memory_space<hbm>>) dst(%dma_wait3A_597 : memref<2x128xi32, #tpu.memory_space<vmem>>)
      } else {
      }
      %ge3A_482 = arith.constant 1 : i32
      %ge3A_483 = arith.cmpi sge, %add3A_474, %ge3A_482 : i32
      %convert_element_type3A_484 = arith.extui %ge3A_483 : i1 to i32
      %cond3A_485 = arith.constant 0 : i32
      %cond3A_486 = arith.cmpi ne, %convert_element_type3A_484, %cond3A_485 : i32
      scf.if %cond3A_486 {
        %dma_wait3A_583 = arith.constant 1 : i32
        %dma_wait3A_584 = arith.constant 5 : i32
        %dma_wait3A_585 = arith.constant 1 : i32
        %dma_wait3A_586 = arith.constant 0 : i32
        %dma_wait3A_587 = arith.constant 0 : i32
        %dma_wait3A_588 = tpu.memref_slice %arg7[%dma_wait3A_583, %dma_wait3A_586, %dma_wait3A_587] : memref<2x128x128xf32, #tpu.memory_space<vmem>> -> memref<1x128x128xf32, #tpu.memory_space<vmem>>
        %dma_wait3A_589 = tpu.memref_squeeze %dma_wait3A_588 : memref<1x128x128xf32, #tpu.memory_space<vmem>> -> memref<128x128xf32, #tpu.memory_space<vmem>>
        %dma_wait3A_590 = arith.constant 0 : i32
        %dma_wait3A_591 = tpu.memref_slice %arg6[%dma_wait3A_584, %dma_wait3A_585, %dma_wait3A_590] : memref<8x2x128xi32, #tpu.memory_space<vmem>> -> memref<1x1x128xi32, #tpu.memory_space<vmem>>
        %dma_wait3A_592 = tpu.memref_squeeze %dma_wait3A_591 : memref<1x1x128xi32, #tpu.memory_space<vmem>> -> memref<128xi32, #tpu.memory_space<vmem>>
        %dma_wait3A_593 = arith.constant 0 : i32
        %dma_wait3A_594 = arith.constant 0 : i32
        %dma_wait3A_595 = tpu.memref_slice %arg8[%dma_wait3A_593, %dma_wait3A_594] : memref<10512x128xf32, #tpu.memory_space<vmem_shared>> -> memref<10512x128xf32, #tpu.memory_space<vmem_shared>>
        tpu.wait_indirect_dma semaphore(%arg20 : memref<!tpu.dma_semaphore, #tpu.memory_space<semaphore_mem>>) src(%dma_wait3A_589 : memref<128x128xf32, #tpu.memory_space<vmem>>) dst(%dma_wait3A_595 : memref<10512x128xf32, #tpu.memory_space<vmem_shared>>)
      } else {
      }
      %add3A_487 = arith.constant 1 : i32
      %add3A_488 = arith.addi %add3A_474, %add3A_487 : i32
      %lt3A_489 = arith.constant 80 : i32
      %lt3A_490 = arith.cmpi slt, %add3A_488, %lt3A_489 : i32
      %convert_element_type3A_491 = arith.extui %lt3A_490 : i1 to i32
      %cond3A_492 = arith.constant 0 : i32
      %cond3A_493 = arith.cmpi ne, %convert_element_type3A_491, %cond3A_492 : i32
      scf.if %cond3A_493 {
        %dma_start3A_583 = arith.constant 7 : i32
        %dma_start3A_584 = arith.constant 0 : i32
        %dma_start3A_585 = arith.constant 1 : i32
        %dma_start3A_586 = arith.constant 0 : i32
        %dma_start3A_587 = arith.constant 0 : i32
        %dma_start3A_588 = tpu.memref_slice %arg7[%dma_start3A_585, %dma_start3A_586, %dma_start3A_587] : memref<2x128x128xf32, #tpu.memory_space<vmem>> -> memref<1x128x128xf32, #tpu.memory_space<vmem>>
        %dma_start3A_589 = tpu.memref_squeeze %dma_start3A_588 : memref<1x128x128xf32, #tpu.memory_space<vmem>> -> memref<128x128xf32, #tpu.memory_space<vmem>>
        %dma_start3A_590 = arith.constant 0 : i32
        %dma_start3A_591 = tpu.memref_slice %arg6[%dma_start3A_583, %dma_start3A_584, %dma_start3A_590] : memref<8x2x128xi32, #tpu.memory_space<vmem>> -> memref<1x1x128xi32, #tpu.memory_space<vmem>>
        %dma_start3A_592 = tpu.memref_squeeze %dma_start3A_591 : memref<1x1x128xi32, #tpu.memory_space<vmem>> -> memref<128xi32, #tpu.memory_space<vmem>>
        %dma_start3A_593 = arith.constant 0 : i32
        %dma_start3A_594 = arith.constant 0 : i32
        %dma_start3A_595 = tpu.memref_slice %arg2[%dma_start3A_593, %dma_start3A_594] : memref<10000x128xf32, #tpu.memory_space<hbm>> -> memref<10000x128xf32, #tpu.memory_space<hbm>>
        tpu.enqueue_indirect_dma source(%dma_start3A_595 : memref<10000x128xf32, #tpu.memory_space<hbm>>) target(%dma_start3A_589 : memref<128x128xf32, #tpu.memory_space<vmem>>) offsets(%dma_start3A_592 : memref<128xi32, #tpu.memory_space<vmem>>) semaphore(%arg18 : memref<!tpu.dma_semaphore, #tpu.memory_space<semaphore_mem>>)
      } else {
      }
      %dma_wait3A_494 = arith.constant 6 : i32
      %dma_wait3A_495 = arith.constant 0 : i32
      %dma_wait3A_496 = arith.constant 0 : i32
      %dma_wait3A_497 = arith.constant 0 : i32
      %dma_wait3A_498 = arith.constant 0 : i32
      %dma_wait3A_499 = tpu.memref_slice %arg7[%dma_wait3A_496, %dma_wait3A_497, %dma_wait3A_498] : memref<2x128x128xf32, #tpu.memory_space<vmem>> -> memref<1x128x128xf32, #tpu.memory_space<vmem>>
      %dma_wait3A_500 = tpu.memref_squeeze %dma_wait3A_499 : memref<1x128x128xf32, #tpu.memory_space<vmem>> -> memref<128x128xf32, #tpu.memory_space<vmem>>
      %dma_wait3A_501 = arith.constant 0 : i32
      %dma_wait3A_502 = tpu.memref_slice %arg6[%dma_wait3A_494, %dma_wait3A_495, %dma_wait3A_501] : memref<8x2x128xi32, #tpu.memory_space<vmem>> -> memref<1x1x128xi32, #tpu.memory_space<vmem>>
      %dma_wait3A_503 = tpu.memref_squeeze %dma_wait3A_502 : memref<1x1x128xi32, #tpu.memory_space<vmem>> -> memref<128xi32, #tpu.memory_space<vmem>>
      %dma_wait3A_504 = arith.constant 0 : i32
      %dma_wait3A_505 = arith.constant 0 : i32
      %dma_wait3A_506 = tpu.memref_slice %arg2[%dma_wait3A_504, %dma_wait3A_505] : memref<10000x128xf32, #tpu.memory_space<hbm>> -> memref<10000x128xf32, #tpu.memory_space<hbm>>
      tpu.wait_indirect_dma semaphore(%arg17 : memref<!tpu.dma_semaphore, #tpu.memory_space<semaphore_mem>>) src(%dma_wait3A_506 : memref<10000x128xf32, #tpu.memory_space<hbm>>) dst(%dma_wait3A_500 : memref<128x128xf32, #tpu.memory_space<vmem>>)
      %dma_start3A_507 = arith.constant 0 : i32
      %dma_start3A_508 = arith.constant 6 : i32
      %dma_start3A_509 = arith.constant 1 : i32
      %dma_start3A_510 = arith.constant 0 : i32
      %dma_start3A_511 = arith.constant 0 : i32
      %dma_start3A_512 = tpu.memref_slice %arg7[%dma_start3A_507, %dma_start3A_510, %dma_start3A_511] : memref<2x128x128xf32, #tpu.memory_space<vmem>> -> memref<1x128x128xf32, #tpu.memory_space<vmem>>
      %dma_start3A_513 = tpu.memref_squeeze %dma_start3A_512 : memref<1x128x128xf32, #tpu.memory_space<vmem>> -> memref<128x128xf32, #tpu.memory_space<vmem>>
      %dma_start3A_514 = arith.constant 0 : i32
      %dma_start3A_515 = tpu.memref_slice %arg6[%dma_start3A_508, %dma_start3A_509, %dma_start3A_514] : memref<8x2x128xi32, #tpu.memory_space<vmem>> -> memref<1x1x128xi32, #tpu.memory_space<vmem>>
      %dma_start3A_516 = tpu.memref_squeeze %dma_start3A_515 : memref<1x1x128xi32, #tpu.memory_space<vmem>> -> memref<128xi32, #tpu.memory_space<vmem>>
      %dma_start3A_517 = arith.constant 0 : i32
      %dma_start3A_518 = arith.constant 0 : i32
      %dma_start3A_519 = tpu.memref_slice %arg8[%dma_start3A_517, %dma_start3A_518] : memref<10512x128xf32, #tpu.memory_space<vmem_shared>> -> memref<10512x128xf32, #tpu.memory_space<vmem_shared>>
      tpu.enqueue_indirect_dma source(%dma_start3A_513 : memref<128x128xf32, #tpu.memory_space<vmem>>) target(%dma_start3A_519 : memref<10512x128xf32, #tpu.memory_space<vmem_shared>>) offsets(%dma_start3A_516 : memref<128xi32, #tpu.memory_space<vmem>>) semaphore(%arg19 : memref<!tpu.dma_semaphore, #tpu.memory_space<semaphore_mem>>) {add = true}
      %add3A_520 = arith.constant 4 : i32
      %add3A_521 = arith.addi %add3A_474, %add3A_520 : i32
      %lt3A_522 = arith.constant 80 : i32
      %lt3A_523 = arith.cmpi slt, %add3A_521, %lt3A_522 : i32
      %convert_element_type3A_524 = arith.extui %lt3A_523 : i1 to i32
      %cond3A_525 = arith.constant 0 : i32
      %cond3A_526 = arith.cmpi ne, %convert_element_type3A_524, %cond3A_525 : i32
      scf.if %cond3A_526 {
        %add3A_583 = arith.constant 4 : i32
        %add3A_584 = arith.addi %add3A_474, %add3A_583 : i32
        %dma_start3A_585 = arith.constant 2 : i32
        %dma_start3A_586 = arith.constant 0 : i32
        %dma_start3A_587 = arith.constant 0 : i32
        %dma_start3A_588 = tpu.memref_slice %arg6[%dma_start3A_585, %dma_start3A_586, %dma_start3A_587] : memref<8x2x128xi32, #tpu.memory_space<vmem>> -> memref<1x2x128xi32, #tpu.memory_space<vmem>>
        %dma_start3A_589 = tpu.memref_squeeze %dma_start3A_588 : memref<1x2x128xi32, #tpu.memory_space<vmem>> -> memref<2x128xi32, #tpu.memory_space<vmem>>
        %dma_start3A_590 = arith.constant 0 : i32
        %dma_start3A_591 = arith.constant 0 : i32
        %dma_start3A_592 = tpu.memref_slice %arg3[%add3A, %add3A_584, %dma_start3A_590, %dma_start3A_591] : memref<32x80x2x128xi32, #tpu.memory_space<hbm>> -> memref<1x1x2x128xi32, #tpu.memory_space<hbm>>
        %dma_start3A_593 = tpu.memref_squeeze %dma_start3A_592 : memref<1x1x2x128xi32, #tpu.memory_space<hbm>> -> memref<2x128xi32, #tpu.memory_space<hbm>>
        %dma_start3A_594 = arith.constant 0 : i32
        %dma_start3A_595 = arith.constant 0 : i32
        %dma_start3A_596 = tpu.memref_slice %arg6[%dma_start3A_585, %dma_start3A_594, %dma_start3A_595] : memref<8x2x128xi32, #tpu.memory_space<vmem>> -> memref<1x2x128xi32, #tpu.memory_space<vmem>>
        %dma_start3A_597 = tpu.memref_squeeze %dma_start3A_596 : memref<1x2x128xi32, #tpu.memory_space<vmem>> -> memref<2x128xi32, #tpu.memory_space<vmem>>
        %dma_start3A_598 = arith.constant 0 : i32
        %dma_start3A_599 = arith.constant 0 : i32
        %dma_start3A_600 = tpu.memref_slice %arg3[%add3A, %add3A_584, %dma_start3A_598, %dma_start3A_599] : memref<32x80x2x128xi32, #tpu.memory_space<hbm>> -> memref<1x1x2x128xi32, #tpu.memory_space<hbm>>
        %dma_start3A_601 = tpu.memref_squeeze %dma_start3A_600 : memref<1x1x2x128xi32, #tpu.memory_space<hbm>> -> memref<2x128xi32, #tpu.memory_space<hbm>>
        tpu.enqueue_dma source(%dma_start3A_601 : memref<2x128xi32, #tpu.memory_space<hbm>>) target(%dma_start3A_597 : memref<2x128xi32, #tpu.memory_space<vmem>>) target_semaphore(%arg11 : memref<!tpu.dma_semaphore, #tpu.memory_space<semaphore_mem>>)
      } else {
      }
      %mul3A_527 = arith.constant 8 : i32
      %mul3A_528 = arith.muli %mul3A_527, %scan3A_136 : i32
      %add3A_529 = arith.constant 7 : i32
      %add3A_530 = arith.addi %mul3A_528, %add3A_529 : i32
      %add3A_531 = arith.constant 1 : i32
      %add3A_532 = arith.addi %add3A_530, %add3A_531 : i32
      %lt3A_533 = arith.constant 80 : i32
      %lt3A_534 = arith.cmpi slt, %add3A_532, %lt3A_533 : i32
      %convert_element_type3A_535 = arith.extui %lt3A_534 : i1 to i32
      %cond3A_536 = arith.constant 0 : i32
      %cond3A_537 = arith.cmpi ne, %convert_element_type3A_535, %cond3A_536 : i32
      scf.if %cond3A_537 {
        %add3A_583 = arith.constant 1 : i32
        %add3A_584 = arith.addi %add3A_530, %add3A_583 : i32
        %dma_wait3A_585 = arith.constant 0 : i32
        %dma_wait3A_586 = arith.constant 0 : i32
        %dma_wait3A_587 = arith.constant 0 : i32
        %dma_wait3A_588 = tpu.memref_slice %arg6[%dma_wait3A_585, %dma_wait3A_586, %dma_wait3A_587] : memref<8x2x128xi32, #tpu.memory_space<vmem>> -> memref<1x2x128xi32, #tpu.memory_space<vmem>>
        %dma_wait3A_589 = tpu.memref_squeeze %dma_wait3A_588 : memref<1x2x128xi32, #tpu.memory_space<vmem>> -> memref<2x128xi32, #tpu.memory_space<vmem>>
        %dma_wait3A_590 = arith.constant 0 : i32
        %dma_wait3A_591 = arith.constant 0 : i32
        %dma_wait3A_592 = tpu.memref_slice %arg3[%add3A, %add3A_584, %dma_wait3A_590, %dma_wait3A_591] : memref<32x80x2x128xi32, #tpu.memory_space<hbm>> -> memref<1x1x2x128xi32, #tpu.memory_space<hbm>>
        %dma_wait3A_593 = tpu.memref_squeeze %dma_wait3A_592 : memref<1x1x2x128xi32, #tpu.memory_space<hbm>> -> memref<2x128xi32, #tpu.memory_space<hbm>>
        %dma_wait3A_594 = arith.constant 0 : i32
        %dma_wait3A_595 = arith.constant 0 : i32
        %dma_wait3A_596 = tpu.memref_slice %arg6[%dma_wait3A_585, %dma_wait3A_594, %dma_wait3A_595] : memref<8x2x128xi32, #tpu.memory_space<vmem>> -> memref<1x2x128xi32, #tpu.memory_space<vmem>>
        %dma_wait3A_597 = tpu.memref_squeeze %dma_wait3A_596 : memref<1x2x128xi32, #tpu.memory_space<vmem>> -> memref<2x128xi32, #tpu.memory_space<vmem>>
        %dma_wait3A_598 = arith.constant 0 : i32
        %dma_wait3A_599 = arith.constant 0 : i32
        %dma_wait3A_600 = tpu.memref_slice %arg3[%add3A, %add3A_584, %dma_wait3A_598, %dma_wait3A_599] : memref<32x80x2x128xi32, #tpu.memory_space<hbm>> -> memref<1x1x2x128xi32, #tpu.memory_space<hbm>>
        %dma_wait3A_601 = tpu.memref_squeeze %dma_wait3A_600 : memref<1x1x2x128xi32, #tpu.memory_space<hbm>> -> memref<2x128xi32, #tpu.memory_space<hbm>>
        tpu.wait_dma2 semaphore(%arg9 : memref<!tpu.dma_semaphore, #tpu.memory_space<semaphore_mem>>) src(%dma_wait3A_601 : memref<2x128xi32, #tpu.memory_space<hbm>>) dst(%dma_wait3A_597 : memref<2x128xi32, #tpu.memory_space<vmem>>)
      } else {
      }
      %ge3A_538 = arith.constant 1 : i32
      %ge3A_539 = arith.cmpi sge, %add3A_530, %ge3A_538 : i32
      %convert_element_type3A_540 = arith.extui %ge3A_539 : i1 to i32
      %cond3A_541 = arith.constant 0 : i32
      %cond3A_542 = arith.cmpi ne, %convert_element_type3A_540, %cond3A_541 : i32
      scf.if %cond3A_542 {
        %dma_wait3A_583 = arith.constant 0 : i32
        %dma_wait3A_584 = arith.constant 6 : i32
        %dma_wait3A_585 = arith.constant 1 : i32
        %dma_wait3A_586 = arith.constant 0 : i32
        %dma_wait3A_587 = arith.constant 0 : i32
        %dma_wait3A_588 = tpu.memref_slice %arg7[%dma_wait3A_583, %dma_wait3A_586, %dma_wait3A_587] : memref<2x128x128xf32, #tpu.memory_space<vmem>> -> memref<1x128x128xf32, #tpu.memory_space<vmem>>
        %dma_wait3A_589 = tpu.memref_squeeze %dma_wait3A_588 : memref<1x128x128xf32, #tpu.memory_space<vmem>> -> memref<128x128xf32, #tpu.memory_space<vmem>>
        %dma_wait3A_590 = arith.constant 0 : i32
        %dma_wait3A_591 = tpu.memref_slice %arg6[%dma_wait3A_584, %dma_wait3A_585, %dma_wait3A_590] : memref<8x2x128xi32, #tpu.memory_space<vmem>> -> memref<1x1x128xi32, #tpu.memory_space<vmem>>
        %dma_wait3A_592 = tpu.memref_squeeze %dma_wait3A_591 : memref<1x1x128xi32, #tpu.memory_space<vmem>> -> memref<128xi32, #tpu.memory_space<vmem>>
        %dma_wait3A_593 = arith.constant 0 : i32
        %dma_wait3A_594 = arith.constant 0 : i32
        %dma_wait3A_595 = tpu.memref_slice %arg8[%dma_wait3A_593, %dma_wait3A_594] : memref<10512x128xf32, #tpu.memory_space<vmem_shared>> -> memref<10512x128xf32, #tpu.memory_space<vmem_shared>>
        tpu.wait_indirect_dma semaphore(%arg19 : memref<!tpu.dma_semaphore, #tpu.memory_space<semaphore_mem>>) src(%dma_wait3A_589 : memref<128x128xf32, #tpu.memory_space<vmem>>) dst(%dma_wait3A_595 : memref<10512x128xf32, #tpu.memory_space<vmem_shared>>)
      } else {
      }
      %add3A_543 = arith.constant 1 : i32
      %add3A_544 = arith.addi %add3A_530, %add3A_543 : i32
      %lt3A_545 = arith.constant 80 : i32
      %lt3A_546 = arith.cmpi slt, %add3A_544, %lt3A_545 : i32
      %convert_element_type3A_547 = arith.extui %lt3A_546 : i1 to i32
      %cond3A_548 = arith.constant 0 : i32
      %cond3A_549 = arith.cmpi ne, %convert_element_type3A_547, %cond3A_548 : i32
      scf.if %cond3A_549 {
        %dma_start3A_583 = arith.constant 0 : i32
        %dma_start3A_584 = arith.constant 0 : i32
        %dma_start3A_585 = arith.constant 0 : i32
        %dma_start3A_586 = arith.constant 0 : i32
        %dma_start3A_587 = arith.constant 0 : i32
        %dma_start3A_588 = tpu.memref_slice %arg7[%dma_start3A_585, %dma_start3A_586, %dma_start3A_587] : memref<2x128x128xf32, #tpu.memory_space<vmem>> -> memref<1x128x128xf32, #tpu.memory_space<vmem>>
        %dma_start3A_589 = tpu.memref_squeeze %dma_start3A_588 : memref<1x128x128xf32, #tpu.memory_space<vmem>> -> memref<128x128xf32, #tpu.memory_space<vmem>>
        %dma_start3A_590 = arith.constant 0 : i32
        %dma_start3A_591 = tpu.memref_slice %arg6[%dma_start3A_583, %dma_start3A_584, %dma_start3A_590] : memref<8x2x128xi32, #tpu.memory_space<vmem>> -> memref<1x1x128xi32, #tpu.memory_space<vmem>>
        %dma_start3A_592 = tpu.memref_squeeze %dma_start3A_591 : memref<1x1x128xi32, #tpu.memory_space<vmem>> -> memref<128xi32, #tpu.memory_space<vmem>>
        %dma_start3A_593 = arith.constant 0 : i32
        %dma_start3A_594 = arith.constant 0 : i32
        %dma_start3A_595 = tpu.memref_slice %arg2[%dma_start3A_593, %dma_start3A_594] : memref<10000x128xf32, #tpu.memory_space<hbm>> -> memref<10000x128xf32, #tpu.memory_space<hbm>>
        tpu.enqueue_indirect_dma source(%dma_start3A_595 : memref<10000x128xf32, #tpu.memory_space<hbm>>) target(%dma_start3A_589 : memref<128x128xf32, #tpu.memory_space<vmem>>) offsets(%dma_start3A_592 : memref<128xi32, #tpu.memory_space<vmem>>) semaphore(%arg17 : memref<!tpu.dma_semaphore, #tpu.memory_space<semaphore_mem>>)
      } else {
      }
      %dma_wait3A_550 = arith.constant 7 : i32
      %dma_wait3A_551 = arith.constant 0 : i32
      %dma_wait3A_552 = arith.constant 1 : i32
      %dma_wait3A_553 = arith.constant 0 : i32
      %dma_wait3A_554 = arith.constant 0 : i32
      %dma_wait3A_555 = tpu.memref_slice %arg7[%dma_wait3A_552, %dma_wait3A_553, %dma_wait3A_554] : memref<2x128x128xf32, #tpu.memory_space<vmem>> -> memref<1x128x128xf32, #tpu.memory_space<vmem>>
      %dma_wait3A_556 = tpu.memref_squeeze %dma_wait3A_555 : memref<1x128x128xf32, #tpu.memory_space<vmem>> -> memref<128x128xf32, #tpu.memory_space<vmem>>
      %dma_wait3A_557 = arith.constant 0 : i32
      %dma_wait3A_558 = tpu.memref_slice %arg6[%dma_wait3A_550, %dma_wait3A_551, %dma_wait3A_557] : memref<8x2x128xi32, #tpu.memory_space<vmem>> -> memref<1x1x128xi32, #tpu.memory_space<vmem>>
      %dma_wait3A_559 = tpu.memref_squeeze %dma_wait3A_558 : memref<1x1x128xi32, #tpu.memory_space<vmem>> -> memref<128xi32, #tpu.memory_space<vmem>>
      %dma_wait3A_560 = arith.constant 0 : i32
      %dma_wait3A_561 = arith.constant 0 : i32
      %dma_wait3A_562 = tpu.memref_slice %arg2[%dma_wait3A_560, %dma_wait3A_561] : memref<10000x128xf32, #tpu.memory_space<hbm>> -> memref<10000x128xf32, #tpu.memory_space<hbm>>
      tpu.wait_indirect_dma semaphore(%arg18 : memref<!tpu.dma_semaphore, #tpu.memory_space<semaphore_mem>>) src(%dma_wait3A_562 : memref<10000x128xf32, #tpu.memory_space<hbm>>) dst(%dma_wait3A_556 : memref<128x128xf32, #tpu.memory_space<vmem>>)
      %dma_start3A_563 = arith.constant 1 : i32
      %dma_start3A_564 = arith.constant 7 : i32
      %dma_start3A_565 = arith.constant 1 : i32
      %dma_start3A_566 = arith.constant 0 : i32
      %dma_start3A_567 = arith.constant 0 : i32
      %dma_start3A_568 = tpu.memref_slice %arg7[%dma_start3A_563, %dma_start3A_566, %dma_start3A_567] : memref<2x128x128xf32, #tpu.memory_space<vmem>> -> memref<1x128x128xf32, #tpu.memory_space<vmem>>
      %dma_start3A_569 = tpu.memref_squeeze %dma_start3A_568 : memref<1x128x128xf32, #tpu.memory_space<vmem>> -> memref<128x128xf32, #tpu.memory_space<vmem>>
      %dma_start3A_570 = arith.constant 0 : i32
      %dma_start3A_571 = tpu.memref_slice %arg6[%dma_start3A_564, %dma_start3A_565, %dma_start3A_570] : memref<8x2x128xi32, #tpu.memory_space<vmem>> -> memref<1x1x128xi32, #tpu.memory_space<vmem>>
      %dma_start3A_572 = tpu.memref_squeeze %dma_start3A_571 : memref<1x1x128xi32, #tpu.memory_space<vmem>> -> memref<128xi32, #tpu.memory_space<vmem>>
      %dma_start3A_573 = arith.constant 0 : i32
      %dma_start3A_574 = arith.constant 0 : i32
      %dma_start3A_575 = tpu.memref_slice %arg8[%dma_start3A_573, %dma_start3A_574] : memref<10512x128xf32, #tpu.memory_space<vmem_shared>> -> memref<10512x128xf32, #tpu.memory_space<vmem_shared>>
      tpu.enqueue_indirect_dma source(%dma_start3A_569 : memref<128x128xf32, #tpu.memory_space<vmem>>) target(%dma_start3A_575 : memref<10512x128xf32, #tpu.memory_space<vmem_shared>>) offsets(%dma_start3A_572 : memref<128xi32, #tpu.memory_space<vmem>>) semaphore(%arg20 : memref<!tpu.dma_semaphore, #tpu.memory_space<semaphore_mem>>) {add = true}
      %add3A_576 = arith.constant 4 : i32
      %add3A_577 = arith.addi %add3A_530, %add3A_576 : i32
      %lt3A_578 = arith.constant 80 : i32
      %lt3A_579 = arith.cmpi slt, %add3A_577, %lt3A_578 : i32
      %convert_element_type3A_580 = arith.extui %lt3A_579 : i1 to i32
      %cond3A_581 = arith.constant 0 : i32
      %cond3A_582 = arith.cmpi ne, %convert_element_type3A_580, %cond3A_581 : i32
      scf.if %cond3A_582 {
        %add3A_583 = arith.constant 4 : i32
        %add3A_584 = arith.addi %add3A_530, %add3A_583 : i32
        %dma_start3A_585 = arith.constant 3 : i32
        %dma_start3A_586 = arith.constant 0 : i32
        %dma_start3A_587 = arith.constant 0 : i32
        %dma_start3A_588 = tpu.memref_slice %arg6[%dma_start3A_585, %dma_start3A_586, %dma_start3A_587] : memref<8x2x128xi32, #tpu.memory_space<vmem>> -> memref<1x2x128xi32, #tpu.memory_space<vmem>>
        %dma_start3A_589 = tpu.memref_squeeze %dma_start3A_588 : memref<1x2x128xi32, #tpu.memory_space<vmem>> -> memref<2x128xi32, #tpu.memory_space<vmem>>
        %dma_start3A_590 = arith.constant 0 : i32
        %dma_start3A_591 = arith.constant 0 : i32
        %dma_start3A_592 = tpu.memref_slice %arg3[%add3A, %add3A_584, %dma_start3A_590, %dma_start3A_591] : memref<32x80x2x128xi32, #tpu.memory_space<hbm>> -> memref<1x1x2x128xi32, #tpu.memory_space<hbm>>
        %dma_start3A_593 = tpu.memref_squeeze %dma_start3A_592 : memref<1x1x2x128xi32, #tpu.memory_space<hbm>> -> memref<2x128xi32, #tpu.memory_space<hbm>>
        %dma_start3A_594 = arith.constant 0 : i32
        %dma_start3A_595 = arith.constant 0 : i32
        %dma_start3A_596 = tpu.memref_slice %arg6[%dma_start3A_585, %dma_start3A_594, %dma_start3A_595] : memref<8x2x128xi32, #tpu.memory_space<vmem>> -> memref<1x2x128xi32, #tpu.memory_space<vmem>>
        %dma_start3A_597 = tpu.memref_squeeze %dma_start3A_596 : memref<1x2x128xi32, #tpu.memory_space<vmem>> -> memref<2x128xi32, #tpu.memory_space<vmem>>
        %dma_start3A_598 = arith.constant 0 : i32
        %dma_start3A_599 = arith.constant 0 : i32
        %dma_start3A_600 = tpu.memref_slice %arg3[%add3A, %add3A_584, %dma_start3A_598, %dma_start3A_599] : memref<32x80x2x128xi32, #tpu.memory_space<hbm>> -> memref<1x1x2x128xi32, #tpu.memory_space<hbm>>
        %dma_start3A_601 = tpu.memref_squeeze %dma_start3A_600 : memref<1x1x2x128xi32, #tpu.memory_space<hbm>> -> memref<2x128xi32, #tpu.memory_space<hbm>>
        tpu.enqueue_dma source(%dma_start3A_601 : memref<2x128xi32, #tpu.memory_space<hbm>>) target(%dma_start3A_597 : memref<2x128xi32, #tpu.memory_space<vmem>>) target_semaphore(%arg12 : memref<!tpu.dma_semaphore, #tpu.memory_space<semaphore_mem>>)
      } else {
      }
    }
    %scan3A_112 = arith.constant 10 : i32
    %dma_wait3A_113 = arith.constant 1 : i32
    %dma_wait3A_114 = arith.constant 7 : i32
    %dma_wait3A_115 = arith.constant 1 : i32
    %dma_wait3A_116 = arith.constant 0 : i32
    %dma_wait3A_117 = arith.constant 0 : i32
    %dma_wait3A_118 = tpu.memref_slice %arg7[%dma_wait3A_113, %dma_wait3A_116, %dma_wait3A_117] : memref<2x128x128xf32, #tpu.memory_space<vmem>> -> memref<1x128x128xf32, #tpu.memory_space<vmem>>
    %dma_wait3A_119 = tpu.memref_squeeze %dma_wait3A_118 : memref<1x128x128xf32, #tpu.memory_space<vmem>> -> memref<128x128xf32, #tpu.memory_space<vmem>>
    %dma_wait3A_120 = arith.constant 0 : i32
    %dma_wait3A_121 = tpu.memref_slice %arg6[%dma_wait3A_114, %dma_wait3A_115, %dma_wait3A_120] : memref<8x2x128xi32, #tpu.memory_space<vmem>> -> memref<1x1x128xi32, #tpu.memory_space<vmem>>
    %dma_wait3A_122 = tpu.memref_squeeze %dma_wait3A_121 : memref<1x1x128xi32, #tpu.memory_space<vmem>> -> memref<128xi32, #tpu.memory_space<vmem>>
    %dma_wait3A_123 = arith.constant 0 : i32
    %dma_wait3A_124 = arith.constant 0 : i32
    %dma_wait3A_125 = tpu.memref_slice %arg8[%dma_wait3A_123, %dma_wait3A_124] : memref<10512x128xf32, #tpu.memory_space<vmem_shared>> -> memref<10512x128xf32, #tpu.memory_space<vmem_shared>>
    tpu.wait_indirect_dma semaphore(%arg20 : memref<!tpu.dma_semaphore, #tpu.memory_space<semaphore_mem>>) src(%dma_wait3A_119 : memref<128x128xf32, #tpu.memory_space<vmem>>) dst(%dma_wait3A_125 : memref<10512x128xf32, #tpu.memory_space<vmem_shared>>)
    %barrier3A_126 = arith.constant 0 : index
    tpu.barrier barrier_id(%barrier3A_126)
    %mul3A_127 = arith.constant 624 : i32
    %mul3A_128 = arith.muli %arg1, %mul3A_127 : i32
    %mul3A_129 = arith.constant 624 : i32
    %mul3A_130 = arith.muli %arg1, %mul3A_129 : i32
    "tpu.region"() ({
      %run_scoped3A = tpu.sem_alloc : memref<!tpu.dma_semaphore, #tpu.memory_space<semaphore_mem>>
      %dma_start3A_136 = arith.constant 0 : i32
      %dma_start3A_137 = tpu.memref_slice %arg5[%arg0, %mul3A_130, %dma_start3A_136] : memref<2x10000x128xf32, #tpu.memory_space<hbm>> -> memref<1x624x128xf32, #tpu.memory_space<hbm>>
      %dma_start3A_138 = tpu.memref_squeeze %dma_start3A_137 : memref<1x624x128xf32, #tpu.memory_space<hbm>> -> memref<624x128xf32, #tpu.memory_space<hbm>>
      %dma_start3A_139 = arith.constant 0 : i32
      %dma_start3A_140 = tpu.memref_slice %arg8[%mul3A_128, %dma_start3A_139] : memref<10512x128xf32, #tpu.memory_space<vmem_shared>> -> memref<624x128xf32, #tpu.memory_space<vmem_shared>>
      tpu.enqueue_dma source(%dma_start3A_140 : memref<624x128xf32, #tpu.memory_space<vmem_shared>>) target(%dma_start3A_138 : memref<624x128xf32, #tpu.memory_space<hbm>>) target_semaphore(%run_scoped3A : memref<!tpu.dma_semaphore, #tpu.memory_space<semaphore_mem>>)
      %dma_wait3A_141 = arith.constant 0 : i32
      %dma_wait3A_142 = tpu.memref_slice %arg5[%arg0, %mul3A_130, %dma_wait3A_141] : memref<2x10000x128xf32, #tpu.memory_space<hbm>> -> memref<1x624x128xf32, #tpu.memory_space<hbm>>
      %dma_wait3A_143 = tpu.memref_squeeze %dma_wait3A_142 : memref<1x624x128xf32, #tpu.memory_space<hbm>> -> memref<624x128xf32, #tpu.memory_space<hbm>>
      %dma_wait3A_144 = arith.constant 0 : i32
      %dma_wait3A_145 = tpu.memref_slice %arg8[%mul3A_128, %dma_wait3A_144] : memref<10512x128xf32, #tpu.memory_space<vmem_shared>> -> memref<624x128xf32, #tpu.memory_space<vmem_shared>>
      tpu.wait_dma2 semaphore(%run_scoped3A : memref<!tpu.dma_semaphore, #tpu.memory_space<semaphore_mem>>) src(%dma_wait3A_145 : memref<624x128xf32, #tpu.memory_space<vmem_shared>>) dst(%dma_wait3A_143 : memref<624x128xf32, #tpu.memory_space<hbm>>)
      tpu.yield
    }) : () -> ()
    %eq3A_131 = arith.constant 0 : i32
    %eq3A_132 = arith.cmpi eq, %arg1, %eq3A_131 : i32
    %convert_element_type3A_133 = arith.extui %eq3A_132 : i1 to i32
    %cond3A_134 = arith.constant 0 : i32
    %cond3A_135 = arith.cmpi ne, %convert_element_type3A_133, %cond3A_134 : i32
    scf.if %cond3A_135 {
      "tpu.region"() ({
        %run_scoped3A = tpu.sem_alloc : memref<!tpu.dma_semaphore, #tpu.memory_space<semaphore_mem>>
        %dma_start3A_136 = arith.constant 9984 : i32
        %dma_start3A_137 = arith.constant 0 : i32
        %dma_start3A_138 = tpu.memref_slice %arg5[%arg0, %dma_start3A_136, %dma_start3A_137] : memref<2x10000x128xf32, #tpu.memory_space<hbm>> -> memref<1x16x128xf32, #tpu.memory_space<hbm>>
        %dma_start3A_139 = tpu.memref_squeeze %dma_start3A_138 : memref<1x16x128xf32, #tpu.memory_space<hbm>> -> memref<16x128xf32, #tpu.memory_space<hbm>>
        %dma_start3A_140 = arith.constant 9984 : i32
        %dma_start3A_141 = arith.constant 0 : i32
        %dma_start3A_142 = tpu.memref_slice %arg8[%dma_start3A_140, %dma_start3A_141] : memref<10512x128xf32, #tpu.memory_space<vmem_shared>> -> memref<16x128xf32, #tpu.memory_space<vmem_shared>>
        tpu.enqueue_dma source(%dma_start3A_142 : memref<16x128xf32, #tpu.memory_space<vmem_shared>>) target(%dma_start3A_139 : memref<16x128xf32, #tpu.memory_space<hbm>>) target_semaphore(%run_scoped3A : memref<!tpu.dma_semaphore, #tpu.memory_space<semaphore_mem>>)
        %dma_wait3A_143 = arith.constant 9984 : i32
        %dma_wait3A_144 = arith.constant 0 : i32
        %dma_wait3A_145 = tpu.memref_slice %arg5[%arg0, %dma_wait3A_143, %dma_wait3A_144] : memref<2x10000x128xf32, #tpu.memory_space<hbm>> -> memref<1x16x128xf32, #tpu.memory_space<hbm>>
        %dma_wait3A_146 = tpu.memref_squeeze %dma_wait3A_145 : memref<1x16x128xf32, #tpu.memory_space<hbm>> -> memref<16x128xf32, #tpu.memory_space<hbm>>
        %dma_wait3A_147 = arith.constant 9984 : i32
        %dma_wait3A_148 = arith.constant 0 : i32
        %dma_wait3A_149 = tpu.memref_slice %arg8[%dma_wait3A_147, %dma_wait3A_148] : memref<10512x128xf32, #tpu.memory_space<vmem_shared>> -> memref<16x128xf32, #tpu.memory_space<vmem_shared>>
        tpu.wait_dma2 semaphore(%run_scoped3A : memref<!tpu.dma_semaphore, #tpu.memory_space<semaphore_mem>>) src(%dma_wait3A_149 : memref<16x128xf32, #tpu.memory_space<vmem_shared>>) dst(%dma_wait3A_146 : memref<16x128xf32, #tpu.memory_space<hbm>>)
        tpu.yield
      }) : () -> ()
    } else {
    }
    return
  }
}

#map = affine_map<(d0, d1) -> (0, 0)>
#map1 = affine_map<(d0, d1) -> (0, 0, 0, 0)>
#map2 = affine_map<(d0, d1) -> (0, 0, 0)>
module attributes {stable_mosaic.version = 14 : i64} {
  func.func @body(%arg0: i32, %arg1: i32, %arg2: memref<10000x128xf32, #tpu.memory_space<hbm>>, %arg3: memref<32x80x2x128xi32, #tpu.memory_space<hbm>>, %arg4: memref<10512x128xf32, #tpu.memory_space<hbm>>, %arg5: memref<2x10000x128xf32, #tpu.memory_space<hbm>>, %arg6: memref<8x2x128xi32, #tpu.memory_space<vmem>>, %arg7: memref<2x128x128xf32, #tpu.memory_space<vmem>>, %arg8: memref<10512x128xf32, #tpu.memory_space<vmem_shared>>, %arg9: memref<!tpu.dma_semaphore, #tpu.memory_space<semaphore_mem>>, %arg10: memref<!tpu.dma_semaphore, #tpu.memory_space<semaphore_mem>>, %arg11: memref<!tpu.dma_semaphore, #tpu.memory_space<semaphore_mem>>, %arg12: memref<!tpu.dma_semaphore, #tpu.memory_space<semaphore_mem>>, %arg13: memref<!tpu.dma_semaphore, #tpu.memory_space<semaphore_mem>>, %arg14: memref<!tpu.dma_semaphore, #tpu.memory_space<semaphore_mem>>, %arg15: memref<!tpu.dma_semaphore, #tpu.memory_space<semaphore_mem>>, %arg16: memref<!tpu.dma_semaphore, #tpu.memory_space<semaphore_mem>>, %arg17: memref<!tpu.dma_semaphore, #tpu.memory_space<semaphore_mem>>, %arg18: memref<!tpu.dma_semaphore, #tpu.memory_space<semaphore_mem>>, %arg19: memref<!tpu.dma_semaphore, #tpu.memory_space<semaphore_mem>>, %arg20: memref<!tpu.dma_semaphore, #tpu.memory_space<semaphore_mem>>) attributes {dimension_semantics = [#tpu.dimension_semantics<core_parallel>, #tpu.dimension_semantics<subcore_parallel>], iteration_bounds = array<i64: 2, 16>, scalar_prefetch = 0 : i64, scratch_operands = 15 : i64, tpu.core_type = #tpu.core_type<sc_vector_subcore>, window_params = [{transform_indices = #map}, {transform_indices = #map1}, {transform_indices = #map}, {transform_indices = #map2}]} {
    %mul3A = arith.constant 2 : i32
    %mul3A_0 = arith.muli %arg1, %mul3A : i32
    %add3A = arith.addi %mul3A_0, %arg0 : i32
    %dma_start3A = arith.constant 0 : i32
    %dma_start3A_1 = arith.constant 0 : i32
    %dma_start3A_2 = arith.constant 0 : i32
    %dma_start3A_3 = arith.constant 0 : i32
    %dma_start3A_4 = tpu.memref_slice %arg6[%dma_start3A_1, %dma_start3A_2, %dma_start3A_3] : memref<8x2x128xi32, #tpu.memory_space<vmem>> -> memref<1x2x128xi32, #tpu.memory_space<vmem>>
    %dma_start3A_5 = tpu.memref_squeeze %dma_start3A_4 : memref<1x2x128xi32, #tpu.memory_space<vmem>> -> memref<2x128xi32, #tpu.memory_space<vmem>>
    %dma_start3A_6 = arith.constant 0 : i32
    %dma_start3A_7 = arith.constant 0 : i32
    %dma_start3A_8 = tpu.memref_slice %arg3[%add3A, %dma_start3A, %dma_start3A_6, %dma_start3A_7] : memref<32x80x2x128xi32, #tpu.memory_space<hbm>> -> memref<1x1x2x128xi32, #tpu.memory_space<hbm>>
    %dma_start3A_9 = tpu.memref_squeeze %dma_start3A_8 : memref<1x1x2x128xi32, #tpu.memory_space<hbm>> -> memref<2x128xi32, #tpu.memory_space<hbm>>
    %dma_start3A_10 = arith.constant 0 : i32
    %dma_start3A_11 = arith.constant 0 : i32
    %dma_start3A_12 = tpu.memref_slice %arg6[%dma_start3A_1, %dma_start3A_10, %dma_start3A_11] : memref<8x2x128xi32, #tpu.memory_space<vmem>> -> memref<1x2x128xi32, #tpu.memory_space<vmem>>
    %dma_start3A_13 = tpu.memref_squeeze %dma_start3A_12 : memref<1x2x128xi32, #tpu.memory_space<vmem>> -> memref<2x128xi32, #tpu.memory_space<vmem>>
    %dma_start3A_14 = arith.constant 0 : i32
    %dma_start3A_15 = arith.constant 0 : i32
    %dma_start3A_16 = tpu.memref_slice %arg3[%add3A, %dma_start3A, %dma_start3A_14, %dma_start3A_15] : memref<32x80x2x128xi32, #tpu.memory_space<hbm>> -> memref<1x1x2x128xi32, #tpu.memory_space<hbm>>
    %dma_start3A_17 = tpu.memref_squeeze %dma_start3A_16 : memref<1x1x2x128xi32, #tpu.memory_space<hbm>> -> memref<2x128xi32, #tpu.memory_space<hbm>>
    tpu.enqueue_dma source(%dma_start3A_17 : memref<2x128xi32, #tpu.memory_space<hbm>>) target(%dma_start3A_13 : memref<2x128xi32, #tpu.memory_space<vmem>>) target_semaphore(%arg9 : memref<!tpu.dma_semaphore, #tpu.memory_space<semaphore_mem>>)
    %dma_start3A_18 = arith.constant 1 : i32
    %dma_start3A_19 = arith.constant 1 : i32
    %dma_start3A_20 = arith.constant 0 : i32
    %dma_start3A_21 = arith.constant 0 : i32
    %dma_start3A_22 = tpu.memref_slice %arg6[%dma_start3A_19, %dma_start3A_20, %dma_start3A_21] : memref<8x2x128xi32, #tpu.memory_space<vmem>> -> memref<1x2x128xi32, #tpu.memory_space<vmem>>
    %dma_start3A_23 = tpu.memref_squeeze %dma_start3A_22 : memref<1x2x128xi32, #tpu.memory_space<vmem>> -> memref<2x128xi32, #tpu.memory_space<vmem>>
    %dma_start3A_24 = arith.constant 0 : i32
    %dma_start3A_25 = arith.constant 0 : i32
    %dma_start3A_26 = tpu.memref_slice %arg3[%add3A, %dma_start3A_18, %dma_start3A_24, %dma_start3A_25] : memref<32x80x2x128xi32, #tpu.memory_space<hbm>> -> memref<1x1x2x128xi32, #tpu.memory_space<hbm>>
    %dma_start3A_27 = tpu.memref_squeeze %dma_start3A_26 : memref<1x1x2x128xi32, #tpu.memory_space<hbm>> -> memref<2x128xi32, #tpu.memory_space<hbm>>
    %dma_start3A_28 = arith.constant 0 : i32
    %dma_start3A_29 = arith.constant 0 : i32
    %dma_start3A_30 = tpu.memref_slice %arg6[%dma_start3A_19, %dma_start3A_28, %dma_start3A_29] : memref<8x2x128xi32, #tpu.memory_space<vmem>> -> memref<1x2x128xi32, #tpu.memory_space<vmem>>
    %dma_start3A_31 = tpu.memref_squeeze %dma_start3A_30 : memref<1x2x128xi32, #tpu.memory_space<vmem>> -> memref<2x128xi32, #tpu.memory_space<vmem>>
    %dma_start3A_32 = arith.constant 0 : i32
    %dma_start3A_33 = arith.constant 0 : i32
    %dma_start3A_34 = tpu.memref_slice %arg3[%add3A, %dma_start3A_18, %dma_start3A_32, %dma_start3A_33] : memref<32x80x2x128xi32, #tpu.memory_space<hbm>> -> memref<1x1x2x128xi32, #tpu.memory_space<hbm>>
    %dma_start3A_35 = tpu.memref_squeeze %dma_start3A_34 : memref<1x1x2x128xi32, #tpu.memory_space<hbm>> -> memref<2x128xi32, #tpu.memory_space<hbm>>
    tpu.enqueue_dma source(%dma_start3A_35 : memref<2x128xi32, #tpu.memory_space<hbm>>) target(%dma_start3A_31 : memref<2x128xi32, #tpu.memory_space<vmem>>) target_semaphore(%arg10 : memref<!tpu.dma_semaphore, #tpu.memory_space<semaphore_mem>>)
    %dma_start3A_36 = arith.constant 2 : i32
    %dma_start3A_37 = arith.constant 2 : i32
    %dma_start3A_38 = arith.constant 0 : i32
    %dma_start3A_39 = arith.constant 0 : i32
    %dma_start3A_40 = tpu.memref_slice %arg6[%dma_start3A_37, %dma_start3A_38, %dma_start3A_39] : memref<8x2x128xi32, #tpu.memory_space<vmem>> -> memref<1x2x128xi32, #tpu.memory_space<vmem>>
    %dma_start3A_41 = tpu.memref_squeeze %dma_start3A_40 : memref<1x2x128xi32, #tpu.memory_space<vmem>> -> memref<2x128xi32, #tpu.memory_space<vmem>>
    %dma_start3A_42 = arith.constant 0 : i32
    %dma_start3A_43 = arith.constant 0 : i32
    %dma_start3A_44 = tpu.memref_slice %arg3[%add3A, %dma_start3A_36, %dma_start3A_42, %dma_start3A_43] : memref<32x80x2x128xi32, #tpu.memory_space<hbm>> -> memref<1x1x2x128xi32, #tpu.memory_space<hbm>>
    %dma_start3A_45 = tpu.memref_squeeze %dma_start3A_44 : memref<1x1x2x128xi32, #tpu.memory_space<hbm>> -> memref<2x128xi32, #tpu.memory_space<hbm>>
    %dma_start3A_46 = arith.constant 0 : i32
    %dma_start3A_47 = arith.constant 0 : i32
    %dma_start3A_48 = tpu.memref_slice %arg6[%dma_start3A_37, %dma_start3A_46, %dma_start3A_47] : memref<8x2x128xi32, #tpu.memory_space<vmem>> -> memref<1x2x128xi32, #tpu.memory_space<vmem>>
    %dma_start3A_49 = tpu.memref_squeeze %dma_start3A_48 : memref<1x2x128xi32, #tpu.memory_space<vmem>> -> memref<2x128xi32, #tpu.memory_space<vmem>>
    %dma_start3A_50 = arith.constant 0 : i32
    %dma_start3A_51 = arith.constant 0 : i32
    %dma_start3A_52 = tpu.memref_slice %arg3[%add3A, %dma_start3A_36, %dma_start3A_50, %dma_start3A_51] : memref<32x80x2x128xi32, #tpu.memory_space<hbm>> -> memref<1x1x2x128xi32, #tpu.memory_space<hbm>>
    %dma_start3A_53 = tpu.memref_squeeze %dma_start3A_52 : memref<1x1x2x128xi32, #tpu.memory_space<hbm>> -> memref<2x128xi32, #tpu.memory_space<hbm>>
    tpu.enqueue_dma source(%dma_start3A_53 : memref<2x128xi32, #tpu.memory_space<hbm>>) target(%dma_start3A_49 : memref<2x128xi32, #tpu.memory_space<vmem>>) target_semaphore(%arg11 : memref<!tpu.dma_semaphore, #tpu.memory_space<semaphore_mem>>)
    %dma_start3A_54 = arith.constant 3 : i32
    %dma_start3A_55 = arith.constant 3 : i32
    %dma_start3A_56 = arith.constant 0 : i32
    %dma_start3A_57 = arith.constant 0 : i32
    %dma_start3A_58 = tpu.memref_slice %arg6[%dma_start3A_55, %dma_start3A_56, %dma_start3A_57] : memref<8x2x128xi32, #tpu.memory_space<vmem>> -> memref<1x2x128xi32, #tpu.memory_space<vmem>>
    %dma_start3A_59 = tpu.memref_squeeze %dma_start3A_58 : memref<1x2x128xi32, #tpu.memory_space<vmem>> -> memref<2x128xi32, #tpu.memory_space<vmem>>
    %dma_start3A_60 = arith.constant 0 : i32
    %dma_start3A_61 = arith.constant 0 : i32
    %dma_start3A_62 = tpu.memref_slice %arg3[%add3A, %dma_start3A_54, %dma_start3A_60, %dma_start3A_61] : memref<32x80x2x128xi32, #tpu.memory_space<hbm>> -> memref<1x1x2x128xi32, #tpu.memory_space<hbm>>
    %dma_start3A_63 = tpu.memref_squeeze %dma_start3A_62 : memref<1x1x2x128xi32, #tpu.memory_space<hbm>> -> memref<2x128xi32, #tpu.memory_space<hbm>>
    %dma_start3A_64 = arith.constant 0 : i32
    %dma_start3A_65 = arith.constant 0 : i32
    %dma_start3A_66 = tpu.memref_slice %arg6[%dma_start3A_55, %dma_start3A_64, %dma_start3A_65] : memref<8x2x128xi32, #tpu.memory_space<vmem>> -> memref<1x2x128xi32, #tpu.memory_space<vmem>>
    %dma_start3A_67 = tpu.memref_squeeze %dma_start3A_66 : memref<1x2x128xi32, #tpu.memory_space<vmem>> -> memref<2x128xi32, #tpu.memory_space<vmem>>
    %dma_start3A_68 = arith.constant 0 : i32
    %dma_start3A_69 = arith.constant 0 : i32
    %dma_start3A_70 = tpu.memref_slice %arg3[%add3A, %dma_start3A_54, %dma_start3A_68, %dma_start3A_69] : memref<32x80x2x128xi32, #tpu.memory_space<hbm>> -> memref<1x1x2x128xi32, #tpu.memory_space<hbm>>
    %dma_start3A_71 = tpu.memref_squeeze %dma_start3A_70 : memref<1x1x2x128xi32, #tpu.memory_space<hbm>> -> memref<2x128xi32, #tpu.memory_space<hbm>>
    tpu.enqueue_dma source(%dma_start3A_71 : memref<2x128xi32, #tpu.memory_space<hbm>>) target(%dma_start3A_67 : memref<2x128xi32, #tpu.memory_space<vmem>>) target_semaphore(%arg12 : memref<!tpu.dma_semaphore, #tpu.memory_space<semaphore_mem>>)
    %mul3A_72 = arith.constant 624 : i32
    %mul3A_73 = arith.muli %arg1, %mul3A_72 : i32
    %mul3A_74 = arith.constant 624 : i32
    %mul3A_75 = arith.muli %arg1, %mul3A_74 : i32
    "tpu.region"() ({
      %run_scoped3A = tpu.sem_alloc : memref<!tpu.dma_semaphore, #tpu.memory_space<semaphore_mem>>
      %dma_start3A_136 = arith.constant 0 : i32
      %dma_start3A_137 = tpu.memref_slice %arg8[%mul3A_75, %dma_start3A_136] : memref<10512x128xf32, #tpu.memory_space<vmem_shared>> -> memref<624x128xf32, #tpu.memory_space<vmem_shared>>
      %dma_start3A_138 = arith.constant 0 : i32
      %dma_start3A_139 = tpu.memref_slice %arg4[%mul3A_73, %dma_start3A_138] : memref<10512x128xf32, #tpu.memory_space<hbm>> -> memref<624x128xf32, #tpu.memory_space<hbm>>
      tpu.enqueue_dma source(%dma_start3A_139 : memref<624x128xf32, #tpu.memory_space<hbm>>) target(%dma_start3A_137 : memref<624x128xf32, #tpu.memory_space<vmem_shared>>) target_semaphore(%run_scoped3A : memref<!tpu.dma_semaphore, #tpu.memory_space<semaphore_mem>>)
      %dma_wait3A_140 = arith.constant 0 : i32
      %dma_wait3A_141 = tpu.memref_slice %arg8[%mul3A_75, %dma_wait3A_140] : memref<10512x128xf32, #tpu.memory_space<vmem_shared>> -> memref<624x128xf32, #tpu.memory_space<vmem_shared>>
      %dma_wait3A_142 = arith.constant 0 : i32
      %dma_wait3A_143 = tpu.memref_slice %arg4[%mul3A_73, %dma_wait3A_142] : memref<10512x128xf32, #tpu.memory_space<hbm>> -> memref<624x128xf32, #tpu.memory_space<hbm>>
      tpu.wait_dma2 semaphore(%run_scoped3A : memref<!tpu.dma_semaphore, #tpu.memory_space<semaphore_mem>>) src(%dma_wait3A_143 : memref<624x128xf32, #tpu.memory_space<hbm>>) dst(%dma_wait3A_141 : memref<624x128xf32, #tpu.memory_space<vmem_shared>>)
      tpu.yield
    }) : () -> ()
    %eq3A = arith.constant 0 : i32
    %eq3A_76 = arith.cmpi eq, %arg1, %eq3A : i32
    %convert_element_type3A = arith.extui %eq3A_76 : i1 to i32
    %cond3A = arith.constant 0 : i32
    %cond3A_77 = arith.cmpi ne, %convert_element_type3A, %cond3A : i32
    scf.if %cond3A_77 {
      "tpu.region"() ({
        %run_scoped3A = tpu.sem_alloc : memref<!tpu.dma_semaphore, #tpu.memory_space<semaphore_mem>>
        %dma_start3A_136 = arith.constant 9984 : i32
        %dma_start3A_137 = arith.constant 0 : i32
        %dma_start3A_138 = tpu.memref_slice %arg8[%dma_start3A_136, %dma_start3A_137] : memref<10512x128xf32, #tpu.memory_space<vmem_shared>> -> memref<528x128xf32, #tpu.memory_space<vmem_shared>>
        %dma_start3A_139 = arith.constant 9984 : i32
        %dma_start3A_140 = arith.constant 0 : i32
        %dma_start3A_141 = tpu.memref_slice %arg4[%dma_start3A_139, %dma_start3A_140] : memref<10512x128xf32, #tpu.memory_space<hbm>> -> memref<528x128xf32, #tpu.memory_space<hbm>>
        tpu.enqueue_dma source(%dma_start3A_141 : memref<528x128xf32, #tpu.memory_space<hbm>>) target(%dma_start3A_138 : memref<528x128xf32, #tpu.memory_space<vmem_shared>>) target_semaphore(%run_scoped3A : memref<!tpu.dma_semaphore, #tpu.memory_space<semaphore_mem>>)
        %dma_wait3A_142 = arith.constant 9984 : i32
        %dma_wait3A_143 = arith.constant 0 : i32
        %dma_wait3A_144 = tpu.memref_slice %arg8[%dma_wait3A_142, %dma_wait3A_143] : memref<10512x128xf32, #tpu.memory_space<vmem_shared>> -> memref<528x128xf32, #tpu.memory_space<vmem_shared>>
        %dma_wait3A_145 = arith.constant 9984 : i32
        %dma_wait3A_146 = arith.constant 0 : i32
        %dma_wait3A_147 = tpu.memref_slice %arg4[%dma_wait3A_145, %dma_wait3A_146] : memref<10512x128xf32, #tpu.memory_space<hbm>> -> memref<528x128xf32, #tpu.memory_space<hbm>>
        tpu.wait_dma2 semaphore(%run_scoped3A : memref<!tpu.dma_semaphore, #tpu.memory_space<semaphore_mem>>) src(%dma_wait3A_147 : memref<528x128xf32, #tpu.memory_space<hbm>>) dst(%dma_wait3A_144 : memref<528x128xf32, #tpu.memory_space<vmem_shared>>)
        tpu.yield
      }) : () -> ()
    } else {
    }
    %barrier3A = arith.constant 0 : index
    tpu.barrier barrier_id(%barrier3A)
    %dma_wait3A = arith.constant 0 : i32
    %dma_wait3A_78 = arith.constant 0 : i32
    %dma_wait3A_79 = arith.constant 0 : i32
    %dma_wait3A_80 = arith.constant 0 : i32
    %dma_wait3A_81 = tpu.memref_slice %arg6[%dma_wait3A_78, %dma_wait3A_79, %dma_wait3A_80] : memref<8x2x128xi32, #tpu.memory_space<vmem>> -> memref<1x2x128xi32, #tpu.memory_space<vmem>>
    %dma_wait3A_82 = tpu.memref_squeeze %dma_wait3A_81 : memref<1x2x128xi32, #tpu.memory_space<vmem>> -> memref<2x128xi32, #tpu.memory_space<vmem>>
    %dma_wait3A_83 = arith.constant 0 : i32
    %dma_wait3A_84 = arith.constant 0 : i32
    %dma_wait3A_85 = tpu.memref_slice %arg3[%add3A, %dma_wait3A, %dma_wait3A_83, %dma_wait3A_84] : memref<32x80x2x128xi32, #tpu.memory_space<hbm>> -> memref<1x1x2x128xi32, #tpu.memory_space<hbm>>
    %dma_wait3A_86 = tpu.memref_squeeze %dma_wait3A_85 : memref<1x1x2x128xi32, #tpu.memory_space<hbm>> -> memref<2x128xi32, #tpu.memory_space<hbm>>
    %dma_wait3A_87 = arith.constant 0 : i32
    %dma_wait3A_88 = arith.constant 0 : i32
    %dma_wait3A_89 = tpu.memref_slice %arg6[%dma_wait3A_78, %dma_wait3A_87, %dma_wait3A_88] : memref<8x2x128xi32, #tpu.memory_space<vmem>> -> memref<1x2x128xi32, #tpu.memory_space<vmem>>
    %dma_wait3A_90 = tpu.memref_squeeze %dma_wait3A_89 : memref<1x2x128xi32, #tpu.memory_space<vmem>> -> memref<2x128xi32, #tpu.memory_space<vmem>>
    %dma_wait3A_91 = arith.constant 0 : i32
    %dma_wait3A_92 = arith.constant 0 : i32
    %dma_wait3A_93 = tpu.memref_slice %arg3[%add3A, %dma_wait3A, %dma_wait3A_91, %dma_wait3A_92] : memref<32x80x2x128xi32, #tpu.memory_space<hbm>> -> memref<1x1x2x128xi32, #tpu.memory_space<hbm>>
    %dma_wait3A_94 = tpu.memref_squeeze %dma_wait3A_93 : memref<1x1x2x128xi32, #tpu.memory_space<hbm>> -> memref<2x128xi32, #tpu.memory_space<hbm>>
    tpu.wait_dma2 semaphore(%arg9 : memref<!tpu.dma_semaphore, #tpu.memory_space<semaphore_mem>>) src(%dma_wait3A_94 : memref<2x128xi32, #tpu.memory_space<hbm>>) dst(%dma_wait3A_90 : memref<2x128xi32, #tpu.memory_space<vmem>>)
    %dma_start3A_95 = arith.constant 0 : i32
    %dma_start3A_96 = arith.constant 0 : i32
    %dma_start3A_97 = arith.constant 0 : i32
    %dma_start3A_98 = arith.constant 0 : i32
    %dma_start3A_99 = arith.constant 0 : i32
    %dma_start3A_100 = tpu.memref_slice %arg7[%dma_start3A_97, %dma_start3A_98, %dma_start3A_99] : memref<2x128x128xf32, #tpu.memory_space<vmem>> -> memref<1x128x128xf32, #tpu.memory_space<vmem>>
    %dma_start3A_101 = tpu.memref_squeeze %dma_start3A_100 : memref<1x128x128xf32, #tpu.memory_space<vmem>> -> memref<128x128xf32, #tpu.memory_space<vmem>>
    %dma_start3A_102 = arith.constant 0 : i32
    %dma_start3A_103 = tpu.memref_slice %arg6[%dma_start3A_95, %dma_start3A_96, %dma_start3A_102] : memref<8x2x128xi32, #tpu.memory_space<vmem>> -> memref<1x1x128xi32, #tpu.memory_space<vmem>>
    %dma_start3A_104 = tpu.memref_squeeze %dma_start3A_103 : memref<1x1x128xi32, #tpu.memory_space<vmem>> -> memref<128xi32, #tpu.memory_space<vmem>>
    %dma_start3A_105 = arith.constant 0 : i32
    %dma_start3A_106 = arith.constant 0 : i32
    %dma_start3A_107 = tpu.memref_slice %arg2[%dma_start3A_105, %dma_start3A_106] : memref<10000x128xf32, #tpu.memory_space<hbm>> -> memref<10000x128xf32, #tpu.memory_space<hbm>>
    tpu.enqueue_indirect_dma source(%dma_start3A_107 : memref<10000x128xf32, #tpu.memory_space<hbm>>) target(%dma_start3A_101 : memref<128x128xf32, #tpu.memory_space<vmem>>) offsets(%dma_start3A_104 : memref<128xi32, #tpu.memory_space<vmem>>) semaphore(%arg17 : memref<!tpu.dma_semaphore, #tpu.memory_space<semaphore_mem>>)
    %scan3A = arith.constant 0 : i32
    %scan3A_108 = arith.constant 0 : i32
    %scan3A_109 = arith.constant 10 : i32
    %scan3A_110 = arith.addi %scan3A_108, %scan3A_109 : i32
    %scan3A_111 = arith.constant 1 : i32
    scf.for %scan3A_136 = %scan3A_108 to %scan3A_110 step %scan3A_111  : i32 {
      %mul3A_137 = arith.constant 8 : i32
      %mul3A_138 = arith.muli %mul3A_137, %scan3A_136 : i32
      %add3A_139 = arith.constant 0 : i32
      %add3A_140 = arith.addi %mul3A_138, %add3A_139 : i32
      %add3A_141 = arith.constant 1 : i32
      %add3A_142 = arith.addi %add3A_140, %add3A_141 : i32
      %lt3A = arith.constant 80 : i32
      %lt3A_143 = arith.cmpi slt, %add3A_142, %lt3A : i32
      %convert_element_type3A_144 = arith.extui %lt3A_143 : i1 to i32
      %cond3A_145 = arith.constant 0 : i32
      %cond3A_146 = arith.cmpi ne, %convert_element_type3A_144, %cond3A_145 : i32
      scf.if %cond3A_146 {
        %add3A_583 = arith.constant 1 : i32
        %add3A_584 = arith.addi %add3A_140, %add3A_583 : i32
        %dma_wait3A_585 = arith.constant 1 : i32
        %dma_wait3A_586 = arith.constant 0 : i32
        %dma_wait3A_587 = arith.constant 0 : i32
        %dma_wait3A_588 = tpu.memref_slice %arg6[%dma_wait3A_585, %dma_wait3A_586, %dma_wait3A_587] : memref<8x2x128xi32, #tpu.memory_space<vmem>> -> memref<1x2x128xi32, #tpu.memory_space<vmem>>
        %dma_wait3A_589 = tpu.memref_squeeze %dma_wait3A_588 : memref<1x2x128xi32, #tpu.memory_space<vmem>> -> memref<2x128xi32, #tpu.memory_space<vmem>>
        %dma_wait3A_590 = arith.constant 0 : i32
        %dma_wait3A_591 = arith.constant 0 : i32
        %dma_wait3A_592 = tpu.memref_slice %arg3[%add3A, %add3A_584, %dma_wait3A_590, %dma_wait3A_591] : memref<32x80x2x128xi32, #tpu.memory_space<hbm>> -> memref<1x1x2x128xi32, #tpu.memory_space<hbm>>
        %dma_wait3A_593 = tpu.memref_squeeze %dma_wait3A_592 : memref<1x1x2x128xi32, #tpu.memory_space<hbm>> -> memref<2x128xi32, #tpu.memory_space<hbm>>
        %dma_wait3A_594 = arith.constant 0 : i32
        %dma_wait3A_595 = arith.constant 0 : i32
        %dma_wait3A_596 = tpu.memref_slice %arg6[%dma_wait3A_585, %dma_wait3A_594, %dma_wait3A_595] : memref<8x2x128xi32, #tpu.memory_space<vmem>> -> memref<1x2x128xi32, #tpu.memory_space<vmem>>
        %dma_wait3A_597 = tpu.memref_squeeze %dma_wait3A_596 : memref<1x2x128xi32, #tpu.memory_space<vmem>> -> memref<2x128xi32, #tpu.memory_space<vmem>>
        %dma_wait3A_598 = arith.constant 0 : i32
        %dma_wait3A_599 = arith.constant 0 : i32
        %dma_wait3A_600 = tpu.memref_slice %arg3[%add3A, %add3A_584, %dma_wait3A_598, %dma_wait3A_599] : memref<32x80x2x128xi32, #tpu.memory_space<hbm>> -> memref<1x1x2x128xi32, #tpu.memory_space<hbm>>
        %dma_wait3A_601 = tpu.memref_squeeze %dma_wait3A_600 : memref<1x1x2x128xi32, #tpu.memory_space<hbm>> -> memref<2x128xi32, #tpu.memory_space<hbm>>
        tpu.wait_dma2 semaphore(%arg10 : memref<!tpu.dma_semaphore, #tpu.memory_space<semaphore_mem>>) src(%dma_wait3A_601 : memref<2x128xi32, #tpu.memory_space<hbm>>) dst(%dma_wait3A_597 : memref<2x128xi32, #tpu.memory_space<vmem>>)
      } else {
      }
      %ge3A = arith.constant 1 : i32
      %ge3A_147 = arith.cmpi sge, %add3A_140, %ge3A : i32
      %convert_element_type3A_148 = arith.extui %ge3A_147 : i1 to i32
      %cond3A_149 = arith.constant 0 : i32
      %cond3A_150 = arith.cmpi ne, %convert_element_type3A_148, %cond3A_149 : i32
      scf.if %cond3A_150 {
        %dma_wait3A_583 = arith.constant 1 : i32
        %dma_wait3A_584 = arith.constant 7 : i32
        %dma_wait3A_585 = arith.constant 1 : i32
        %dma_wait3A_586 = arith.constant 0 : i32
        %dma_wait3A_587 = arith.constant 0 : i32
        %dma_wait3A_588 = tpu.memref_slice %arg7[%dma_wait3A_583, %dma_wait3A_586, %dma_wait3A_587] : memref<2x128x128xf32, #tpu.memory_space<vmem>> -> memref<1x128x128xf32, #tpu.memory_space<vmem>>
        %dma_wait3A_589 = tpu.memref_squeeze %dma_wait3A_588 : memref<1x128x128xf32, #tpu.memory_space<vmem>> -> memref<128x128xf32, #tpu.memory_space<vmem>>
        %dma_wait3A_590 = arith.constant 0 : i32
        %dma_wait3A_591 = tpu.memref_slice %arg6[%dma_wait3A_584, %dma_wait3A_585, %dma_wait3A_590] : memref<8x2x128xi32, #tpu.memory_space<vmem>> -> memref<1x1x128xi32, #tpu.memory_space<vmem>>
        %dma_wait3A_592 = tpu.memref_squeeze %dma_wait3A_591 : memref<1x1x128xi32, #tpu.memory_space<vmem>> -> memref<128xi32, #tpu.memory_space<vmem>>
        %dma_wait3A_593 = arith.constant 0 : i32
        %dma_wait3A_594 = arith.constant 0 : i32
        %dma_wait3A_595 = tpu.memref_slice %arg8[%dma_wait3A_593, %dma_wait3A_594] : memref<10512x128xf32, #tpu.memory_space<vmem_shared>> -> memref<10512x128xf32, #tpu.memory_space<vmem_shared>>
        tpu.wait_indirect_dma semaphore(%arg20 : memref<!tpu.dma_semaphore, #tpu.memory_space<semaphore_mem>>) src(%dma_wait3A_589 : memref<128x128xf32, #tpu.memory_space<vmem>>) dst(%dma_wait3A_595 : memref<10512x128xf32, #tpu.memory_space<vmem_shared>>)
      } else {
      }
      %add3A_151 = arith.constant 1 : i32
      %add3A_152 = arith.addi %add3A_140, %add3A_151 : i32
      %lt3A_153 = arith.constant 80 : i32
      %lt3A_154 = arith.cmpi slt, %add3A_152, %lt3A_153 : i32
      %convert_element_type3A_155 = arith.extui %lt3A_154 : i1 to i32
      %cond3A_156 = arith.constant 0 : i32
      %cond3A_157 = arith.cmpi ne, %convert_element_type3A_155, %cond3A_156 : i32
      scf.if %cond3A_157 {
        %dma_start3A_583 = arith.constant 1 : i32
        %dma_start3A_584 = arith.constant 0 : i32
        %dma_start3A_585 = arith.constant 1 : i32
        %dma_start3A_586 = arith.constant 0 : i32
        %dma_start3A_587 = arith.constant 0 : i32
        %dma_start3A_588 = tpu.memref_slice %arg7[%dma_start3A_585, %dma_start3A_586, %dma_start3A_587] : memref<2x128x128xf32, #tpu.memory_space<vmem>> -> memref<1x128x128xf32, #tpu.memory_space<vmem>>
        %dma_start3A_589 = tpu.memref_squeeze %dma_start3A_588 : memref<1x128x128xf32, #tpu.memory_space<vmem>> -> memref<128x128xf32, #tpu.memory_space<vmem>>
        %dma_start3A_590 = arith.constant 0 : i32
        %dma_start3A_591 = tpu.memref_slice %arg6[%dma_start3A_583, %dma_start3A_584, %dma_start3A_590] : memref<8x2x128xi32, #tpu.memory_space<vmem>> -> memref<1x1x128xi32, #tpu.memory_space<vmem>>
        %dma_start3A_592 = tpu.memref_squeeze %dma_start3A_591 : memref<1x1x128xi32, #tpu.memory_space<vmem>> -> memref<128xi32, #tpu.memory_space<vmem>>
        %dma_start3A_593 = arith.constant 0 : i32
        %dma_start3A_594 = arith.constant 0 : i32
        %dma_start3A_595 = tpu.memref_slice %arg2[%dma_start3A_593, %dma_start3A_594] : memref<10000x128xf32, #tpu.memory_space<hbm>> -> memref<10000x128xf32, #tpu.memory_space<hbm>>
        tpu.enqueue_indirect_dma source(%dma_start3A_595 : memref<10000x128xf32, #tpu.memory_space<hbm>>) target(%dma_start3A_589 : memref<128x128xf32, #tpu.memory_space<vmem>>) offsets(%dma_start3A_592 : memref<128xi32, #tpu.memory_space<vmem>>) semaphore(%arg18 : memref<!tpu.dma_semaphore, #tpu.memory_space<semaphore_mem>>)
      } else {
      }
      %dma_wait3A_158 = arith.constant 0 : i32
      %dma_wait3A_159 = arith.constant 0 : i32
      %dma_wait3A_160 = arith.constant 0 : i32
      %dma_wait3A_161 = arith.constant 0 : i32
      %dma_wait3A_162 = arith.constant 0 : i32
      %dma_wait3A_163 = tpu.memref_slice %arg7[%dma_wait3A_160, %dma_wait3A_161, %dma_wait3A_162] : memref<2x128x128xf32, #tpu.memory_space<vmem>> -> memref<1x128x128xf32, #tpu.memory_space<vmem>>
      %dma_wait3A_164 = tpu.memref_squeeze %dma_wait3A_163 : memref<1x128x128xf32, #tpu.memory_space<vmem>> -> memref<128x128xf32, #tpu.memory_space<vmem>>
      %dma_wait3A_165 = arith.constant 0 : i32
      %dma_wait3A_166 = tpu.memref_slice %arg6[%dma_wait3A_158, %dma_wait3A_159, %dma_wait3A_165] : memref<8x2x128xi32, #tpu.memory_space<vmem>> -> memref<1x1x128xi32, #tpu.memory_space<vmem>>
      %dma_wait3A_167 = tpu.memref_squeeze %dma_wait3A_166 : memref<1x1x128xi32, #tpu.memory_space<vmem>> -> memref<128xi32, #tpu.memory_space<vmem>>
      %dma_wait3A_168 = arith.constant 0 : i32
      %dma_wait3A_169 = arith.constant 0 : i32
      %dma_wait3A_170 = tpu.memref_slice %arg2[%dma_wait3A_168, %dma_wait3A_169] : memref<10000x128xf32, #tpu.memory_space<hbm>> -> memref<10000x128xf32, #tpu.memory_space<hbm>>
      tpu.wait_indirect_dma semaphore(%arg17 : memref<!tpu.dma_semaphore, #tpu.memory_space<semaphore_mem>>) src(%dma_wait3A_170 : memref<10000x128xf32, #tpu.memory_space<hbm>>) dst(%dma_wait3A_164 : memref<128x128xf32, #tpu.memory_space<vmem>>)
      %dma_start3A_171 = arith.constant 0 : i32
      %dma_start3A_172 = arith.constant 0 : i32
      %dma_start3A_173 = arith.constant 1 : i32
      %dma_start3A_174 = arith.constant 0 : i32
      %dma_start3A_175 = arith.constant 0 : i32
      %dma_start3A_176 = tpu.memref_slice %arg7[%dma_start3A_171, %dma_start3A_174, %dma_start3A_175] : memref<2x128x128xf32, #tpu.memory_space<vmem>> -> memref<1x128x128xf32, #tpu.memory_space<vmem>>
      %dma_start3A_177 = tpu.memref_squeeze %dma_start3A_176 : memref<1x128x128xf32, #tpu.memory_space<vmem>> -> memref<128x128xf32, #tpu.memory_space<vmem>>
      %dma_start3A_178 = arith.constant 0 : i32
      %dma_start3A_179 = tpu.memref_slice %arg6[%dma_start3A_172, %dma_start3A_173, %dma_start3A_178] : memref<8x2x128xi32, #tpu.memory_space<vmem>> -> memref<1x1x128xi32, #tpu.memory_space<vmem>>
      %dma_start3A_180 = tpu.memref_squeeze %dma_start3A_179 : memref<1x1x128xi32, #tpu.memory_space<vmem>> -> memref<128xi32, #tpu.memory_space<vmem>>
      %dma_start3A_181 = arith.constant 0 : i32
      %dma_start3A_182 = arith.constant 0 : i32
      %dma_start3A_183 = tpu.memref_slice %arg8[%dma_start3A_181, %dma_start3A_182] : memref<10512x128xf32, #tpu.memory_space<vmem_shared>> -> memref<10512x128xf32, #tpu.memory_space<vmem_shared>>
      tpu.enqueue_indirect_dma source(%dma_start3A_177 : memref<128x128xf32, #tpu.memory_space<vmem>>) target(%dma_start3A_183 : memref<10512x128xf32, #tpu.memory_space<vmem_shared>>) offsets(%dma_start3A_180 : memref<128xi32, #tpu.memory_space<vmem>>) semaphore(%arg19 : memref<!tpu.dma_semaphore, #tpu.memory_space<semaphore_mem>>) {add = true}
      %add3A_184 = arith.constant 4 : i32
      %add3A_185 = arith.addi %add3A_140, %add3A_184 : i32
      %lt3A_186 = arith.constant 80 : i32
      %lt3A_187 = arith.cmpi slt, %add3A_185, %lt3A_186 : i32
      %convert_element_type3A_188 = arith.extui %lt3A_187 : i1 to i32
      %cond3A_189 = arith.constant 0 : i32
      %cond3A_190 = arith.cmpi ne, %convert_element_type3A_188, %cond3A_189 : i32
      scf.if %cond3A_190 {
        %add3A_583 = arith.constant 4 : i32
        %add3A_584 = arith.addi %add3A_140, %add3A_583 : i32
        %dma_start3A_585 = arith.constant 4 : i32
        %dma_start3A_586 = arith.constant 0 : i32
        %dma_start3A_587 = arith.constant 0 : i32
        %dma_start3A_588 = tpu.memref_slice %arg6[%dma_start3A_585, %dma_start3A_586, %dma_start3A_587] : memref<8x2x128xi32, #tpu.memory_space<vmem>> -> memref<1x2x128xi32, #tpu.memory_space<vmem>>
        %dma_start3A_589 = tpu.memref_squeeze %dma_start3A_588 : memref<1x2x128xi32, #tpu.memory_space<vmem>> -> memref<2x128xi32, #tpu.memory_space<vmem>>
        %dma_start3A_590 = arith.constant 0 : i32
        %dma_start3A_591 = arith.constant 0 : i32
        %dma_start3A_592 = tpu.memref_slice %arg3[%add3A, %add3A_584, %dma_start3A_590, %dma_start3A_591] : memref<32x80x2x128xi32, #tpu.memory_space<hbm>> -> memref<1x1x2x128xi32, #tpu.memory_space<hbm>>
        %dma_start3A_593 = tpu.memref_squeeze %dma_start3A_592 : memref<1x1x2x128xi32, #tpu.memory_space<hbm>> -> memref<2x128xi32, #tpu.memory_space<hbm>>
        %dma_start3A_594 = arith.constant 0 : i32
        %dma_start3A_595 = arith.constant 0 : i32
        %dma_start3A_596 = tpu.memref_slice %arg6[%dma_start3A_585, %dma_start3A_594, %dma_start3A_595] : memref<8x2x128xi32, #tpu.memory_space<vmem>> -> memref<1x2x128xi32, #tpu.memory_space<vmem>>
        %dma_start3A_597 = tpu.memref_squeeze %dma_start3A_596 : memref<1x2x128xi32, #tpu.memory_space<vmem>> -> memref<2x128xi32, #tpu.memory_space<vmem>>
        %dma_start3A_598 = arith.constant 0 : i32
        %dma_start3A_599 = arith.constant 0 : i32
        %dma_start3A_600 = tpu.memref_slice %arg3[%add3A, %add3A_584, %dma_start3A_598, %dma_start3A_599] : memref<32x80x2x128xi32, #tpu.memory_space<hbm>> -> memref<1x1x2x128xi32, #tpu.memory_space<hbm>>
        %dma_start3A_601 = tpu.memref_squeeze %dma_start3A_600 : memref<1x1x2x128xi32, #tpu.memory_space<hbm>> -> memref<2x128xi32, #tpu.memory_space<hbm>>
        tpu.enqueue_dma source(%dma_start3A_601 : memref<2x128xi32, #tpu.memory_space<hbm>>) target(%dma_start3A_597 : memref<2x128xi32, #tpu.memory_space<vmem>>) target_semaphore(%arg13 : memref<!tpu.dma_semaphore, #tpu.memory_space<semaphore_mem>>)
      } else {
      }
      %mul3A_191 = arith.constant 8 : i32
      %mul3A_192 = arith.muli %mul3A_191, %scan3A_136 : i32
      %add3A_193 = arith.constant 1 : i32
      %add3A_194 = arith.addi %mul3A_192, %add3A_193 : i32
      %add3A_195 = arith.constant 1 : i32
      %add3A_196 = arith.addi %add3A_194, %add3A_195 : i32
      %lt3A_197 = arith.constant 80 : i32
      %lt3A_198 = arith.cmpi slt, %add3A_196, %lt3A_197 : i32
      %convert_element_type3A_199 = arith.extui %lt3A_198 : i1 to i32
      %cond3A_200 = arith.constant 0 : i32
      %cond3A_201 = arith.cmpi ne, %convert_element_type3A_199, %cond3A_200 : i32
      scf.if %cond3A_201 {
        %add3A_583 = arith.constant 1 : i32
        %add3A_584 = arith.addi %add3A_194, %add3A_583 : i32
        %dma_wait3A_585 = arith.constant 2 : i32
        %dma_wait3A_586 = arith.constant 0 : i32
        %dma_wait3A_587 = arith.constant 0 : i32
        %dma_wait3A_588 = tpu.memref_slice %arg6[%dma_wait3A_585, %dma_wait3A_586, %dma_wait3A_587] : memref<8x2x128xi32, #tpu.memory_space<vmem>> -> memref<1x2x128xi32, #tpu.memory_space<vmem>>
        %dma_wait3A_589 = tpu.memref_squeeze %dma_wait3A_588 : memref<1x2x128xi32, #tpu.memory_space<vmem>> -> memref<2x128xi32, #tpu.memory_space<vmem>>
        %dma_wait3A_590 = arith.constant 0 : i32
        %dma_wait3A_591 = arith.constant 0 : i32
        %dma_wait3A_592 = tpu.memref_slice %arg3[%add3A, %add3A_584, %dma_wait3A_590, %dma_wait3A_591] : memref<32x80x2x128xi32, #tpu.memory_space<hbm>> -> memref<1x1x2x128xi32, #tpu.memory_space<hbm>>
        %dma_wait3A_593 = tpu.memref_squeeze %dma_wait3A_592 : memref<1x1x2x128xi32, #tpu.memory_space<hbm>> -> memref<2x128xi32, #tpu.memory_space<hbm>>
        %dma_wait3A_594 = arith.constant 0 : i32
        %dma_wait3A_595 = arith.constant 0 : i32
        %dma_wait3A_596 = tpu.memref_slice %arg6[%dma_wait3A_585, %dma_wait3A_594, %dma_wait3A_595] : memref<8x2x128xi32, #tpu.memory_space<vmem>> -> memref<1x2x128xi32, #tpu.memory_space<vmem>>
        %dma_wait3A_597 = tpu.memref_squeeze %dma_wait3A_596 : memref<1x2x128xi32, #tpu.memory_space<vmem>> -> memref<2x128xi32, #tpu.memory_space<vmem>>
        %dma_wait3A_598 = arith.constant 0 : i32
        %dma_wait3A_599 = arith.constant 0 : i32
        %dma_wait3A_600 = tpu.memref_slice %arg3[%add3A, %add3A_584, %dma_wait3A_598, %dma_wait3A_599] : memref<32x80x2x128xi32, #tpu.memory_space<hbm>> -> memref<1x1x2x128xi32, #tpu.memory_space<hbm>>
        %dma_wait3A_601 = tpu.memref_squeeze %dma_wait3A_600 : memref<1x1x2x128xi32, #tpu.memory_space<hbm>> -> memref<2x128xi32, #tpu.memory_space<hbm>>
        tpu.wait_dma2 semaphore(%arg11 : memref<!tpu.dma_semaphore, #tpu.memory_space<semaphore_mem>>) src(%dma_wait3A_601 : memref<2x128xi32, #tpu.memory_space<hbm>>) dst(%dma_wait3A_597 : memref<2x128xi32, #tpu.memory_space<vmem>>)
      } else {
      }
      %ge3A_202 = arith.constant 1 : i32
      %ge3A_203 = arith.cmpi sge, %add3A_194, %ge3A_202 : i32
      %convert_element_type3A_204 = arith.extui %ge3A_203 : i1 to i32
      %cond3A_205 = arith.constant 0 : i32
      %cond3A_206 = arith.cmpi ne, %convert_element_type3A_204, %cond3A_205 : i32
      scf.if %cond3A_206 {
        %dma_wait3A_583 = arith.constant 0 : i32
        %dma_wait3A_584 = arith.constant 0 : i32
        %dma_wait3A_585 = arith.constant 1 : i32
        %dma_wait3A_586 = arith.constant 0 : i32
        %dma_wait3A_587 = arith.constant 0 : i32
        %dma_wait3A_588 = tpu.memref_slice %arg7[%dma_wait3A_583, %dma_wait3A_586, %dma_wait3A_587] : memref<2x128x128xf32, #tpu.memory_space<vmem>> -> memref<1x128x128xf32, #tpu.memory_space<vmem>>
        %dma_wait3A_589 = tpu.memref_squeeze %dma_wait3A_588 : memref<1x128x128xf32, #tpu.memory_space<vmem>> -> memref<128x128xf32, #tpu.memory_space<vmem>>
        %dma_wait3A_590 = arith.constant 0 : i32
        %dma_wait3A_591 = tpu.memref_slice %arg6[%dma_wait3A_584, %dma_wait3A_585, %dma_wait3A_590] : memref<8x2x128xi32, #tpu.memory_space<vmem>> -> memref<1x1x128xi32, #tpu.memory_space<vmem>>
        %dma_wait3A_592 = tpu.memref_squeeze %dma_wait3A_591 : memref<1x1x128xi32, #tpu.memory_space<vmem>> -> memref<128xi32, #tpu.memory_space<vmem>>
        %dma_wait3A_593 = arith.constant 0 : i32
        %dma_wait3A_594 = arith.constant 0 : i32
        %dma_wait3A_595 = tpu.memref_slice %arg8[%dma_wait3A_593, %dma_wait3A_594] : memref<10512x128xf32, #tpu.memory_space<vmem_shared>> -> memref<10512x128xf32, #tpu.memory_space<vmem_shared>>
        tpu.wait_indirect_dma semaphore(%arg19 : memref<!tpu.dma_semaphore, #tpu.memory_space<semaphore_mem>>) src(%dma_wait3A_589 : memref<128x128xf32, #tpu.memory_space<vmem>>) dst(%dma_wait3A_595 : memref<10512x128xf32, #tpu.memory_space<vmem_shared>>)
      } else {
      }
      %add3A_207 = arith.constant 1 : i32
      %add3A_208 = arith.addi %add3A_194, %add3A_207 : i32
      %lt3A_209 = arith.constant 80 : i32
      %lt3A_210 = arith.cmpi slt, %add3A_208, %lt3A_209 : i32
      %convert_element_type3A_211 = arith.extui %lt3A_210 : i1 to i32
      %cond3A_212 = arith.constant 0 : i32
      %cond3A_213 = arith.cmpi ne, %convert_element_type3A_211, %cond3A_212 : i32
      scf.if %cond3A_213 {
        %dma_start3A_583 = arith.constant 2 : i32
        %dma_start3A_584 = arith.constant 0 : i32
        %dma_start3A_585 = arith.constant 0 : i32
        %dma_start3A_586 = arith.constant 0 : i32
        %dma_start3A_587 = arith.constant 0 : i32
        %dma_start3A_588 = tpu.memref_slice %arg7[%dma_start3A_585, %dma_start3A_586, %dma_start3A_587] : memref<2x128x128xf32, #tpu.memory_space<vmem>> -> memref<1x128x128xf32, #tpu.memory_space<vmem>>
        %dma_start3A_589 = tpu.memref_squeeze %dma_start3A_588 : memref<1x128x128xf32, #tpu.memory_space<vmem>> -> memref<128x128xf32, #tpu.memory_space<vmem>>
        %dma_start3A_590 = arith.constant 0 : i32
        %dma_start3A_591 = tpu.memref_slice %arg6[%dma_start3A_583, %dma_start3A_584, %dma_start3A_590] : memref<8x2x128xi32, #tpu.memory_space<vmem>> -> memref<1x1x128xi32, #tpu.memory_space<vmem>>
        %dma_start3A_592 = tpu.memref_squeeze %dma_start3A_591 : memref<1x1x128xi32, #tpu.memory_space<vmem>> -> memref<128xi32, #tpu.memory_space<vmem>>
        %dma_start3A_593 = arith.constant 0 : i32
        %dma_start3A_594 = arith.constant 0 : i32
        %dma_start3A_595 = tpu.memref_slice %arg2[%dma_start3A_593, %dma_start3A_594] : memref<10000x128xf32, #tpu.memory_space<hbm>> -> memref<10000x128xf32, #tpu.memory_space<hbm>>
        tpu.enqueue_indirect_dma source(%dma_start3A_595 : memref<10000x128xf32, #tpu.memory_space<hbm>>) target(%dma_start3A_589 : memref<128x128xf32, #tpu.memory_space<vmem>>) offsets(%dma_start3A_592 : memref<128xi32, #tpu.memory_space<vmem>>) semaphore(%arg17 : memref<!tpu.dma_semaphore, #tpu.memory_space<semaphore_mem>>)
      } else {
      }
      %dma_wait3A_214 = arith.constant 1 : i32
      %dma_wait3A_215 = arith.constant 0 : i32
      %dma_wait3A_216 = arith.constant 1 : i32
      %dma_wait3A_217 = arith.constant 0 : i32
      %dma_wait3A_218 = arith.constant 0 : i32
      %dma_wait3A_219 = tpu.memref_slice %arg7[%dma_wait3A_216, %dma_wait3A_217, %dma_wait3A_218] : memref<2x128x128xf32, #tpu.memory_space<vmem>> -> memref<1x128x128xf32, #tpu.memory_space<vmem>>
      %dma_wait3A_220 = tpu.memref_squeeze %dma_wait3A_219 : memref<1x128x128xf32, #tpu.memory_space<vmem>> -> memref<128x128xf32, #tpu.memory_space<vmem>>
      %dma_wait3A_221 = arith.constant 0 : i32
      %dma_wait3A_222 = tpu.memref_slice %arg6[%dma_wait3A_214, %dma_wait3A_215, %dma_wait3A_221] : memref<8x2x128xi32, #tpu.memory_space<vmem>> -> memref<1x1x128xi32, #tpu.memory_space<vmem>>
      %dma_wait3A_223 = tpu.memref_squeeze %dma_wait3A_222 : memref<1x1x128xi32, #tpu.memory_space<vmem>> -> memref<128xi32, #tpu.memory_space<vmem>>
      %dma_wait3A_224 = arith.constant 0 : i32
      %dma_wait3A_225 = arith.constant 0 : i32
      %dma_wait3A_226 = tpu.memref_slice %arg2[%dma_wait3A_224, %dma_wait3A_225] : memref<10000x128xf32, #tpu.memory_space<hbm>> -> memref<10000x128xf32, #tpu.memory_space<hbm>>
      tpu.wait_indirect_dma semaphore(%arg18 : memref<!tpu.dma_semaphore, #tpu.memory_space<semaphore_mem>>) src(%dma_wait3A_226 : memref<10000x128xf32, #tpu.memory_space<hbm>>) dst(%dma_wait3A_220 : memref<128x128xf32, #tpu.memory_space<vmem>>)
      %dma_start3A_227 = arith.constant 1 : i32
      %dma_start3A_228 = arith.constant 1 : i32
      %dma_start3A_229 = arith.constant 1 : i32
      %dma_start3A_230 = arith.constant 0 : i32
      %dma_start3A_231 = arith.constant 0 : i32
      %dma_start3A_232 = tpu.memref_slice %arg7[%dma_start3A_227, %dma_start3A_230, %dma_start3A_231] : memref<2x128x128xf32, #tpu.memory_space<vmem>> -> memref<1x128x128xf32, #tpu.memory_space<vmem>>
      %dma_start3A_233 = tpu.memref_squeeze %dma_start3A_232 : memref<1x128x128xf32, #tpu.memory_space<vmem>> -> memref<128x128xf32, #tpu.memory_space<vmem>>
      %dma_start3A_234 = arith.constant 0 : i32
      %dma_start3A_235 = tpu.memref_slice %arg6[%dma_start3A_228, %dma_start3A_229, %dma_start3A_234] : memref<8x2x128xi32, #tpu.memory_space<vmem>> -> memref<1x1x128xi32, #tpu.memory_space<vmem>>
      %dma_start3A_236 = tpu.memref_squeeze %dma_start3A_235 : memref<1x1x128xi32, #tpu.memory_space<vmem>> -> memref<128xi32, #tpu.memory_space<vmem>>
      %dma_start3A_237 = arith.constant 0 : i32
      %dma_start3A_238 = arith.constant 0 : i32
      %dma_start3A_239 = tpu.memref_slice %arg8[%dma_start3A_237, %dma_start3A_238] : memref<10512x128xf32, #tpu.memory_space<vmem_shared>> -> memref<10512x128xf32, #tpu.memory_space<vmem_shared>>
      tpu.enqueue_indirect_dma source(%dma_start3A_233 : memref<128x128xf32, #tpu.memory_space<vmem>>) target(%dma_start3A_239 : memref<10512x128xf32, #tpu.memory_space<vmem_shared>>) offsets(%dma_start3A_236 : memref<128xi32, #tpu.memory_space<vmem>>) semaphore(%arg20 : memref<!tpu.dma_semaphore, #tpu.memory_space<semaphore_mem>>) {add = true}
      %add3A_240 = arith.constant 4 : i32
      %add3A_241 = arith.addi %add3A_194, %add3A_240 : i32
      %lt3A_242 = arith.constant 80 : i32
      %lt3A_243 = arith.cmpi slt, %add3A_241, %lt3A_242 : i32
      %convert_element_type3A_244 = arith.extui %lt3A_243 : i1 to i32
      %cond3A_245 = arith.constant 0 : i32
      %cond3A_246 = arith.cmpi ne, %convert_element_type3A_244, %cond3A_245 : i32
      scf.if %cond3A_246 {
        %add3A_583 = arith.constant 4 : i32
        %add3A_584 = arith.addi %add3A_194, %add3A_583 : i32
        %dma_start3A_585 = arith.constant 5 : i32
        %dma_start3A_586 = arith.constant 0 : i32
        %dma_start3A_587 = arith.constant 0 : i32
        %dma_start3A_588 = tpu.memref_slice %arg6[%dma_start3A_585, %dma_start3A_586, %dma_start3A_587] : memref<8x2x128xi32, #tpu.memory_space<vmem>> -> memref<1x2x128xi32, #tpu.memory_space<vmem>>
        %dma_start3A_589 = tpu.memref_squeeze %dma_start3A_588 : memref<1x2x128xi32, #tpu.memory_space<vmem>> -> memref<2x128xi32, #tpu.memory_space<vmem>>
        %dma_start3A_590 = arith.constant 0 : i32
        %dma_start3A_591 = arith.constant 0 : i32
        %dma_start3A_592 = tpu.memref_slice %arg3[%add3A, %add3A_584, %dma_start3A_590, %dma_start3A_591] : memref<32x80x2x128xi32, #tpu.memory_space<hbm>> -> memref<1x1x2x128xi32, #tpu.memory_space<hbm>>
        %dma_start3A_593 = tpu.memref_squeeze %dma_start3A_592 : memref<1x1x2x128xi32, #tpu.memory_space<hbm>> -> memref<2x128xi32, #tpu.memory_space<hbm>>
        %dma_start3A_594 = arith.constant 0 : i32
        %dma_start3A_595 = arith.constant 0 : i32
        %dma_start3A_596 = tpu.memref_slice %arg6[%dma_start3A_585, %dma_start3A_594, %dma_start3A_595] : memref<8x2x128xi32, #tpu.memory_space<vmem>> -> memref<1x2x128xi32, #tpu.memory_space<vmem>>
        %dma_start3A_597 = tpu.memref_squeeze %dma_start3A_596 : memref<1x2x128xi32, #tpu.memory_space<vmem>> -> memref<2x128xi32, #tpu.memory_space<vmem>>
        %dma_start3A_598 = arith.constant 0 : i32
        %dma_start3A_599 = arith.constant 0 : i32
        %dma_start3A_600 = tpu.memref_slice %arg3[%add3A, %add3A_584, %dma_start3A_598, %dma_start3A_599] : memref<32x80x2x128xi32, #tpu.memory_space<hbm>> -> memref<1x1x2x128xi32, #tpu.memory_space<hbm>>
        %dma_start3A_601 = tpu.memref_squeeze %dma_start3A_600 : memref<1x1x2x128xi32, #tpu.memory_space<hbm>> -> memref<2x128xi32, #tpu.memory_space<hbm>>
        tpu.enqueue_dma source(%dma_start3A_601 : memref<2x128xi32, #tpu.memory_space<hbm>>) target(%dma_start3A_597 : memref<2x128xi32, #tpu.memory_space<vmem>>) target_semaphore(%arg14 : memref<!tpu.dma_semaphore, #tpu.memory_space<semaphore_mem>>)
      } else {
      }
      %mul3A_247 = arith.constant 8 : i32
      %mul3A_248 = arith.muli %mul3A_247, %scan3A_136 : i32
      %add3A_249 = arith.constant 2 : i32
      %add3A_250 = arith.addi %mul3A_248, %add3A_249 : i32
      %add3A_251 = arith.constant 1 : i32
      %add3A_252 = arith.addi %add3A_250, %add3A_251 : i32
      %lt3A_253 = arith.constant 80 : i32
      %lt3A_254 = arith.cmpi slt, %add3A_252, %lt3A_253 : i32
      %convert_element_type3A_255 = arith.extui %lt3A_254 : i1 to i32
      %cond3A_256 = arith.constant 0 : i32
      %cond3A_257 = arith.cmpi ne, %convert_element_type3A_255, %cond3A_256 : i32
      scf.if %cond3A_257 {
        %add3A_583 = arith.constant 1 : i32
        %add3A_584 = arith.addi %add3A_250, %add3A_583 : i32
        %dma_wait3A_585 = arith.constant 3 : i32
        %dma_wait3A_586 = arith.constant 0 : i32
        %dma_wait3A_587 = arith.constant 0 : i32
        %dma_wait3A_588 = tpu.memref_slice %arg6[%dma_wait3A_585, %dma_wait3A_586, %dma_wait3A_587] : memref<8x2x128xi32, #tpu.memory_space<vmem>> -> memref<1x2x128xi32, #tpu.memory_space<vmem>>
        %dma_wait3A_589 = tpu.memref_squeeze %dma_wait3A_588 : memref<1x2x128xi32, #tpu.memory_space<vmem>> -> memref<2x128xi32, #tpu.memory_space<vmem>>
        %dma_wait3A_590 = arith.constant 0 : i32
        %dma_wait3A_591 = arith.constant 0 : i32
        %dma_wait3A_592 = tpu.memref_slice %arg3[%add3A, %add3A_584, %dma_wait3A_590, %dma_wait3A_591] : memref<32x80x2x128xi32, #tpu.memory_space<hbm>> -> memref<1x1x2x128xi32, #tpu.memory_space<hbm>>
        %dma_wait3A_593 = tpu.memref_squeeze %dma_wait3A_592 : memref<1x1x2x128xi32, #tpu.memory_space<hbm>> -> memref<2x128xi32, #tpu.memory_space<hbm>>
        %dma_wait3A_594 = arith.constant 0 : i32
        %dma_wait3A_595 = arith.constant 0 : i32
        %dma_wait3A_596 = tpu.memref_slice %arg6[%dma_wait3A_585, %dma_wait3A_594, %dma_wait3A_595] : memref<8x2x128xi32, #tpu.memory_space<vmem>> -> memref<1x2x128xi32, #tpu.memory_space<vmem>>
        %dma_wait3A_597 = tpu.memref_squeeze %dma_wait3A_596 : memref<1x2x128xi32, #tpu.memory_space<vmem>> -> memref<2x128xi32, #tpu.memory_space<vmem>>
        %dma_wait3A_598 = arith.constant 0 : i32
        %dma_wait3A_599 = arith.constant 0 : i32
        %dma_wait3A_600 = tpu.memref_slice %arg3[%add3A, %add3A_584, %dma_wait3A_598, %dma_wait3A_599] : memref<32x80x2x128xi32, #tpu.memory_space<hbm>> -> memref<1x1x2x128xi32, #tpu.memory_space<hbm>>
        %dma_wait3A_601 = tpu.memref_squeeze %dma_wait3A_600 : memref<1x1x2x128xi32, #tpu.memory_space<hbm>> -> memref<2x128xi32, #tpu.memory_space<hbm>>
        tpu.wait_dma2 semaphore(%arg12 : memref<!tpu.dma_semaphore, #tpu.memory_space<semaphore_mem>>) src(%dma_wait3A_601 : memref<2x128xi32, #tpu.memory_space<hbm>>) dst(%dma_wait3A_597 : memref<2x128xi32, #tpu.memory_space<vmem>>)
      } else {
      }
      %ge3A_258 = arith.constant 1 : i32
      %ge3A_259 = arith.cmpi sge, %add3A_250, %ge3A_258 : i32
      %convert_element_type3A_260 = arith.extui %ge3A_259 : i1 to i32
      %cond3A_261 = arith.constant 0 : i32
      %cond3A_262 = arith.cmpi ne, %convert_element_type3A_260, %cond3A_261 : i32
      scf.if %cond3A_262 {
        %dma_wait3A_583 = arith.constant 1 : i32
        %dma_wait3A_584 = arith.constant 1 : i32
        %dma_wait3A_585 = arith.constant 1 : i32
        %dma_wait3A_586 = arith.constant 0 : i32
        %dma_wait3A_587 = arith.constant 0 : i32
        %dma_wait3A_588 = tpu.memref_slice %arg7[%dma_wait3A_583, %dma_wait3A_586, %dma_wait3A_587] : memref<2x128x128xf32, #tpu.memory_space<vmem>> -> memref<1x128x128xf32, #tpu.memory_space<vmem>>
        %dma_wait3A_589 = tpu.memref_squeeze %dma_wait3A_588 : memref<1x128x128xf32, #tpu.memory_space<vmem>> -> memref<128x128xf32, #tpu.memory_space<vmem>>
        %dma_wait3A_590 = arith.constant 0 : i32
        %dma_wait3A_591 = tpu.memref_slice %arg6[%dma_wait3A_584, %dma_wait3A_585, %dma_wait3A_590] : memref<8x2x128xi32, #tpu.memory_space<vmem>> -> memref<1x1x128xi32, #tpu.memory_space<vmem>>
        %dma_wait3A_592 = tpu.memref_squeeze %dma_wait3A_591 : memref<1x1x128xi32, #tpu.memory_space<vmem>> -> memref<128xi32, #tpu.memory_space<vmem>>
        %dma_wait3A_593 = arith.constant 0 : i32
        %dma_wait3A_594 = arith.constant 0 : i32
        %dma_wait3A_595 = tpu.memref_slice %arg8[%dma_wait3A_593, %dma_wait3A_594] : memref<10512x128xf32, #tpu.memory_space<vmem_shared>> -> memref<10512x128xf32, #tpu.memory_space<vmem_shared>>
        tpu.wait_indirect_dma semaphore(%arg20 : memref<!tpu.dma_semaphore, #tpu.memory_space<semaphore_mem>>) src(%dma_wait3A_589 : memref<128x128xf32, #tpu.memory_space<vmem>>) dst(%dma_wait3A_595 : memref<10512x128xf32, #tpu.memory_space<vmem_shared>>)
      } else {
      }
      %add3A_263 = arith.constant 1 : i32
      %add3A_264 = arith.addi %add3A_250, %add3A_263 : i32
      %lt3A_265 = arith.constant 80 : i32
      %lt3A_266 = arith.cmpi slt, %add3A_264, %lt3A_265 : i32
      %convert_element_type3A_267 = arith.extui %lt3A_266 : i1 to i32
      %cond3A_268 = arith.constant 0 : i32
      %cond3A_269 = arith.cmpi ne, %convert_element_type3A_267, %cond3A_268 : i32
      scf.if %cond3A_269 {
        %dma_start3A_583 = arith.constant 3 : i32
        %dma_start3A_584 = arith.constant 0 : i32
        %dma_start3A_585 = arith.constant 1 : i32
        %dma_start3A_586 = arith.constant 0 : i32
        %dma_start3A_587 = arith.constant 0 : i32
        %dma_start3A_588 = tpu.memref_slice %arg7[%dma_start3A_585, %dma_start3A_586, %dma_start3A_587] : memref<2x128x128xf32, #tpu.memory_space<vmem>> -> memref<1x128x128xf32, #tpu.memory_space<vmem>>
        %dma_start3A_589 = tpu.memref_squeeze %dma_start3A_588 : memref<1x128x128xf32, #tpu.memory_space<vmem>> -> memref<128x128xf32, #tpu.memory_space<vmem>>
        %dma_start3A_590 = arith.constant 0 : i32
        %dma_start3A_591 = tpu.memref_slice %arg6[%dma_start3A_583, %dma_start3A_584, %dma_start3A_590] : memref<8x2x128xi32, #tpu.memory_space<vmem>> -> memref<1x1x128xi32, #tpu.memory_space<vmem>>
        %dma_start3A_592 = tpu.memref_squeeze %dma_start3A_591 : memref<1x1x128xi32, #tpu.memory_space<vmem>> -> memref<128xi32, #tpu.memory_space<vmem>>
        %dma_start3A_593 = arith.constant 0 : i32
        %dma_start3A_594 = arith.constant 0 : i32
        %dma_start3A_595 = tpu.memref_slice %arg2[%dma_start3A_593, %dma_start3A_594] : memref<10000x128xf32, #tpu.memory_space<hbm>> -> memref<10000x128xf32, #tpu.memory_space<hbm>>
        tpu.enqueue_indirect_dma source(%dma_start3A_595 : memref<10000x128xf32, #tpu.memory_space<hbm>>) target(%dma_start3A_589 : memref<128x128xf32, #tpu.memory_space<vmem>>) offsets(%dma_start3A_592 : memref<128xi32, #tpu.memory_space<vmem>>) semaphore(%arg18 : memref<!tpu.dma_semaphore, #tpu.memory_space<semaphore_mem>>)
      } else {
      }
      %dma_wait3A_270 = arith.constant 2 : i32
      %dma_wait3A_271 = arith.constant 0 : i32
      %dma_wait3A_272 = arith.constant 0 : i32
      %dma_wait3A_273 = arith.constant 0 : i32
      %dma_wait3A_274 = arith.constant 0 : i32
      %dma_wait3A_275 = tpu.memref_slice %arg7[%dma_wait3A_272, %dma_wait3A_273, %dma_wait3A_274] : memref<2x128x128xf32, #tpu.memory_space<vmem>> -> memref<1x128x128xf32, #tpu.memory_space<vmem>>
      %dma_wait3A_276 = tpu.memref_squeeze %dma_wait3A_275 : memref<1x128x128xf32, #tpu.memory_space<vmem>> -> memref<128x128xf32, #tpu.memory_space<vmem>>
      %dma_wait3A_277 = arith.constant 0 : i32
      %dma_wait3A_278 = tpu.memref_slice %arg6[%dma_wait3A_270, %dma_wait3A_271, %dma_wait3A_277] : memref<8x2x128xi32, #tpu.memory_space<vmem>> -> memref<1x1x128xi32, #tpu.memory_space<vmem>>
      %dma_wait3A_279 = tpu.memref_squeeze %dma_wait3A_278 : memref<1x1x128xi32, #tpu.memory_space<vmem>> -> memref<128xi32, #tpu.memory_space<vmem>>
      %dma_wait3A_280 = arith.constant 0 : i32
      %dma_wait3A_281 = arith.constant 0 : i32
      %dma_wait3A_282 = tpu.memref_slice %arg2[%dma_wait3A_280, %dma_wait3A_281] : memref<10000x128xf32, #tpu.memory_space<hbm>> -> memref<10000x128xf32, #tpu.memory_space<hbm>>
      tpu.wait_indirect_dma semaphore(%arg17 : memref<!tpu.dma_semaphore, #tpu.memory_space<semaphore_mem>>) src(%dma_wait3A_282 : memref<10000x128xf32, #tpu.memory_space<hbm>>) dst(%dma_wait3A_276 : memref<128x128xf32, #tpu.memory_space<vmem>>)
      %dma_start3A_283 = arith.constant 0 : i32
      %dma_start3A_284 = arith.constant 2 : i32
      %dma_start3A_285 = arith.constant 1 : i32
      %dma_start3A_286 = arith.constant 0 : i32
      %dma_start3A_287 = arith.constant 0 : i32
      %dma_start3A_288 = tpu.memref_slice %arg7[%dma_start3A_283, %dma_start3A_286, %dma_start3A_287] : memref<2x128x128xf32, #tpu.memory_space<vmem>> -> memref<1x128x128xf32, #tpu.memory_space<vmem>>
      %dma_start3A_289 = tpu.memref_squeeze %dma_start3A_288 : memref<1x128x128xf32, #tpu.memory_space<vmem>> -> memref<128x128xf32, #tpu.memory_space<vmem>>
      %dma_start3A_290 = arith.constant 0 : i32
      %dma_start3A_291 = tpu.memref_slice %arg6[%dma_start3A_284, %dma_start3A_285, %dma_start3A_290] : memref<8x2x128xi32, #tpu.memory_space<vmem>> -> memref<1x1x128xi32, #tpu.memory_space<vmem>>
      %dma_start3A_292 = tpu.memref_squeeze %dma_start3A_291 : memref<1x1x128xi32, #tpu.memory_space<vmem>> -> memref<128xi32, #tpu.memory_space<vmem>>
      %dma_start3A_293 = arith.constant 0 : i32
      %dma_start3A_294 = arith.constant 0 : i32
      %dma_start3A_295 = tpu.memref_slice %arg8[%dma_start3A_293, %dma_start3A_294] : memref<10512x128xf32, #tpu.memory_space<vmem_shared>> -> memref<10512x128xf32, #tpu.memory_space<vmem_shared>>
      tpu.enqueue_indirect_dma source(%dma_start3A_289 : memref<128x128xf32, #tpu.memory_space<vmem>>) target(%dma_start3A_295 : memref<10512x128xf32, #tpu.memory_space<vmem_shared>>) offsets(%dma_start3A_292 : memref<128xi32, #tpu.memory_space<vmem>>) semaphore(%arg19 : memref<!tpu.dma_semaphore, #tpu.memory_space<semaphore_mem>>) {add = true}
      %add3A_296 = arith.constant 4 : i32
      %add3A_297 = arith.addi %add3A_250, %add3A_296 : i32
      %lt3A_298 = arith.constant 80 : i32
      %lt3A_299 = arith.cmpi slt, %add3A_297, %lt3A_298 : i32
      %convert_element_type3A_300 = arith.extui %lt3A_299 : i1 to i32
      %cond3A_301 = arith.constant 0 : i32
      %cond3A_302 = arith.cmpi ne, %convert_element_type3A_300, %cond3A_301 : i32
      scf.if %cond3A_302 {
        %add3A_583 = arith.constant 4 : i32
        %add3A_584 = arith.addi %add3A_250, %add3A_583 : i32
        %dma_start3A_585 = arith.constant 6 : i32
        %dma_start3A_586 = arith.constant 0 : i32
        %dma_start3A_587 = arith.constant 0 : i32
        %dma_start3A_588 = tpu.memref_slice %arg6[%dma_start3A_585, %dma_start3A_586, %dma_start3A_587] : memref<8x2x128xi32, #tpu.memory_space<vmem>> -> memref<1x2x128xi32, #tpu.memory_space<vmem>>
        %dma_start3A_589 = tpu.memref_squeeze %dma_start3A_588 : memref<1x2x128xi32, #tpu.memory_space<vmem>> -> memref<2x128xi32, #tpu.memory_space<vmem>>
        %dma_start3A_590 = arith.constant 0 : i32
        %dma_start3A_591 = arith.constant 0 : i32
        %dma_start3A_592 = tpu.memref_slice %arg3[%add3A, %add3A_584, %dma_start3A_590, %dma_start3A_591] : memref<32x80x2x128xi32, #tpu.memory_space<hbm>> -> memref<1x1x2x128xi32, #tpu.memory_space<hbm>>
        %dma_start3A_593 = tpu.memref_squeeze %dma_start3A_592 : memref<1x1x2x128xi32, #tpu.memory_space<hbm>> -> memref<2x128xi32, #tpu.memory_space<hbm>>
        %dma_start3A_594 = arith.constant 0 : i32
        %dma_start3A_595 = arith.constant 0 : i32
        %dma_start3A_596 = tpu.memref_slice %arg6[%dma_start3A_585, %dma_start3A_594, %dma_start3A_595] : memref<8x2x128xi32, #tpu.memory_space<vmem>> -> memref<1x2x128xi32, #tpu.memory_space<vmem>>
        %dma_start3A_597 = tpu.memref_squeeze %dma_start3A_596 : memref<1x2x128xi32, #tpu.memory_space<vmem>> -> memref<2x128xi32, #tpu.memory_space<vmem>>
        %dma_start3A_598 = arith.constant 0 : i32
        %dma_start3A_599 = arith.constant 0 : i32
        %dma_start3A_600 = tpu.memref_slice %arg3[%add3A, %add3A_584, %dma_start3A_598, %dma_start3A_599] : memref<32x80x2x128xi32, #tpu.memory_space<hbm>> -> memref<1x1x2x128xi32, #tpu.memory_space<hbm>>
        %dma_start3A_601 = tpu.memref_squeeze %dma_start3A_600 : memref<1x1x2x128xi32, #tpu.memory_space<hbm>> -> memref<2x128xi32, #tpu.memory_space<hbm>>
        tpu.enqueue_dma source(%dma_start3A_601 : memref<2x128xi32, #tpu.memory_space<hbm>>) target(%dma_start3A_597 : memref<2x128xi32, #tpu.memory_space<vmem>>) target_semaphore(%arg15 : memref<!tpu.dma_semaphore, #tpu.memory_space<semaphore_mem>>)
      } else {
      }
      %mul3A_303 = arith.constant 8 : i32
      %mul3A_304 = arith.muli %mul3A_303, %scan3A_136 : i32
      %add3A_305 = arith.constant 3 : i32
      %add3A_306 = arith.addi %mul3A_304, %add3A_305 : i32
      %add3A_307 = arith.constant 1 : i32
      %add3A_308 = arith.addi %add3A_306, %add3A_307 : i32
      %lt3A_309 = arith.constant 80 : i32
      %lt3A_310 = arith.cmpi slt, %add3A_308, %lt3A_309 : i32
      %convert_element_type3A_311 = arith.extui %lt3A_310 : i1 to i32
      %cond3A_312 = arith.constant 0 : i32
      %cond3A_313 = arith.cmpi ne, %convert_element_type3A_311, %cond3A_312 : i32
      scf.if %cond3A_313 {
        %add3A_583 = arith.constant 1 : i32
        %add3A_584 = arith.addi %add3A_306, %add3A_583 : i32
        %dma_wait3A_585 = arith.constant 4 : i32
        %dma_wait3A_586 = arith.constant 0 : i32
        %dma_wait3A_587 = arith.constant 0 : i32
        %dma_wait3A_588 = tpu.memref_slice %arg6[%dma_wait3A_585, %dma_wait3A_586, %dma_wait3A_587] : memref<8x2x128xi32, #tpu.memory_space<vmem>> -> memref<1x2x128xi32, #tpu.memory_space<vmem>>
        %dma_wait3A_589 = tpu.memref_squeeze %dma_wait3A_588 : memref<1x2x128xi32, #tpu.memory_space<vmem>> -> memref<2x128xi32, #tpu.memory_space<vmem>>
        %dma_wait3A_590 = arith.constant 0 : i32
        %dma_wait3A_591 = arith.constant 0 : i32
        %dma_wait3A_592 = tpu.memref_slice %arg3[%add3A, %add3A_584, %dma_wait3A_590, %dma_wait3A_591] : memref<32x80x2x128xi32, #tpu.memory_space<hbm>> -> memref<1x1x2x128xi32, #tpu.memory_space<hbm>>
        %dma_wait3A_593 = tpu.memref_squeeze %dma_wait3A_592 : memref<1x1x2x128xi32, #tpu.memory_space<hbm>> -> memref<2x128xi32, #tpu.memory_space<hbm>>
        %dma_wait3A_594 = arith.constant 0 : i32
        %dma_wait3A_595 = arith.constant 0 : i32
        %dma_wait3A_596 = tpu.memref_slice %arg6[%dma_wait3A_585, %dma_wait3A_594, %dma_wait3A_595] : memref<8x2x128xi32, #tpu.memory_space<vmem>> -> memref<1x2x128xi32, #tpu.memory_space<vmem>>
        %dma_wait3A_597 = tpu.memref_squeeze %dma_wait3A_596 : memref<1x2x128xi32, #tpu.memory_space<vmem>> -> memref<2x128xi32, #tpu.memory_space<vmem>>
        %dma_wait3A_598 = arith.constant 0 : i32
        %dma_wait3A_599 = arith.constant 0 : i32
        %dma_wait3A_600 = tpu.memref_slice %arg3[%add3A, %add3A_584, %dma_wait3A_598, %dma_wait3A_599] : memref<32x80x2x128xi32, #tpu.memory_space<hbm>> -> memref<1x1x2x128xi32, #tpu.memory_space<hbm>>
        %dma_wait3A_601 = tpu.memref_squeeze %dma_wait3A_600 : memref<1x1x2x128xi32, #tpu.memory_space<hbm>> -> memref<2x128xi32, #tpu.memory_space<hbm>>
        tpu.wait_dma2 semaphore(%arg13 : memref<!tpu.dma_semaphore, #tpu.memory_space<semaphore_mem>>) src(%dma_wait3A_601 : memref<2x128xi32, #tpu.memory_space<hbm>>) dst(%dma_wait3A_597 : memref<2x128xi32, #tpu.memory_space<vmem>>)
      } else {
      }
      %ge3A_314 = arith.constant 1 : i32
      %ge3A_315 = arith.cmpi sge, %add3A_306, %ge3A_314 : i32
      %convert_element_type3A_316 = arith.extui %ge3A_315 : i1 to i32
      %cond3A_317 = arith.constant 0 : i32
      %cond3A_318 = arith.cmpi ne, %convert_element_type3A_316, %cond3A_317 : i32
      scf.if %cond3A_318 {
        %dma_wait3A_583 = arith.constant 0 : i32
        %dma_wait3A_584 = arith.constant 2 : i32
        %dma_wait3A_585 = arith.constant 1 : i32
        %dma_wait3A_586 = arith.constant 0 : i32
        %dma_wait3A_587 = arith.constant 0 : i32
        %dma_wait3A_588 = tpu.memref_slice %arg7[%dma_wait3A_583, %dma_wait3A_586, %dma_wait3A_587] : memref<2x128x128xf32, #tpu.memory_space<vmem>> -> memref<1x128x128xf32, #tpu.memory_space<vmem>>
        %dma_wait3A_589 = tpu.memref_squeeze %dma_wait3A_588 : memref<1x128x128xf32, #tpu.memory_space<vmem>> -> memref<128x128xf32, #tpu.memory_space<vmem>>
        %dma_wait3A_590 = arith.constant 0 : i32
        %dma_wait3A_591 = tpu.memref_slice %arg6[%dma_wait3A_584, %dma_wait3A_585, %dma_wait3A_590] : memref<8x2x128xi32, #tpu.memory_space<vmem>> -> memref<1x1x128xi32, #tpu.memory_space<vmem>>
        %dma_wait3A_592 = tpu.memref_squeeze %dma_wait3A_591 : memref<1x1x128xi32, #tpu.memory_space<vmem>> -> memref<128xi32, #tpu.memory_space<vmem>>
        %dma_wait3A_593 = arith.constant 0 : i32
        %dma_wait3A_594 = arith.constant 0 : i32
        %dma_wait3A_595 = tpu.memref_slice %arg8[%dma_wait3A_593, %dma_wait3A_594] : memref<10512x128xf32, #tpu.memory_space<vmem_shared>> -> memref<10512x128xf32, #tpu.memory_space<vmem_shared>>
        tpu.wait_indirect_dma semaphore(%arg19 : memref<!tpu.dma_semaphore, #tpu.memory_space<semaphore_mem>>) src(%dma_wait3A_589 : memref<128x128xf32, #tpu.memory_space<vmem>>) dst(%dma_wait3A_595 : memref<10512x128xf32, #tpu.memory_space<vmem_shared>>)
      } else {
      }
      %add3A_319 = arith.constant 1 : i32
      %add3A_320 = arith.addi %add3A_306, %add3A_319 : i32
      %lt3A_321 = arith.constant 80 : i32
      %lt3A_322 = arith.cmpi slt, %add3A_320, %lt3A_321 : i32
      %convert_element_type3A_323 = arith.extui %lt3A_322 : i1 to i32
      %cond3A_324 = arith.constant 0 : i32
      %cond3A_325 = arith.cmpi ne, %convert_element_type3A_323, %cond3A_324 : i32
      scf.if %cond3A_325 {
        %dma_start3A_583 = arith.constant 4 : i32
        %dma_start3A_584 = arith.constant 0 : i32
        %dma_start3A_585 = arith.constant 0 : i32
        %dma_start3A_586 = arith.constant 0 : i32
        %dma_start3A_587 = arith.constant 0 : i32
        %dma_start3A_588 = tpu.memref_slice %arg7[%dma_start3A_585, %dma_start3A_586, %dma_start3A_587] : memref<2x128x128xf32, #tpu.memory_space<vmem>> -> memref<1x128x128xf32, #tpu.memory_space<vmem>>
        %dma_start3A_589 = tpu.memref_squeeze %dma_start3A_588 : memref<1x128x128xf32, #tpu.memory_space<vmem>> -> memref<128x128xf32, #tpu.memory_space<vmem>>
        %dma_start3A_590 = arith.constant 0 : i32
        %dma_start3A_591 = tpu.memref_slice %arg6[%dma_start3A_583, %dma_start3A_584, %dma_start3A_590] : memref<8x2x128xi32, #tpu.memory_space<vmem>> -> memref<1x1x128xi32, #tpu.memory_space<vmem>>
        %dma_start3A_592 = tpu.memref_squeeze %dma_start3A_591 : memref<1x1x128xi32, #tpu.memory_space<vmem>> -> memref<128xi32, #tpu.memory_space<vmem>>
        %dma_start3A_593 = arith.constant 0 : i32
        %dma_start3A_594 = arith.constant 0 : i32
        %dma_start3A_595 = tpu.memref_slice %arg2[%dma_start3A_593, %dma_start3A_594] : memref<10000x128xf32, #tpu.memory_space<hbm>> -> memref<10000x128xf32, #tpu.memory_space<hbm>>
        tpu.enqueue_indirect_dma source(%dma_start3A_595 : memref<10000x128xf32, #tpu.memory_space<hbm>>) target(%dma_start3A_589 : memref<128x128xf32, #tpu.memory_space<vmem>>) offsets(%dma_start3A_592 : memref<128xi32, #tpu.memory_space<vmem>>) semaphore(%arg17 : memref<!tpu.dma_semaphore, #tpu.memory_space<semaphore_mem>>)
      } else {
      }
      %dma_wait3A_326 = arith.constant 3 : i32
      %dma_wait3A_327 = arith.constant 0 : i32
      %dma_wait3A_328 = arith.constant 1 : i32
      %dma_wait3A_329 = arith.constant 0 : i32
      %dma_wait3A_330 = arith.constant 0 : i32
      %dma_wait3A_331 = tpu.memref_slice %arg7[%dma_wait3A_328, %dma_wait3A_329, %dma_wait3A_330] : memref<2x128x128xf32, #tpu.memory_space<vmem>> -> memref<1x128x128xf32, #tpu.memory_space<vmem>>
      %dma_wait3A_332 = tpu.memref_squeeze %dma_wait3A_331 : memref<1x128x128xf32, #tpu.memory_space<vmem>> -> memref<128x128xf32, #tpu.memory_space<vmem>>
      %dma_wait3A_333 = arith.constant 0 : i32
      %dma_wait3A_334 = tpu.memref_slice %arg6[%dma_wait3A_326, %dma_wait3A_327, %dma_wait3A_333] : memref<8x2x128xi32, #tpu.memory_space<vmem>> -> memref<1x1x128xi32, #tpu.memory_space<vmem>>
      %dma_wait3A_335 = tpu.memref_squeeze %dma_wait3A_334 : memref<1x1x128xi32, #tpu.memory_space<vmem>> -> memref<128xi32, #tpu.memory_space<vmem>>
      %dma_wait3A_336 = arith.constant 0 : i32
      %dma_wait3A_337 = arith.constant 0 : i32
      %dma_wait3A_338 = tpu.memref_slice %arg2[%dma_wait3A_336, %dma_wait3A_337] : memref<10000x128xf32, #tpu.memory_space<hbm>> -> memref<10000x128xf32, #tpu.memory_space<hbm>>
      tpu.wait_indirect_dma semaphore(%arg18 : memref<!tpu.dma_semaphore, #tpu.memory_space<semaphore_mem>>) src(%dma_wait3A_338 : memref<10000x128xf32, #tpu.memory_space<hbm>>) dst(%dma_wait3A_332 : memref<128x128xf32, #tpu.memory_space<vmem>>)
      %dma_start3A_339 = arith.constant 1 : i32
      %dma_start3A_340 = arith.constant 3 : i32
      %dma_start3A_341 = arith.constant 1 : i32
      %dma_start3A_342 = arith.constant 0 : i32
      %dma_start3A_343 = arith.constant 0 : i32
      %dma_start3A_344 = tpu.memref_slice %arg7[%dma_start3A_339, %dma_start3A_342, %dma_start3A_343] : memref<2x128x128xf32, #tpu.memory_space<vmem>> -> memref<1x128x128xf32, #tpu.memory_space<vmem>>
      %dma_start3A_345 = tpu.memref_squeeze %dma_start3A_344 : memref<1x128x128xf32, #tpu.memory_space<vmem>> -> memref<128x128xf32, #tpu.memory_space<vmem>>
      %dma_start3A_346 = arith.constant 0 : i32
      %dma_start3A_347 = tpu.memref_slice %arg6[%dma_start3A_340, %dma_start3A_341, %dma_start3A_346] : memref<8x2x128xi32, #tpu.memory_space<vmem>> -> memref<1x1x128xi32, #tpu.memory_space<vmem>>
      %dma_start3A_348 = tpu.memref_squeeze %dma_start3A_347 : memref<1x1x128xi32, #tpu.memory_space<vmem>> -> memref<128xi32, #tpu.memory_space<vmem>>
      %dma_start3A_349 = arith.constant 0 : i32
      %dma_start3A_350 = arith.constant 0 : i32
      %dma_start3A_351 = tpu.memref_slice %arg8[%dma_start3A_349, %dma_start3A_350] : memref<10512x128xf32, #tpu.memory_space<vmem_shared>> -> memref<10512x128xf32, #tpu.memory_space<vmem_shared>>
      tpu.enqueue_indirect_dma source(%dma_start3A_345 : memref<128x128xf32, #tpu.memory_space<vmem>>) target(%dma_start3A_351 : memref<10512x128xf32, #tpu.memory_space<vmem_shared>>) offsets(%dma_start3A_348 : memref<128xi32, #tpu.memory_space<vmem>>) semaphore(%arg20 : memref<!tpu.dma_semaphore, #tpu.memory_space<semaphore_mem>>) {add = true}
      %add3A_352 = arith.constant 4 : i32
      %add3A_353 = arith.addi %add3A_306, %add3A_352 : i32
      %lt3A_354 = arith.constant 80 : i32
      %lt3A_355 = arith.cmpi slt, %add3A_353, %lt3A_354 : i32
      %convert_element_type3A_356 = arith.extui %lt3A_355 : i1 to i32
      %cond3A_357 = arith.constant 0 : i32
      %cond3A_358 = arith.cmpi ne, %convert_element_type3A_356, %cond3A_357 : i32
      scf.if %cond3A_358 {
        %add3A_583 = arith.constant 4 : i32
        %add3A_584 = arith.addi %add3A_306, %add3A_583 : i32
        %dma_start3A_585 = arith.constant 7 : i32
        %dma_start3A_586 = arith.constant 0 : i32
        %dma_start3A_587 = arith.constant 0 : i32
        %dma_start3A_588 = tpu.memref_slice %arg6[%dma_start3A_585, %dma_start3A_586, %dma_start3A_587] : memref<8x2x128xi32, #tpu.memory_space<vmem>> -> memref<1x2x128xi32, #tpu.memory_space<vmem>>
        %dma_start3A_589 = tpu.memref_squeeze %dma_start3A_588 : memref<1x2x128xi32, #tpu.memory_space<vmem>> -> memref<2x128xi32, #tpu.memory_space<vmem>>
        %dma_start3A_590 = arith.constant 0 : i32
        %dma_start3A_591 = arith.constant 0 : i32
        %dma_start3A_592 = tpu.memref_slice %arg3[%add3A, %add3A_584, %dma_start3A_590, %dma_start3A_591] : memref<32x80x2x128xi32, #tpu.memory_space<hbm>> -> memref<1x1x2x128xi32, #tpu.memory_space<hbm>>
        %dma_start3A_593 = tpu.memref_squeeze %dma_start3A_592 : memref<1x1x2x128xi32, #tpu.memory_space<hbm>> -> memref<2x128xi32, #tpu.memory_space<hbm>>
        %dma_start3A_594 = arith.constant 0 : i32
        %dma_start3A_595 = arith.constant 0 : i32
        %dma_start3A_596 = tpu.memref_slice %arg6[%dma_start3A_585, %dma_start3A_594, %dma_start3A_595] : memref<8x2x128xi32, #tpu.memory_space<vmem>> -> memref<1x2x128xi32, #tpu.memory_space<vmem>>
        %dma_start3A_597 = tpu.memref_squeeze %dma_start3A_596 : memref<1x2x128xi32, #tpu.memory_space<vmem>> -> memref<2x128xi32, #tpu.memory_space<vmem>>
        %dma_start3A_598 = arith.constant 0 : i32
        %dma_start3A_599 = arith.constant 0 : i32
        %dma_start3A_600 = tpu.memref_slice %arg3[%add3A, %add3A_584, %dma_start3A_598, %dma_start3A_599] : memref<32x80x2x128xi32, #tpu.memory_space<hbm>> -> memref<1x1x2x128xi32, #tpu.memory_space<hbm>>
        %dma_start3A_601 = tpu.memref_squeeze %dma_start3A_600 : memref<1x1x2x128xi32, #tpu.memory_space<hbm>> -> memref<2x128xi32, #tpu.memory_space<hbm>>
        tpu.enqueue_dma source(%dma_start3A_601 : memref<2x128xi32, #tpu.memory_space<hbm>>) target(%dma_start3A_597 : memref<2x128xi32, #tpu.memory_space<vmem>>) target_semaphore(%arg16 : memref<!tpu.dma_semaphore, #tpu.memory_space<semaphore_mem>>)
      } else {
      }
      %mul3A_359 = arith.constant 8 : i32
      %mul3A_360 = arith.muli %mul3A_359, %scan3A_136 : i32
      %add3A_361 = arith.constant 4 : i32
      %add3A_362 = arith.addi %mul3A_360, %add3A_361 : i32
      %add3A_363 = arith.constant 1 : i32
      %add3A_364 = arith.addi %add3A_362, %add3A_363 : i32
      %lt3A_365 = arith.constant 80 : i32
      %lt3A_366 = arith.cmpi slt, %add3A_364, %lt3A_365 : i32
      %convert_element_type3A_367 = arith.extui %lt3A_366 : i1 to i32
      %cond3A_368 = arith.constant 0 : i32
      %cond3A_369 = arith.cmpi ne, %convert_element_type3A_367, %cond3A_368 : i32
      scf.if %cond3A_369 {
        %add3A_583 = arith.constant 1 : i32
        %add3A_584 = arith.addi %add3A_362, %add3A_583 : i32
        %dma_wait3A_585 = arith.constant 5 : i32
        %dma_wait3A_586 = arith.constant 0 : i32
        %dma_wait3A_587 = arith.constant 0 : i32
        %dma_wait3A_588 = tpu.memref_slice %arg6[%dma_wait3A_585, %dma_wait3A_586, %dma_wait3A_587] : memref<8x2x128xi32, #tpu.memory_space<vmem>> -> memref<1x2x128xi32, #tpu.memory_space<vmem>>
        %dma_wait3A_589 = tpu.memref_squeeze %dma_wait3A_588 : memref<1x2x128xi32, #tpu.memory_space<vmem>> -> memref<2x128xi32, #tpu.memory_space<vmem>>
        %dma_wait3A_590 = arith.constant 0 : i32
        %dma_wait3A_591 = arith.constant 0 : i32
        %dma_wait3A_592 = tpu.memref_slice %arg3[%add3A, %add3A_584, %dma_wait3A_590, %dma_wait3A_591] : memref<32x80x2x128xi32, #tpu.memory_space<hbm>> -> memref<1x1x2x128xi32, #tpu.memory_space<hbm>>
        %dma_wait3A_593 = tpu.memref_squeeze %dma_wait3A_592 : memref<1x1x2x128xi32, #tpu.memory_space<hbm>> -> memref<2x128xi32, #tpu.memory_space<hbm>>
        %dma_wait3A_594 = arith.constant 0 : i32
        %dma_wait3A_595 = arith.constant 0 : i32
        %dma_wait3A_596 = tpu.memref_slice %arg6[%dma_wait3A_585, %dma_wait3A_594, %dma_wait3A_595] : memref<8x2x128xi32, #tpu.memory_space<vmem>> -> memref<1x2x128xi32, #tpu.memory_space<vmem>>
        %dma_wait3A_597 = tpu.memref_squeeze %dma_wait3A_596 : memref<1x2x128xi32, #tpu.memory_space<vmem>> -> memref<2x128xi32, #tpu.memory_space<vmem>>
        %dma_wait3A_598 = arith.constant 0 : i32
        %dma_wait3A_599 = arith.constant 0 : i32
        %dma_wait3A_600 = tpu.memref_slice %arg3[%add3A, %add3A_584, %dma_wait3A_598, %dma_wait3A_599] : memref<32x80x2x128xi32, #tpu.memory_space<hbm>> -> memref<1x1x2x128xi32, #tpu.memory_space<hbm>>
        %dma_wait3A_601 = tpu.memref_squeeze %dma_wait3A_600 : memref<1x1x2x128xi32, #tpu.memory_space<hbm>> -> memref<2x128xi32, #tpu.memory_space<hbm>>
        tpu.wait_dma2 semaphore(%arg14 : memref<!tpu.dma_semaphore, #tpu.memory_space<semaphore_mem>>) src(%dma_wait3A_601 : memref<2x128xi32, #tpu.memory_space<hbm>>) dst(%dma_wait3A_597 : memref<2x128xi32, #tpu.memory_space<vmem>>)
      } else {
      }
      %ge3A_370 = arith.constant 1 : i32
      %ge3A_371 = arith.cmpi sge, %add3A_362, %ge3A_370 : i32
      %convert_element_type3A_372 = arith.extui %ge3A_371 : i1 to i32
      %cond3A_373 = arith.constant 0 : i32
      %cond3A_374 = arith.cmpi ne, %convert_element_type3A_372, %cond3A_373 : i32
      scf.if %cond3A_374 {
        %dma_wait3A_583 = arith.constant 1 : i32
        %dma_wait3A_584 = arith.constant 3 : i32
        %dma_wait3A_585 = arith.constant 1 : i32
        %dma_wait3A_586 = arith.constant 0 : i32
        %dma_wait3A_587 = arith.constant 0 : i32
        %dma_wait3A_588 = tpu.memref_slice %arg7[%dma_wait3A_583, %dma_wait3A_586, %dma_wait3A_587] : memref<2x128x128xf32, #tpu.memory_space<vmem>> -> memref<1x128x128xf32, #tpu.memory_space<vmem>>
        %dma_wait3A_589 = tpu.memref_squeeze %dma_wait3A_588 : memref<1x128x128xf32, #tpu.memory_space<vmem>> -> memref<128x128xf32, #tpu.memory_space<vmem>>
        %dma_wait3A_590 = arith.constant 0 : i32
        %dma_wait3A_591 = tpu.memref_slice %arg6[%dma_wait3A_584, %dma_wait3A_585, %dma_wait3A_590] : memref<8x2x128xi32, #tpu.memory_space<vmem>> -> memref<1x1x128xi32, #tpu.memory_space<vmem>>
        %dma_wait3A_592 = tpu.memref_squeeze %dma_wait3A_591 : memref<1x1x128xi32, #tpu.memory_space<vmem>> -> memref<128xi32, #tpu.memory_space<vmem>>
        %dma_wait3A_593 = arith.constant 0 : i32
        %dma_wait3A_594 = arith.constant 0 : i32
        %dma_wait3A_595 = tpu.memref_slice %arg8[%dma_wait3A_593, %dma_wait3A_594] : memref<10512x128xf32, #tpu.memory_space<vmem_shared>> -> memref<10512x128xf32, #tpu.memory_space<vmem_shared>>
        tpu.wait_indirect_dma semaphore(%arg20 : memref<!tpu.dma_semaphore, #tpu.memory_space<semaphore_mem>>) src(%dma_wait3A_589 : memref<128x128xf32, #tpu.memory_space<vmem>>) dst(%dma_wait3A_595 : memref<10512x128xf32, #tpu.memory_space<vmem_shared>>)
      } else {
      }
      %add3A_375 = arith.constant 1 : i32
      %add3A_376 = arith.addi %add3A_362, %add3A_375 : i32
      %lt3A_377 = arith.constant 80 : i32
      %lt3A_378 = arith.cmpi slt, %add3A_376, %lt3A_377 : i32
      %convert_element_type3A_379 = arith.extui %lt3A_378 : i1 to i32
      %cond3A_380 = arith.constant 0 : i32
      %cond3A_381 = arith.cmpi ne, %convert_element_type3A_379, %cond3A_380 : i32
      scf.if %cond3A_381 {
        %dma_start3A_583 = arith.constant 5 : i32
        %dma_start3A_584 = arith.constant 0 : i32
        %dma_start3A_585 = arith.constant 1 : i32
        %dma_start3A_586 = arith.constant 0 : i32
        %dma_start3A_587 = arith.constant 0 : i32
        %dma_start3A_588 = tpu.memref_slice %arg7[%dma_start3A_585, %dma_start3A_586, %dma_start3A_587] : memref<2x128x128xf32, #tpu.memory_space<vmem>> -> memref<1x128x128xf32, #tpu.memory_space<vmem>>
        %dma_start3A_589 = tpu.memref_squeeze %dma_start3A_588 : memref<1x128x128xf32, #tpu.memory_space<vmem>> -> memref<128x128xf32, #tpu.memory_space<vmem>>
        %dma_start3A_590 = arith.constant 0 : i32
        %dma_start3A_591 = tpu.memref_slice %arg6[%dma_start3A_583, %dma_start3A_584, %dma_start3A_590] : memref<8x2x128xi32, #tpu.memory_space<vmem>> -> memref<1x1x128xi32, #tpu.memory_space<vmem>>
        %dma_start3A_592 = tpu.memref_squeeze %dma_start3A_591 : memref<1x1x128xi32, #tpu.memory_space<vmem>> -> memref<128xi32, #tpu.memory_space<vmem>>
        %dma_start3A_593 = arith.constant 0 : i32
        %dma_start3A_594 = arith.constant 0 : i32
        %dma_start3A_595 = tpu.memref_slice %arg2[%dma_start3A_593, %dma_start3A_594] : memref<10000x128xf32, #tpu.memory_space<hbm>> -> memref<10000x128xf32, #tpu.memory_space<hbm>>
        tpu.enqueue_indirect_dma source(%dma_start3A_595 : memref<10000x128xf32, #tpu.memory_space<hbm>>) target(%dma_start3A_589 : memref<128x128xf32, #tpu.memory_space<vmem>>) offsets(%dma_start3A_592 : memref<128xi32, #tpu.memory_space<vmem>>) semaphore(%arg18 : memref<!tpu.dma_semaphore, #tpu.memory_space<semaphore_mem>>)
      } else {
      }
      %dma_wait3A_382 = arith.constant 4 : i32
      %dma_wait3A_383 = arith.constant 0 : i32
      %dma_wait3A_384 = arith.constant 0 : i32
      %dma_wait3A_385 = arith.constant 0 : i32
      %dma_wait3A_386 = arith.constant 0 : i32
      %dma_wait3A_387 = tpu.memref_slice %arg7[%dma_wait3A_384, %dma_wait3A_385, %dma_wait3A_386] : memref<2x128x128xf32, #tpu.memory_space<vmem>> -> memref<1x128x128xf32, #tpu.memory_space<vmem>>
      %dma_wait3A_388 = tpu.memref_squeeze %dma_wait3A_387 : memref<1x128x128xf32, #tpu.memory_space<vmem>> -> memref<128x128xf32, #tpu.memory_space<vmem>>
      %dma_wait3A_389 = arith.constant 0 : i32
      %dma_wait3A_390 = tpu.memref_slice %arg6[%dma_wait3A_382, %dma_wait3A_383, %dma_wait3A_389] : memref<8x2x128xi32, #tpu.memory_space<vmem>> -> memref<1x1x128xi32, #tpu.memory_space<vmem>>
      %dma_wait3A_391 = tpu.memref_squeeze %dma_wait3A_390 : memref<1x1x128xi32, #tpu.memory_space<vmem>> -> memref<128xi32, #tpu.memory_space<vmem>>
      %dma_wait3A_392 = arith.constant 0 : i32
      %dma_wait3A_393 = arith.constant 0 : i32
      %dma_wait3A_394 = tpu.memref_slice %arg2[%dma_wait3A_392, %dma_wait3A_393] : memref<10000x128xf32, #tpu.memory_space<hbm>> -> memref<10000x128xf32, #tpu.memory_space<hbm>>
      tpu.wait_indirect_dma semaphore(%arg17 : memref<!tpu.dma_semaphore, #tpu.memory_space<semaphore_mem>>) src(%dma_wait3A_394 : memref<10000x128xf32, #tpu.memory_space<hbm>>) dst(%dma_wait3A_388 : memref<128x128xf32, #tpu.memory_space<vmem>>)
      %dma_start3A_395 = arith.constant 0 : i32
      %dma_start3A_396 = arith.constant 4 : i32
      %dma_start3A_397 = arith.constant 1 : i32
      %dma_start3A_398 = arith.constant 0 : i32
      %dma_start3A_399 = arith.constant 0 : i32
      %dma_start3A_400 = tpu.memref_slice %arg7[%dma_start3A_395, %dma_start3A_398, %dma_start3A_399] : memref<2x128x128xf32, #tpu.memory_space<vmem>> -> memref<1x128x128xf32, #tpu.memory_space<vmem>>
      %dma_start3A_401 = tpu.memref_squeeze %dma_start3A_400 : memref<1x128x128xf32, #tpu.memory_space<vmem>> -> memref<128x128xf32, #tpu.memory_space<vmem>>
      %dma_start3A_402 = arith.constant 0 : i32
      %dma_start3A_403 = tpu.memref_slice %arg6[%dma_start3A_396, %dma_start3A_397, %dma_start3A_402] : memref<8x2x128xi32, #tpu.memory_space<vmem>> -> memref<1x1x128xi32, #tpu.memory_space<vmem>>
      %dma_start3A_404 = tpu.memref_squeeze %dma_start3A_403 : memref<1x1x128xi32, #tpu.memory_space<vmem>> -> memref<128xi32, #tpu.memory_space<vmem>>
      %dma_start3A_405 = arith.constant 0 : i32
      %dma_start3A_406 = arith.constant 0 : i32
      %dma_start3A_407 = tpu.memref_slice %arg8[%dma_start3A_405, %dma_start3A_406] : memref<10512x128xf32, #tpu.memory_space<vmem_shared>> -> memref<10512x128xf32, #tpu.memory_space<vmem_shared>>
      tpu.enqueue_indirect_dma source(%dma_start3A_401 : memref<128x128xf32, #tpu.memory_space<vmem>>) target(%dma_start3A_407 : memref<10512x128xf32, #tpu.memory_space<vmem_shared>>) offsets(%dma_start3A_404 : memref<128xi32, #tpu.memory_space<vmem>>) semaphore(%arg19 : memref<!tpu.dma_semaphore, #tpu.memory_space<semaphore_mem>>) {add = true}
      %add3A_408 = arith.constant 4 : i32
      %add3A_409 = arith.addi %add3A_362, %add3A_408 : i32
      %lt3A_410 = arith.constant 80 : i32
      %lt3A_411 = arith.cmpi slt, %add3A_409, %lt3A_410 : i32
      %convert_element_type3A_412 = arith.extui %lt3A_411 : i1 to i32
      %cond3A_413 = arith.constant 0 : i32
      %cond3A_414 = arith.cmpi ne, %convert_element_type3A_412, %cond3A_413 : i32
      scf.if %cond3A_414 {
        %add3A_583 = arith.constant 4 : i32
        %add3A_584 = arith.addi %add3A_362, %add3A_583 : i32
        %dma_start3A_585 = arith.constant 0 : i32
        %dma_start3A_586 = arith.constant 0 : i32
        %dma_start3A_587 = arith.constant 0 : i32
        %dma_start3A_588 = tpu.memref_slice %arg6[%dma_start3A_585, %dma_start3A_586, %dma_start3A_587] : memref<8x2x128xi32, #tpu.memory_space<vmem>> -> memref<1x2x128xi32, #tpu.memory_space<vmem>>
        %dma_start3A_589 = tpu.memref_squeeze %dma_start3A_588 : memref<1x2x128xi32, #tpu.memory_space<vmem>> -> memref<2x128xi32, #tpu.memory_space<vmem>>
        %dma_start3A_590 = arith.constant 0 : i32
        %dma_start3A_591 = arith.constant 0 : i32
        %dma_start3A_592 = tpu.memref_slice %arg3[%add3A, %add3A_584, %dma_start3A_590, %dma_start3A_591] : memref<32x80x2x128xi32, #tpu.memory_space<hbm>> -> memref<1x1x2x128xi32, #tpu.memory_space<hbm>>
        %dma_start3A_593 = tpu.memref_squeeze %dma_start3A_592 : memref<1x1x2x128xi32, #tpu.memory_space<hbm>> -> memref<2x128xi32, #tpu.memory_space<hbm>>
        %dma_start3A_594 = arith.constant 0 : i32
        %dma_start3A_595 = arith.constant 0 : i32
        %dma_start3A_596 = tpu.memref_slice %arg6[%dma_start3A_585, %dma_start3A_594, %dma_start3A_595] : memref<8x2x128xi32, #tpu.memory_space<vmem>> -> memref<1x2x128xi32, #tpu.memory_space<vmem>>
        %dma_start3A_597 = tpu.memref_squeeze %dma_start3A_596 : memref<1x2x128xi32, #tpu.memory_space<vmem>> -> memref<2x128xi32, #tpu.memory_space<vmem>>
        %dma_start3A_598 = arith.constant 0 : i32
        %dma_start3A_599 = arith.constant 0 : i32
        %dma_start3A_600 = tpu.memref_slice %arg3[%add3A, %add3A_584, %dma_start3A_598, %dma_start3A_599] : memref<32x80x2x128xi32, #tpu.memory_space<hbm>> -> memref<1x1x2x128xi32, #tpu.memory_space<hbm>>
        %dma_start3A_601 = tpu.memref_squeeze %dma_start3A_600 : memref<1x1x2x128xi32, #tpu.memory_space<hbm>> -> memref<2x128xi32, #tpu.memory_space<hbm>>
        tpu.enqueue_dma source(%dma_start3A_601 : memref<2x128xi32, #tpu.memory_space<hbm>>) target(%dma_start3A_597 : memref<2x128xi32, #tpu.memory_space<vmem>>) target_semaphore(%arg9 : memref<!tpu.dma_semaphore, #tpu.memory_space<semaphore_mem>>)
      } else {
      }
      %mul3A_415 = arith.constant 8 : i32
      %mul3A_416 = arith.muli %mul3A_415, %scan3A_136 : i32
      %add3A_417 = arith.constant 5 : i32
      %add3A_418 = arith.addi %mul3A_416, %add3A_417 : i32
      %add3A_419 = arith.constant 1 : i32
      %add3A_420 = arith.addi %add3A_418, %add3A_419 : i32
      %lt3A_421 = arith.constant 80 : i32
      %lt3A_422 = arith.cmpi slt, %add3A_420, %lt3A_421 : i32
      %convert_element_type3A_423 = arith.extui %lt3A_422 : i1 to i32
      %cond3A_424 = arith.constant 0 : i32
      %cond3A_425 = arith.cmpi ne, %convert_element_type3A_423, %cond3A_424 : i32
      scf.if %cond3A_425 {
        %add3A_583 = arith.constant 1 : i32
        %add3A_584 = arith.addi %add3A_418, %add3A_583 : i32
        %dma_wait3A_585 = arith.constant 6 : i32
        %dma_wait3A_586 = arith.constant 0 : i32
        %dma_wait3A_587 = arith.constant 0 : i32
        %dma_wait3A_588 = tpu.memref_slice %arg6[%dma_wait3A_585, %dma_wait3A_586, %dma_wait3A_587] : memref<8x2x128xi32, #tpu.memory_space<vmem>> -> memref<1x2x128xi32, #tpu.memory_space<vmem>>
        %dma_wait3A_589 = tpu.memref_squeeze %dma_wait3A_588 : memref<1x2x128xi32, #tpu.memory_space<vmem>> -> memref<2x128xi32, #tpu.memory_space<vmem>>
        %dma_wait3A_590 = arith.constant 0 : i32
        %dma_wait3A_591 = arith.constant 0 : i32
        %dma_wait3A_592 = tpu.memref_slice %arg3[%add3A, %add3A_584, %dma_wait3A_590, %dma_wait3A_591] : memref<32x80x2x128xi32, #tpu.memory_space<hbm>> -> memref<1x1x2x128xi32, #tpu.memory_space<hbm>>
        %dma_wait3A_593 = tpu.memref_squeeze %dma_wait3A_592 : memref<1x1x2x128xi32, #tpu.memory_space<hbm>> -> memref<2x128xi32, #tpu.memory_space<hbm>>
        %dma_wait3A_594 = arith.constant 0 : i32
        %dma_wait3A_595 = arith.constant 0 : i32
        %dma_wait3A_596 = tpu.memref_slice %arg6[%dma_wait3A_585, %dma_wait3A_594, %dma_wait3A_595] : memref<8x2x128xi32, #tpu.memory_space<vmem>> -> memref<1x2x128xi32, #tpu.memory_space<vmem>>
        %dma_wait3A_597 = tpu.memref_squeeze %dma_wait3A_596 : memref<1x2x128xi32, #tpu.memory_space<vmem>> -> memref<2x128xi32, #tpu.memory_space<vmem>>
        %dma_wait3A_598 = arith.constant 0 : i32
        %dma_wait3A_599 = arith.constant 0 : i32
        %dma_wait3A_600 = tpu.memref_slice %arg3[%add3A, %add3A_584, %dma_wait3A_598, %dma_wait3A_599] : memref<32x80x2x128xi32, #tpu.memory_space<hbm>> -> memref<1x1x2x128xi32, #tpu.memory_space<hbm>>
        %dma_wait3A_601 = tpu.memref_squeeze %dma_wait3A_600 : memref<1x1x2x128xi32, #tpu.memory_space<hbm>> -> memref<2x128xi32, #tpu.memory_space<hbm>>
        tpu.wait_dma2 semaphore(%arg15 : memref<!tpu.dma_semaphore, #tpu.memory_space<semaphore_mem>>) src(%dma_wait3A_601 : memref<2x128xi32, #tpu.memory_space<hbm>>) dst(%dma_wait3A_597 : memref<2x128xi32, #tpu.memory_space<vmem>>)
      } else {
      }
      %ge3A_426 = arith.constant 1 : i32
      %ge3A_427 = arith.cmpi sge, %add3A_418, %ge3A_426 : i32
      %convert_element_type3A_428 = arith.extui %ge3A_427 : i1 to i32
      %cond3A_429 = arith.constant 0 : i32
      %cond3A_430 = arith.cmpi ne, %convert_element_type3A_428, %cond3A_429 : i32
      scf.if %cond3A_430 {
        %dma_wait3A_583 = arith.constant 0 : i32
        %dma_wait3A_584 = arith.constant 4 : i32
        %dma_wait3A_585 = arith.constant 1 : i32
        %dma_wait3A_586 = arith.constant 0 : i32
        %dma_wait3A_587 = arith.constant 0 : i32
        %dma_wait3A_588 = tpu.memref_slice %arg7[%dma_wait3A_583, %dma_wait3A_586, %dma_wait3A_587] : memref<2x128x128xf32, #tpu.memory_space<vmem>> -> memref<1x128x128xf32, #tpu.memory_space<vmem>>
        %dma_wait3A_589 = tpu.memref_squeeze %dma_wait3A_588 : memref<1x128x128xf32, #tpu.memory_space<vmem>> -> memref<128x128xf32, #tpu.memory_space<vmem>>
        %dma_wait3A_590 = arith.constant 0 : i32
        %dma_wait3A_591 = tpu.memref_slice %arg6[%dma_wait3A_584, %dma_wait3A_585, %dma_wait3A_590] : memref<8x2x128xi32, #tpu.memory_space<vmem>> -> memref<1x1x128xi32, #tpu.memory_space<vmem>>
        %dma_wait3A_592 = tpu.memref_squeeze %dma_wait3A_591 : memref<1x1x128xi32, #tpu.memory_space<vmem>> -> memref<128xi32, #tpu.memory_space<vmem>>
        %dma_wait3A_593 = arith.constant 0 : i32
        %dma_wait3A_594 = arith.constant 0 : i32
        %dma_wait3A_595 = tpu.memref_slice %arg8[%dma_wait3A_593, %dma_wait3A_594] : memref<10512x128xf32, #tpu.memory_space<vmem_shared>> -> memref<10512x128xf32, #tpu.memory_space<vmem_shared>>
        tpu.wait_indirect_dma semaphore(%arg19 : memref<!tpu.dma_semaphore, #tpu.memory_space<semaphore_mem>>) src(%dma_wait3A_589 : memref<128x128xf32, #tpu.memory_space<vmem>>) dst(%dma_wait3A_595 : memref<10512x128xf32, #tpu.memory_space<vmem_shared>>)
      } else {
      }
      %add3A_431 = arith.constant 1 : i32
      %add3A_432 = arith.addi %add3A_418, %add3A_431 : i32
      %lt3A_433 = arith.constant 80 : i32
      %lt3A_434 = arith.cmpi slt, %add3A_432, %lt3A_433 : i32
      %convert_element_type3A_435 = arith.extui %lt3A_434 : i1 to i32
      %cond3A_436 = arith.constant 0 : i32
      %cond3A_437 = arith.cmpi ne, %convert_element_type3A_435, %cond3A_436 : i32
      scf.if %cond3A_437 {
        %dma_start3A_583 = arith.constant 6 : i32
        %dma_start3A_584 = arith.constant 0 : i32
        %dma_start3A_585 = arith.constant 0 : i32
        %dma_start3A_586 = arith.constant 0 : i32
        %dma_start3A_587 = arith.constant 0 : i32
        %dma_start3A_588 = tpu.memref_slice %arg7[%dma_start3A_585, %dma_start3A_586, %dma_start3A_587] : memref<2x128x128xf32, #tpu.memory_space<vmem>> -> memref<1x128x128xf32, #tpu.memory_space<vmem>>
        %dma_start3A_589 = tpu.memref_squeeze %dma_start3A_588 : memref<1x128x128xf32, #tpu.memory_space<vmem>> -> memref<128x128xf32, #tpu.memory_space<vmem>>
        %dma_start3A_590 = arith.constant 0 : i32
        %dma_start3A_591 = tpu.memref_slice %arg6[%dma_start3A_583, %dma_start3A_584, %dma_start3A_590] : memref<8x2x128xi32, #tpu.memory_space<vmem>> -> memref<1x1x128xi32, #tpu.memory_space<vmem>>
        %dma_start3A_592 = tpu.memref_squeeze %dma_start3A_591 : memref<1x1x128xi32, #tpu.memory_space<vmem>> -> memref<128xi32, #tpu.memory_space<vmem>>
        %dma_start3A_593 = arith.constant 0 : i32
        %dma_start3A_594 = arith.constant 0 : i32
        %dma_start3A_595 = tpu.memref_slice %arg2[%dma_start3A_593, %dma_start3A_594] : memref<10000x128xf32, #tpu.memory_space<hbm>> -> memref<10000x128xf32, #tpu.memory_space<hbm>>
        tpu.enqueue_indirect_dma source(%dma_start3A_595 : memref<10000x128xf32, #tpu.memory_space<hbm>>) target(%dma_start3A_589 : memref<128x128xf32, #tpu.memory_space<vmem>>) offsets(%dma_start3A_592 : memref<128xi32, #tpu.memory_space<vmem>>) semaphore(%arg17 : memref<!tpu.dma_semaphore, #tpu.memory_space<semaphore_mem>>)
      } else {
      }
      %dma_wait3A_438 = arith.constant 5 : i32
      %dma_wait3A_439 = arith.constant 0 : i32
      %dma_wait3A_440 = arith.constant 1 : i32
      %dma_wait3A_441 = arith.constant 0 : i32
      %dma_wait3A_442 = arith.constant 0 : i32
      %dma_wait3A_443 = tpu.memref_slice %arg7[%dma_wait3A_440, %dma_wait3A_441, %dma_wait3A_442] : memref<2x128x128xf32, #tpu.memory_space<vmem>> -> memref<1x128x128xf32, #tpu.memory_space<vmem>>
      %dma_wait3A_444 = tpu.memref_squeeze %dma_wait3A_443 : memref<1x128x128xf32, #tpu.memory_space<vmem>> -> memref<128x128xf32, #tpu.memory_space<vmem>>
      %dma_wait3A_445 = arith.constant 0 : i32
      %dma_wait3A_446 = tpu.memref_slice %arg6[%dma_wait3A_438, %dma_wait3A_439, %dma_wait3A_445] : memref<8x2x128xi32, #tpu.memory_space<vmem>> -> memref<1x1x128xi32, #tpu.memory_space<vmem>>
      %dma_wait3A_447 = tpu.memref_squeeze %dma_wait3A_446 : memref<1x1x128xi32, #tpu.memory_space<vmem>> -> memref<128xi32, #tpu.memory_space<vmem>>
      %dma_wait3A_448 = arith.constant 0 : i32
      %dma_wait3A_449 = arith.constant 0 : i32
      %dma_wait3A_450 = tpu.memref_slice %arg2[%dma_wait3A_448, %dma_wait3A_449] : memref<10000x128xf32, #tpu.memory_space<hbm>> -> memref<10000x128xf32, #tpu.memory_space<hbm>>
      tpu.wait_indirect_dma semaphore(%arg18 : memref<!tpu.dma_semaphore, #tpu.memory_space<semaphore_mem>>) src(%dma_wait3A_450 : memref<10000x128xf32, #tpu.memory_space<hbm>>) dst(%dma_wait3A_444 : memref<128x128xf32, #tpu.memory_space<vmem>>)
      %dma_start3A_451 = arith.constant 1 : i32
      %dma_start3A_452 = arith.constant 5 : i32
      %dma_start3A_453 = arith.constant 1 : i32
      %dma_start3A_454 = arith.constant 0 : i32
      %dma_start3A_455 = arith.constant 0 : i32
      %dma_start3A_456 = tpu.memref_slice %arg7[%dma_start3A_451, %dma_start3A_454, %dma_start3A_455] : memref<2x128x128xf32, #tpu.memory_space<vmem>> -> memref<1x128x128xf32, #tpu.memory_space<vmem>>
      %dma_start3A_457 = tpu.memref_squeeze %dma_start3A_456 : memref<1x128x128xf32, #tpu.memory_space<vmem>> -> memref<128x128xf32, #tpu.memory_space<vmem>>
      %dma_start3A_458 = arith.constant 0 : i32
      %dma_start3A_459 = tpu.memref_slice %arg6[%dma_start3A_452, %dma_start3A_453, %dma_start3A_458] : memref<8x2x128xi32, #tpu.memory_space<vmem>> -> memref<1x1x128xi32, #tpu.memory_space<vmem>>
      %dma_start3A_460 = tpu.memref_squeeze %dma_start3A_459 : memref<1x1x128xi32, #tpu.memory_space<vmem>> -> memref<128xi32, #tpu.memory_space<vmem>>
      %dma_start3A_461 = arith.constant 0 : i32
      %dma_start3A_462 = arith.constant 0 : i32
      %dma_start3A_463 = tpu.memref_slice %arg8[%dma_start3A_461, %dma_start3A_462] : memref<10512x128xf32, #tpu.memory_space<vmem_shared>> -> memref<10512x128xf32, #tpu.memory_space<vmem_shared>>
      tpu.enqueue_indirect_dma source(%dma_start3A_457 : memref<128x128xf32, #tpu.memory_space<vmem>>) target(%dma_start3A_463 : memref<10512x128xf32, #tpu.memory_space<vmem_shared>>) offsets(%dma_start3A_460 : memref<128xi32, #tpu.memory_space<vmem>>) semaphore(%arg20 : memref<!tpu.dma_semaphore, #tpu.memory_space<semaphore_mem>>) {add = true}
      %add3A_464 = arith.constant 4 : i32
      %add3A_465 = arith.addi %add3A_418, %add3A_464 : i32
      %lt3A_466 = arith.constant 80 : i32
      %lt3A_467 = arith.cmpi slt, %add3A_465, %lt3A_466 : i32
      %convert_element_type3A_468 = arith.extui %lt3A_467 : i1 to i32
      %cond3A_469 = arith.constant 0 : i32
      %cond3A_470 = arith.cmpi ne, %convert_element_type3A_468, %cond3A_469 : i32
      scf.if %cond3A_470 {
        %add3A_583 = arith.constant 4 : i32
        %add3A_584 = arith.addi %add3A_418, %add3A_583 : i32
        %dma_start3A_585 = arith.constant 1 : i32
        %dma_start3A_586 = arith.constant 0 : i32
        %dma_start3A_587 = arith.constant 0 : i32
        %dma_start3A_588 = tpu.memref_slice %arg6[%dma_start3A_585, %dma_start3A_586, %dma_start3A_587] : memref<8x2x128xi32, #tpu.memory_space<vmem>> -> memref<1x2x128xi32, #tpu.memory_space<vmem>>
        %dma_start3A_589 = tpu.memref_squeeze %dma_start3A_588 : memref<1x2x128xi32, #tpu.memory_space<vmem>> -> memref<2x128xi32, #tpu.memory_space<vmem>>
        %dma_start3A_590 = arith.constant 0 : i32
        %dma_start3A_591 = arith.constant 0 : i32
        %dma_start3A_592 = tpu.memref_slice %arg3[%add3A, %add3A_584, %dma_start3A_590, %dma_start3A_591] : memref<32x80x2x128xi32, #tpu.memory_space<hbm>> -> memref<1x1x2x128xi32, #tpu.memory_space<hbm>>
        %dma_start3A_593 = tpu.memref_squeeze %dma_start3A_592 : memref<1x1x2x128xi32, #tpu.memory_space<hbm>> -> memref<2x128xi32, #tpu.memory_space<hbm>>
        %dma_start3A_594 = arith.constant 0 : i32
        %dma_start3A_595 = arith.constant 0 : i32
        %dma_start3A_596 = tpu.memref_slice %arg6[%dma_start3A_585, %dma_start3A_594, %dma_start3A_595] : memref<8x2x128xi32, #tpu.memory_space<vmem>> -> memref<1x2x128xi32, #tpu.memory_space<vmem>>
        %dma_start3A_597 = tpu.memref_squeeze %dma_start3A_596 : memref<1x2x128xi32, #tpu.memory_space<vmem>> -> memref<2x128xi32, #tpu.memory_space<vmem>>
        %dma_start3A_598 = arith.constant 0 : i32
        %dma_start3A_599 = arith.constant 0 : i32
        %dma_start3A_600 = tpu.memref_slice %arg3[%add3A, %add3A_584, %dma_start3A_598, %dma_start3A_599] : memref<32x80x2x128xi32, #tpu.memory_space<hbm>> -> memref<1x1x2x128xi32, #tpu.memory_space<hbm>>
        %dma_start3A_601 = tpu.memref_squeeze %dma_start3A_600 : memref<1x1x2x128xi32, #tpu.memory_space<hbm>> -> memref<2x128xi32, #tpu.memory_space<hbm>>
        tpu.enqueue_dma source(%dma_start3A_601 : memref<2x128xi32, #tpu.memory_space<hbm>>) target(%dma_start3A_597 : memref<2x128xi32, #tpu.memory_space<vmem>>) target_semaphore(%arg10 : memref<!tpu.dma_semaphore, #tpu.memory_space<semaphore_mem>>)
      } else {
      }
      %mul3A_471 = arith.constant 8 : i32
      %mul3A_472 = arith.muli %mul3A_471, %scan3A_136 : i32
      %add3A_473 = arith.constant 6 : i32
      %add3A_474 = arith.addi %mul3A_472, %add3A_473 : i32
      %add3A_475 = arith.constant 1 : i32
      %add3A_476 = arith.addi %add3A_474, %add3A_475 : i32
      %lt3A_477 = arith.constant 80 : i32
      %lt3A_478 = arith.cmpi slt, %add3A_476, %lt3A_477 : i32
      %convert_element_type3A_479 = arith.extui %lt3A_478 : i1 to i32
      %cond3A_480 = arith.constant 0 : i32
      %cond3A_481 = arith.cmpi ne, %convert_element_type3A_479, %cond3A_480 : i32
      scf.if %cond3A_481 {
        %add3A_583 = arith.constant 1 : i32
        %add3A_584 = arith.addi %add3A_474, %add3A_583 : i32
        %dma_wait3A_585 = arith.constant 7 : i32
        %dma_wait3A_586 = arith.constant 0 : i32
        %dma_wait3A_587 = arith.constant 0 : i32
        %dma_wait3A_588 = tpu.memref_slice %arg6[%dma_wait3A_585, %dma_wait3A_586, %dma_wait3A_587] : memref<8x2x128xi32, #tpu.memory_space<vmem>> -> memref<1x2x128xi32, #tpu.memory_space<vmem>>
        %dma_wait3A_589 = tpu.memref_squeeze %dma_wait3A_588 : memref<1x2x128xi32, #tpu.memory_space<vmem>> -> memref<2x128xi32, #tpu.memory_space<vmem>>
        %dma_wait3A_590 = arith.constant 0 : i32
        %dma_wait3A_591 = arith.constant 0 : i32
        %dma_wait3A_592 = tpu.memref_slice %arg3[%add3A, %add3A_584, %dma_wait3A_590, %dma_wait3A_591] : memref<32x80x2x128xi32, #tpu.memory_space<hbm>> -> memref<1x1x2x128xi32, #tpu.memory_space<hbm>>
        %dma_wait3A_593 = tpu.memref_squeeze %dma_wait3A_592 : memref<1x1x2x128xi32, #tpu.memory_space<hbm>> -> memref<2x128xi32, #tpu.memory_space<hbm>>
        %dma_wait3A_594 = arith.constant 0 : i32
        %dma_wait3A_595 = arith.constant 0 : i32
        %dma_wait3A_596 = tpu.memref_slice %arg6[%dma_wait3A_585, %dma_wait3A_594, %dma_wait3A_595] : memref<8x2x128xi32, #tpu.memory_space<vmem>> -> memref<1x2x128xi32, #tpu.memory_space<vmem>>
        %dma_wait3A_597 = tpu.memref_squeeze %dma_wait3A_596 : memref<1x2x128xi32, #tpu.memory_space<vmem>> -> memref<2x128xi32, #tpu.memory_space<vmem>>
        %dma_wait3A_598 = arith.constant 0 : i32
        %dma_wait3A_599 = arith.constant 0 : i32
        %dma_wait3A_600 = tpu.memref_slice %arg3[%add3A, %add3A_584, %dma_wait3A_598, %dma_wait3A_599] : memref<32x80x2x128xi32, #tpu.memory_space<hbm>> -> memref<1x1x2x128xi32, #tpu.memory_space<hbm>>
        %dma_wait3A_601 = tpu.memref_squeeze %dma_wait3A_600 : memref<1x1x2x128xi32, #tpu.memory_space<hbm>> -> memref<2x128xi32, #tpu.memory_space<hbm>>
        tpu.wait_dma2 semaphore(%arg16 : memref<!tpu.dma_semaphore, #tpu.memory_space<semaphore_mem>>) src(%dma_wait3A_601 : memref<2x128xi32, #tpu.memory_space<hbm>>) dst(%dma_wait3A_597 : memref<2x128xi32, #tpu.memory_space<vmem>>)
      } else {
      }
      %ge3A_482 = arith.constant 1 : i32
      %ge3A_483 = arith.cmpi sge, %add3A_474, %ge3A_482 : i32
      %convert_element_type3A_484 = arith.extui %ge3A_483 : i1 to i32
      %cond3A_485 = arith.constant 0 : i32
      %cond3A_486 = arith.cmpi ne, %convert_element_type3A_484, %cond3A_485 : i32
      scf.if %cond3A_486 {
        %dma_wait3A_583 = arith.constant 1 : i32
        %dma_wait3A_584 = arith.constant 5 : i32
        %dma_wait3A_585 = arith.constant 1 : i32
        %dma_wait3A_586 = arith.constant 0 : i32
        %dma_wait3A_587 = arith.constant 0 : i32
        %dma_wait3A_588 = tpu.memref_slice %arg7[%dma_wait3A_583, %dma_wait3A_586, %dma_wait3A_587] : memref<2x128x128xf32, #tpu.memory_space<vmem>> -> memref<1x128x128xf32, #tpu.memory_space<vmem>>
        %dma_wait3A_589 = tpu.memref_squeeze %dma_wait3A_588 : memref<1x128x128xf32, #tpu.memory_space<vmem>> -> memref<128x128xf32, #tpu.memory_space<vmem>>
        %dma_wait3A_590 = arith.constant 0 : i32
        %dma_wait3A_591 = tpu.memref_slice %arg6[%dma_wait3A_584, %dma_wait3A_585, %dma_wait3A_590] : memref<8x2x128xi32, #tpu.memory_space<vmem>> -> memref<1x1x128xi32, #tpu.memory_space<vmem>>
        %dma_wait3A_592 = tpu.memref_squeeze %dma_wait3A_591 : memref<1x1x128xi32, #tpu.memory_space<vmem>> -> memref<128xi32, #tpu.memory_space<vmem>>
        %dma_wait3A_593 = arith.constant 0 : i32
        %dma_wait3A_594 = arith.constant 0 : i32
        %dma_wait3A_595 = tpu.memref_slice %arg8[%dma_wait3A_593, %dma_wait3A_594] : memref<10512x128xf32, #tpu.memory_space<vmem_shared>> -> memref<10512x128xf32, #tpu.memory_space<vmem_shared>>
        tpu.wait_indirect_dma semaphore(%arg20 : memref<!tpu.dma_semaphore, #tpu.memory_space<semaphore_mem>>) src(%dma_wait3A_589 : memref<128x128xf32, #tpu.memory_space<vmem>>) dst(%dma_wait3A_595 : memref<10512x128xf32, #tpu.memory_space<vmem_shared>>)
      } else {
      }
      %add3A_487 = arith.constant 1 : i32
      %add3A_488 = arith.addi %add3A_474, %add3A_487 : i32
      %lt3A_489 = arith.constant 80 : i32
      %lt3A_490 = arith.cmpi slt, %add3A_488, %lt3A_489 : i32
      %convert_element_type3A_491 = arith.extui %lt3A_490 : i1 to i32
      %cond3A_492 = arith.constant 0 : i32
      %cond3A_493 = arith.cmpi ne, %convert_element_type3A_491, %cond3A_492 : i32
      scf.if %cond3A_493 {
        %dma_start3A_583 = arith.constant 7 : i32
        %dma_start3A_584 = arith.constant 0 : i32
        %dma_start3A_585 = arith.constant 1 : i32
        %dma_start3A_586 = arith.constant 0 : i32
        %dma_start3A_587 = arith.constant 0 : i32
        %dma_start3A_588 = tpu.memref_slice %arg7[%dma_start3A_585, %dma_start3A_586, %dma_start3A_587] : memref<2x128x128xf32, #tpu.memory_space<vmem>> -> memref<1x128x128xf32, #tpu.memory_space<vmem>>
        %dma_start3A_589 = tpu.memref_squeeze %dma_start3A_588 : memref<1x128x128xf32, #tpu.memory_space<vmem>> -> memref<128x128xf32, #tpu.memory_space<vmem>>
        %dma_start3A_590 = arith.constant 0 : i32
        %dma_start3A_591 = tpu.memref_slice %arg6[%dma_start3A_583, %dma_start3A_584, %dma_start3A_590] : memref<8x2x128xi32, #tpu.memory_space<vmem>> -> memref<1x1x128xi32, #tpu.memory_space<vmem>>
        %dma_start3A_592 = tpu.memref_squeeze %dma_start3A_591 : memref<1x1x128xi32, #tpu.memory_space<vmem>> -> memref<128xi32, #tpu.memory_space<vmem>>
        %dma_start3A_593 = arith.constant 0 : i32
        %dma_start3A_594 = arith.constant 0 : i32
        %dma_start3A_595 = tpu.memref_slice %arg2[%dma_start3A_593, %dma_start3A_594] : memref<10000x128xf32, #tpu.memory_space<hbm>> -> memref<10000x128xf32, #tpu.memory_space<hbm>>
        tpu.enqueue_indirect_dma source(%dma_start3A_595 : memref<10000x128xf32, #tpu.memory_space<hbm>>) target(%dma_start3A_589 : memref<128x128xf32, #tpu.memory_space<vmem>>) offsets(%dma_start3A_592 : memref<128xi32, #tpu.memory_space<vmem>>) semaphore(%arg18 : memref<!tpu.dma_semaphore, #tpu.memory_space<semaphore_mem>>)
      } else {
      }
      %dma_wait3A_494 = arith.constant 6 : i32
      %dma_wait3A_495 = arith.constant 0 : i32
      %dma_wait3A_496 = arith.constant 0 : i32
      %dma_wait3A_497 = arith.constant 0 : i32
      %dma_wait3A_498 = arith.constant 0 : i32
      %dma_wait3A_499 = tpu.memref_slice %arg7[%dma_wait3A_496, %dma_wait3A_497, %dma_wait3A_498] : memref<2x128x128xf32, #tpu.memory_space<vmem>> -> memref<1x128x128xf32, #tpu.memory_space<vmem>>
      %dma_wait3A_500 = tpu.memref_squeeze %dma_wait3A_499 : memref<1x128x128xf32, #tpu.memory_space<vmem>> -> memref<128x128xf32, #tpu.memory_space<vmem>>
      %dma_wait3A_501 = arith.constant 0 : i32
      %dma_wait3A_502 = tpu.memref_slice %arg6[%dma_wait3A_494, %dma_wait3A_495, %dma_wait3A_501] : memref<8x2x128xi32, #tpu.memory_space<vmem>> -> memref<1x1x128xi32, #tpu.memory_space<vmem>>
      %dma_wait3A_503 = tpu.memref_squeeze %dma_wait3A_502 : memref<1x1x128xi32, #tpu.memory_space<vmem>> -> memref<128xi32, #tpu.memory_space<vmem>>
      %dma_wait3A_504 = arith.constant 0 : i32
      %dma_wait3A_505 = arith.constant 0 : i32
      %dma_wait3A_506 = tpu.memref_slice %arg2[%dma_wait3A_504, %dma_wait3A_505] : memref<10000x128xf32, #tpu.memory_space<hbm>> -> memref<10000x128xf32, #tpu.memory_space<hbm>>
      tpu.wait_indirect_dma semaphore(%arg17 : memref<!tpu.dma_semaphore, #tpu.memory_space<semaphore_mem>>) src(%dma_wait3A_506 : memref<10000x128xf32, #tpu.memory_space<hbm>>) dst(%dma_wait3A_500 : memref<128x128xf32, #tpu.memory_space<vmem>>)
      %dma_start3A_507 = arith.constant 0 : i32
      %dma_start3A_508 = arith.constant 6 : i32
      %dma_start3A_509 = arith.constant 1 : i32
      %dma_start3A_510 = arith.constant 0 : i32
      %dma_start3A_511 = arith.constant 0 : i32
      %dma_start3A_512 = tpu.memref_slice %arg7[%dma_start3A_507, %dma_start3A_510, %dma_start3A_511] : memref<2x128x128xf32, #tpu.memory_space<vmem>> -> memref<1x128x128xf32, #tpu.memory_space<vmem>>
      %dma_start3A_513 = tpu.memref_squeeze %dma_start3A_512 : memref<1x128x128xf32, #tpu.memory_space<vmem>> -> memref<128x128xf32, #tpu.memory_space<vmem>>
      %dma_start3A_514 = arith.constant 0 : i32
      %dma_start3A_515 = tpu.memref_slice %arg6[%dma_start3A_508, %dma_start3A_509, %dma_start3A_514] : memref<8x2x128xi32, #tpu.memory_space<vmem>> -> memref<1x1x128xi32, #tpu.memory_space<vmem>>
      %dma_start3A_516 = tpu.memref_squeeze %dma_start3A_515 : memref<1x1x128xi32, #tpu.memory_space<vmem>> -> memref<128xi32, #tpu.memory_space<vmem>>
      %dma_start3A_517 = arith.constant 0 : i32
      %dma_start3A_518 = arith.constant 0 : i32
      %dma_start3A_519 = tpu.memref_slice %arg8[%dma_start3A_517, %dma_start3A_518] : memref<10512x128xf32, #tpu.memory_space<vmem_shared>> -> memref<10512x128xf32, #tpu.memory_space<vmem_shared>>
      tpu.enqueue_indirect_dma source(%dma_start3A_513 : memref<128x128xf32, #tpu.memory_space<vmem>>) target(%dma_start3A_519 : memref<10512x128xf32, #tpu.memory_space<vmem_shared>>) offsets(%dma_start3A_516 : memref<128xi32, #tpu.memory_space<vmem>>) semaphore(%arg19 : memref<!tpu.dma_semaphore, #tpu.memory_space<semaphore_mem>>) {add = true}
      %add3A_520 = arith.constant 4 : i32
      %add3A_521 = arith.addi %add3A_474, %add3A_520 : i32
      %lt3A_522 = arith.constant 80 : i32
      %lt3A_523 = arith.cmpi slt, %add3A_521, %lt3A_522 : i32
      %convert_element_type3A_524 = arith.extui %lt3A_523 : i1 to i32
      %cond3A_525 = arith.constant 0 : i32
      %cond3A_526 = arith.cmpi ne, %convert_element_type3A_524, %cond3A_525 : i32
      scf.if %cond3A_526 {
        %add3A_583 = arith.constant 4 : i32
        %add3A_584 = arith.addi %add3A_474, %add3A_583 : i32
        %dma_start3A_585 = arith.constant 2 : i32
        %dma_start3A_586 = arith.constant 0 : i32
        %dma_start3A_587 = arith.constant 0 : i32
        %dma_start3A_588 = tpu.memref_slice %arg6[%dma_start3A_585, %dma_start3A_586, %dma_start3A_587] : memref<8x2x128xi32, #tpu.memory_space<vmem>> -> memref<1x2x128xi32, #tpu.memory_space<vmem>>
        %dma_start3A_589 = tpu.memref_squeeze %dma_start3A_588 : memref<1x2x128xi32, #tpu.memory_space<vmem>> -> memref<2x128xi32, #tpu.memory_space<vmem>>
        %dma_start3A_590 = arith.constant 0 : i32
        %dma_start3A_591 = arith.constant 0 : i32
        %dma_start3A_592 = tpu.memref_slice %arg3[%add3A, %add3A_584, %dma_start3A_590, %dma_start3A_591] : memref<32x80x2x128xi32, #tpu.memory_space<hbm>> -> memref<1x1x2x128xi32, #tpu.memory_space<hbm>>
        %dma_start3A_593 = tpu.memref_squeeze %dma_start3A_592 : memref<1x1x2x128xi32, #tpu.memory_space<hbm>> -> memref<2x128xi32, #tpu.memory_space<hbm>>
        %dma_start3A_594 = arith.constant 0 : i32
        %dma_start3A_595 = arith.constant 0 : i32
        %dma_start3A_596 = tpu.memref_slice %arg6[%dma_start3A_585, %dma_start3A_594, %dma_start3A_595] : memref<8x2x128xi32, #tpu.memory_space<vmem>> -> memref<1x2x128xi32, #tpu.memory_space<vmem>>
        %dma_start3A_597 = tpu.memref_squeeze %dma_start3A_596 : memref<1x2x128xi32, #tpu.memory_space<vmem>> -> memref<2x128xi32, #tpu.memory_space<vmem>>
        %dma_start3A_598 = arith.constant 0 : i32
        %dma_start3A_599 = arith.constant 0 : i32
        %dma_start3A_600 = tpu.memref_slice %arg3[%add3A, %add3A_584, %dma_start3A_598, %dma_start3A_599] : memref<32x80x2x128xi32, #tpu.memory_space<hbm>> -> memref<1x1x2x128xi32, #tpu.memory_space<hbm>>
        %dma_start3A_601 = tpu.memref_squeeze %dma_start3A_600 : memref<1x1x2x128xi32, #tpu.memory_space<hbm>> -> memref<2x128xi32, #tpu.memory_space<hbm>>
        tpu.enqueue_dma source(%dma_start3A_601 : memref<2x128xi32, #tpu.memory_space<hbm>>) target(%dma_start3A_597 : memref<2x128xi32, #tpu.memory_space<vmem>>) target_semaphore(%arg11 : memref<!tpu.dma_semaphore, #tpu.memory_space<semaphore_mem>>)
      } else {
      }
      %mul3A_527 = arith.constant 8 : i32
      %mul3A_528 = arith.muli %mul3A_527, %scan3A_136 : i32
      %add3A_529 = arith.constant 7 : i32
      %add3A_530 = arith.addi %mul3A_528, %add3A_529 : i32
      %add3A_531 = arith.constant 1 : i32
      %add3A_532 = arith.addi %add3A_530, %add3A_531 : i32
      %lt3A_533 = arith.constant 80 : i32
      %lt3A_534 = arith.cmpi slt, %add3A_532, %lt3A_533 : i32
      %convert_element_type3A_535 = arith.extui %lt3A_534 : i1 to i32
      %cond3A_536 = arith.constant 0 : i32
      %cond3A_537 = arith.cmpi ne, %convert_element_type3A_535, %cond3A_536 : i32
      scf.if %cond3A_537 {
        %add3A_583 = arith.constant 1 : i32
        %add3A_584 = arith.addi %add3A_530, %add3A_583 : i32
        %dma_wait3A_585 = arith.constant 0 : i32
        %dma_wait3A_586 = arith.constant 0 : i32
        %dma_wait3A_587 = arith.constant 0 : i32
        %dma_wait3A_588 = tpu.memref_slice %arg6[%dma_wait3A_585, %dma_wait3A_586, %dma_wait3A_587] : memref<8x2x128xi32, #tpu.memory_space<vmem>> -> memref<1x2x128xi32, #tpu.memory_space<vmem>>
        %dma_wait3A_589 = tpu.memref_squeeze %dma_wait3A_588 : memref<1x2x128xi32, #tpu.memory_space<vmem>> -> memref<2x128xi32, #tpu.memory_space<vmem>>
        %dma_wait3A_590 = arith.constant 0 : i32
        %dma_wait3A_591 = arith.constant 0 : i32
        %dma_wait3A_592 = tpu.memref_slice %arg3[%add3A, %add3A_584, %dma_wait3A_590, %dma_wait3A_591] : memref<32x80x2x128xi32, #tpu.memory_space<hbm>> -> memref<1x1x2x128xi32, #tpu.memory_space<hbm>>
        %dma_wait3A_593 = tpu.memref_squeeze %dma_wait3A_592 : memref<1x1x2x128xi32, #tpu.memory_space<hbm>> -> memref<2x128xi32, #tpu.memory_space<hbm>>
        %dma_wait3A_594 = arith.constant 0 : i32
        %dma_wait3A_595 = arith.constant 0 : i32
        %dma_wait3A_596 = tpu.memref_slice %arg6[%dma_wait3A_585, %dma_wait3A_594, %dma_wait3A_595] : memref<8x2x128xi32, #tpu.memory_space<vmem>> -> memref<1x2x128xi32, #tpu.memory_space<vmem>>
        %dma_wait3A_597 = tpu.memref_squeeze %dma_wait3A_596 : memref<1x2x128xi32, #tpu.memory_space<vmem>> -> memref<2x128xi32, #tpu.memory_space<vmem>>
        %dma_wait3A_598 = arith.constant 0 : i32
        %dma_wait3A_599 = arith.constant 0 : i32
        %dma_wait3A_600 = tpu.memref_slice %arg3[%add3A, %add3A_584, %dma_wait3A_598, %dma_wait3A_599] : memref<32x80x2x128xi32, #tpu.memory_space<hbm>> -> memref<1x1x2x128xi32, #tpu.memory_space<hbm>>
        %dma_wait3A_601 = tpu.memref_squeeze %dma_wait3A_600 : memref<1x1x2x128xi32, #tpu.memory_space<hbm>> -> memref<2x128xi32, #tpu.memory_space<hbm>>
        tpu.wait_dma2 semaphore(%arg9 : memref<!tpu.dma_semaphore, #tpu.memory_space<semaphore_mem>>) src(%dma_wait3A_601 : memref<2x128xi32, #tpu.memory_space<hbm>>) dst(%dma_wait3A_597 : memref<2x128xi32, #tpu.memory_space<vmem>>)
      } else {
      }
      %ge3A_538 = arith.constant 1 : i32
      %ge3A_539 = arith.cmpi sge, %add3A_530, %ge3A_538 : i32
      %convert_element_type3A_540 = arith.extui %ge3A_539 : i1 to i32
      %cond3A_541 = arith.constant 0 : i32
      %cond3A_542 = arith.cmpi ne, %convert_element_type3A_540, %cond3A_541 : i32
      scf.if %cond3A_542 {
        %dma_wait3A_583 = arith.constant 0 : i32
        %dma_wait3A_584 = arith.constant 6 : i32
        %dma_wait3A_585 = arith.constant 1 : i32
        %dma_wait3A_586 = arith.constant 0 : i32
        %dma_wait3A_587 = arith.constant 0 : i32
        %dma_wait3A_588 = tpu.memref_slice %arg7[%dma_wait3A_583, %dma_wait3A_586, %dma_wait3A_587] : memref<2x128x128xf32, #tpu.memory_space<vmem>> -> memref<1x128x128xf32, #tpu.memory_space<vmem>>
        %dma_wait3A_589 = tpu.memref_squeeze %dma_wait3A_588 : memref<1x128x128xf32, #tpu.memory_space<vmem>> -> memref<128x128xf32, #tpu.memory_space<vmem>>
        %dma_wait3A_590 = arith.constant 0 : i32
        %dma_wait3A_591 = tpu.memref_slice %arg6[%dma_wait3A_584, %dma_wait3A_585, %dma_wait3A_590] : memref<8x2x128xi32, #tpu.memory_space<vmem>> -> memref<1x1x128xi32, #tpu.memory_space<vmem>>
        %dma_wait3A_592 = tpu.memref_squeeze %dma_wait3A_591 : memref<1x1x128xi32, #tpu.memory_space<vmem>> -> memref<128xi32, #tpu.memory_space<vmem>>
        %dma_wait3A_593 = arith.constant 0 : i32
        %dma_wait3A_594 = arith.constant 0 : i32
        %dma_wait3A_595 = tpu.memref_slice %arg8[%dma_wait3A_593, %dma_wait3A_594] : memref<10512x128xf32, #tpu.memory_space<vmem_shared>> -> memref<10512x128xf32, #tpu.memory_space<vmem_shared>>
        tpu.wait_indirect_dma semaphore(%arg19 : memref<!tpu.dma_semaphore, #tpu.memory_space<semaphore_mem>>) src(%dma_wait3A_589 : memref<128x128xf32, #tpu.memory_space<vmem>>) dst(%dma_wait3A_595 : memref<10512x128xf32, #tpu.memory_space<vmem_shared>>)
      } else {
      }
      %add3A_543 = arith.constant 1 : i32
      %add3A_544 = arith.addi %add3A_530, %add3A_543 : i32
      %lt3A_545 = arith.constant 80 : i32
      %lt3A_546 = arith.cmpi slt, %add3A_544, %lt3A_545 : i32
      %convert_element_type3A_547 = arith.extui %lt3A_546 : i1 to i32
      %cond3A_548 = arith.constant 0 : i32
      %cond3A_549 = arith.cmpi ne, %convert_element_type3A_547, %cond3A_548 : i32
      scf.if %cond3A_549 {
        %dma_start3A_583 = arith.constant 0 : i32
        %dma_start3A_584 = arith.constant 0 : i32
        %dma_start3A_585 = arith.constant 0 : i32
        %dma_start3A_586 = arith.constant 0 : i32
        %dma_start3A_587 = arith.constant 0 : i32
        %dma_start3A_588 = tpu.memref_slice %arg7[%dma_start3A_585, %dma_start3A_586, %dma_start3A_587] : memref<2x128x128xf32, #tpu.memory_space<vmem>> -> memref<1x128x128xf32, #tpu.memory_space<vmem>>
        %dma_start3A_589 = tpu.memref_squeeze %dma_start3A_588 : memref<1x128x128xf32, #tpu.memory_space<vmem>> -> memref<128x128xf32, #tpu.memory_space<vmem>>
        %dma_start3A_590 = arith.constant 0 : i32
        %dma_start3A_591 = tpu.memref_slice %arg6[%dma_start3A_583, %dma_start3A_584, %dma_start3A_590] : memref<8x2x128xi32, #tpu.memory_space<vmem>> -> memref<1x1x128xi32, #tpu.memory_space<vmem>>
        %dma_start3A_592 = tpu.memref_squeeze %dma_start3A_591 : memref<1x1x128xi32, #tpu.memory_space<vmem>> -> memref<128xi32, #tpu.memory_space<vmem>>
        %dma_start3A_593 = arith.constant 0 : i32
        %dma_start3A_594 = arith.constant 0 : i32
        %dma_start3A_595 = tpu.memref_slice %arg2[%dma_start3A_593, %dma_start3A_594] : memref<10000x128xf32, #tpu.memory_space<hbm>> -> memref<10000x128xf32, #tpu.memory_space<hbm>>
        tpu.enqueue_indirect_dma source(%dma_start3A_595 : memref<10000x128xf32, #tpu.memory_space<hbm>>) target(%dma_start3A_589 : memref<128x128xf32, #tpu.memory_space<vmem>>) offsets(%dma_start3A_592 : memref<128xi32, #tpu.memory_space<vmem>>) semaphore(%arg17 : memref<!tpu.dma_semaphore, #tpu.memory_space<semaphore_mem>>)
      } else {
      }
      %dma_wait3A_550 = arith.constant 7 : i32
      %dma_wait3A_551 = arith.constant 0 : i32
      %dma_wait3A_552 = arith.constant 1 : i32
      %dma_wait3A_553 = arith.constant 0 : i32
      %dma_wait3A_554 = arith.constant 0 : i32
      %dma_wait3A_555 = tpu.memref_slice %arg7[%dma_wait3A_552, %dma_wait3A_553, %dma_wait3A_554] : memref<2x128x128xf32, #tpu.memory_space<vmem>> -> memref<1x128x128xf32, #tpu.memory_space<vmem>>
      %dma_wait3A_556 = tpu.memref_squeeze %dma_wait3A_555 : memref<1x128x128xf32, #tpu.memory_space<vmem>> -> memref<128x128xf32, #tpu.memory_space<vmem>>
      %dma_wait3A_557 = arith.constant 0 : i32
      %dma_wait3A_558 = tpu.memref_slice %arg6[%dma_wait3A_550, %dma_wait3A_551, %dma_wait3A_557] : memref<8x2x128xi32, #tpu.memory_space<vmem>> -> memref<1x1x128xi32, #tpu.memory_space<vmem>>
      %dma_wait3A_559 = tpu.memref_squeeze %dma_wait3A_558 : memref<1x1x128xi32, #tpu.memory_space<vmem>> -> memref<128xi32, #tpu.memory_space<vmem>>
      %dma_wait3A_560 = arith.constant 0 : i32
      %dma_wait3A_561 = arith.constant 0 : i32
      %dma_wait3A_562 = tpu.memref_slice %arg2[%dma_wait3A_560, %dma_wait3A_561] : memref<10000x128xf32, #tpu.memory_space<hbm>> -> memref<10000x128xf32, #tpu.memory_space<hbm>>
      tpu.wait_indirect_dma semaphore(%arg18 : memref<!tpu.dma_semaphore, #tpu.memory_space<semaphore_mem>>) src(%dma_wait3A_562 : memref<10000x128xf32, #tpu.memory_space<hbm>>) dst(%dma_wait3A_556 : memref<128x128xf32, #tpu.memory_space<vmem>>)
      %dma_start3A_563 = arith.constant 1 : i32
      %dma_start3A_564 = arith.constant 7 : i32
      %dma_start3A_565 = arith.constant 1 : i32
      %dma_start3A_566 = arith.constant 0 : i32
      %dma_start3A_567 = arith.constant 0 : i32
      %dma_start3A_568 = tpu.memref_slice %arg7[%dma_start3A_563, %dma_start3A_566, %dma_start3A_567] : memref<2x128x128xf32, #tpu.memory_space<vmem>> -> memref<1x128x128xf32, #tpu.memory_space<vmem>>
      %dma_start3A_569 = tpu.memref_squeeze %dma_start3A_568 : memref<1x128x128xf32, #tpu.memory_space<vmem>> -> memref<128x128xf32, #tpu.memory_space<vmem>>
      %dma_start3A_570 = arith.constant 0 : i32
      %dma_start3A_571 = tpu.memref_slice %arg6[%dma_start3A_564, %dma_start3A_565, %dma_start3A_570] : memref<8x2x128xi32, #tpu.memory_space<vmem>> -> memref<1x1x128xi32, #tpu.memory_space<vmem>>
      %dma_start3A_572 = tpu.memref_squeeze %dma_start3A_571 : memref<1x1x128xi32, #tpu.memory_space<vmem>> -> memref<128xi32, #tpu.memory_space<vmem>>
      %dma_start3A_573 = arith.constant 0 : i32
      %dma_start3A_574 = arith.constant 0 : i32
      %dma_start3A_575 = tpu.memref_slice %arg8[%dma_start3A_573, %dma_start3A_574] : memref<10512x128xf32, #tpu.memory_space<vmem_shared>> -> memref<10512x128xf32, #tpu.memory_space<vmem_shared>>
      tpu.enqueue_indirect_dma source(%dma_start3A_569 : memref<128x128xf32, #tpu.memory_space<vmem>>) target(%dma_start3A_575 : memref<10512x128xf32, #tpu.memory_space<vmem_shared>>) offsets(%dma_start3A_572 : memref<128xi32, #tpu.memory_space<vmem>>) semaphore(%arg20 : memref<!tpu.dma_semaphore, #tpu.memory_space<semaphore_mem>>) {add = true}
      %add3A_576 = arith.constant 4 : i32
      %add3A_577 = arith.addi %add3A_530, %add3A_576 : i32
      %lt3A_578 = arith.constant 80 : i32
      %lt3A_579 = arith.cmpi slt, %add3A_577, %lt3A_578 : i32
      %convert_element_type3A_580 = arith.extui %lt3A_579 : i1 to i32
      %cond3A_581 = arith.constant 0 : i32
      %cond3A_582 = arith.cmpi ne, %convert_element_type3A_580, %cond3A_581 : i32
      scf.if %cond3A_582 {
        %add3A_583 = arith.constant 4 : i32
        %add3A_584 = arith.addi %add3A_530, %add3A_583 : i32
        %dma_start3A_585 = arith.constant 3 : i32
        %dma_start3A_586 = arith.constant 0 : i32
        %dma_start3A_587 = arith.constant 0 : i32
        %dma_start3A_588 = tpu.memref_slice %arg6[%dma_start3A_585, %dma_start3A_586, %dma_start3A_587] : memref<8x2x128xi32, #tpu.memory_space<vmem>> -> memref<1x2x128xi32, #tpu.memory_space<vmem>>
        %dma_start3A_589 = tpu.memref_squeeze %dma_start3A_588 : memref<1x2x128xi32, #tpu.memory_space<vmem>> -> memref<2x128xi32, #tpu.memory_space<vmem>>
        %dma_start3A_590 = arith.constant 0 : i32
        %dma_start3A_591 = arith.constant 0 : i32
        %dma_start3A_592 = tpu.memref_slice %arg3[%add3A, %add3A_584, %dma_start3A_590, %dma_start3A_591] : memref<32x80x2x128xi32, #tpu.memory_space<hbm>> -> memref<1x1x2x128xi32, #tpu.memory_space<hbm>>
        %dma_start3A_593 = tpu.memref_squeeze %dma_start3A_592 : memref<1x1x2x128xi32, #tpu.memory_space<hbm>> -> memref<2x128xi32, #tpu.memory_space<hbm>>
        %dma_start3A_594 = arith.constant 0 : i32
        %dma_start3A_595 = arith.constant 0 : i32
        %dma_start3A_596 = tpu.memref_slice %arg6[%dma_start3A_585, %dma_start3A_594, %dma_start3A_595] : memref<8x2x128xi32, #tpu.memory_space<vmem>> -> memref<1x2x128xi32, #tpu.memory_space<vmem>>
        %dma_start3A_597 = tpu.memref_squeeze %dma_start3A_596 : memref<1x2x128xi32, #tpu.memory_space<vmem>> -> memref<2x128xi32, #tpu.memory_space<vmem>>
        %dma_start3A_598 = arith.constant 0 : i32
        %dma_start3A_599 = arith.constant 0 : i32
        %dma_start3A_600 = tpu.memref_slice %arg3[%add3A, %add3A_584, %dma_start3A_598, %dma_start3A_599] : memref<32x80x2x128xi32, #tpu.memory_space<hbm>> -> memref<1x1x2x128xi32, #tpu.memory_space<hbm>>
        %dma_start3A_601 = tpu.memref_squeeze %dma_start3A_600 : memref<1x1x2x128xi32, #tpu.memory_space<hbm>> -> memref<2x128xi32, #tpu.memory_space<hbm>>
        tpu.enqueue_dma source(%dma_start3A_601 : memref<2x128xi32, #tpu.memory_space<hbm>>) target(%dma_start3A_597 : memref<2x128xi32, #tpu.memory_space<vmem>>) target_semaphore(%arg12 : memref<!tpu.dma_semaphore, #tpu.memory_space<semaphore_mem>>)
      } else {
      }
    }
    %scan3A_112 = arith.constant 10 : i32
    %dma_wait3A_113 = arith.constant 1 : i32
    %dma_wait3A_114 = arith.constant 7 : i32
    %dma_wait3A_115 = arith.constant 1 : i32
    %dma_wait3A_116 = arith.constant 0 : i32
    %dma_wait3A_117 = arith.constant 0 : i32
    %dma_wait3A_118 = tpu.memref_slice %arg7[%dma_wait3A_113, %dma_wait3A_116, %dma_wait3A_117] : memref<2x128x128xf32, #tpu.memory_space<vmem>> -> memref<1x128x128xf32, #tpu.memory_space<vmem>>
    %dma_wait3A_119 = tpu.memref_squeeze %dma_wait3A_118 : memref<1x128x128xf32, #tpu.memory_space<vmem>> -> memref<128x128xf32, #tpu.memory_space<vmem>>
    %dma_wait3A_120 = arith.constant 0 : i32
    %dma_wait3A_121 = tpu.memref_slice %arg6[%dma_wait3A_114, %dma_wait3A_115, %dma_wait3A_120] : memref<8x2x128xi32, #tpu.memory_space<vmem>> -> memref<1x1x128xi32, #tpu.memory_space<vmem>>
    %dma_wait3A_122 = tpu.memref_squeeze %dma_wait3A_121 : memref<1x1x128xi32, #tpu.memory_space<vmem>> -> memref<128xi32, #tpu.memory_space<vmem>>
    %dma_wait3A_123 = arith.constant 0 : i32
    %dma_wait3A_124 = arith.constant 0 : i32
    %dma_wait3A_125 = tpu.memref_slice %arg8[%dma_wait3A_123, %dma_wait3A_124] : memref<10512x128xf32, #tpu.memory_space<vmem_shared>> -> memref<10512x128xf32, #tpu.memory_space<vmem_shared>>
    tpu.wait_indirect_dma semaphore(%arg20 : memref<!tpu.dma_semaphore, #tpu.memory_space<semaphore_mem>>) src(%dma_wait3A_119 : memref<128x128xf32, #tpu.memory_space<vmem>>) dst(%dma_wait3A_125 : memref<10512x128xf32, #tpu.memory_space<vmem_shared>>)
    %barrier3A_126 = arith.constant 0 : index
    tpu.barrier barrier_id(%barrier3A_126)
    %mul3A_127 = arith.constant 624 : i32
    %mul3A_128 = arith.muli %arg1, %mul3A_127 : i32
    %mul3A_129 = arith.constant 624 : i32
    %mul3A_130 = arith.muli %arg1, %mul3A_129 : i32
    "tpu.region"() ({
      %run_scoped3A = tpu.sem_alloc : memref<!tpu.dma_semaphore, #tpu.memory_space<semaphore_mem>>
      %dma_start3A_136 = arith.constant 0 : i32
      %dma_start3A_137 = tpu.memref_slice %arg5[%arg0, %mul3A_130, %dma_start3A_136] : memref<2x10000x128xf32, #tpu.memory_space<hbm>> -> memref<1x624x128xf32, #tpu.memory_space<hbm>>
      %dma_start3A_138 = tpu.memref_squeeze %dma_start3A_137 : memref<1x624x128xf32, #tpu.memory_space<hbm>> -> memref<624x128xf32, #tpu.memory_space<hbm>>
      %dma_start3A_139 = arith.constant 0 : i32
      %dma_start3A_140 = tpu.memref_slice %arg8[%mul3A_128, %dma_start3A_139] : memref<10512x128xf32, #tpu.memory_space<vmem_shared>> -> memref<624x128xf32, #tpu.memory_space<vmem_shared>>
      tpu.enqueue_dma source(%dma_start3A_140 : memref<624x128xf32, #tpu.memory_space<vmem_shared>>) target(%dma_start3A_138 : memref<624x128xf32, #tpu.memory_space<hbm>>) target_semaphore(%run_scoped3A : memref<!tpu.dma_semaphore, #tpu.memory_space<semaphore_mem>>)
      %dma_wait3A_141 = arith.constant 0 : i32
      %dma_wait3A_142 = tpu.memref_slice %arg5[%arg0, %mul3A_130, %dma_wait3A_141] : memref<2x10000x128xf32, #tpu.memory_space<hbm>> -> memref<1x624x128xf32, #tpu.memory_space<hbm>>
      %dma_wait3A_143 = tpu.memref_squeeze %dma_wait3A_142 : memref<1x624x128xf32, #tpu.memory_space<hbm>> -> memref<624x128xf32, #tpu.memory_space<hbm>>
      %dma_wait3A_144 = arith.constant 0 : i32
      %dma_wait3A_145 = tpu.memref_slice %arg8[%mul3A_128, %dma_wait3A_144] : memref<10512x128xf32, #tpu.memory_space<vmem_shared>> -> memref<624x128xf32, #tpu.memory_space<vmem_shared>>
      tpu.wait_dma2 semaphore(%run_scoped3A : memref<!tpu.dma_semaphore, #tpu.memory_space<semaphore_mem>>) src(%dma_wait3A_145 : memref<624x128xf32, #tpu.memory_space<vmem_shared>>) dst(%dma_wait3A_143 : memref<624x128xf32, #tpu.memory_space<hbm>>)
      tpu.yield
    }) : () -> ()
    %eq3A_131 = arith.constant 0 : i32
    %eq3A_132 = arith.cmpi eq, %arg1, %eq3A_131 : i32
    %convert_element_type3A_133 = arith.extui %eq3A_132 : i1 to i32
    %cond3A_134 = arith.constant 0 : i32
    %cond3A_135 = arith.cmpi ne, %convert_element_type3A_133, %cond3A_134 : i32
    scf.if %cond3A_135 {
      "tpu.region"() ({
        %run_scoped3A = tpu.sem_alloc : memref<!tpu.dma_semaphore, #tpu.memory_space<semaphore_mem>>
        %dma_start3A_136 = arith.constant 9984 : i32
        %dma_start3A_137 = arith.constant 0 : i32
        %dma_start3A_138 = tpu.memref_slice %arg5[%arg0, %dma_start3A_136, %dma_start3A_137] : memref<2x10000x128xf32, #tpu.memory_space<hbm>> -> memref<1x16x128xf32, #tpu.memory_space<hbm>>
        %dma_start3A_139 = tpu.memref_squeeze %dma_start3A_138 : memref<1x16x128xf32, #tpu.memory_space<hbm>> -> memref<16x128xf32, #tpu.memory_space<hbm>>
        %dma_start3A_140 = arith.constant 9984 : i32
        %dma_start3A_141 = arith.constant 0 : i32
        %dma_start3A_142 = tpu.memref_slice %arg8[%dma_start3A_140, %dma_start3A_141] : memref<10512x128xf32, #tpu.memory_space<vmem_shared>> -> memref<16x128xf32, #tpu.memory_space<vmem_shared>>
        tpu.enqueue_dma source(%dma_start3A_142 : memref<16x128xf32, #tpu.memory_space<vmem_shared>>) target(%dma_start3A_139 : memref<16x128xf32, #tpu.memory_space<hbm>>) target_semaphore(%run_scoped3A : memref<!tpu.dma_semaphore, #tpu.memory_space<semaphore_mem>>)
        %dma_wait3A_143 = arith.constant 9984 : i32
        %dma_wait3A_144 = arith.constant 0 : i32
        %dma_wait3A_145 = tpu.memref_slice %arg5[%arg0, %dma_wait3A_143, %dma_wait3A_144] : memref<2x10000x128xf32, #tpu.memory_space<hbm>> -> memref<1x16x128xf32, #tpu.memory_space<hbm>>
        %dma_wait3A_146 = tpu.memref_squeeze %dma_wait3A_145 : memref<1x16x128xf32, #tpu.memory_space<hbm>> -> memref<16x128xf32, #tpu.memory_space<hbm>>
        %dma_wait3A_147 = arith.constant 9984 : i32
        %dma_wait3A_148 = arith.constant 0 : i32
        %dma_wait3A_149 = tpu.memref_slice %arg8[%dma_wait3A_147, %dma_wait3A_148] : memref<10512x128xf32, #tpu.memory_space<vmem_shared>> -> memref<16x128xf32, #tpu.memory_space<vmem_shared>>
        tpu.wait_dma2 semaphore(%run_scoped3A : memref<!tpu.dma_semaphore, #tpu.memory_space<semaphore_mem>>) src(%dma_wait3A_149 : memref<16x128xf32, #tpu.memory_space<vmem_shared>>) dst(%dma_wait3A_146 : memref<16x128xf32, #tpu.memory_space<hbm>>)
        tpu.yield
      }) : () -> ()
    } else {
    }
    return
  }
}

#map = affine_map<(d0, d1) -> (0, 0)>
#map1 = affine_map<(d0, d1) -> (0, 0, 0, 0)>
#map2 = affine_map<(d0, d1) -> (0, 0, 0)>
module attributes {stable_mosaic.version = 14 : i64} {
  func.func @body(%arg0: i32, %arg1: i32, %arg2: memref<10000x128xf32, #tpu.memory_space<hbm>>, %arg3: memref<32x80x2x128xi32, #tpu.memory_space<hbm>>, %arg4: memref<10512x128xf32, #tpu.memory_space<hbm>>, %arg5: memref<2x10000x128xf32, #tpu.memory_space<hbm>>, %arg6: memref<8x2x128xi32, #tpu.memory_space<vmem>>, %arg7: memref<2x128x128xf32, #tpu.memory_space<vmem>>, %arg8: memref<10512x128xf32, #tpu.memory_space<vmem_shared>>, %arg9: memref<!tpu.dma_semaphore, #tpu.memory_space<semaphore_mem>>, %arg10: memref<!tpu.dma_semaphore, #tpu.memory_space<semaphore_mem>>, %arg11: memref<!tpu.dma_semaphore, #tpu.memory_space<semaphore_mem>>, %arg12: memref<!tpu.dma_semaphore, #tpu.memory_space<semaphore_mem>>, %arg13: memref<!tpu.dma_semaphore, #tpu.memory_space<semaphore_mem>>, %arg14: memref<!tpu.dma_semaphore, #tpu.memory_space<semaphore_mem>>, %arg15: memref<!tpu.dma_semaphore, #tpu.memory_space<semaphore_mem>>, %arg16: memref<!tpu.dma_semaphore, #tpu.memory_space<semaphore_mem>>, %arg17: memref<!tpu.dma_semaphore, #tpu.memory_space<semaphore_mem>>, %arg18: memref<!tpu.dma_semaphore, #tpu.memory_space<semaphore_mem>>, %arg19: memref<!tpu.dma_semaphore, #tpu.memory_space<semaphore_mem>>, %arg20: memref<!tpu.dma_semaphore, #tpu.memory_space<semaphore_mem>>) attributes {dimension_semantics = [#tpu.dimension_semantics<core_parallel>, #tpu.dimension_semantics<subcore_parallel>], iteration_bounds = array<i64: 2, 16>, scalar_prefetch = 0 : i64, scratch_operands = 15 : i64, tpu.core_type = #tpu.core_type<sc_vector_subcore>, window_params = [{transform_indices = #map}, {transform_indices = #map1}, {transform_indices = #map}, {transform_indices = #map2}]} {
    %mul3A = arith.constant 2 : i32
    %mul3A_0 = arith.muli %arg1, %mul3A : i32
    %add3A = arith.addi %mul3A_0, %arg0 : i32
    %dma_start3A = arith.constant 0 : i32
    %dma_start3A_1 = arith.constant 0 : i32
    %dma_start3A_2 = arith.constant 0 : i32
    %dma_start3A_3 = arith.constant 0 : i32
    %dma_start3A_4 = tpu.memref_slice %arg6[%dma_start3A_1, %dma_start3A_2, %dma_start3A_3] : memref<8x2x128xi32, #tpu.memory_space<vmem>> -> memref<1x2x128xi32, #tpu.memory_space<vmem>>
    %dma_start3A_5 = tpu.memref_squeeze %dma_start3A_4 : memref<1x2x128xi32, #tpu.memory_space<vmem>> -> memref<2x128xi32, #tpu.memory_space<vmem>>
    %dma_start3A_6 = arith.constant 0 : i32
    %dma_start3A_7 = arith.constant 0 : i32
    %dma_start3A_8 = tpu.memref_slice %arg3[%add3A, %dma_start3A, %dma_start3A_6, %dma_start3A_7] : memref<32x80x2x128xi32, #tpu.memory_space<hbm>> -> memref<1x1x2x128xi32, #tpu.memory_space<hbm>>
    %dma_start3A_9 = tpu.memref_squeeze %dma_start3A_8 : memref<1x1x2x128xi32, #tpu.memory_space<hbm>> -> memref<2x128xi32, #tpu.memory_space<hbm>>
    %dma_start3A_10 = arith.constant 0 : i32
    %dma_start3A_11 = arith.constant 0 : i32
    %dma_start3A_12 = tpu.memref_slice %arg6[%dma_start3A_1, %dma_start3A_10, %dma_start3A_11] : memref<8x2x128xi32, #tpu.memory_space<vmem>> -> memref<1x2x128xi32, #tpu.memory_space<vmem>>
    %dma_start3A_13 = tpu.memref_squeeze %dma_start3A_12 : memref<1x2x128xi32, #tpu.memory_space<vmem>> -> memref<2x128xi32, #tpu.memory_space<vmem>>
    %dma_start3A_14 = arith.constant 0 : i32
    %dma_start3A_15 = arith.constant 0 : i32
    %dma_start3A_16 = tpu.memref_slice %arg3[%add3A, %dma_start3A, %dma_start3A_14, %dma_start3A_15] : memref<32x80x2x128xi32, #tpu.memory_space<hbm>> -> memref<1x1x2x128xi32, #tpu.memory_space<hbm>>
    %dma_start3A_17 = tpu.memref_squeeze %dma_start3A_16 : memref<1x1x2x128xi32, #tpu.memory_space<hbm>> -> memref<2x128xi32, #tpu.memory_space<hbm>>
    tpu.enqueue_dma source(%dma_start3A_17 : memref<2x128xi32, #tpu.memory_space<hbm>>) target(%dma_start3A_13 : memref<2x128xi32, #tpu.memory_space<vmem>>) target_semaphore(%arg9 : memref<!tpu.dma_semaphore, #tpu.memory_space<semaphore_mem>>)
    %dma_start3A_18 = arith.constant 1 : i32
    %dma_start3A_19 = arith.constant 1 : i32
    %dma_start3A_20 = arith.constant 0 : i32
    %dma_start3A_21 = arith.constant 0 : i32
    %dma_start3A_22 = tpu.memref_slice %arg6[%dma_start3A_19, %dma_start3A_20, %dma_start3A_21] : memref<8x2x128xi32, #tpu.memory_space<vmem>> -> memref<1x2x128xi32, #tpu.memory_space<vmem>>
    %dma_start3A_23 = tpu.memref_squeeze %dma_start3A_22 : memref<1x2x128xi32, #tpu.memory_space<vmem>> -> memref<2x128xi32, #tpu.memory_space<vmem>>
    %dma_start3A_24 = arith.constant 0 : i32
    %dma_start3A_25 = arith.constant 0 : i32
    %dma_start3A_26 = tpu.memref_slice %arg3[%add3A, %dma_start3A_18, %dma_start3A_24, %dma_start3A_25] : memref<32x80x2x128xi32, #tpu.memory_space<hbm>> -> memref<1x1x2x128xi32, #tpu.memory_space<hbm>>
    %dma_start3A_27 = tpu.memref_squeeze %dma_start3A_26 : memref<1x1x2x128xi32, #tpu.memory_space<hbm>> -> memref<2x128xi32, #tpu.memory_space<hbm>>
    %dma_start3A_28 = arith.constant 0 : i32
    %dma_start3A_29 = arith.constant 0 : i32
    %dma_start3A_30 = tpu.memref_slice %arg6[%dma_start3A_19, %dma_start3A_28, %dma_start3A_29] : memref<8x2x128xi32, #tpu.memory_space<vmem>> -> memref<1x2x128xi32, #tpu.memory_space<vmem>>
    %dma_start3A_31 = tpu.memref_squeeze %dma_start3A_30 : memref<1x2x128xi32, #tpu.memory_space<vmem>> -> memref<2x128xi32, #tpu.memory_space<vmem>>
    %dma_start3A_32 = arith.constant 0 : i32
    %dma_start3A_33 = arith.constant 0 : i32
    %dma_start3A_34 = tpu.memref_slice %arg3[%add3A, %dma_start3A_18, %dma_start3A_32, %dma_start3A_33] : memref<32x80x2x128xi32, #tpu.memory_space<hbm>> -> memref<1x1x2x128xi32, #tpu.memory_space<hbm>>
    %dma_start3A_35 = tpu.memref_squeeze %dma_start3A_34 : memref<1x1x2x128xi32, #tpu.memory_space<hbm>> -> memref<2x128xi32, #tpu.memory_space<hbm>>
    tpu.enqueue_dma source(%dma_start3A_35 : memref<2x128xi32, #tpu.memory_space<hbm>>) target(%dma_start3A_31 : memref<2x128xi32, #tpu.memory_space<vmem>>) target_semaphore(%arg10 : memref<!tpu.dma_semaphore, #tpu.memory_space<semaphore_mem>>)
    %dma_start3A_36 = arith.constant 2 : i32
    %dma_start3A_37 = arith.constant 2 : i32
    %dma_start3A_38 = arith.constant 0 : i32
    %dma_start3A_39 = arith.constant 0 : i32
    %dma_start3A_40 = tpu.memref_slice %arg6[%dma_start3A_37, %dma_start3A_38, %dma_start3A_39] : memref<8x2x128xi32, #tpu.memory_space<vmem>> -> memref<1x2x128xi32, #tpu.memory_space<vmem>>
    %dma_start3A_41 = tpu.memref_squeeze %dma_start3A_40 : memref<1x2x128xi32, #tpu.memory_space<vmem>> -> memref<2x128xi32, #tpu.memory_space<vmem>>
    %dma_start3A_42 = arith.constant 0 : i32
    %dma_start3A_43 = arith.constant 0 : i32
    %dma_start3A_44 = tpu.memref_slice %arg3[%add3A, %dma_start3A_36, %dma_start3A_42, %dma_start3A_43] : memref<32x80x2x128xi32, #tpu.memory_space<hbm>> -> memref<1x1x2x128xi32, #tpu.memory_space<hbm>>
    %dma_start3A_45 = tpu.memref_squeeze %dma_start3A_44 : memref<1x1x2x128xi32, #tpu.memory_space<hbm>> -> memref<2x128xi32, #tpu.memory_space<hbm>>
    %dma_start3A_46 = arith.constant 0 : i32
    %dma_start3A_47 = arith.constant 0 : i32
    %dma_start3A_48 = tpu.memref_slice %arg6[%dma_start3A_37, %dma_start3A_46, %dma_start3A_47] : memref<8x2x128xi32, #tpu.memory_space<vmem>> -> memref<1x2x128xi32, #tpu.memory_space<vmem>>
    %dma_start3A_49 = tpu.memref_squeeze %dma_start3A_48 : memref<1x2x128xi32, #tpu.memory_space<vmem>> -> memref<2x128xi32, #tpu.memory_space<vmem>>
    %dma_start3A_50 = arith.constant 0 : i32
    %dma_start3A_51 = arith.constant 0 : i32
    %dma_start3A_52 = tpu.memref_slice %arg3[%add3A, %dma_start3A_36, %dma_start3A_50, %dma_start3A_51] : memref<32x80x2x128xi32, #tpu.memory_space<hbm>> -> memref<1x1x2x128xi32, #tpu.memory_space<hbm>>
    %dma_start3A_53 = tpu.memref_squeeze %dma_start3A_52 : memref<1x1x2x128xi32, #tpu.memory_space<hbm>> -> memref<2x128xi32, #tpu.memory_space<hbm>>
    tpu.enqueue_dma source(%dma_start3A_53 : memref<2x128xi32, #tpu.memory_space<hbm>>) target(%dma_start3A_49 : memref<2x128xi32, #tpu.memory_space<vmem>>) target_semaphore(%arg11 : memref<!tpu.dma_semaphore, #tpu.memory_space<semaphore_mem>>)
    %dma_start3A_54 = arith.constant 3 : i32
    %dma_start3A_55 = arith.constant 3 : i32
    %dma_start3A_56 = arith.constant 0 : i32
    %dma_start3A_57 = arith.constant 0 : i32
    %dma_start3A_58 = tpu.memref_slice %arg6[%dma_start3A_55, %dma_start3A_56, %dma_start3A_57] : memref<8x2x128xi32, #tpu.memory_space<vmem>> -> memref<1x2x128xi32, #tpu.memory_space<vmem>>
    %dma_start3A_59 = tpu.memref_squeeze %dma_start3A_58 : memref<1x2x128xi32, #tpu.memory_space<vmem>> -> memref<2x128xi32, #tpu.memory_space<vmem>>
    %dma_start3A_60 = arith.constant 0 : i32
    %dma_start3A_61 = arith.constant 0 : i32
    %dma_start3A_62 = tpu.memref_slice %arg3[%add3A, %dma_start3A_54, %dma_start3A_60, %dma_start3A_61] : memref<32x80x2x128xi32, #tpu.memory_space<hbm>> -> memref<1x1x2x128xi32, #tpu.memory_space<hbm>>
    %dma_start3A_63 = tpu.memref_squeeze %dma_start3A_62 : memref<1x1x2x128xi32, #tpu.memory_space<hbm>> -> memref<2x128xi32, #tpu.memory_space<hbm>>
    %dma_start3A_64 = arith.constant 0 : i32
    %dma_start3A_65 = arith.constant 0 : i32
    %dma_start3A_66 = tpu.memref_slice %arg6[%dma_start3A_55, %dma_start3A_64, %dma_start3A_65] : memref<8x2x128xi32, #tpu.memory_space<vmem>> -> memref<1x2x128xi32, #tpu.memory_space<vmem>>
    %dma_start3A_67 = tpu.memref_squeeze %dma_start3A_66 : memref<1x2x128xi32, #tpu.memory_space<vmem>> -> memref<2x128xi32, #tpu.memory_space<vmem>>
    %dma_start3A_68 = arith.constant 0 : i32
    %dma_start3A_69 = arith.constant 0 : i32
    %dma_start3A_70 = tpu.memref_slice %arg3[%add3A, %dma_start3A_54, %dma_start3A_68, %dma_start3A_69] : memref<32x80x2x128xi32, #tpu.memory_space<hbm>> -> memref<1x1x2x128xi32, #tpu.memory_space<hbm>>
    %dma_start3A_71 = tpu.memref_squeeze %dma_start3A_70 : memref<1x1x2x128xi32, #tpu.memory_space<hbm>> -> memref<2x128xi32, #tpu.memory_space<hbm>>
    tpu.enqueue_dma source(%dma_start3A_71 : memref<2x128xi32, #tpu.memory_space<hbm>>) target(%dma_start3A_67 : memref<2x128xi32, #tpu.memory_space<vmem>>) target_semaphore(%arg12 : memref<!tpu.dma_semaphore, #tpu.memory_space<semaphore_mem>>)
    %mul3A_72 = arith.constant 624 : i32
    %mul3A_73 = arith.muli %arg1, %mul3A_72 : i32
    %mul3A_74 = arith.constant 624 : i32
    %mul3A_75 = arith.muli %arg1, %mul3A_74 : i32
    "tpu.region"() ({
      %run_scoped3A = tpu.sem_alloc : memref<!tpu.dma_semaphore, #tpu.memory_space<semaphore_mem>>
      %dma_start3A_136 = arith.constant 0 : i32
      %dma_start3A_137 = tpu.memref_slice %arg8[%mul3A_75, %dma_start3A_136] : memref<10512x128xf32, #tpu.memory_space<vmem_shared>> -> memref<624x128xf32, #tpu.memory_space<vmem_shared>>
      %dma_start3A_138 = arith.constant 0 : i32
      %dma_start3A_139 = tpu.memref_slice %arg4[%mul3A_73, %dma_start3A_138] : memref<10512x128xf32, #tpu.memory_space<hbm>> -> memref<624x128xf32, #tpu.memory_space<hbm>>
      tpu.enqueue_dma source(%dma_start3A_139 : memref<624x128xf32, #tpu.memory_space<hbm>>) target(%dma_start3A_137 : memref<624x128xf32, #tpu.memory_space<vmem_shared>>) target_semaphore(%run_scoped3A : memref<!tpu.dma_semaphore, #tpu.memory_space<semaphore_mem>>)
      %dma_wait3A_140 = arith.constant 0 : i32
      %dma_wait3A_141 = tpu.memref_slice %arg8[%mul3A_75, %dma_wait3A_140] : memref<10512x128xf32, #tpu.memory_space<vmem_shared>> -> memref<624x128xf32, #tpu.memory_space<vmem_shared>>
      %dma_wait3A_142 = arith.constant 0 : i32
      %dma_wait3A_143 = tpu.memref_slice %arg4[%mul3A_73, %dma_wait3A_142] : memref<10512x128xf32, #tpu.memory_space<hbm>> -> memref<624x128xf32, #tpu.memory_space<hbm>>
      tpu.wait_dma2 semaphore(%run_scoped3A : memref<!tpu.dma_semaphore, #tpu.memory_space<semaphore_mem>>) src(%dma_wait3A_143 : memref<624x128xf32, #tpu.memory_space<hbm>>) dst(%dma_wait3A_141 : memref<624x128xf32, #tpu.memory_space<vmem_shared>>)
      tpu.yield
    }) : () -> ()
    %eq3A = arith.constant 0 : i32
    %eq3A_76 = arith.cmpi eq, %arg1, %eq3A : i32
    %convert_element_type3A = arith.extui %eq3A_76 : i1 to i32
    %cond3A = arith.constant 0 : i32
    %cond3A_77 = arith.cmpi ne, %convert_element_type3A, %cond3A : i32
    scf.if %cond3A_77 {
      "tpu.region"() ({
        %run_scoped3A = tpu.sem_alloc : memref<!tpu.dma_semaphore, #tpu.memory_space<semaphore_mem>>
        %dma_start3A_136 = arith.constant 9984 : i32
        %dma_start3A_137 = arith.constant 0 : i32
        %dma_start3A_138 = tpu.memref_slice %arg8[%dma_start3A_136, %dma_start3A_137] : memref<10512x128xf32, #tpu.memory_space<vmem_shared>> -> memref<528x128xf32, #tpu.memory_space<vmem_shared>>
        %dma_start3A_139 = arith.constant 9984 : i32
        %dma_start3A_140 = arith.constant 0 : i32
        %dma_start3A_141 = tpu.memref_slice %arg4[%dma_start3A_139, %dma_start3A_140] : memref<10512x128xf32, #tpu.memory_space<hbm>> -> memref<528x128xf32, #tpu.memory_space<hbm>>
        tpu.enqueue_dma source(%dma_start3A_141 : memref<528x128xf32, #tpu.memory_space<hbm>>) target(%dma_start3A_138 : memref<528x128xf32, #tpu.memory_space<vmem_shared>>) target_semaphore(%run_scoped3A : memref<!tpu.dma_semaphore, #tpu.memory_space<semaphore_mem>>)
        %dma_wait3A_142 = arith.constant 9984 : i32
        %dma_wait3A_143 = arith.constant 0 : i32
        %dma_wait3A_144 = tpu.memref_slice %arg8[%dma_wait3A_142, %dma_wait3A_143] : memref<10512x128xf32, #tpu.memory_space<vmem_shared>> -> memref<528x128xf32, #tpu.memory_space<vmem_shared>>
        %dma_wait3A_145 = arith.constant 9984 : i32
        %dma_wait3A_146 = arith.constant 0 : i32
        %dma_wait3A_147 = tpu.memref_slice %arg4[%dma_wait3A_145, %dma_wait3A_146] : memref<10512x128xf32, #tpu.memory_space<hbm>> -> memref<528x128xf32, #tpu.memory_space<hbm>>
        tpu.wait_dma2 semaphore(%run_scoped3A : memref<!tpu.dma_semaphore, #tpu.memory_space<semaphore_mem>>) src(%dma_wait3A_147 : memref<528x128xf32, #tpu.memory_space<hbm>>) dst(%dma_wait3A_144 : memref<528x128xf32, #tpu.memory_space<vmem_shared>>)
        tpu.yield
      }) : () -> ()
    } else {
    }
    %barrier3A = arith.constant 0 : index
    tpu.barrier barrier_id(%barrier3A)
    %dma_wait3A = arith.constant 0 : i32
    %dma_wait3A_78 = arith.constant 0 : i32
    %dma_wait3A_79 = arith.constant 0 : i32
    %dma_wait3A_80 = arith.constant 0 : i32
    %dma_wait3A_81 = tpu.memref_slice %arg6[%dma_wait3A_78, %dma_wait3A_79, %dma_wait3A_80] : memref<8x2x128xi32, #tpu.memory_space<vmem>> -> memref<1x2x128xi32, #tpu.memory_space<vmem>>
    %dma_wait3A_82 = tpu.memref_squeeze %dma_wait3A_81 : memref<1x2x128xi32, #tpu.memory_space<vmem>> -> memref<2x128xi32, #tpu.memory_space<vmem>>
    %dma_wait3A_83 = arith.constant 0 : i32
    %dma_wait3A_84 = arith.constant 0 : i32
    %dma_wait3A_85 = tpu.memref_slice %arg3[%add3A, %dma_wait3A, %dma_wait3A_83, %dma_wait3A_84] : memref<32x80x2x128xi32, #tpu.memory_space<hbm>> -> memref<1x1x2x128xi32, #tpu.memory_space<hbm>>
    %dma_wait3A_86 = tpu.memref_squeeze %dma_wait3A_85 : memref<1x1x2x128xi32, #tpu.memory_space<hbm>> -> memref<2x128xi32, #tpu.memory_space<hbm>>
    %dma_wait3A_87 = arith.constant 0 : i32
    %dma_wait3A_88 = arith.constant 0 : i32
    %dma_wait3A_89 = tpu.memref_slice %arg6[%dma_wait3A_78, %dma_wait3A_87, %dma_wait3A_88] : memref<8x2x128xi32, #tpu.memory_space<vmem>> -> memref<1x2x128xi32, #tpu.memory_space<vmem>>
    %dma_wait3A_90 = tpu.memref_squeeze %dma_wait3A_89 : memref<1x2x128xi32, #tpu.memory_space<vmem>> -> memref<2x128xi32, #tpu.memory_space<vmem>>
    %dma_wait3A_91 = arith.constant 0 : i32
    %dma_wait3A_92 = arith.constant 0 : i32
    %dma_wait3A_93 = tpu.memref_slice %arg3[%add3A, %dma_wait3A, %dma_wait3A_91, %dma_wait3A_92] : memref<32x80x2x128xi32, #tpu.memory_space<hbm>> -> memref<1x1x2x128xi32, #tpu.memory_space<hbm>>
    %dma_wait3A_94 = tpu.memref_squeeze %dma_wait3A_93 : memref<1x1x2x128xi32, #tpu.memory_space<hbm>> -> memref<2x128xi32, #tpu.memory_space<hbm>>
    tpu.wait_dma2 semaphore(%arg9 : memref<!tpu.dma_semaphore, #tpu.memory_space<semaphore_mem>>) src(%dma_wait3A_94 : memref<2x128xi32, #tpu.memory_space<hbm>>) dst(%dma_wait3A_90 : memref<2x128xi32, #tpu.memory_space<vmem>>)
    %dma_start3A_95 = arith.constant 0 : i32
    %dma_start3A_96 = arith.constant 0 : i32
    %dma_start3A_97 = arith.constant 0 : i32
    %dma_start3A_98 = arith.constant 0 : i32
    %dma_start3A_99 = arith.constant 0 : i32
    %dma_start3A_100 = tpu.memref_slice %arg7[%dma_start3A_97, %dma_start3A_98, %dma_start3A_99] : memref<2x128x128xf32, #tpu.memory_space<vmem>> -> memref<1x128x128xf32, #tpu.memory_space<vmem>>
    %dma_start3A_101 = tpu.memref_squeeze %dma_start3A_100 : memref<1x128x128xf32, #tpu.memory_space<vmem>> -> memref<128x128xf32, #tpu.memory_space<vmem>>
    %dma_start3A_102 = arith.constant 0 : i32
    %dma_start3A_103 = tpu.memref_slice %arg6[%dma_start3A_95, %dma_start3A_96, %dma_start3A_102] : memref<8x2x128xi32, #tpu.memory_space<vmem>> -> memref<1x1x128xi32, #tpu.memory_space<vmem>>
    %dma_start3A_104 = tpu.memref_squeeze %dma_start3A_103 : memref<1x1x128xi32, #tpu.memory_space<vmem>> -> memref<128xi32, #tpu.memory_space<vmem>>
    %dma_start3A_105 = arith.constant 0 : i32
    %dma_start3A_106 = arith.constant 0 : i32
    %dma_start3A_107 = tpu.memref_slice %arg2[%dma_start3A_105, %dma_start3A_106] : memref<10000x128xf32, #tpu.memory_space<hbm>> -> memref<10000x128xf32, #tpu.memory_space<hbm>>
    tpu.enqueue_indirect_dma source(%dma_start3A_107 : memref<10000x128xf32, #tpu.memory_space<hbm>>) target(%dma_start3A_101 : memref<128x128xf32, #tpu.memory_space<vmem>>) offsets(%dma_start3A_104 : memref<128xi32, #tpu.memory_space<vmem>>) semaphore(%arg17 : memref<!tpu.dma_semaphore, #tpu.memory_space<semaphore_mem>>)
    %scan3A = arith.constant 0 : i32
    %scan3A_108 = arith.constant 0 : i32
    %scan3A_109 = arith.constant 10 : i32
    %scan3A_110 = arith.addi %scan3A_108, %scan3A_109 : i32
    %scan3A_111 = arith.constant 1 : i32
    scf.for %scan3A_136 = %scan3A_108 to %scan3A_110 step %scan3A_111  : i32 {
      %mul3A_137 = arith.constant 8 : i32
      %mul3A_138 = arith.muli %mul3A_137, %scan3A_136 : i32
      %add3A_139 = arith.constant 0 : i32
      %add3A_140 = arith.addi %mul3A_138, %add3A_139 : i32
      %add3A_141 = arith.constant 1 : i32
      %add3A_142 = arith.addi %add3A_140, %add3A_141 : i32
      %lt3A = arith.constant 80 : i32
      %lt3A_143 = arith.cmpi slt, %add3A_142, %lt3A : i32
      %convert_element_type3A_144 = arith.extui %lt3A_143 : i1 to i32
      %cond3A_145 = arith.constant 0 : i32
      %cond3A_146 = arith.cmpi ne, %convert_element_type3A_144, %cond3A_145 : i32
      scf.if %cond3A_146 {
        %add3A_583 = arith.constant 1 : i32
        %add3A_584 = arith.addi %add3A_140, %add3A_583 : i32
        %dma_wait3A_585 = arith.constant 1 : i32
        %dma_wait3A_586 = arith.constant 0 : i32
        %dma_wait3A_587 = arith.constant 0 : i32
        %dma_wait3A_588 = tpu.memref_slice %arg6[%dma_wait3A_585, %dma_wait3A_586, %dma_wait3A_587] : memref<8x2x128xi32, #tpu.memory_space<vmem>> -> memref<1x2x128xi32, #tpu.memory_space<vmem>>
        %dma_wait3A_589 = tpu.memref_squeeze %dma_wait3A_588 : memref<1x2x128xi32, #tpu.memory_space<vmem>> -> memref<2x128xi32, #tpu.memory_space<vmem>>
        %dma_wait3A_590 = arith.constant 0 : i32
        %dma_wait3A_591 = arith.constant 0 : i32
        %dma_wait3A_592 = tpu.memref_slice %arg3[%add3A, %add3A_584, %dma_wait3A_590, %dma_wait3A_591] : memref<32x80x2x128xi32, #tpu.memory_space<hbm>> -> memref<1x1x2x128xi32, #tpu.memory_space<hbm>>
        %dma_wait3A_593 = tpu.memref_squeeze %dma_wait3A_592 : memref<1x1x2x128xi32, #tpu.memory_space<hbm>> -> memref<2x128xi32, #tpu.memory_space<hbm>>
        %dma_wait3A_594 = arith.constant 0 : i32
        %dma_wait3A_595 = arith.constant 0 : i32
        %dma_wait3A_596 = tpu.memref_slice %arg6[%dma_wait3A_585, %dma_wait3A_594, %dma_wait3A_595] : memref<8x2x128xi32, #tpu.memory_space<vmem>> -> memref<1x2x128xi32, #tpu.memory_space<vmem>>
        %dma_wait3A_597 = tpu.memref_squeeze %dma_wait3A_596 : memref<1x2x128xi32, #tpu.memory_space<vmem>> -> memref<2x128xi32, #tpu.memory_space<vmem>>
        %dma_wait3A_598 = arith.constant 0 : i32
        %dma_wait3A_599 = arith.constant 0 : i32
        %dma_wait3A_600 = tpu.memref_slice %arg3[%add3A, %add3A_584, %dma_wait3A_598, %dma_wait3A_599] : memref<32x80x2x128xi32, #tpu.memory_space<hbm>> -> memref<1x1x2x128xi32, #tpu.memory_space<hbm>>
        %dma_wait3A_601 = tpu.memref_squeeze %dma_wait3A_600 : memref<1x1x2x128xi32, #tpu.memory_space<hbm>> -> memref<2x128xi32, #tpu.memory_space<hbm>>
        tpu.wait_dma2 semaphore(%arg10 : memref<!tpu.dma_semaphore, #tpu.memory_space<semaphore_mem>>) src(%dma_wait3A_601 : memref<2x128xi32, #tpu.memory_space<hbm>>) dst(%dma_wait3A_597 : memref<2x128xi32, #tpu.memory_space<vmem>>)
      } else {
      }
      %ge3A = arith.constant 1 : i32
      %ge3A_147 = arith.cmpi sge, %add3A_140, %ge3A : i32
      %convert_element_type3A_148 = arith.extui %ge3A_147 : i1 to i32
      %cond3A_149 = arith.constant 0 : i32
      %cond3A_150 = arith.cmpi ne, %convert_element_type3A_148, %cond3A_149 : i32
      scf.if %cond3A_150 {
        %dma_wait3A_583 = arith.constant 1 : i32
        %dma_wait3A_584 = arith.constant 7 : i32
        %dma_wait3A_585 = arith.constant 1 : i32
        %dma_wait3A_586 = arith.constant 0 : i32
        %dma_wait3A_587 = arith.constant 0 : i32
        %dma_wait3A_588 = tpu.memref_slice %arg7[%dma_wait3A_583, %dma_wait3A_586, %dma_wait3A_587] : memref<2x128x128xf32, #tpu.memory_space<vmem>> -> memref<1x128x128xf32, #tpu.memory_space<vmem>>
        %dma_wait3A_589 = tpu.memref_squeeze %dma_wait3A_588 : memref<1x128x128xf32, #tpu.memory_space<vmem>> -> memref<128x128xf32, #tpu.memory_space<vmem>>
        %dma_wait3A_590 = arith.constant 0 : i32
        %dma_wait3A_591 = tpu.memref_slice %arg6[%dma_wait3A_584, %dma_wait3A_585, %dma_wait3A_590] : memref<8x2x128xi32, #tpu.memory_space<vmem>> -> memref<1x1x128xi32, #tpu.memory_space<vmem>>
        %dma_wait3A_592 = tpu.memref_squeeze %dma_wait3A_591 : memref<1x1x128xi32, #tpu.memory_space<vmem>> -> memref<128xi32, #tpu.memory_space<vmem>>
        %dma_wait3A_593 = arith.constant 0 : i32
        %dma_wait3A_594 = arith.constant 0 : i32
        %dma_wait3A_595 = tpu.memref_slice %arg8[%dma_wait3A_593, %dma_wait3A_594] : memref<10512x128xf32, #tpu.memory_space<vmem_shared>> -> memref<10512x128xf32, #tpu.memory_space<vmem_shared>>
        tpu.wait_indirect_dma semaphore(%arg20 : memref<!tpu.dma_semaphore, #tpu.memory_space<semaphore_mem>>) src(%dma_wait3A_589 : memref<128x128xf32, #tpu.memory_space<vmem>>) dst(%dma_wait3A_595 : memref<10512x128xf32, #tpu.memory_space<vmem_shared>>)
      } else {
      }
      %add3A_151 = arith.constant 1 : i32
      %add3A_152 = arith.addi %add3A_140, %add3A_151 : i32
      %lt3A_153 = arith.constant 80 : i32
      %lt3A_154 = arith.cmpi slt, %add3A_152, %lt3A_153 : i32
      %convert_element_type3A_155 = arith.extui %lt3A_154 : i1 to i32
      %cond3A_156 = arith.constant 0 : i32
      %cond3A_157 = arith.cmpi ne, %convert_element_type3A_155, %cond3A_156 : i32
      scf.if %cond3A_157 {
        %dma_start3A_583 = arith.constant 1 : i32
        %dma_start3A_584 = arith.constant 0 : i32
        %dma_start3A_585 = arith.constant 1 : i32
        %dma_start3A_586 = arith.constant 0 : i32
        %dma_start3A_587 = arith.constant 0 : i32
        %dma_start3A_588 = tpu.memref_slice %arg7[%dma_start3A_585, %dma_start3A_586, %dma_start3A_587] : memref<2x128x128xf32, #tpu.memory_space<vmem>> -> memref<1x128x128xf32, #tpu.memory_space<vmem>>
        %dma_start3A_589 = tpu.memref_squeeze %dma_start3A_588 : memref<1x128x128xf32, #tpu.memory_space<vmem>> -> memref<128x128xf32, #tpu.memory_space<vmem>>
        %dma_start3A_590 = arith.constant 0 : i32
        %dma_start3A_591 = tpu.memref_slice %arg6[%dma_start3A_583, %dma_start3A_584, %dma_start3A_590] : memref<8x2x128xi32, #tpu.memory_space<vmem>> -> memref<1x1x128xi32, #tpu.memory_space<vmem>>
        %dma_start3A_592 = tpu.memref_squeeze %dma_start3A_591 : memref<1x1x128xi32, #tpu.memory_space<vmem>> -> memref<128xi32, #tpu.memory_space<vmem>>
        %dma_start3A_593 = arith.constant 0 : i32
        %dma_start3A_594 = arith.constant 0 : i32
        %dma_start3A_595 = tpu.memref_slice %arg2[%dma_start3A_593, %dma_start3A_594] : memref<10000x128xf32, #tpu.memory_space<hbm>> -> memref<10000x128xf32, #tpu.memory_space<hbm>>
        tpu.enqueue_indirect_dma source(%dma_start3A_595 : memref<10000x128xf32, #tpu.memory_space<hbm>>) target(%dma_start3A_589 : memref<128x128xf32, #tpu.memory_space<vmem>>) offsets(%dma_start3A_592 : memref<128xi32, #tpu.memory_space<vmem>>) semaphore(%arg18 : memref<!tpu.dma_semaphore, #tpu.memory_space<semaphore_mem>>)
      } else {
      }
      %dma_wait3A_158 = arith.constant 0 : i32
      %dma_wait3A_159 = arith.constant 0 : i32
      %dma_wait3A_160 = arith.constant 0 : i32
      %dma_wait3A_161 = arith.constant 0 : i32
      %dma_wait3A_162 = arith.constant 0 : i32
      %dma_wait3A_163 = tpu.memref_slice %arg7[%dma_wait3A_160, %dma_wait3A_161, %dma_wait3A_162] : memref<2x128x128xf32, #tpu.memory_space<vmem>> -> memref<1x128x128xf32, #tpu.memory_space<vmem>>
      %dma_wait3A_164 = tpu.memref_squeeze %dma_wait3A_163 : memref<1x128x128xf32, #tpu.memory_space<vmem>> -> memref<128x128xf32, #tpu.memory_space<vmem>>
      %dma_wait3A_165 = arith.constant 0 : i32
      %dma_wait3A_166 = tpu.memref_slice %arg6[%dma_wait3A_158, %dma_wait3A_159, %dma_wait3A_165] : memref<8x2x128xi32, #tpu.memory_space<vmem>> -> memref<1x1x128xi32, #tpu.memory_space<vmem>>
      %dma_wait3A_167 = tpu.memref_squeeze %dma_wait3A_166 : memref<1x1x128xi32, #tpu.memory_space<vmem>> -> memref<128xi32, #tpu.memory_space<vmem>>
      %dma_wait3A_168 = arith.constant 0 : i32
      %dma_wait3A_169 = arith.constant 0 : i32
      %dma_wait3A_170 = tpu.memref_slice %arg2[%dma_wait3A_168, %dma_wait3A_169] : memref<10000x128xf32, #tpu.memory_space<hbm>> -> memref<10000x128xf32, #tpu.memory_space<hbm>>
      tpu.wait_indirect_dma semaphore(%arg17 : memref<!tpu.dma_semaphore, #tpu.memory_space<semaphore_mem>>) src(%dma_wait3A_170 : memref<10000x128xf32, #tpu.memory_space<hbm>>) dst(%dma_wait3A_164 : memref<128x128xf32, #tpu.memory_space<vmem>>)
      %dma_start3A_171 = arith.constant 0 : i32
      %dma_start3A_172 = arith.constant 0 : i32
      %dma_start3A_173 = arith.constant 1 : i32
      %dma_start3A_174 = arith.constant 0 : i32
      %dma_start3A_175 = arith.constant 0 : i32
      %dma_start3A_176 = tpu.memref_slice %arg7[%dma_start3A_171, %dma_start3A_174, %dma_start3A_175] : memref<2x128x128xf32, #tpu.memory_space<vmem>> -> memref<1x128x128xf32, #tpu.memory_space<vmem>>
      %dma_start3A_177 = tpu.memref_squeeze %dma_start3A_176 : memref<1x128x128xf32, #tpu.memory_space<vmem>> -> memref<128x128xf32, #tpu.memory_space<vmem>>
      %dma_start3A_178 = arith.constant 0 : i32
      %dma_start3A_179 = tpu.memref_slice %arg6[%dma_start3A_172, %dma_start3A_173, %dma_start3A_178] : memref<8x2x128xi32, #tpu.memory_space<vmem>> -> memref<1x1x128xi32, #tpu.memory_space<vmem>>
      %dma_start3A_180 = tpu.memref_squeeze %dma_start3A_179 : memref<1x1x128xi32, #tpu.memory_space<vmem>> -> memref<128xi32, #tpu.memory_space<vmem>>
      %dma_start3A_181 = arith.constant 0 : i32
      %dma_start3A_182 = arith.constant 0 : i32
      %dma_start3A_183 = tpu.memref_slice %arg8[%dma_start3A_181, %dma_start3A_182] : memref<10512x128xf32, #tpu.memory_space<vmem_shared>> -> memref<10512x128xf32, #tpu.memory_space<vmem_shared>>
      tpu.enqueue_indirect_dma source(%dma_start3A_177 : memref<128x128xf32, #tpu.memory_space<vmem>>) target(%dma_start3A_183 : memref<10512x128xf32, #tpu.memory_space<vmem_shared>>) offsets(%dma_start3A_180 : memref<128xi32, #tpu.memory_space<vmem>>) semaphore(%arg19 : memref<!tpu.dma_semaphore, #tpu.memory_space<semaphore_mem>>) {add = true}
      %add3A_184 = arith.constant 4 : i32
      %add3A_185 = arith.addi %add3A_140, %add3A_184 : i32
      %lt3A_186 = arith.constant 80 : i32
      %lt3A_187 = arith.cmpi slt, %add3A_185, %lt3A_186 : i32
      %convert_element_type3A_188 = arith.extui %lt3A_187 : i1 to i32
      %cond3A_189 = arith.constant 0 : i32
      %cond3A_190 = arith.cmpi ne, %convert_element_type3A_188, %cond3A_189 : i32
      scf.if %cond3A_190 {
        %add3A_583 = arith.constant 4 : i32
        %add3A_584 = arith.addi %add3A_140, %add3A_583 : i32
        %dma_start3A_585 = arith.constant 4 : i32
        %dma_start3A_586 = arith.constant 0 : i32
        %dma_start3A_587 = arith.constant 0 : i32
        %dma_start3A_588 = tpu.memref_slice %arg6[%dma_start3A_585, %dma_start3A_586, %dma_start3A_587] : memref<8x2x128xi32, #tpu.memory_space<vmem>> -> memref<1x2x128xi32, #tpu.memory_space<vmem>>
        %dma_start3A_589 = tpu.memref_squeeze %dma_start3A_588 : memref<1x2x128xi32, #tpu.memory_space<vmem>> -> memref<2x128xi32, #tpu.memory_space<vmem>>
        %dma_start3A_590 = arith.constant 0 : i32
        %dma_start3A_591 = arith.constant 0 : i32
        %dma_start3A_592 = tpu.memref_slice %arg3[%add3A, %add3A_584, %dma_start3A_590, %dma_start3A_591] : memref<32x80x2x128xi32, #tpu.memory_space<hbm>> -> memref<1x1x2x128xi32, #tpu.memory_space<hbm>>
        %dma_start3A_593 = tpu.memref_squeeze %dma_start3A_592 : memref<1x1x2x128xi32, #tpu.memory_space<hbm>> -> memref<2x128xi32, #tpu.memory_space<hbm>>
        %dma_start3A_594 = arith.constant 0 : i32
        %dma_start3A_595 = arith.constant 0 : i32
        %dma_start3A_596 = tpu.memref_slice %arg6[%dma_start3A_585, %dma_start3A_594, %dma_start3A_595] : memref<8x2x128xi32, #tpu.memory_space<vmem>> -> memref<1x2x128xi32, #tpu.memory_space<vmem>>
        %dma_start3A_597 = tpu.memref_squeeze %dma_start3A_596 : memref<1x2x128xi32, #tpu.memory_space<vmem>> -> memref<2x128xi32, #tpu.memory_space<vmem>>
        %dma_start3A_598 = arith.constant 0 : i32
        %dma_start3A_599 = arith.constant 0 : i32
        %dma_start3A_600 = tpu.memref_slice %arg3[%add3A, %add3A_584, %dma_start3A_598, %dma_start3A_599] : memref<32x80x2x128xi32, #tpu.memory_space<hbm>> -> memref<1x1x2x128xi32, #tpu.memory_space<hbm>>
        %dma_start3A_601 = tpu.memref_squeeze %dma_start3A_600 : memref<1x1x2x128xi32, #tpu.memory_space<hbm>> -> memref<2x128xi32, #tpu.memory_space<hbm>>
        tpu.enqueue_dma source(%dma_start3A_601 : memref<2x128xi32, #tpu.memory_space<hbm>>) target(%dma_start3A_597 : memref<2x128xi32, #tpu.memory_space<vmem>>) target_semaphore(%arg13 : memref<!tpu.dma_semaphore, #tpu.memory_space<semaphore_mem>>)
      } else {
      }
      %mul3A_191 = arith.constant 8 : i32
      %mul3A_192 = arith.muli %mul3A_191, %scan3A_136 : i32
      %add3A_193 = arith.constant 1 : i32
      %add3A_194 = arith.addi %mul3A_192, %add3A_193 : i32
      %add3A_195 = arith.constant 1 : i32
      %add3A_196 = arith.addi %add3A_194, %add3A_195 : i32
      %lt3A_197 = arith.constant 80 : i32
      %lt3A_198 = arith.cmpi slt, %add3A_196, %lt3A_197 : i32
      %convert_element_type3A_199 = arith.extui %lt3A_198 : i1 to i32
      %cond3A_200 = arith.constant 0 : i32
      %cond3A_201 = arith.cmpi ne, %convert_element_type3A_199, %cond3A_200 : i32
      scf.if %cond3A_201 {
        %add3A_583 = arith.constant 1 : i32
        %add3A_584 = arith.addi %add3A_194, %add3A_583 : i32
        %dma_wait3A_585 = arith.constant 2 : i32
        %dma_wait3A_586 = arith.constant 0 : i32
        %dma_wait3A_587 = arith.constant 0 : i32
        %dma_wait3A_588 = tpu.memref_slice %arg6[%dma_wait3A_585, %dma_wait3A_586, %dma_wait3A_587] : memref<8x2x128xi32, #tpu.memory_space<vmem>> -> memref<1x2x128xi32, #tpu.memory_space<vmem>>
        %dma_wait3A_589 = tpu.memref_squeeze %dma_wait3A_588 : memref<1x2x128xi32, #tpu.memory_space<vmem>> -> memref<2x128xi32, #tpu.memory_space<vmem>>
        %dma_wait3A_590 = arith.constant 0 : i32
        %dma_wait3A_591 = arith.constant 0 : i32
        %dma_wait3A_592 = tpu.memref_slice %arg3[%add3A, %add3A_584, %dma_wait3A_590, %dma_wait3A_591] : memref<32x80x2x128xi32, #tpu.memory_space<hbm>> -> memref<1x1x2x128xi32, #tpu.memory_space<hbm>>
        %dma_wait3A_593 = tpu.memref_squeeze %dma_wait3A_592 : memref<1x1x2x128xi32, #tpu.memory_space<hbm>> -> memref<2x128xi32, #tpu.memory_space<hbm>>
        %dma_wait3A_594 = arith.constant 0 : i32
        %dma_wait3A_595 = arith.constant 0 : i32
        %dma_wait3A_596 = tpu.memref_slice %arg6[%dma_wait3A_585, %dma_wait3A_594, %dma_wait3A_595] : memref<8x2x128xi32, #tpu.memory_space<vmem>> -> memref<1x2x128xi32, #tpu.memory_space<vmem>>
        %dma_wait3A_597 = tpu.memref_squeeze %dma_wait3A_596 : memref<1x2x128xi32, #tpu.memory_space<vmem>> -> memref<2x128xi32, #tpu.memory_space<vmem>>
        %dma_wait3A_598 = arith.constant 0 : i32
        %dma_wait3A_599 = arith.constant 0 : i32
        %dma_wait3A_600 = tpu.memref_slice %arg3[%add3A, %add3A_584, %dma_wait3A_598, %dma_wait3A_599] : memref<32x80x2x128xi32, #tpu.memory_space<hbm>> -> memref<1x1x2x128xi32, #tpu.memory_space<hbm>>
        %dma_wait3A_601 = tpu.memref_squeeze %dma_wait3A_600 : memref<1x1x2x128xi32, #tpu.memory_space<hbm>> -> memref<2x128xi32, #tpu.memory_space<hbm>>
        tpu.wait_dma2 semaphore(%arg11 : memref<!tpu.dma_semaphore, #tpu.memory_space<semaphore_mem>>) src(%dma_wait3A_601 : memref<2x128xi32, #tpu.memory_space<hbm>>) dst(%dma_wait3A_597 : memref<2x128xi32, #tpu.memory_space<vmem>>)
      } else {
      }
      %ge3A_202 = arith.constant 1 : i32
      %ge3A_203 = arith.cmpi sge, %add3A_194, %ge3A_202 : i32
      %convert_element_type3A_204 = arith.extui %ge3A_203 : i1 to i32
      %cond3A_205 = arith.constant 0 : i32
      %cond3A_206 = arith.cmpi ne, %convert_element_type3A_204, %cond3A_205 : i32
      scf.if %cond3A_206 {
        %dma_wait3A_583 = arith.constant 0 : i32
        %dma_wait3A_584 = arith.constant 0 : i32
        %dma_wait3A_585 = arith.constant 1 : i32
        %dma_wait3A_586 = arith.constant 0 : i32
        %dma_wait3A_587 = arith.constant 0 : i32
        %dma_wait3A_588 = tpu.memref_slice %arg7[%dma_wait3A_583, %dma_wait3A_586, %dma_wait3A_587] : memref<2x128x128xf32, #tpu.memory_space<vmem>> -> memref<1x128x128xf32, #tpu.memory_space<vmem>>
        %dma_wait3A_589 = tpu.memref_squeeze %dma_wait3A_588 : memref<1x128x128xf32, #tpu.memory_space<vmem>> -> memref<128x128xf32, #tpu.memory_space<vmem>>
        %dma_wait3A_590 = arith.constant 0 : i32
        %dma_wait3A_591 = tpu.memref_slice %arg6[%dma_wait3A_584, %dma_wait3A_585, %dma_wait3A_590] : memref<8x2x128xi32, #tpu.memory_space<vmem>> -> memref<1x1x128xi32, #tpu.memory_space<vmem>>
        %dma_wait3A_592 = tpu.memref_squeeze %dma_wait3A_591 : memref<1x1x128xi32, #tpu.memory_space<vmem>> -> memref<128xi32, #tpu.memory_space<vmem>>
        %dma_wait3A_593 = arith.constant 0 : i32
        %dma_wait3A_594 = arith.constant 0 : i32
        %dma_wait3A_595 = tpu.memref_slice %arg8[%dma_wait3A_593, %dma_wait3A_594] : memref<10512x128xf32, #tpu.memory_space<vmem_shared>> -> memref<10512x128xf32, #tpu.memory_space<vmem_shared>>
        tpu.wait_indirect_dma semaphore(%arg19 : memref<!tpu.dma_semaphore, #tpu.memory_space<semaphore_mem>>) src(%dma_wait3A_589 : memref<128x128xf32, #tpu.memory_space<vmem>>) dst(%dma_wait3A_595 : memref<10512x128xf32, #tpu.memory_space<vmem_shared>>)
      } else {
      }
      %add3A_207 = arith.constant 1 : i32
      %add3A_208 = arith.addi %add3A_194, %add3A_207 : i32
      %lt3A_209 = arith.constant 80 : i32
      %lt3A_210 = arith.cmpi slt, %add3A_208, %lt3A_209 : i32
      %convert_element_type3A_211 = arith.extui %lt3A_210 : i1 to i32
      %cond3A_212 = arith.constant 0 : i32
      %cond3A_213 = arith.cmpi ne, %convert_element_type3A_211, %cond3A_212 : i32
      scf.if %cond3A_213 {
        %dma_start3A_583 = arith.constant 2 : i32
        %dma_start3A_584 = arith.constant 0 : i32
        %dma_start3A_585 = arith.constant 0 : i32
        %dma_start3A_586 = arith.constant 0 : i32
        %dma_start3A_587 = arith.constant 0 : i32
        %dma_start3A_588 = tpu.memref_slice %arg7[%dma_start3A_585, %dma_start3A_586, %dma_start3A_587] : memref<2x128x128xf32, #tpu.memory_space<vmem>> -> memref<1x128x128xf32, #tpu.memory_space<vmem>>
        %dma_start3A_589 = tpu.memref_squeeze %dma_start3A_588 : memref<1x128x128xf32, #tpu.memory_space<vmem>> -> memref<128x128xf32, #tpu.memory_space<vmem>>
        %dma_start3A_590 = arith.constant 0 : i32
        %dma_start3A_591 = tpu.memref_slice %arg6[%dma_start3A_583, %dma_start3A_584, %dma_start3A_590] : memref<8x2x128xi32, #tpu.memory_space<vmem>> -> memref<1x1x128xi32, #tpu.memory_space<vmem>>
        %dma_start3A_592 = tpu.memref_squeeze %dma_start3A_591 : memref<1x1x128xi32, #tpu.memory_space<vmem>> -> memref<128xi32, #tpu.memory_space<vmem>>
        %dma_start3A_593 = arith.constant 0 : i32
        %dma_start3A_594 = arith.constant 0 : i32
        %dma_start3A_595 = tpu.memref_slice %arg2[%dma_start3A_593, %dma_start3A_594] : memref<10000x128xf32, #tpu.memory_space<hbm>> -> memref<10000x128xf32, #tpu.memory_space<hbm>>
        tpu.enqueue_indirect_dma source(%dma_start3A_595 : memref<10000x128xf32, #tpu.memory_space<hbm>>) target(%dma_start3A_589 : memref<128x128xf32, #tpu.memory_space<vmem>>) offsets(%dma_start3A_592 : memref<128xi32, #tpu.memory_space<vmem>>) semaphore(%arg17 : memref<!tpu.dma_semaphore, #tpu.memory_space<semaphore_mem>>)
      } else {
      }
      %dma_wait3A_214 = arith.constant 1 : i32
      %dma_wait3A_215 = arith.constant 0 : i32
      %dma_wait3A_216 = arith.constant 1 : i32
      %dma_wait3A_217 = arith.constant 0 : i32
      %dma_wait3A_218 = arith.constant 0 : i32
      %dma_wait3A_219 = tpu.memref_slice %arg7[%dma_wait3A_216, %dma_wait3A_217, %dma_wait3A_218] : memref<2x128x128xf32, #tpu.memory_space<vmem>> -> memref<1x128x128xf32, #tpu.memory_space<vmem>>
      %dma_wait3A_220 = tpu.memref_squeeze %dma_wait3A_219 : memref<1x128x128xf32, #tpu.memory_space<vmem>> -> memref<128x128xf32, #tpu.memory_space<vmem>>
      %dma_wait3A_221 = arith.constant 0 : i32
      %dma_wait3A_222 = tpu.memref_slice %arg6[%dma_wait3A_214, %dma_wait3A_215, %dma_wait3A_221] : memref<8x2x128xi32, #tpu.memory_space<vmem>> -> memref<1x1x128xi32, #tpu.memory_space<vmem>>
      %dma_wait3A_223 = tpu.memref_squeeze %dma_wait3A_222 : memref<1x1x128xi32, #tpu.memory_space<vmem>> -> memref<128xi32, #tpu.memory_space<vmem>>
      %dma_wait3A_224 = arith.constant 0 : i32
      %dma_wait3A_225 = arith.constant 0 : i32
      %dma_wait3A_226 = tpu.memref_slice %arg2[%dma_wait3A_224, %dma_wait3A_225] : memref<10000x128xf32, #tpu.memory_space<hbm>> -> memref<10000x128xf32, #tpu.memory_space<hbm>>
      tpu.wait_indirect_dma semaphore(%arg18 : memref<!tpu.dma_semaphore, #tpu.memory_space<semaphore_mem>>) src(%dma_wait3A_226 : memref<10000x128xf32, #tpu.memory_space<hbm>>) dst(%dma_wait3A_220 : memref<128x128xf32, #tpu.memory_space<vmem>>)
      %dma_start3A_227 = arith.constant 1 : i32
      %dma_start3A_228 = arith.constant 1 : i32
      %dma_start3A_229 = arith.constant 1 : i32
      %dma_start3A_230 = arith.constant 0 : i32
      %dma_start3A_231 = arith.constant 0 : i32
      %dma_start3A_232 = tpu.memref_slice %arg7[%dma_start3A_227, %dma_start3A_230, %dma_start3A_231] : memref<2x128x128xf32, #tpu.memory_space<vmem>> -> memref<1x128x128xf32, #tpu.memory_space<vmem>>
      %dma_start3A_233 = tpu.memref_squeeze %dma_start3A_232 : memref<1x128x128xf32, #tpu.memory_space<vmem>> -> memref<128x128xf32, #tpu.memory_space<vmem>>
      %dma_start3A_234 = arith.constant 0 : i32
      %dma_start3A_235 = tpu.memref_slice %arg6[%dma_start3A_228, %dma_start3A_229, %dma_start3A_234] : memref<8x2x128xi32, #tpu.memory_space<vmem>> -> memref<1x1x128xi32, #tpu.memory_space<vmem>>
      %dma_start3A_236 = tpu.memref_squeeze %dma_start3A_235 : memref<1x1x128xi32, #tpu.memory_space<vmem>> -> memref<128xi32, #tpu.memory_space<vmem>>
      %dma_start3A_237 = arith.constant 0 : i32
      %dma_start3A_238 = arith.constant 0 : i32
      %dma_start3A_239 = tpu.memref_slice %arg8[%dma_start3A_237, %dma_start3A_238] : memref<10512x128xf32, #tpu.memory_space<vmem_shared>> -> memref<10512x128xf32, #tpu.memory_space<vmem_shared>>
      tpu.enqueue_indirect_dma source(%dma_start3A_233 : memref<128x128xf32, #tpu.memory_space<vmem>>) target(%dma_start3A_239 : memref<10512x128xf32, #tpu.memory_space<vmem_shared>>) offsets(%dma_start3A_236 : memref<128xi32, #tpu.memory_space<vmem>>) semaphore(%arg20 : memref<!tpu.dma_semaphore, #tpu.memory_space<semaphore_mem>>) {add = true}
      %add3A_240 = arith.constant 4 : i32
      %add3A_241 = arith.addi %add3A_194, %add3A_240 : i32
      %lt3A_242 = arith.constant 80 : i32
      %lt3A_243 = arith.cmpi slt, %add3A_241, %lt3A_242 : i32
      %convert_element_type3A_244 = arith.extui %lt3A_243 : i1 to i32
      %cond3A_245 = arith.constant 0 : i32
      %cond3A_246 = arith.cmpi ne, %convert_element_type3A_244, %cond3A_245 : i32
      scf.if %cond3A_246 {
        %add3A_583 = arith.constant 4 : i32
        %add3A_584 = arith.addi %add3A_194, %add3A_583 : i32
        %dma_start3A_585 = arith.constant 5 : i32
        %dma_start3A_586 = arith.constant 0 : i32
        %dma_start3A_587 = arith.constant 0 : i32
        %dma_start3A_588 = tpu.memref_slice %arg6[%dma_start3A_585, %dma_start3A_586, %dma_start3A_587] : memref<8x2x128xi32, #tpu.memory_space<vmem>> -> memref<1x2x128xi32, #tpu.memory_space<vmem>>
        %dma_start3A_589 = tpu.memref_squeeze %dma_start3A_588 : memref<1x2x128xi32, #tpu.memory_space<vmem>> -> memref<2x128xi32, #tpu.memory_space<vmem>>
        %dma_start3A_590 = arith.constant 0 : i32
        %dma_start3A_591 = arith.constant 0 : i32
        %dma_start3A_592 = tpu.memref_slice %arg3[%add3A, %add3A_584, %dma_start3A_590, %dma_start3A_591] : memref<32x80x2x128xi32, #tpu.memory_space<hbm>> -> memref<1x1x2x128xi32, #tpu.memory_space<hbm>>
        %dma_start3A_593 = tpu.memref_squeeze %dma_start3A_592 : memref<1x1x2x128xi32, #tpu.memory_space<hbm>> -> memref<2x128xi32, #tpu.memory_space<hbm>>
        %dma_start3A_594 = arith.constant 0 : i32
        %dma_start3A_595 = arith.constant 0 : i32
        %dma_start3A_596 = tpu.memref_slice %arg6[%dma_start3A_585, %dma_start3A_594, %dma_start3A_595] : memref<8x2x128xi32, #tpu.memory_space<vmem>> -> memref<1x2x128xi32, #tpu.memory_space<vmem>>
        %dma_start3A_597 = tpu.memref_squeeze %dma_start3A_596 : memref<1x2x128xi32, #tpu.memory_space<vmem>> -> memref<2x128xi32, #tpu.memory_space<vmem>>
        %dma_start3A_598 = arith.constant 0 : i32
        %dma_start3A_599 = arith.constant 0 : i32
        %dma_start3A_600 = tpu.memref_slice %arg3[%add3A, %add3A_584, %dma_start3A_598, %dma_start3A_599] : memref<32x80x2x128xi32, #tpu.memory_space<hbm>> -> memref<1x1x2x128xi32, #tpu.memory_space<hbm>>
        %dma_start3A_601 = tpu.memref_squeeze %dma_start3A_600 : memref<1x1x2x128xi32, #tpu.memory_space<hbm>> -> memref<2x128xi32, #tpu.memory_space<hbm>>
        tpu.enqueue_dma source(%dma_start3A_601 : memref<2x128xi32, #tpu.memory_space<hbm>>) target(%dma_start3A_597 : memref<2x128xi32, #tpu.memory_space<vmem>>) target_semaphore(%arg14 : memref<!tpu.dma_semaphore, #tpu.memory_space<semaphore_mem>>)
      } else {
      }
      %mul3A_247 = arith.constant 8 : i32
      %mul3A_248 = arith.muli %mul3A_247, %scan3A_136 : i32
      %add3A_249 = arith.constant 2 : i32
      %add3A_250 = arith.addi %mul3A_248, %add3A_249 : i32
      %add3A_251 = arith.constant 1 : i32
      %add3A_252 = arith.addi %add3A_250, %add3A_251 : i32
      %lt3A_253 = arith.constant 80 : i32
      %lt3A_254 = arith.cmpi slt, %add3A_252, %lt3A_253 : i32
      %convert_element_type3A_255 = arith.extui %lt3A_254 : i1 to i32
      %cond3A_256 = arith.constant 0 : i32
      %cond3A_257 = arith.cmpi ne, %convert_element_type3A_255, %cond3A_256 : i32
      scf.if %cond3A_257 {
        %add3A_583 = arith.constant 1 : i32
        %add3A_584 = arith.addi %add3A_250, %add3A_583 : i32
        %dma_wait3A_585 = arith.constant 3 : i32
        %dma_wait3A_586 = arith.constant 0 : i32
        %dma_wait3A_587 = arith.constant 0 : i32
        %dma_wait3A_588 = tpu.memref_slice %arg6[%dma_wait3A_585, %dma_wait3A_586, %dma_wait3A_587] : memref<8x2x128xi32, #tpu.memory_space<vmem>> -> memref<1x2x128xi32, #tpu.memory_space<vmem>>
        %dma_wait3A_589 = tpu.memref_squeeze %dma_wait3A_588 : memref<1x2x128xi32, #tpu.memory_space<vmem>> -> memref<2x128xi32, #tpu.memory_space<vmem>>
        %dma_wait3A_590 = arith.constant 0 : i32
        %dma_wait3A_591 = arith.constant 0 : i32
        %dma_wait3A_592 = tpu.memref_slice %arg3[%add3A, %add3A_584, %dma_wait3A_590, %dma_wait3A_591] : memref<32x80x2x128xi32, #tpu.memory_space<hbm>> -> memref<1x1x2x128xi32, #tpu.memory_space<hbm>>
        %dma_wait3A_593 = tpu.memref_squeeze %dma_wait3A_592 : memref<1x1x2x128xi32, #tpu.memory_space<hbm>> -> memref<2x128xi32, #tpu.memory_space<hbm>>
        %dma_wait3A_594 = arith.constant 0 : i32
        %dma_wait3A_595 = arith.constant 0 : i32
        %dma_wait3A_596 = tpu.memref_slice %arg6[%dma_wait3A_585, %dma_wait3A_594, %dma_wait3A_595] : memref<8x2x128xi32, #tpu.memory_space<vmem>> -> memref<1x2x128xi32, #tpu.memory_space<vmem>>
        %dma_wait3A_597 = tpu.memref_squeeze %dma_wait3A_596 : memref<1x2x128xi32, #tpu.memory_space<vmem>> -> memref<2x128xi32, #tpu.memory_space<vmem>>
        %dma_wait3A_598 = arith.constant 0 : i32
        %dma_wait3A_599 = arith.constant 0 : i32
        %dma_wait3A_600 = tpu.memref_slice %arg3[%add3A, %add3A_584, %dma_wait3A_598, %dma_wait3A_599] : memref<32x80x2x128xi32, #tpu.memory_space<hbm>> -> memref<1x1x2x128xi32, #tpu.memory_space<hbm>>
        %dma_wait3A_601 = tpu.memref_squeeze %dma_wait3A_600 : memref<1x1x2x128xi32, #tpu.memory_space<hbm>> -> memref<2x128xi32, #tpu.memory_space<hbm>>
        tpu.wait_dma2 semaphore(%arg12 : memref<!tpu.dma_semaphore, #tpu.memory_space<semaphore_mem>>) src(%dma_wait3A_601 : memref<2x128xi32, #tpu.memory_space<hbm>>) dst(%dma_wait3A_597 : memref<2x128xi32, #tpu.memory_space<vmem>>)
      } else {
      }
      %ge3A_258 = arith.constant 1 : i32
      %ge3A_259 = arith.cmpi sge, %add3A_250, %ge3A_258 : i32
      %convert_element_type3A_260 = arith.extui %ge3A_259 : i1 to i32
      %cond3A_261 = arith.constant 0 : i32
      %cond3A_262 = arith.cmpi ne, %convert_element_type3A_260, %cond3A_261 : i32
      scf.if %cond3A_262 {
        %dma_wait3A_583 = arith.constant 1 : i32
        %dma_wait3A_584 = arith.constant 1 : i32
        %dma_wait3A_585 = arith.constant 1 : i32
        %dma_wait3A_586 = arith.constant 0 : i32
        %dma_wait3A_587 = arith.constant 0 : i32
        %dma_wait3A_588 = tpu.memref_slice %arg7[%dma_wait3A_583, %dma_wait3A_586, %dma_wait3A_587] : memref<2x128x128xf32, #tpu.memory_space<vmem>> -> memref<1x128x128xf32, #tpu.memory_space<vmem>>
        %dma_wait3A_589 = tpu.memref_squeeze %dma_wait3A_588 : memref<1x128x128xf32, #tpu.memory_space<vmem>> -> memref<128x128xf32, #tpu.memory_space<vmem>>
        %dma_wait3A_590 = arith.constant 0 : i32
        %dma_wait3A_591 = tpu.memref_slice %arg6[%dma_wait3A_584, %dma_wait3A_585, %dma_wait3A_590] : memref<8x2x128xi32, #tpu.memory_space<vmem>> -> memref<1x1x128xi32, #tpu.memory_space<vmem>>
        %dma_wait3A_592 = tpu.memref_squeeze %dma_wait3A_591 : memref<1x1x128xi32, #tpu.memory_space<vmem>> -> memref<128xi32, #tpu.memory_space<vmem>>
        %dma_wait3A_593 = arith.constant 0 : i32
        %dma_wait3A_594 = arith.constant 0 : i32
        %dma_wait3A_595 = tpu.memref_slice %arg8[%dma_wait3A_593, %dma_wait3A_594] : memref<10512x128xf32, #tpu.memory_space<vmem_shared>> -> memref<10512x128xf32, #tpu.memory_space<vmem_shared>>
        tpu.wait_indirect_dma semaphore(%arg20 : memref<!tpu.dma_semaphore, #tpu.memory_space<semaphore_mem>>) src(%dma_wait3A_589 : memref<128x128xf32, #tpu.memory_space<vmem>>) dst(%dma_wait3A_595 : memref<10512x128xf32, #tpu.memory_space<vmem_shared>>)
      } else {
      }
      %add3A_263 = arith.constant 1 : i32
      %add3A_264 = arith.addi %add3A_250, %add3A_263 : i32
      %lt3A_265 = arith.constant 80 : i32
      %lt3A_266 = arith.cmpi slt, %add3A_264, %lt3A_265 : i32
      %convert_element_type3A_267 = arith.extui %lt3A_266 : i1 to i32
      %cond3A_268 = arith.constant 0 : i32
      %cond3A_269 = arith.cmpi ne, %convert_element_type3A_267, %cond3A_268 : i32
      scf.if %cond3A_269 {
        %dma_start3A_583 = arith.constant 3 : i32
        %dma_start3A_584 = arith.constant 0 : i32
        %dma_start3A_585 = arith.constant 1 : i32
        %dma_start3A_586 = arith.constant 0 : i32
        %dma_start3A_587 = arith.constant 0 : i32
        %dma_start3A_588 = tpu.memref_slice %arg7[%dma_start3A_585, %dma_start3A_586, %dma_start3A_587] : memref<2x128x128xf32, #tpu.memory_space<vmem>> -> memref<1x128x128xf32, #tpu.memory_space<vmem>>
        %dma_start3A_589 = tpu.memref_squeeze %dma_start3A_588 : memref<1x128x128xf32, #tpu.memory_space<vmem>> -> memref<128x128xf32, #tpu.memory_space<vmem>>
        %dma_start3A_590 = arith.constant 0 : i32
        %dma_start3A_591 = tpu.memref_slice %arg6[%dma_start3A_583, %dma_start3A_584, %dma_start3A_590] : memref<8x2x128xi32, #tpu.memory_space<vmem>> -> memref<1x1x128xi32, #tpu.memory_space<vmem>>
        %dma_start3A_592 = tpu.memref_squeeze %dma_start3A_591 : memref<1x1x128xi32, #tpu.memory_space<vmem>> -> memref<128xi32, #tpu.memory_space<vmem>>
        %dma_start3A_593 = arith.constant 0 : i32
        %dma_start3A_594 = arith.constant 0 : i32
        %dma_start3A_595 = tpu.memref_slice %arg2[%dma_start3A_593, %dma_start3A_594] : memref<10000x128xf32, #tpu.memory_space<hbm>> -> memref<10000x128xf32, #tpu.memory_space<hbm>>
        tpu.enqueue_indirect_dma source(%dma_start3A_595 : memref<10000x128xf32, #tpu.memory_space<hbm>>) target(%dma_start3A_589 : memref<128x128xf32, #tpu.memory_space<vmem>>) offsets(%dma_start3A_592 : memref<128xi32, #tpu.memory_space<vmem>>) semaphore(%arg18 : memref<!tpu.dma_semaphore, #tpu.memory_space<semaphore_mem>>)
      } else {
      }
      %dma_wait3A_270 = arith.constant 2 : i32
      %dma_wait3A_271 = arith.constant 0 : i32
      %dma_wait3A_272 = arith.constant 0 : i32
      %dma_wait3A_273 = arith.constant 0 : i32
      %dma_wait3A_274 = arith.constant 0 : i32
      %dma_wait3A_275 = tpu.memref_slice %arg7[%dma_wait3A_272, %dma_wait3A_273, %dma_wait3A_274] : memref<2x128x128xf32, #tpu.memory_space<vmem>> -> memref<1x128x128xf32, #tpu.memory_space<vmem>>
      %dma_wait3A_276 = tpu.memref_squeeze %dma_wait3A_275 : memref<1x128x128xf32, #tpu.memory_space<vmem>> -> memref<128x128xf32, #tpu.memory_space<vmem>>
      %dma_wait3A_277 = arith.constant 0 : i32
      %dma_wait3A_278 = tpu.memref_slice %arg6[%dma_wait3A_270, %dma_wait3A_271, %dma_wait3A_277] : memref<8x2x128xi32, #tpu.memory_space<vmem>> -> memref<1x1x128xi32, #tpu.memory_space<vmem>>
      %dma_wait3A_279 = tpu.memref_squeeze %dma_wait3A_278 : memref<1x1x128xi32, #tpu.memory_space<vmem>> -> memref<128xi32, #tpu.memory_space<vmem>>
      %dma_wait3A_280 = arith.constant 0 : i32
      %dma_wait3A_281 = arith.constant 0 : i32
      %dma_wait3A_282 = tpu.memref_slice %arg2[%dma_wait3A_280, %dma_wait3A_281] : memref<10000x128xf32, #tpu.memory_space<hbm>> -> memref<10000x128xf32, #tpu.memory_space<hbm>>
      tpu.wait_indirect_dma semaphore(%arg17 : memref<!tpu.dma_semaphore, #tpu.memory_space<semaphore_mem>>) src(%dma_wait3A_282 : memref<10000x128xf32, #tpu.memory_space<hbm>>) dst(%dma_wait3A_276 : memref<128x128xf32, #tpu.memory_space<vmem>>)
      %dma_start3A_283 = arith.constant 0 : i32
      %dma_start3A_284 = arith.constant 2 : i32
      %dma_start3A_285 = arith.constant 1 : i32
      %dma_start3A_286 = arith.constant 0 : i32
      %dma_start3A_287 = arith.constant 0 : i32
      %dma_start3A_288 = tpu.memref_slice %arg7[%dma_start3A_283, %dma_start3A_286, %dma_start3A_287] : memref<2x128x128xf32, #tpu.memory_space<vmem>> -> memref<1x128x128xf32, #tpu.memory_space<vmem>>
      %dma_start3A_289 = tpu.memref_squeeze %dma_start3A_288 : memref<1x128x128xf32, #tpu.memory_space<vmem>> -> memref<128x128xf32, #tpu.memory_space<vmem>>
      %dma_start3A_290 = arith.constant 0 : i32
      %dma_start3A_291 = tpu.memref_slice %arg6[%dma_start3A_284, %dma_start3A_285, %dma_start3A_290] : memref<8x2x128xi32, #tpu.memory_space<vmem>> -> memref<1x1x128xi32, #tpu.memory_space<vmem>>
      %dma_start3A_292 = tpu.memref_squeeze %dma_start3A_291 : memref<1x1x128xi32, #tpu.memory_space<vmem>> -> memref<128xi32, #tpu.memory_space<vmem>>
      %dma_start3A_293 = arith.constant 0 : i32
      %dma_start3A_294 = arith.constant 0 : i32
      %dma_start3A_295 = tpu.memref_slice %arg8[%dma_start3A_293, %dma_start3A_294] : memref<10512x128xf32, #tpu.memory_space<vmem_shared>> -> memref<10512x128xf32, #tpu.memory_space<vmem_shared>>
      tpu.enqueue_indirect_dma source(%dma_start3A_289 : memref<128x128xf32, #tpu.memory_space<vmem>>) target(%dma_start3A_295 : memref<10512x128xf32, #tpu.memory_space<vmem_shared>>) offsets(%dma_start3A_292 : memref<128xi32, #tpu.memory_space<vmem>>) semaphore(%arg19 : memref<!tpu.dma_semaphore, #tpu.memory_space<semaphore_mem>>) {add = true}
      %add3A_296 = arith.constant 4 : i32
      %add3A_297 = arith.addi %add3A_250, %add3A_296 : i32
      %lt3A_298 = arith.constant 80 : i32
      %lt3A_299 = arith.cmpi slt, %add3A_297, %lt3A_298 : i32
      %convert_element_type3A_300 = arith.extui %lt3A_299 : i1 to i32
      %cond3A_301 = arith.constant 0 : i32
      %cond3A_302 = arith.cmpi ne, %convert_element_type3A_300, %cond3A_301 : i32
      scf.if %cond3A_302 {
        %add3A_583 = arith.constant 4 : i32
        %add3A_584 = arith.addi %add3A_250, %add3A_583 : i32
        %dma_start3A_585 = arith.constant 6 : i32
        %dma_start3A_586 = arith.constant 0 : i32
        %dma_start3A_587 = arith.constant 0 : i32
        %dma_start3A_588 = tpu.memref_slice %arg6[%dma_start3A_585, %dma_start3A_586, %dma_start3A_587] : memref<8x2x128xi32, #tpu.memory_space<vmem>> -> memref<1x2x128xi32, #tpu.memory_space<vmem>>
        %dma_start3A_589 = tpu.memref_squeeze %dma_start3A_588 : memref<1x2x128xi32, #tpu.memory_space<vmem>> -> memref<2x128xi32, #tpu.memory_space<vmem>>
        %dma_start3A_590 = arith.constant 0 : i32
        %dma_start3A_591 = arith.constant 0 : i32
        %dma_start3A_592 = tpu.memref_slice %arg3[%add3A, %add3A_584, %dma_start3A_590, %dma_start3A_591] : memref<32x80x2x128xi32, #tpu.memory_space<hbm>> -> memref<1x1x2x128xi32, #tpu.memory_space<hbm>>
        %dma_start3A_593 = tpu.memref_squeeze %dma_start3A_592 : memref<1x1x2x128xi32, #tpu.memory_space<hbm>> -> memref<2x128xi32, #tpu.memory_space<hbm>>
        %dma_start3A_594 = arith.constant 0 : i32
        %dma_start3A_595 = arith.constant 0 : i32
        %dma_start3A_596 = tpu.memref_slice %arg6[%dma_start3A_585, %dma_start3A_594, %dma_start3A_595] : memref<8x2x128xi32, #tpu.memory_space<vmem>> -> memref<1x2x128xi32, #tpu.memory_space<vmem>>
        %dma_start3A_597 = tpu.memref_squeeze %dma_start3A_596 : memref<1x2x128xi32, #tpu.memory_space<vmem>> -> memref<2x128xi32, #tpu.memory_space<vmem>>
        %dma_start3A_598 = arith.constant 0 : i32
        %dma_start3A_599 = arith.constant 0 : i32
        %dma_start3A_600 = tpu.memref_slice %arg3[%add3A, %add3A_584, %dma_start3A_598, %dma_start3A_599] : memref<32x80x2x128xi32, #tpu.memory_space<hbm>> -> memref<1x1x2x128xi32, #tpu.memory_space<hbm>>
        %dma_start3A_601 = tpu.memref_squeeze %dma_start3A_600 : memref<1x1x2x128xi32, #tpu.memory_space<hbm>> -> memref<2x128xi32, #tpu.memory_space<hbm>>
        tpu.enqueue_dma source(%dma_start3A_601 : memref<2x128xi32, #tpu.memory_space<hbm>>) target(%dma_start3A_597 : memref<2x128xi32, #tpu.memory_space<vmem>>) target_semaphore(%arg15 : memref<!tpu.dma_semaphore, #tpu.memory_space<semaphore_mem>>)
      } else {
      }
      %mul3A_303 = arith.constant 8 : i32
      %mul3A_304 = arith.muli %mul3A_303, %scan3A_136 : i32
      %add3A_305 = arith.constant 3 : i32
      %add3A_306 = arith.addi %mul3A_304, %add3A_305 : i32
      %add3A_307 = arith.constant 1 : i32
      %add3A_308 = arith.addi %add3A_306, %add3A_307 : i32
      %lt3A_309 = arith.constant 80 : i32
      %lt3A_310 = arith.cmpi slt, %add3A_308, %lt3A_309 : i32
      %convert_element_type3A_311 = arith.extui %lt3A_310 : i1 to i32
      %cond3A_312 = arith.constant 0 : i32
      %cond3A_313 = arith.cmpi ne, %convert_element_type3A_311, %cond3A_312 : i32
      scf.if %cond3A_313 {
        %add3A_583 = arith.constant 1 : i32
        %add3A_584 = arith.addi %add3A_306, %add3A_583 : i32
        %dma_wait3A_585 = arith.constant 4 : i32
        %dma_wait3A_586 = arith.constant 0 : i32
        %dma_wait3A_587 = arith.constant 0 : i32
        %dma_wait3A_588 = tpu.memref_slice %arg6[%dma_wait3A_585, %dma_wait3A_586, %dma_wait3A_587] : memref<8x2x128xi32, #tpu.memory_space<vmem>> -> memref<1x2x128xi32, #tpu.memory_space<vmem>>
        %dma_wait3A_589 = tpu.memref_squeeze %dma_wait3A_588 : memref<1x2x128xi32, #tpu.memory_space<vmem>> -> memref<2x128xi32, #tpu.memory_space<vmem>>
        %dma_wait3A_590 = arith.constant 0 : i32
        %dma_wait3A_591 = arith.constant 0 : i32
        %dma_wait3A_592 = tpu.memref_slice %arg3[%add3A, %add3A_584, %dma_wait3A_590, %dma_wait3A_591] : memref<32x80x2x128xi32, #tpu.memory_space<hbm>> -> memref<1x1x2x128xi32, #tpu.memory_space<hbm>>
        %dma_wait3A_593 = tpu.memref_squeeze %dma_wait3A_592 : memref<1x1x2x128xi32, #tpu.memory_space<hbm>> -> memref<2x128xi32, #tpu.memory_space<hbm>>
        %dma_wait3A_594 = arith.constant 0 : i32
        %dma_wait3A_595 = arith.constant 0 : i32
        %dma_wait3A_596 = tpu.memref_slice %arg6[%dma_wait3A_585, %dma_wait3A_594, %dma_wait3A_595] : memref<8x2x128xi32, #tpu.memory_space<vmem>> -> memref<1x2x128xi32, #tpu.memory_space<vmem>>
        %dma_wait3A_597 = tpu.memref_squeeze %dma_wait3A_596 : memref<1x2x128xi32, #tpu.memory_space<vmem>> -> memref<2x128xi32, #tpu.memory_space<vmem>>
        %dma_wait3A_598 = arith.constant 0 : i32
        %dma_wait3A_599 = arith.constant 0 : i32
        %dma_wait3A_600 = tpu.memref_slice %arg3[%add3A, %add3A_584, %dma_wait3A_598, %dma_wait3A_599] : memref<32x80x2x128xi32, #tpu.memory_space<hbm>> -> memref<1x1x2x128xi32, #tpu.memory_space<hbm>>
        %dma_wait3A_601 = tpu.memref_squeeze %dma_wait3A_600 : memref<1x1x2x128xi32, #tpu.memory_space<hbm>> -> memref<2x128xi32, #tpu.memory_space<hbm>>
        tpu.wait_dma2 semaphore(%arg13 : memref<!tpu.dma_semaphore, #tpu.memory_space<semaphore_mem>>) src(%dma_wait3A_601 : memref<2x128xi32, #tpu.memory_space<hbm>>) dst(%dma_wait3A_597 : memref<2x128xi32, #tpu.memory_space<vmem>>)
      } else {
      }
      %ge3A_314 = arith.constant 1 : i32
      %ge3A_315 = arith.cmpi sge, %add3A_306, %ge3A_314 : i32
      %convert_element_type3A_316 = arith.extui %ge3A_315 : i1 to i32
      %cond3A_317 = arith.constant 0 : i32
      %cond3A_318 = arith.cmpi ne, %convert_element_type3A_316, %cond3A_317 : i32
      scf.if %cond3A_318 {
        %dma_wait3A_583 = arith.constant 0 : i32
        %dma_wait3A_584 = arith.constant 2 : i32
        %dma_wait3A_585 = arith.constant 1 : i32
        %dma_wait3A_586 = arith.constant 0 : i32
        %dma_wait3A_587 = arith.constant 0 : i32
        %dma_wait3A_588 = tpu.memref_slice %arg7[%dma_wait3A_583, %dma_wait3A_586, %dma_wait3A_587] : memref<2x128x128xf32, #tpu.memory_space<vmem>> -> memref<1x128x128xf32, #tpu.memory_space<vmem>>
        %dma_wait3A_589 = tpu.memref_squeeze %dma_wait3A_588 : memref<1x128x128xf32, #tpu.memory_space<vmem>> -> memref<128x128xf32, #tpu.memory_space<vmem>>
        %dma_wait3A_590 = arith.constant 0 : i32
        %dma_wait3A_591 = tpu.memref_slice %arg6[%dma_wait3A_584, %dma_wait3A_585, %dma_wait3A_590] : memref<8x2x128xi32, #tpu.memory_space<vmem>> -> memref<1x1x128xi32, #tpu.memory_space<vmem>>
        %dma_wait3A_592 = tpu.memref_squeeze %dma_wait3A_591 : memref<1x1x128xi32, #tpu.memory_space<vmem>> -> memref<128xi32, #tpu.memory_space<vmem>>
        %dma_wait3A_593 = arith.constant 0 : i32
        %dma_wait3A_594 = arith.constant 0 : i32
        %dma_wait3A_595 = tpu.memref_slice %arg8[%dma_wait3A_593, %dma_wait3A_594] : memref<10512x128xf32, #tpu.memory_space<vmem_shared>> -> memref<10512x128xf32, #tpu.memory_space<vmem_shared>>
        tpu.wait_indirect_dma semaphore(%arg19 : memref<!tpu.dma_semaphore, #tpu.memory_space<semaphore_mem>>) src(%dma_wait3A_589 : memref<128x128xf32, #tpu.memory_space<vmem>>) dst(%dma_wait3A_595 : memref<10512x128xf32, #tpu.memory_space<vmem_shared>>)
      } else {
      }
      %add3A_319 = arith.constant 1 : i32
      %add3A_320 = arith.addi %add3A_306, %add3A_319 : i32
      %lt3A_321 = arith.constant 80 : i32
      %lt3A_322 = arith.cmpi slt, %add3A_320, %lt3A_321 : i32
      %convert_element_type3A_323 = arith.extui %lt3A_322 : i1 to i32
      %cond3A_324 = arith.constant 0 : i32
      %cond3A_325 = arith.cmpi ne, %convert_element_type3A_323, %cond3A_324 : i32
      scf.if %cond3A_325 {
        %dma_start3A_583 = arith.constant 4 : i32
        %dma_start3A_584 = arith.constant 0 : i32
        %dma_start3A_585 = arith.constant 0 : i32
        %dma_start3A_586 = arith.constant 0 : i32
        %dma_start3A_587 = arith.constant 0 : i32
        %dma_start3A_588 = tpu.memref_slice %arg7[%dma_start3A_585, %dma_start3A_586, %dma_start3A_587] : memref<2x128x128xf32, #tpu.memory_space<vmem>> -> memref<1x128x128xf32, #tpu.memory_space<vmem>>
        %dma_start3A_589 = tpu.memref_squeeze %dma_start3A_588 : memref<1x128x128xf32, #tpu.memory_space<vmem>> -> memref<128x128xf32, #tpu.memory_space<vmem>>
        %dma_start3A_590 = arith.constant 0 : i32
        %dma_start3A_591 = tpu.memref_slice %arg6[%dma_start3A_583, %dma_start3A_584, %dma_start3A_590] : memref<8x2x128xi32, #tpu.memory_space<vmem>> -> memref<1x1x128xi32, #tpu.memory_space<vmem>>
        %dma_start3A_592 = tpu.memref_squeeze %dma_start3A_591 : memref<1x1x128xi32, #tpu.memory_space<vmem>> -> memref<128xi32, #tpu.memory_space<vmem>>
        %dma_start3A_593 = arith.constant 0 : i32
        %dma_start3A_594 = arith.constant 0 : i32
        %dma_start3A_595 = tpu.memref_slice %arg2[%dma_start3A_593, %dma_start3A_594] : memref<10000x128xf32, #tpu.memory_space<hbm>> -> memref<10000x128xf32, #tpu.memory_space<hbm>>
        tpu.enqueue_indirect_dma source(%dma_start3A_595 : memref<10000x128xf32, #tpu.memory_space<hbm>>) target(%dma_start3A_589 : memref<128x128xf32, #tpu.memory_space<vmem>>) offsets(%dma_start3A_592 : memref<128xi32, #tpu.memory_space<vmem>>) semaphore(%arg17 : memref<!tpu.dma_semaphore, #tpu.memory_space<semaphore_mem>>)
      } else {
      }
      %dma_wait3A_326 = arith.constant 3 : i32
      %dma_wait3A_327 = arith.constant 0 : i32
      %dma_wait3A_328 = arith.constant 1 : i32
      %dma_wait3A_329 = arith.constant 0 : i32
      %dma_wait3A_330 = arith.constant 0 : i32
      %dma_wait3A_331 = tpu.memref_slice %arg7[%dma_wait3A_328, %dma_wait3A_329, %dma_wait3A_330] : memref<2x128x128xf32, #tpu.memory_space<vmem>> -> memref<1x128x128xf32, #tpu.memory_space<vmem>>
      %dma_wait3A_332 = tpu.memref_squeeze %dma_wait3A_331 : memref<1x128x128xf32, #tpu.memory_space<vmem>> -> memref<128x128xf32, #tpu.memory_space<vmem>>
      %dma_wait3A_333 = arith.constant 0 : i32
      %dma_wait3A_334 = tpu.memref_slice %arg6[%dma_wait3A_326, %dma_wait3A_327, %dma_wait3A_333] : memref<8x2x128xi32, #tpu.memory_space<vmem>> -> memref<1x1x128xi32, #tpu.memory_space<vmem>>
      %dma_wait3A_335 = tpu.memref_squeeze %dma_wait3A_334 : memref<1x1x128xi32, #tpu.memory_space<vmem>> -> memref<128xi32, #tpu.memory_space<vmem>>
      %dma_wait3A_336 = arith.constant 0 : i32
      %dma_wait3A_337 = arith.constant 0 : i32
      %dma_wait3A_338 = tpu.memref_slice %arg2[%dma_wait3A_336, %dma_wait3A_337] : memref<10000x128xf32, #tpu.memory_space<hbm>> -> memref<10000x128xf32, #tpu.memory_space<hbm>>
      tpu.wait_indirect_dma semaphore(%arg18 : memref<!tpu.dma_semaphore, #tpu.memory_space<semaphore_mem>>) src(%dma_wait3A_338 : memref<10000x128xf32, #tpu.memory_space<hbm>>) dst(%dma_wait3A_332 : memref<128x128xf32, #tpu.memory_space<vmem>>)
      %dma_start3A_339 = arith.constant 1 : i32
      %dma_start3A_340 = arith.constant 3 : i32
      %dma_start3A_341 = arith.constant 1 : i32
      %dma_start3A_342 = arith.constant 0 : i32
      %dma_start3A_343 = arith.constant 0 : i32
      %dma_start3A_344 = tpu.memref_slice %arg7[%dma_start3A_339, %dma_start3A_342, %dma_start3A_343] : memref<2x128x128xf32, #tpu.memory_space<vmem>> -> memref<1x128x128xf32, #tpu.memory_space<vmem>>
      %dma_start3A_345 = tpu.memref_squeeze %dma_start3A_344 : memref<1x128x128xf32, #tpu.memory_space<vmem>> -> memref<128x128xf32, #tpu.memory_space<vmem>>
      %dma_start3A_346 = arith.constant 0 : i32
      %dma_start3A_347 = tpu.memref_slice %arg6[%dma_start3A_340, %dma_start3A_341, %dma_start3A_346] : memref<8x2x128xi32, #tpu.memory_space<vmem>> -> memref<1x1x128xi32, #tpu.memory_space<vmem>>
      %dma_start3A_348 = tpu.memref_squeeze %dma_start3A_347 : memref<1x1x128xi32, #tpu.memory_space<vmem>> -> memref<128xi32, #tpu.memory_space<vmem>>
      %dma_start3A_349 = arith.constant 0 : i32
      %dma_start3A_350 = arith.constant 0 : i32
      %dma_start3A_351 = tpu.memref_slice %arg8[%dma_start3A_349, %dma_start3A_350] : memref<10512x128xf32, #tpu.memory_space<vmem_shared>> -> memref<10512x128xf32, #tpu.memory_space<vmem_shared>>
      tpu.enqueue_indirect_dma source(%dma_start3A_345 : memref<128x128xf32, #tpu.memory_space<vmem>>) target(%dma_start3A_351 : memref<10512x128xf32, #tpu.memory_space<vmem_shared>>) offsets(%dma_start3A_348 : memref<128xi32, #tpu.memory_space<vmem>>) semaphore(%arg20 : memref<!tpu.dma_semaphore, #tpu.memory_space<semaphore_mem>>) {add = true}
      %add3A_352 = arith.constant 4 : i32
      %add3A_353 = arith.addi %add3A_306, %add3A_352 : i32
      %lt3A_354 = arith.constant 80 : i32
      %lt3A_355 = arith.cmpi slt, %add3A_353, %lt3A_354 : i32
      %convert_element_type3A_356 = arith.extui %lt3A_355 : i1 to i32
      %cond3A_357 = arith.constant 0 : i32
      %cond3A_358 = arith.cmpi ne, %convert_element_type3A_356, %cond3A_357 : i32
      scf.if %cond3A_358 {
        %add3A_583 = arith.constant 4 : i32
        %add3A_584 = arith.addi %add3A_306, %add3A_583 : i32
        %dma_start3A_585 = arith.constant 7 : i32
        %dma_start3A_586 = arith.constant 0 : i32
        %dma_start3A_587 = arith.constant 0 : i32
        %dma_start3A_588 = tpu.memref_slice %arg6[%dma_start3A_585, %dma_start3A_586, %dma_start3A_587] : memref<8x2x128xi32, #tpu.memory_space<vmem>> -> memref<1x2x128xi32, #tpu.memory_space<vmem>>
        %dma_start3A_589 = tpu.memref_squeeze %dma_start3A_588 : memref<1x2x128xi32, #tpu.memory_space<vmem>> -> memref<2x128xi32, #tpu.memory_space<vmem>>
        %dma_start3A_590 = arith.constant 0 : i32
        %dma_start3A_591 = arith.constant 0 : i32
        %dma_start3A_592 = tpu.memref_slice %arg3[%add3A, %add3A_584, %dma_start3A_590, %dma_start3A_591] : memref<32x80x2x128xi32, #tpu.memory_space<hbm>> -> memref<1x1x2x128xi32, #tpu.memory_space<hbm>>
        %dma_start3A_593 = tpu.memref_squeeze %dma_start3A_592 : memref<1x1x2x128xi32, #tpu.memory_space<hbm>> -> memref<2x128xi32, #tpu.memory_space<hbm>>
        %dma_start3A_594 = arith.constant 0 : i32
        %dma_start3A_595 = arith.constant 0 : i32
        %dma_start3A_596 = tpu.memref_slice %arg6[%dma_start3A_585, %dma_start3A_594, %dma_start3A_595] : memref<8x2x128xi32, #tpu.memory_space<vmem>> -> memref<1x2x128xi32, #tpu.memory_space<vmem>>
        %dma_start3A_597 = tpu.memref_squeeze %dma_start3A_596 : memref<1x2x128xi32, #tpu.memory_space<vmem>> -> memref<2x128xi32, #tpu.memory_space<vmem>>
        %dma_start3A_598 = arith.constant 0 : i32
        %dma_start3A_599 = arith.constant 0 : i32
        %dma_start3A_600 = tpu.memref_slice %arg3[%add3A, %add3A_584, %dma_start3A_598, %dma_start3A_599] : memref<32x80x2x128xi32, #tpu.memory_space<hbm>> -> memref<1x1x2x128xi32, #tpu.memory_space<hbm>>
        %dma_start3A_601 = tpu.memref_squeeze %dma_start3A_600 : memref<1x1x2x128xi32, #tpu.memory_space<hbm>> -> memref<2x128xi32, #tpu.memory_space<hbm>>
        tpu.enqueue_dma source(%dma_start3A_601 : memref<2x128xi32, #tpu.memory_space<hbm>>) target(%dma_start3A_597 : memref<2x128xi32, #tpu.memory_space<vmem>>) target_semaphore(%arg16 : memref<!tpu.dma_semaphore, #tpu.memory_space<semaphore_mem>>)
      } else {
      }
      %mul3A_359 = arith.constant 8 : i32
      %mul3A_360 = arith.muli %mul3A_359, %scan3A_136 : i32
      %add3A_361 = arith.constant 4 : i32
      %add3A_362 = arith.addi %mul3A_360, %add3A_361 : i32
      %add3A_363 = arith.constant 1 : i32
      %add3A_364 = arith.addi %add3A_362, %add3A_363 : i32
      %lt3A_365 = arith.constant 80 : i32
      %lt3A_366 = arith.cmpi slt, %add3A_364, %lt3A_365 : i32
      %convert_element_type3A_367 = arith.extui %lt3A_366 : i1 to i32
      %cond3A_368 = arith.constant 0 : i32
      %cond3A_369 = arith.cmpi ne, %convert_element_type3A_367, %cond3A_368 : i32
      scf.if %cond3A_369 {
        %add3A_583 = arith.constant 1 : i32
        %add3A_584 = arith.addi %add3A_362, %add3A_583 : i32
        %dma_wait3A_585 = arith.constant 5 : i32
        %dma_wait3A_586 = arith.constant 0 : i32
        %dma_wait3A_587 = arith.constant 0 : i32
        %dma_wait3A_588 = tpu.memref_slice %arg6[%dma_wait3A_585, %dma_wait3A_586, %dma_wait3A_587] : memref<8x2x128xi32, #tpu.memory_space<vmem>> -> memref<1x2x128xi32, #tpu.memory_space<vmem>>
        %dma_wait3A_589 = tpu.memref_squeeze %dma_wait3A_588 : memref<1x2x128xi32, #tpu.memory_space<vmem>> -> memref<2x128xi32, #tpu.memory_space<vmem>>
        %dma_wait3A_590 = arith.constant 0 : i32
        %dma_wait3A_591 = arith.constant 0 : i32
        %dma_wait3A_592 = tpu.memref_slice %arg3[%add3A, %add3A_584, %dma_wait3A_590, %dma_wait3A_591] : memref<32x80x2x128xi32, #tpu.memory_space<hbm>> -> memref<1x1x2x128xi32, #tpu.memory_space<hbm>>
        %dma_wait3A_593 = tpu.memref_squeeze %dma_wait3A_592 : memref<1x1x2x128xi32, #tpu.memory_space<hbm>> -> memref<2x128xi32, #tpu.memory_space<hbm>>
        %dma_wait3A_594 = arith.constant 0 : i32
        %dma_wait3A_595 = arith.constant 0 : i32
        %dma_wait3A_596 = tpu.memref_slice %arg6[%dma_wait3A_585, %dma_wait3A_594, %dma_wait3A_595] : memref<8x2x128xi32, #tpu.memory_space<vmem>> -> memref<1x2x128xi32, #tpu.memory_space<vmem>>
        %dma_wait3A_597 = tpu.memref_squeeze %dma_wait3A_596 : memref<1x2x128xi32, #tpu.memory_space<vmem>> -> memref<2x128xi32, #tpu.memory_space<vmem>>
        %dma_wait3A_598 = arith.constant 0 : i32
        %dma_wait3A_599 = arith.constant 0 : i32
        %dma_wait3A_600 = tpu.memref_slice %arg3[%add3A, %add3A_584, %dma_wait3A_598, %dma_wait3A_599] : memref<32x80x2x128xi32, #tpu.memory_space<hbm>> -> memref<1x1x2x128xi32, #tpu.memory_space<hbm>>
        %dma_wait3A_601 = tpu.memref_squeeze %dma_wait3A_600 : memref<1x1x2x128xi32, #tpu.memory_space<hbm>> -> memref<2x128xi32, #tpu.memory_space<hbm>>
        tpu.wait_dma2 semaphore(%arg14 : memref<!tpu.dma_semaphore, #tpu.memory_space<semaphore_mem>>) src(%dma_wait3A_601 : memref<2x128xi32, #tpu.memory_space<hbm>>) dst(%dma_wait3A_597 : memref<2x128xi32, #tpu.memory_space<vmem>>)
      } else {
      }
      %ge3A_370 = arith.constant 1 : i32
      %ge3A_371 = arith.cmpi sge, %add3A_362, %ge3A_370 : i32
      %convert_element_type3A_372 = arith.extui %ge3A_371 : i1 to i32
      %cond3A_373 = arith.constant 0 : i32
      %cond3A_374 = arith.cmpi ne, %convert_element_type3A_372, %cond3A_373 : i32
      scf.if %cond3A_374 {
        %dma_wait3A_583 = arith.constant 1 : i32
        %dma_wait3A_584 = arith.constant 3 : i32
        %dma_wait3A_585 = arith.constant 1 : i32
        %dma_wait3A_586 = arith.constant 0 : i32
        %dma_wait3A_587 = arith.constant 0 : i32
        %dma_wait3A_588 = tpu.memref_slice %arg7[%dma_wait3A_583, %dma_wait3A_586, %dma_wait3A_587] : memref<2x128x128xf32, #tpu.memory_space<vmem>> -> memref<1x128x128xf32, #tpu.memory_space<vmem>>
        %dma_wait3A_589 = tpu.memref_squeeze %dma_wait3A_588 : memref<1x128x128xf32, #tpu.memory_space<vmem>> -> memref<128x128xf32, #tpu.memory_space<vmem>>
        %dma_wait3A_590 = arith.constant 0 : i32
        %dma_wait3A_591 = tpu.memref_slice %arg6[%dma_wait3A_584, %dma_wait3A_585, %dma_wait3A_590] : memref<8x2x128xi32, #tpu.memory_space<vmem>> -> memref<1x1x128xi32, #tpu.memory_space<vmem>>
        %dma_wait3A_592 = tpu.memref_squeeze %dma_wait3A_591 : memref<1x1x128xi32, #tpu.memory_space<vmem>> -> memref<128xi32, #tpu.memory_space<vmem>>
        %dma_wait3A_593 = arith.constant 0 : i32
        %dma_wait3A_594 = arith.constant 0 : i32
        %dma_wait3A_595 = tpu.memref_slice %arg8[%dma_wait3A_593, %dma_wait3A_594] : memref<10512x128xf32, #tpu.memory_space<vmem_shared>> -> memref<10512x128xf32, #tpu.memory_space<vmem_shared>>
        tpu.wait_indirect_dma semaphore(%arg20 : memref<!tpu.dma_semaphore, #tpu.memory_space<semaphore_mem>>) src(%dma_wait3A_589 : memref<128x128xf32, #tpu.memory_space<vmem>>) dst(%dma_wait3A_595 : memref<10512x128xf32, #tpu.memory_space<vmem_shared>>)
      } else {
      }
      %add3A_375 = arith.constant 1 : i32
      %add3A_376 = arith.addi %add3A_362, %add3A_375 : i32
      %lt3A_377 = arith.constant 80 : i32
      %lt3A_378 = arith.cmpi slt, %add3A_376, %lt3A_377 : i32
      %convert_element_type3A_379 = arith.extui %lt3A_378 : i1 to i32
      %cond3A_380 = arith.constant 0 : i32
      %cond3A_381 = arith.cmpi ne, %convert_element_type3A_379, %cond3A_380 : i32
      scf.if %cond3A_381 {
        %dma_start3A_583 = arith.constant 5 : i32
        %dma_start3A_584 = arith.constant 0 : i32
        %dma_start3A_585 = arith.constant 1 : i32
        %dma_start3A_586 = arith.constant 0 : i32
        %dma_start3A_587 = arith.constant 0 : i32
        %dma_start3A_588 = tpu.memref_slice %arg7[%dma_start3A_585, %dma_start3A_586, %dma_start3A_587] : memref<2x128x128xf32, #tpu.memory_space<vmem>> -> memref<1x128x128xf32, #tpu.memory_space<vmem>>
        %dma_start3A_589 = tpu.memref_squeeze %dma_start3A_588 : memref<1x128x128xf32, #tpu.memory_space<vmem>> -> memref<128x128xf32, #tpu.memory_space<vmem>>
        %dma_start3A_590 = arith.constant 0 : i32
        %dma_start3A_591 = tpu.memref_slice %arg6[%dma_start3A_583, %dma_start3A_584, %dma_start3A_590] : memref<8x2x128xi32, #tpu.memory_space<vmem>> -> memref<1x1x128xi32, #tpu.memory_space<vmem>>
        %dma_start3A_592 = tpu.memref_squeeze %dma_start3A_591 : memref<1x1x128xi32, #tpu.memory_space<vmem>> -> memref<128xi32, #tpu.memory_space<vmem>>
        %dma_start3A_593 = arith.constant 0 : i32
        %dma_start3A_594 = arith.constant 0 : i32
        %dma_start3A_595 = tpu.memref_slice %arg2[%dma_start3A_593, %dma_start3A_594] : memref<10000x128xf32, #tpu.memory_space<hbm>> -> memref<10000x128xf32, #tpu.memory_space<hbm>>
        tpu.enqueue_indirect_dma source(%dma_start3A_595 : memref<10000x128xf32, #tpu.memory_space<hbm>>) target(%dma_start3A_589 : memref<128x128xf32, #tpu.memory_space<vmem>>) offsets(%dma_start3A_592 : memref<128xi32, #tpu.memory_space<vmem>>) semaphore(%arg18 : memref<!tpu.dma_semaphore, #tpu.memory_space<semaphore_mem>>)
      } else {
      }
      %dma_wait3A_382 = arith.constant 4 : i32
      %dma_wait3A_383 = arith.constant 0 : i32
      %dma_wait3A_384 = arith.constant 0 : i32
      %dma_wait3A_385 = arith.constant 0 : i32
      %dma_wait3A_386 = arith.constant 0 : i32
      %dma_wait3A_387 = tpu.memref_slice %arg7[%dma_wait3A_384, %dma_wait3A_385, %dma_wait3A_386] : memref<2x128x128xf32, #tpu.memory_space<vmem>> -> memref<1x128x128xf32, #tpu.memory_space<vmem>>
      %dma_wait3A_388 = tpu.memref_squeeze %dma_wait3A_387 : memref<1x128x128xf32, #tpu.memory_space<vmem>> -> memref<128x128xf32, #tpu.memory_space<vmem>>
      %dma_wait3A_389 = arith.constant 0 : i32
      %dma_wait3A_390 = tpu.memref_slice %arg6[%dma_wait3A_382, %dma_wait3A_383, %dma_wait3A_389] : memref<8x2x128xi32, #tpu.memory_space<vmem>> -> memref<1x1x128xi32, #tpu.memory_space<vmem>>
      %dma_wait3A_391 = tpu.memref_squeeze %dma_wait3A_390 : memref<1x1x128xi32, #tpu.memory_space<vmem>> -> memref<128xi32, #tpu.memory_space<vmem>>
      %dma_wait3A_392 = arith.constant 0 : i32
      %dma_wait3A_393 = arith.constant 0 : i32
      %dma_wait3A_394 = tpu.memref_slice %arg2[%dma_wait3A_392, %dma_wait3A_393] : memref<10000x128xf32, #tpu.memory_space<hbm>> -> memref<10000x128xf32, #tpu.memory_space<hbm>>
      tpu.wait_indirect_dma semaphore(%arg17 : memref<!tpu.dma_semaphore, #tpu.memory_space<semaphore_mem>>) src(%dma_wait3A_394 : memref<10000x128xf32, #tpu.memory_space<hbm>>) dst(%dma_wait3A_388 : memref<128x128xf32, #tpu.memory_space<vmem>>)
      %dma_start3A_395 = arith.constant 0 : i32
      %dma_start3A_396 = arith.constant 4 : i32
      %dma_start3A_397 = arith.constant 1 : i32
      %dma_start3A_398 = arith.constant 0 : i32
      %dma_start3A_399 = arith.constant 0 : i32
      %dma_start3A_400 = tpu.memref_slice %arg7[%dma_start3A_395, %dma_start3A_398, %dma_start3A_399] : memref<2x128x128xf32, #tpu.memory_space<vmem>> -> memref<1x128x128xf32, #tpu.memory_space<vmem>>
      %dma_start3A_401 = tpu.memref_squeeze %dma_start3A_400 : memref<1x128x128xf32, #tpu.memory_space<vmem>> -> memref<128x128xf32, #tpu.memory_space<vmem>>
      %dma_start3A_402 = arith.constant 0 : i32
      %dma_start3A_403 = tpu.memref_slice %arg6[%dma_start3A_396, %dma_start3A_397, %dma_start3A_402] : memref<8x2x128xi32, #tpu.memory_space<vmem>> -> memref<1x1x128xi32, #tpu.memory_space<vmem>>
      %dma_start3A_404 = tpu.memref_squeeze %dma_start3A_403 : memref<1x1x128xi32, #tpu.memory_space<vmem>> -> memref<128xi32, #tpu.memory_space<vmem>>
      %dma_start3A_405 = arith.constant 0 : i32
      %dma_start3A_406 = arith.constant 0 : i32
      %dma_start3A_407 = tpu.memref_slice %arg8[%dma_start3A_405, %dma_start3A_406] : memref<10512x128xf32, #tpu.memory_space<vmem_shared>> -> memref<10512x128xf32, #tpu.memory_space<vmem_shared>>
      tpu.enqueue_indirect_dma source(%dma_start3A_401 : memref<128x128xf32, #tpu.memory_space<vmem>>) target(%dma_start3A_407 : memref<10512x128xf32, #tpu.memory_space<vmem_shared>>) offsets(%dma_start3A_404 : memref<128xi32, #tpu.memory_space<vmem>>) semaphore(%arg19 : memref<!tpu.dma_semaphore, #tpu.memory_space<semaphore_mem>>) {add = true}
      %add3A_408 = arith.constant 4 : i32
      %add3A_409 = arith.addi %add3A_362, %add3A_408 : i32
      %lt3A_410 = arith.constant 80 : i32
      %lt3A_411 = arith.cmpi slt, %add3A_409, %lt3A_410 : i32
      %convert_element_type3A_412 = arith.extui %lt3A_411 : i1 to i32
      %cond3A_413 = arith.constant 0 : i32
      %cond3A_414 = arith.cmpi ne, %convert_element_type3A_412, %cond3A_413 : i32
      scf.if %cond3A_414 {
        %add3A_583 = arith.constant 4 : i32
        %add3A_584 = arith.addi %add3A_362, %add3A_583 : i32
        %dma_start3A_585 = arith.constant 0 : i32
        %dma_start3A_586 = arith.constant 0 : i32
        %dma_start3A_587 = arith.constant 0 : i32
        %dma_start3A_588 = tpu.memref_slice %arg6[%dma_start3A_585, %dma_start3A_586, %dma_start3A_587] : memref<8x2x128xi32, #tpu.memory_space<vmem>> -> memref<1x2x128xi32, #tpu.memory_space<vmem>>
        %dma_start3A_589 = tpu.memref_squeeze %dma_start3A_588 : memref<1x2x128xi32, #tpu.memory_space<vmem>> -> memref<2x128xi32, #tpu.memory_space<vmem>>
        %dma_start3A_590 = arith.constant 0 : i32
        %dma_start3A_591 = arith.constant 0 : i32
        %dma_start3A_592 = tpu.memref_slice %arg3[%add3A, %add3A_584, %dma_start3A_590, %dma_start3A_591] : memref<32x80x2x128xi32, #tpu.memory_space<hbm>> -> memref<1x1x2x128xi32, #tpu.memory_space<hbm>>
        %dma_start3A_593 = tpu.memref_squeeze %dma_start3A_592 : memref<1x1x2x128xi32, #tpu.memory_space<hbm>> -> memref<2x128xi32, #tpu.memory_space<hbm>>
        %dma_start3A_594 = arith.constant 0 : i32
        %dma_start3A_595 = arith.constant 0 : i32
        %dma_start3A_596 = tpu.memref_slice %arg6[%dma_start3A_585, %dma_start3A_594, %dma_start3A_595] : memref<8x2x128xi32, #tpu.memory_space<vmem>> -> memref<1x2x128xi32, #tpu.memory_space<vmem>>
        %dma_start3A_597 = tpu.memref_squeeze %dma_start3A_596 : memref<1x2x128xi32, #tpu.memory_space<vmem>> -> memref<2x128xi32, #tpu.memory_space<vmem>>
        %dma_start3A_598 = arith.constant 0 : i32
        %dma_start3A_599 = arith.constant 0 : i32
        %dma_start3A_600 = tpu.memref_slice %arg3[%add3A, %add3A_584, %dma_start3A_598, %dma_start3A_599] : memref<32x80x2x128xi32, #tpu.memory_space<hbm>> -> memref<1x1x2x128xi32, #tpu.memory_space<hbm>>
        %dma_start3A_601 = tpu.memref_squeeze %dma_start3A_600 : memref<1x1x2x128xi32, #tpu.memory_space<hbm>> -> memref<2x128xi32, #tpu.memory_space<hbm>>
        tpu.enqueue_dma source(%dma_start3A_601 : memref<2x128xi32, #tpu.memory_space<hbm>>) target(%dma_start3A_597 : memref<2x128xi32, #tpu.memory_space<vmem>>) target_semaphore(%arg9 : memref<!tpu.dma_semaphore, #tpu.memory_space<semaphore_mem>>)
      } else {
      }
      %mul3A_415 = arith.constant 8 : i32
      %mul3A_416 = arith.muli %mul3A_415, %scan3A_136 : i32
      %add3A_417 = arith.constant 5 : i32
      %add3A_418 = arith.addi %mul3A_416, %add3A_417 : i32
      %add3A_419 = arith.constant 1 : i32
      %add3A_420 = arith.addi %add3A_418, %add3A_419 : i32
      %lt3A_421 = arith.constant 80 : i32
      %lt3A_422 = arith.cmpi slt, %add3A_420, %lt3A_421 : i32
      %convert_element_type3A_423 = arith.extui %lt3A_422 : i1 to i32
      %cond3A_424 = arith.constant 0 : i32
      %cond3A_425 = arith.cmpi ne, %convert_element_type3A_423, %cond3A_424 : i32
      scf.if %cond3A_425 {
        %add3A_583 = arith.constant 1 : i32
        %add3A_584 = arith.addi %add3A_418, %add3A_583 : i32
        %dma_wait3A_585 = arith.constant 6 : i32
        %dma_wait3A_586 = arith.constant 0 : i32
        %dma_wait3A_587 = arith.constant 0 : i32
        %dma_wait3A_588 = tpu.memref_slice %arg6[%dma_wait3A_585, %dma_wait3A_586, %dma_wait3A_587] : memref<8x2x128xi32, #tpu.memory_space<vmem>> -> memref<1x2x128xi32, #tpu.memory_space<vmem>>
        %dma_wait3A_589 = tpu.memref_squeeze %dma_wait3A_588 : memref<1x2x128xi32, #tpu.memory_space<vmem>> -> memref<2x128xi32, #tpu.memory_space<vmem>>
        %dma_wait3A_590 = arith.constant 0 : i32
        %dma_wait3A_591 = arith.constant 0 : i32
        %dma_wait3A_592 = tpu.memref_slice %arg3[%add3A, %add3A_584, %dma_wait3A_590, %dma_wait3A_591] : memref<32x80x2x128xi32, #tpu.memory_space<hbm>> -> memref<1x1x2x128xi32, #tpu.memory_space<hbm>>
        %dma_wait3A_593 = tpu.memref_squeeze %dma_wait3A_592 : memref<1x1x2x128xi32, #tpu.memory_space<hbm>> -> memref<2x128xi32, #tpu.memory_space<hbm>>
        %dma_wait3A_594 = arith.constant 0 : i32
        %dma_wait3A_595 = arith.constant 0 : i32
        %dma_wait3A_596 = tpu.memref_slice %arg6[%dma_wait3A_585, %dma_wait3A_594, %dma_wait3A_595] : memref<8x2x128xi32, #tpu.memory_space<vmem>> -> memref<1x2x128xi32, #tpu.memory_space<vmem>>
        %dma_wait3A_597 = tpu.memref_squeeze %dma_wait3A_596 : memref<1x2x128xi32, #tpu.memory_space<vmem>> -> memref<2x128xi32, #tpu.memory_space<vmem>>
        %dma_wait3A_598 = arith.constant 0 : i32
        %dma_wait3A_599 = arith.constant 0 : i32
        %dma_wait3A_600 = tpu.memref_slice %arg3[%add3A, %add3A_584, %dma_wait3A_598, %dma_wait3A_599] : memref<32x80x2x128xi32, #tpu.memory_space<hbm>> -> memref<1x1x2x128xi32, #tpu.memory_space<hbm>>
        %dma_wait3A_601 = tpu.memref_squeeze %dma_wait3A_600 : memref<1x1x2x128xi32, #tpu.memory_space<hbm>> -> memref<2x128xi32, #tpu.memory_space<hbm>>
        tpu.wait_dma2 semaphore(%arg15 : memref<!tpu.dma_semaphore, #tpu.memory_space<semaphore_mem>>) src(%dma_wait3A_601 : memref<2x128xi32, #tpu.memory_space<hbm>>) dst(%dma_wait3A_597 : memref<2x128xi32, #tpu.memory_space<vmem>>)
      } else {
      }
      %ge3A_426 = arith.constant 1 : i32
      %ge3A_427 = arith.cmpi sge, %add3A_418, %ge3A_426 : i32
      %convert_element_type3A_428 = arith.extui %ge3A_427 : i1 to i32
      %cond3A_429 = arith.constant 0 : i32
      %cond3A_430 = arith.cmpi ne, %convert_element_type3A_428, %cond3A_429 : i32
      scf.if %cond3A_430 {
        %dma_wait3A_583 = arith.constant 0 : i32
        %dma_wait3A_584 = arith.constant 4 : i32
        %dma_wait3A_585 = arith.constant 1 : i32
        %dma_wait3A_586 = arith.constant 0 : i32
        %dma_wait3A_587 = arith.constant 0 : i32
        %dma_wait3A_588 = tpu.memref_slice %arg7[%dma_wait3A_583, %dma_wait3A_586, %dma_wait3A_587] : memref<2x128x128xf32, #tpu.memory_space<vmem>> -> memref<1x128x128xf32, #tpu.memory_space<vmem>>
        %dma_wait3A_589 = tpu.memref_squeeze %dma_wait3A_588 : memref<1x128x128xf32, #tpu.memory_space<vmem>> -> memref<128x128xf32, #tpu.memory_space<vmem>>
        %dma_wait3A_590 = arith.constant 0 : i32
        %dma_wait3A_591 = tpu.memref_slice %arg6[%dma_wait3A_584, %dma_wait3A_585, %dma_wait3A_590] : memref<8x2x128xi32, #tpu.memory_space<vmem>> -> memref<1x1x128xi32, #tpu.memory_space<vmem>>
        %dma_wait3A_592 = tpu.memref_squeeze %dma_wait3A_591 : memref<1x1x128xi32, #tpu.memory_space<vmem>> -> memref<128xi32, #tpu.memory_space<vmem>>
        %dma_wait3A_593 = arith.constant 0 : i32
        %dma_wait3A_594 = arith.constant 0 : i32
        %dma_wait3A_595 = tpu.memref_slice %arg8[%dma_wait3A_593, %dma_wait3A_594] : memref<10512x128xf32, #tpu.memory_space<vmem_shared>> -> memref<10512x128xf32, #tpu.memory_space<vmem_shared>>
        tpu.wait_indirect_dma semaphore(%arg19 : memref<!tpu.dma_semaphore, #tpu.memory_space<semaphore_mem>>) src(%dma_wait3A_589 : memref<128x128xf32, #tpu.memory_space<vmem>>) dst(%dma_wait3A_595 : memref<10512x128xf32, #tpu.memory_space<vmem_shared>>)
      } else {
      }
      %add3A_431 = arith.constant 1 : i32
      %add3A_432 = arith.addi %add3A_418, %add3A_431 : i32
      %lt3A_433 = arith.constant 80 : i32
      %lt3A_434 = arith.cmpi slt, %add3A_432, %lt3A_433 : i32
      %convert_element_type3A_435 = arith.extui %lt3A_434 : i1 to i32
      %cond3A_436 = arith.constant 0 : i32
      %cond3A_437 = arith.cmpi ne, %convert_element_type3A_435, %cond3A_436 : i32
      scf.if %cond3A_437 {
        %dma_start3A_583 = arith.constant 6 : i32
        %dma_start3A_584 = arith.constant 0 : i32
        %dma_start3A_585 = arith.constant 0 : i32
        %dma_start3A_586 = arith.constant 0 : i32
        %dma_start3A_587 = arith.constant 0 : i32
        %dma_start3A_588 = tpu.memref_slice %arg7[%dma_start3A_585, %dma_start3A_586, %dma_start3A_587] : memref<2x128x128xf32, #tpu.memory_space<vmem>> -> memref<1x128x128xf32, #tpu.memory_space<vmem>>
        %dma_start3A_589 = tpu.memref_squeeze %dma_start3A_588 : memref<1x128x128xf32, #tpu.memory_space<vmem>> -> memref<128x128xf32, #tpu.memory_space<vmem>>
        %dma_start3A_590 = arith.constant 0 : i32
        %dma_start3A_591 = tpu.memref_slice %arg6[%dma_start3A_583, %dma_start3A_584, %dma_start3A_590] : memref<8x2x128xi32, #tpu.memory_space<vmem>> -> memref<1x1x128xi32, #tpu.memory_space<vmem>>
        %dma_start3A_592 = tpu.memref_squeeze %dma_start3A_591 : memref<1x1x128xi32, #tpu.memory_space<vmem>> -> memref<128xi32, #tpu.memory_space<vmem>>
        %dma_start3A_593 = arith.constant 0 : i32
        %dma_start3A_594 = arith.constant 0 : i32
        %dma_start3A_595 = tpu.memref_slice %arg2[%dma_start3A_593, %dma_start3A_594] : memref<10000x128xf32, #tpu.memory_space<hbm>> -> memref<10000x128xf32, #tpu.memory_space<hbm>>
        tpu.enqueue_indirect_dma source(%dma_start3A_595 : memref<10000x128xf32, #tpu.memory_space<hbm>>) target(%dma_start3A_589 : memref<128x128xf32, #tpu.memory_space<vmem>>) offsets(%dma_start3A_592 : memref<128xi32, #tpu.memory_space<vmem>>) semaphore(%arg17 : memref<!tpu.dma_semaphore, #tpu.memory_space<semaphore_mem>>)
      } else {
      }
      %dma_wait3A_438 = arith.constant 5 : i32
      %dma_wait3A_439 = arith.constant 0 : i32
      %dma_wait3A_440 = arith.constant 1 : i32
      %dma_wait3A_441 = arith.constant 0 : i32
      %dma_wait3A_442 = arith.constant 0 : i32
      %dma_wait3A_443 = tpu.memref_slice %arg7[%dma_wait3A_440, %dma_wait3A_441, %dma_wait3A_442] : memref<2x128x128xf32, #tpu.memory_space<vmem>> -> memref<1x128x128xf32, #tpu.memory_space<vmem>>
      %dma_wait3A_444 = tpu.memref_squeeze %dma_wait3A_443 : memref<1x128x128xf32, #tpu.memory_space<vmem>> -> memref<128x128xf32, #tpu.memory_space<vmem>>
      %dma_wait3A_445 = arith.constant 0 : i32
      %dma_wait3A_446 = tpu.memref_slice %arg6[%dma_wait3A_438, %dma_wait3A_439, %dma_wait3A_445] : memref<8x2x128xi32, #tpu.memory_space<vmem>> -> memref<1x1x128xi32, #tpu.memory_space<vmem>>
      %dma_wait3A_447 = tpu.memref_squeeze %dma_wait3A_446 : memref<1x1x128xi32, #tpu.memory_space<vmem>> -> memref<128xi32, #tpu.memory_space<vmem>>
      %dma_wait3A_448 = arith.constant 0 : i32
      %dma_wait3A_449 = arith.constant 0 : i32
      %dma_wait3A_450 = tpu.memref_slice %arg2[%dma_wait3A_448, %dma_wait3A_449] : memref<10000x128xf32, #tpu.memory_space<hbm>> -> memref<10000x128xf32, #tpu.memory_space<hbm>>
      tpu.wait_indirect_dma semaphore(%arg18 : memref<!tpu.dma_semaphore, #tpu.memory_space<semaphore_mem>>) src(%dma_wait3A_450 : memref<10000x128xf32, #tpu.memory_space<hbm>>) dst(%dma_wait3A_444 : memref<128x128xf32, #tpu.memory_space<vmem>>)
      %dma_start3A_451 = arith.constant 1 : i32
      %dma_start3A_452 = arith.constant 5 : i32
      %dma_start3A_453 = arith.constant 1 : i32
      %dma_start3A_454 = arith.constant 0 : i32
      %dma_start3A_455 = arith.constant 0 : i32
      %dma_start3A_456 = tpu.memref_slice %arg7[%dma_start3A_451, %dma_start3A_454, %dma_start3A_455] : memref<2x128x128xf32, #tpu.memory_space<vmem>> -> memref<1x128x128xf32, #tpu.memory_space<vmem>>
      %dma_start3A_457 = tpu.memref_squeeze %dma_start3A_456 : memref<1x128x128xf32, #tpu.memory_space<vmem>> -> memref<128x128xf32, #tpu.memory_space<vmem>>
      %dma_start3A_458 = arith.constant 0 : i32
      %dma_start3A_459 = tpu.memref_slice %arg6[%dma_start3A_452, %dma_start3A_453, %dma_start3A_458] : memref<8x2x128xi32, #tpu.memory_space<vmem>> -> memref<1x1x128xi32, #tpu.memory_space<vmem>>
      %dma_start3A_460 = tpu.memref_squeeze %dma_start3A_459 : memref<1x1x128xi32, #tpu.memory_space<vmem>> -> memref<128xi32, #tpu.memory_space<vmem>>
      %dma_start3A_461 = arith.constant 0 : i32
      %dma_start3A_462 = arith.constant 0 : i32
      %dma_start3A_463 = tpu.memref_slice %arg8[%dma_start3A_461, %dma_start3A_462] : memref<10512x128xf32, #tpu.memory_space<vmem_shared>> -> memref<10512x128xf32, #tpu.memory_space<vmem_shared>>
      tpu.enqueue_indirect_dma source(%dma_start3A_457 : memref<128x128xf32, #tpu.memory_space<vmem>>) target(%dma_start3A_463 : memref<10512x128xf32, #tpu.memory_space<vmem_shared>>) offsets(%dma_start3A_460 : memref<128xi32, #tpu.memory_space<vmem>>) semaphore(%arg20 : memref<!tpu.dma_semaphore, #tpu.memory_space<semaphore_mem>>) {add = true}
      %add3A_464 = arith.constant 4 : i32
      %add3A_465 = arith.addi %add3A_418, %add3A_464 : i32
      %lt3A_466 = arith.constant 80 : i32
      %lt3A_467 = arith.cmpi slt, %add3A_465, %lt3A_466 : i32
      %convert_element_type3A_468 = arith.extui %lt3A_467 : i1 to i32
      %cond3A_469 = arith.constant 0 : i32
      %cond3A_470 = arith.cmpi ne, %convert_element_type3A_468, %cond3A_469 : i32
      scf.if %cond3A_470 {
        %add3A_583 = arith.constant 4 : i32
        %add3A_584 = arith.addi %add3A_418, %add3A_583 : i32
        %dma_start3A_585 = arith.constant 1 : i32
        %dma_start3A_586 = arith.constant 0 : i32
        %dma_start3A_587 = arith.constant 0 : i32
        %dma_start3A_588 = tpu.memref_slice %arg6[%dma_start3A_585, %dma_start3A_586, %dma_start3A_587] : memref<8x2x128xi32, #tpu.memory_space<vmem>> -> memref<1x2x128xi32, #tpu.memory_space<vmem>>
        %dma_start3A_589 = tpu.memref_squeeze %dma_start3A_588 : memref<1x2x128xi32, #tpu.memory_space<vmem>> -> memref<2x128xi32, #tpu.memory_space<vmem>>
        %dma_start3A_590 = arith.constant 0 : i32
        %dma_start3A_591 = arith.constant 0 : i32
        %dma_start3A_592 = tpu.memref_slice %arg3[%add3A, %add3A_584, %dma_start3A_590, %dma_start3A_591] : memref<32x80x2x128xi32, #tpu.memory_space<hbm>> -> memref<1x1x2x128xi32, #tpu.memory_space<hbm>>
        %dma_start3A_593 = tpu.memref_squeeze %dma_start3A_592 : memref<1x1x2x128xi32, #tpu.memory_space<hbm>> -> memref<2x128xi32, #tpu.memory_space<hbm>>
        %dma_start3A_594 = arith.constant 0 : i32
        %dma_start3A_595 = arith.constant 0 : i32
        %dma_start3A_596 = tpu.memref_slice %arg6[%dma_start3A_585, %dma_start3A_594, %dma_start3A_595] : memref<8x2x128xi32, #tpu.memory_space<vmem>> -> memref<1x2x128xi32, #tpu.memory_space<vmem>>
        %dma_start3A_597 = tpu.memref_squeeze %dma_start3A_596 : memref<1x2x128xi32, #tpu.memory_space<vmem>> -> memref<2x128xi32, #tpu.memory_space<vmem>>
        %dma_start3A_598 = arith.constant 0 : i32
        %dma_start3A_599 = arith.constant 0 : i32
        %dma_start3A_600 = tpu.memref_slice %arg3[%add3A, %add3A_584, %dma_start3A_598, %dma_start3A_599] : memref<32x80x2x128xi32, #tpu.memory_space<hbm>> -> memref<1x1x2x128xi32, #tpu.memory_space<hbm>>
        %dma_start3A_601 = tpu.memref_squeeze %dma_start3A_600 : memref<1x1x2x128xi32, #tpu.memory_space<hbm>> -> memref<2x128xi32, #tpu.memory_space<hbm>>
        tpu.enqueue_dma source(%dma_start3A_601 : memref<2x128xi32, #tpu.memory_space<hbm>>) target(%dma_start3A_597 : memref<2x128xi32, #tpu.memory_space<vmem>>) target_semaphore(%arg10 : memref<!tpu.dma_semaphore, #tpu.memory_space<semaphore_mem>>)
      } else {
      }
      %mul3A_471 = arith.constant 8 : i32
      %mul3A_472 = arith.muli %mul3A_471, %scan3A_136 : i32
      %add3A_473 = arith.constant 6 : i32
      %add3A_474 = arith.addi %mul3A_472, %add3A_473 : i32
      %add3A_475 = arith.constant 1 : i32
      %add3A_476 = arith.addi %add3A_474, %add3A_475 : i32
      %lt3A_477 = arith.constant 80 : i32
      %lt3A_478 = arith.cmpi slt, %add3A_476, %lt3A_477 : i32
      %convert_element_type3A_479 = arith.extui %lt3A_478 : i1 to i32
      %cond3A_480 = arith.constant 0 : i32
      %cond3A_481 = arith.cmpi ne, %convert_element_type3A_479, %cond3A_480 : i32
      scf.if %cond3A_481 {
        %add3A_583 = arith.constant 1 : i32
        %add3A_584 = arith.addi %add3A_474, %add3A_583 : i32
        %dma_wait3A_585 = arith.constant 7 : i32
        %dma_wait3A_586 = arith.constant 0 : i32
        %dma_wait3A_587 = arith.constant 0 : i32
        %dma_wait3A_588 = tpu.memref_slice %arg6[%dma_wait3A_585, %dma_wait3A_586, %dma_wait3A_587] : memref<8x2x128xi32, #tpu.memory_space<vmem>> -> memref<1x2x128xi32, #tpu.memory_space<vmem>>
        %dma_wait3A_589 = tpu.memref_squeeze %dma_wait3A_588 : memref<1x2x128xi32, #tpu.memory_space<vmem>> -> memref<2x128xi32, #tpu.memory_space<vmem>>
        %dma_wait3A_590 = arith.constant 0 : i32
        %dma_wait3A_591 = arith.constant 0 : i32
        %dma_wait3A_592 = tpu.memref_slice %arg3[%add3A, %add3A_584, %dma_wait3A_590, %dma_wait3A_591] : memref<32x80x2x128xi32, #tpu.memory_space<hbm>> -> memref<1x1x2x128xi32, #tpu.memory_space<hbm>>
        %dma_wait3A_593 = tpu.memref_squeeze %dma_wait3A_592 : memref<1x1x2x128xi32, #tpu.memory_space<hbm>> -> memref<2x128xi32, #tpu.memory_space<hbm>>
        %dma_wait3A_594 = arith.constant 0 : i32
        %dma_wait3A_595 = arith.constant 0 : i32
        %dma_wait3A_596 = tpu.memref_slice %arg6[%dma_wait3A_585, %dma_wait3A_594, %dma_wait3A_595] : memref<8x2x128xi32, #tpu.memory_space<vmem>> -> memref<1x2x128xi32, #tpu.memory_space<vmem>>
        %dma_wait3A_597 = tpu.memref_squeeze %dma_wait3A_596 : memref<1x2x128xi32, #tpu.memory_space<vmem>> -> memref<2x128xi32, #tpu.memory_space<vmem>>
        %dma_wait3A_598 = arith.constant 0 : i32
        %dma_wait3A_599 = arith.constant 0 : i32
        %dma_wait3A_600 = tpu.memref_slice %arg3[%add3A, %add3A_584, %dma_wait3A_598, %dma_wait3A_599] : memref<32x80x2x128xi32, #tpu.memory_space<hbm>> -> memref<1x1x2x128xi32, #tpu.memory_space<hbm>>
        %dma_wait3A_601 = tpu.memref_squeeze %dma_wait3A_600 : memref<1x1x2x128xi32, #tpu.memory_space<hbm>> -> memref<2x128xi32, #tpu.memory_space<hbm>>
        tpu.wait_dma2 semaphore(%arg16 : memref<!tpu.dma_semaphore, #tpu.memory_space<semaphore_mem>>) src(%dma_wait3A_601 : memref<2x128xi32, #tpu.memory_space<hbm>>) dst(%dma_wait3A_597 : memref<2x128xi32, #tpu.memory_space<vmem>>)
      } else {
      }
      %ge3A_482 = arith.constant 1 : i32
      %ge3A_483 = arith.cmpi sge, %add3A_474, %ge3A_482 : i32
      %convert_element_type3A_484 = arith.extui %ge3A_483 : i1 to i32
      %cond3A_485 = arith.constant 0 : i32
      %cond3A_486 = arith.cmpi ne, %convert_element_type3A_484, %cond3A_485 : i32
      scf.if %cond3A_486 {
        %dma_wait3A_583 = arith.constant 1 : i32
        %dma_wait3A_584 = arith.constant 5 : i32
        %dma_wait3A_585 = arith.constant 1 : i32
        %dma_wait3A_586 = arith.constant 0 : i32
        %dma_wait3A_587 = arith.constant 0 : i32
        %dma_wait3A_588 = tpu.memref_slice %arg7[%dma_wait3A_583, %dma_wait3A_586, %dma_wait3A_587] : memref<2x128x128xf32, #tpu.memory_space<vmem>> -> memref<1x128x128xf32, #tpu.memory_space<vmem>>
        %dma_wait3A_589 = tpu.memref_squeeze %dma_wait3A_588 : memref<1x128x128xf32, #tpu.memory_space<vmem>> -> memref<128x128xf32, #tpu.memory_space<vmem>>
        %dma_wait3A_590 = arith.constant 0 : i32
        %dma_wait3A_591 = tpu.memref_slice %arg6[%dma_wait3A_584, %dma_wait3A_585, %dma_wait3A_590] : memref<8x2x128xi32, #tpu.memory_space<vmem>> -> memref<1x1x128xi32, #tpu.memory_space<vmem>>
        %dma_wait3A_592 = tpu.memref_squeeze %dma_wait3A_591 : memref<1x1x128xi32, #tpu.memory_space<vmem>> -> memref<128xi32, #tpu.memory_space<vmem>>
        %dma_wait3A_593 = arith.constant 0 : i32
        %dma_wait3A_594 = arith.constant 0 : i32
        %dma_wait3A_595 = tpu.memref_slice %arg8[%dma_wait3A_593, %dma_wait3A_594] : memref<10512x128xf32, #tpu.memory_space<vmem_shared>> -> memref<10512x128xf32, #tpu.memory_space<vmem_shared>>
        tpu.wait_indirect_dma semaphore(%arg20 : memref<!tpu.dma_semaphore, #tpu.memory_space<semaphore_mem>>) src(%dma_wait3A_589 : memref<128x128xf32, #tpu.memory_space<vmem>>) dst(%dma_wait3A_595 : memref<10512x128xf32, #tpu.memory_space<vmem_shared>>)
      } else {
      }
      %add3A_487 = arith.constant 1 : i32
      %add3A_488 = arith.addi %add3A_474, %add3A_487 : i32
      %lt3A_489 = arith.constant 80 : i32
      %lt3A_490 = arith.cmpi slt, %add3A_488, %lt3A_489 : i32
      %convert_element_type3A_491 = arith.extui %lt3A_490 : i1 to i32
      %cond3A_492 = arith.constant 0 : i32
      %cond3A_493 = arith.cmpi ne, %convert_element_type3A_491, %cond3A_492 : i32
      scf.if %cond3A_493 {
        %dma_start3A_583 = arith.constant 7 : i32
        %dma_start3A_584 = arith.constant 0 : i32
        %dma_start3A_585 = arith.constant 1 : i32
        %dma_start3A_586 = arith.constant 0 : i32
        %dma_start3A_587 = arith.constant 0 : i32
        %dma_start3A_588 = tpu.memref_slice %arg7[%dma_start3A_585, %dma_start3A_586, %dma_start3A_587] : memref<2x128x128xf32, #tpu.memory_space<vmem>> -> memref<1x128x128xf32, #tpu.memory_space<vmem>>
        %dma_start3A_589 = tpu.memref_squeeze %dma_start3A_588 : memref<1x128x128xf32, #tpu.memory_space<vmem>> -> memref<128x128xf32, #tpu.memory_space<vmem>>
        %dma_start3A_590 = arith.constant 0 : i32
        %dma_start3A_591 = tpu.memref_slice %arg6[%dma_start3A_583, %dma_start3A_584, %dma_start3A_590] : memref<8x2x128xi32, #tpu.memory_space<vmem>> -> memref<1x1x128xi32, #tpu.memory_space<vmem>>
        %dma_start3A_592 = tpu.memref_squeeze %dma_start3A_591 : memref<1x1x128xi32, #tpu.memory_space<vmem>> -> memref<128xi32, #tpu.memory_space<vmem>>
        %dma_start3A_593 = arith.constant 0 : i32
        %dma_start3A_594 = arith.constant 0 : i32
        %dma_start3A_595 = tpu.memref_slice %arg2[%dma_start3A_593, %dma_start3A_594] : memref<10000x128xf32, #tpu.memory_space<hbm>> -> memref<10000x128xf32, #tpu.memory_space<hbm>>
        tpu.enqueue_indirect_dma source(%dma_start3A_595 : memref<10000x128xf32, #tpu.memory_space<hbm>>) target(%dma_start3A_589 : memref<128x128xf32, #tpu.memory_space<vmem>>) offsets(%dma_start3A_592 : memref<128xi32, #tpu.memory_space<vmem>>) semaphore(%arg18 : memref<!tpu.dma_semaphore, #tpu.memory_space<semaphore_mem>>)
      } else {
      }
      %dma_wait3A_494 = arith.constant 6 : i32
      %dma_wait3A_495 = arith.constant 0 : i32
      %dma_wait3A_496 = arith.constant 0 : i32
      %dma_wait3A_497 = arith.constant 0 : i32
      %dma_wait3A_498 = arith.constant 0 : i32
      %dma_wait3A_499 = tpu.memref_slice %arg7[%dma_wait3A_496, %dma_wait3A_497, %dma_wait3A_498] : memref<2x128x128xf32, #tpu.memory_space<vmem>> -> memref<1x128x128xf32, #tpu.memory_space<vmem>>
      %dma_wait3A_500 = tpu.memref_squeeze %dma_wait3A_499 : memref<1x128x128xf32, #tpu.memory_space<vmem>> -> memref<128x128xf32, #tpu.memory_space<vmem>>
      %dma_wait3A_501 = arith.constant 0 : i32
      %dma_wait3A_502 = tpu.memref_slice %arg6[%dma_wait3A_494, %dma_wait3A_495, %dma_wait3A_501] : memref<8x2x128xi32, #tpu.memory_space<vmem>> -> memref<1x1x128xi32, #tpu.memory_space<vmem>>
      %dma_wait3A_503 = tpu.memref_squeeze %dma_wait3A_502 : memref<1x1x128xi32, #tpu.memory_space<vmem>> -> memref<128xi32, #tpu.memory_space<vmem>>
      %dma_wait3A_504 = arith.constant 0 : i32
      %dma_wait3A_505 = arith.constant 0 : i32
      %dma_wait3A_506 = tpu.memref_slice %arg2[%dma_wait3A_504, %dma_wait3A_505] : memref<10000x128xf32, #tpu.memory_space<hbm>> -> memref<10000x128xf32, #tpu.memory_space<hbm>>
      tpu.wait_indirect_dma semaphore(%arg17 : memref<!tpu.dma_semaphore, #tpu.memory_space<semaphore_mem>>) src(%dma_wait3A_506 : memref<10000x128xf32, #tpu.memory_space<hbm>>) dst(%dma_wait3A_500 : memref<128x128xf32, #tpu.memory_space<vmem>>)
      %dma_start3A_507 = arith.constant 0 : i32
      %dma_start3A_508 = arith.constant 6 : i32
      %dma_start3A_509 = arith.constant 1 : i32
      %dma_start3A_510 = arith.constant 0 : i32
      %dma_start3A_511 = arith.constant 0 : i32
      %dma_start3A_512 = tpu.memref_slice %arg7[%dma_start3A_507, %dma_start3A_510, %dma_start3A_511] : memref<2x128x128xf32, #tpu.memory_space<vmem>> -> memref<1x128x128xf32, #tpu.memory_space<vmem>>
      %dma_start3A_513 = tpu.memref_squeeze %dma_start3A_512 : memref<1x128x128xf32, #tpu.memory_space<vmem>> -> memref<128x128xf32, #tpu.memory_space<vmem>>
      %dma_start3A_514 = arith.constant 0 : i32
      %dma_start3A_515 = tpu.memref_slice %arg6[%dma_start3A_508, %dma_start3A_509, %dma_start3A_514] : memref<8x2x128xi32, #tpu.memory_space<vmem>> -> memref<1x1x128xi32, #tpu.memory_space<vmem>>
      %dma_start3A_516 = tpu.memref_squeeze %dma_start3A_515 : memref<1x1x128xi32, #tpu.memory_space<vmem>> -> memref<128xi32, #tpu.memory_space<vmem>>
      %dma_start3A_517 = arith.constant 0 : i32
      %dma_start3A_518 = arith.constant 0 : i32
      %dma_start3A_519 = tpu.memref_slice %arg8[%dma_start3A_517, %dma_start3A_518] : memref<10512x128xf32, #tpu.memory_space<vmem_shared>> -> memref<10512x128xf32, #tpu.memory_space<vmem_shared>>
      tpu.enqueue_indirect_dma source(%dma_start3A_513 : memref<128x128xf32, #tpu.memory_space<vmem>>) target(%dma_start3A_519 : memref<10512x128xf32, #tpu.memory_space<vmem_shared>>) offsets(%dma_start3A_516 : memref<128xi32, #tpu.memory_space<vmem>>) semaphore(%arg19 : memref<!tpu.dma_semaphore, #tpu.memory_space<semaphore_mem>>) {add = true}
      %add3A_520 = arith.constant 4 : i32
      %add3A_521 = arith.addi %add3A_474, %add3A_520 : i32
      %lt3A_522 = arith.constant 80 : i32
      %lt3A_523 = arith.cmpi slt, %add3A_521, %lt3A_522 : i32
      %convert_element_type3A_524 = arith.extui %lt3A_523 : i1 to i32
      %cond3A_525 = arith.constant 0 : i32
      %cond3A_526 = arith.cmpi ne, %convert_element_type3A_524, %cond3A_525 : i32
      scf.if %cond3A_526 {
        %add3A_583 = arith.constant 4 : i32
        %add3A_584 = arith.addi %add3A_474, %add3A_583 : i32
        %dma_start3A_585 = arith.constant 2 : i32
        %dma_start3A_586 = arith.constant 0 : i32
        %dma_start3A_587 = arith.constant 0 : i32
        %dma_start3A_588 = tpu.memref_slice %arg6[%dma_start3A_585, %dma_start3A_586, %dma_start3A_587] : memref<8x2x128xi32, #tpu.memory_space<vmem>> -> memref<1x2x128xi32, #tpu.memory_space<vmem>>
        %dma_start3A_589 = tpu.memref_squeeze %dma_start3A_588 : memref<1x2x128xi32, #tpu.memory_space<vmem>> -> memref<2x128xi32, #tpu.memory_space<vmem>>
        %dma_start3A_590 = arith.constant 0 : i32
        %dma_start3A_591 = arith.constant 0 : i32
        %dma_start3A_592 = tpu.memref_slice %arg3[%add3A, %add3A_584, %dma_start3A_590, %dma_start3A_591] : memref<32x80x2x128xi32, #tpu.memory_space<hbm>> -> memref<1x1x2x128xi32, #tpu.memory_space<hbm>>
        %dma_start3A_593 = tpu.memref_squeeze %dma_start3A_592 : memref<1x1x2x128xi32, #tpu.memory_space<hbm>> -> memref<2x128xi32, #tpu.memory_space<hbm>>
        %dma_start3A_594 = arith.constant 0 : i32
        %dma_start3A_595 = arith.constant 0 : i32
        %dma_start3A_596 = tpu.memref_slice %arg6[%dma_start3A_585, %dma_start3A_594, %dma_start3A_595] : memref<8x2x128xi32, #tpu.memory_space<vmem>> -> memref<1x2x128xi32, #tpu.memory_space<vmem>>
        %dma_start3A_597 = tpu.memref_squeeze %dma_start3A_596 : memref<1x2x128xi32, #tpu.memory_space<vmem>> -> memref<2x128xi32, #tpu.memory_space<vmem>>
        %dma_start3A_598 = arith.constant 0 : i32
        %dma_start3A_599 = arith.constant 0 : i32
        %dma_start3A_600 = tpu.memref_slice %arg3[%add3A, %add3A_584, %dma_start3A_598, %dma_start3A_599] : memref<32x80x2x128xi32, #tpu.memory_space<hbm>> -> memref<1x1x2x128xi32, #tpu.memory_space<hbm>>
        %dma_start3A_601 = tpu.memref_squeeze %dma_start3A_600 : memref<1x1x2x128xi32, #tpu.memory_space<hbm>> -> memref<2x128xi32, #tpu.memory_space<hbm>>
        tpu.enqueue_dma source(%dma_start3A_601 : memref<2x128xi32, #tpu.memory_space<hbm>>) target(%dma_start3A_597 : memref<2x128xi32, #tpu.memory_space<vmem>>) target_semaphore(%arg11 : memref<!tpu.dma_semaphore, #tpu.memory_space<semaphore_mem>>)
      } else {
      }
      %mul3A_527 = arith.constant 8 : i32
      %mul3A_528 = arith.muli %mul3A_527, %scan3A_136 : i32
      %add3A_529 = arith.constant 7 : i32
      %add3A_530 = arith.addi %mul3A_528, %add3A_529 : i32
      %add3A_531 = arith.constant 1 : i32
      %add3A_532 = arith.addi %add3A_530, %add3A_531 : i32
      %lt3A_533 = arith.constant 80 : i32
      %lt3A_534 = arith.cmpi slt, %add3A_532, %lt3A_533 : i32
      %convert_element_type3A_535 = arith.extui %lt3A_534 : i1 to i32
      %cond3A_536 = arith.constant 0 : i32
      %cond3A_537 = arith.cmpi ne, %convert_element_type3A_535, %cond3A_536 : i32
      scf.if %cond3A_537 {
        %add3A_583 = arith.constant 1 : i32
        %add3A_584 = arith.addi %add3A_530, %add3A_583 : i32
        %dma_wait3A_585 = arith.constant 0 : i32
        %dma_wait3A_586 = arith.constant 0 : i32
        %dma_wait3A_587 = arith.constant 0 : i32
        %dma_wait3A_588 = tpu.memref_slice %arg6[%dma_wait3A_585, %dma_wait3A_586, %dma_wait3A_587] : memref<8x2x128xi32, #tpu.memory_space<vmem>> -> memref<1x2x128xi32, #tpu.memory_space<vmem>>
        %dma_wait3A_589 = tpu.memref_squeeze %dma_wait3A_588 : memref<1x2x128xi32, #tpu.memory_space<vmem>> -> memref<2x128xi32, #tpu.memory_space<vmem>>
        %dma_wait3A_590 = arith.constant 0 : i32
        %dma_wait3A_591 = arith.constant 0 : i32
        %dma_wait3A_592 = tpu.memref_slice %arg3[%add3A, %add3A_584, %dma_wait3A_590, %dma_wait3A_591] : memref<32x80x2x128xi32, #tpu.memory_space<hbm>> -> memref<1x1x2x128xi32, #tpu.memory_space<hbm>>
        %dma_wait3A_593 = tpu.memref_squeeze %dma_wait3A_592 : memref<1x1x2x128xi32, #tpu.memory_space<hbm>> -> memref<2x128xi32, #tpu.memory_space<hbm>>
        %dma_wait3A_594 = arith.constant 0 : i32
        %dma_wait3A_595 = arith.constant 0 : i32
        %dma_wait3A_596 = tpu.memref_slice %arg6[%dma_wait3A_585, %dma_wait3A_594, %dma_wait3A_595] : memref<8x2x128xi32, #tpu.memory_space<vmem>> -> memref<1x2x128xi32, #tpu.memory_space<vmem>>
        %dma_wait3A_597 = tpu.memref_squeeze %dma_wait3A_596 : memref<1x2x128xi32, #tpu.memory_space<vmem>> -> memref<2x128xi32, #tpu.memory_space<vmem>>
        %dma_wait3A_598 = arith.constant 0 : i32
        %dma_wait3A_599 = arith.constant 0 : i32
        %dma_wait3A_600 = tpu.memref_slice %arg3[%add3A, %add3A_584, %dma_wait3A_598, %dma_wait3A_599] : memref<32x80x2x128xi32, #tpu.memory_space<hbm>> -> memref<1x1x2x128xi32, #tpu.memory_space<hbm>>
        %dma_wait3A_601 = tpu.memref_squeeze %dma_wait3A_600 : memref<1x1x2x128xi32, #tpu.memory_space<hbm>> -> memref<2x128xi32, #tpu.memory_space<hbm>>
        tpu.wait_dma2 semaphore(%arg9 : memref<!tpu.dma_semaphore, #tpu.memory_space<semaphore_mem>>) src(%dma_wait3A_601 : memref<2x128xi32, #tpu.memory_space<hbm>>) dst(%dma_wait3A_597 : memref<2x128xi32, #tpu.memory_space<vmem>>)
      } else {
      }
      %ge3A_538 = arith.constant 1 : i32
      %ge3A_539 = arith.cmpi sge, %add3A_530, %ge3A_538 : i32
      %convert_element_type3A_540 = arith.extui %ge3A_539 : i1 to i32
      %cond3A_541 = arith.constant 0 : i32
      %cond3A_542 = arith.cmpi ne, %convert_element_type3A_540, %cond3A_541 : i32
      scf.if %cond3A_542 {
        %dma_wait3A_583 = arith.constant 0 : i32
        %dma_wait3A_584 = arith.constant 6 : i32
        %dma_wait3A_585 = arith.constant 1 : i32
        %dma_wait3A_586 = arith.constant 0 : i32
        %dma_wait3A_587 = arith.constant 0 : i32
        %dma_wait3A_588 = tpu.memref_slice %arg7[%dma_wait3A_583, %dma_wait3A_586, %dma_wait3A_587] : memref<2x128x128xf32, #tpu.memory_space<vmem>> -> memref<1x128x128xf32, #tpu.memory_space<vmem>>
        %dma_wait3A_589 = tpu.memref_squeeze %dma_wait3A_588 : memref<1x128x128xf32, #tpu.memory_space<vmem>> -> memref<128x128xf32, #tpu.memory_space<vmem>>
        %dma_wait3A_590 = arith.constant 0 : i32
        %dma_wait3A_591 = tpu.memref_slice %arg6[%dma_wait3A_584, %dma_wait3A_585, %dma_wait3A_590] : memref<8x2x128xi32, #tpu.memory_space<vmem>> -> memref<1x1x128xi32, #tpu.memory_space<vmem>>
        %dma_wait3A_592 = tpu.memref_squeeze %dma_wait3A_591 : memref<1x1x128xi32, #tpu.memory_space<vmem>> -> memref<128xi32, #tpu.memory_space<vmem>>
        %dma_wait3A_593 = arith.constant 0 : i32
        %dma_wait3A_594 = arith.constant 0 : i32
        %dma_wait3A_595 = tpu.memref_slice %arg8[%dma_wait3A_593, %dma_wait3A_594] : memref<10512x128xf32, #tpu.memory_space<vmem_shared>> -> memref<10512x128xf32, #tpu.memory_space<vmem_shared>>
        tpu.wait_indirect_dma semaphore(%arg19 : memref<!tpu.dma_semaphore, #tpu.memory_space<semaphore_mem>>) src(%dma_wait3A_589 : memref<128x128xf32, #tpu.memory_space<vmem>>) dst(%dma_wait3A_595 : memref<10512x128xf32, #tpu.memory_space<vmem_shared>>)
      } else {
      }
      %add3A_543 = arith.constant 1 : i32
      %add3A_544 = arith.addi %add3A_530, %add3A_543 : i32
      %lt3A_545 = arith.constant 80 : i32
      %lt3A_546 = arith.cmpi slt, %add3A_544, %lt3A_545 : i32
      %convert_element_type3A_547 = arith.extui %lt3A_546 : i1 to i32
      %cond3A_548 = arith.constant 0 : i32
      %cond3A_549 = arith.cmpi ne, %convert_element_type3A_547, %cond3A_548 : i32
      scf.if %cond3A_549 {
        %dma_start3A_583 = arith.constant 0 : i32
        %dma_start3A_584 = arith.constant 0 : i32
        %dma_start3A_585 = arith.constant 0 : i32
        %dma_start3A_586 = arith.constant 0 : i32
        %dma_start3A_587 = arith.constant 0 : i32
        %dma_start3A_588 = tpu.memref_slice %arg7[%dma_start3A_585, %dma_start3A_586, %dma_start3A_587] : memref<2x128x128xf32, #tpu.memory_space<vmem>> -> memref<1x128x128xf32, #tpu.memory_space<vmem>>
        %dma_start3A_589 = tpu.memref_squeeze %dma_start3A_588 : memref<1x128x128xf32, #tpu.memory_space<vmem>> -> memref<128x128xf32, #tpu.memory_space<vmem>>
        %dma_start3A_590 = arith.constant 0 : i32
        %dma_start3A_591 = tpu.memref_slice %arg6[%dma_start3A_583, %dma_start3A_584, %dma_start3A_590] : memref<8x2x128xi32, #tpu.memory_space<vmem>> -> memref<1x1x128xi32, #tpu.memory_space<vmem>>
        %dma_start3A_592 = tpu.memref_squeeze %dma_start3A_591 : memref<1x1x128xi32, #tpu.memory_space<vmem>> -> memref<128xi32, #tpu.memory_space<vmem>>
        %dma_start3A_593 = arith.constant 0 : i32
        %dma_start3A_594 = arith.constant 0 : i32
        %dma_start3A_595 = tpu.memref_slice %arg2[%dma_start3A_593, %dma_start3A_594] : memref<10000x128xf32, #tpu.memory_space<hbm>> -> memref<10000x128xf32, #tpu.memory_space<hbm>>
        tpu.enqueue_indirect_dma source(%dma_start3A_595 : memref<10000x128xf32, #tpu.memory_space<hbm>>) target(%dma_start3A_589 : memref<128x128xf32, #tpu.memory_space<vmem>>) offsets(%dma_start3A_592 : memref<128xi32, #tpu.memory_space<vmem>>) semaphore(%arg17 : memref<!tpu.dma_semaphore, #tpu.memory_space<semaphore_mem>>)
      } else {
      }
      %dma_wait3A_550 = arith.constant 7 : i32
      %dma_wait3A_551 = arith.constant 0 : i32
      %dma_wait3A_552 = arith.constant 1 : i32
      %dma_wait3A_553 = arith.constant 0 : i32
      %dma_wait3A_554 = arith.constant 0 : i32
      %dma_wait3A_555 = tpu.memref_slice %arg7[%dma_wait3A_552, %dma_wait3A_553, %dma_wait3A_554] : memref<2x128x128xf32, #tpu.memory_space<vmem>> -> memref<1x128x128xf32, #tpu.memory_space<vmem>>
      %dma_wait3A_556 = tpu.memref_squeeze %dma_wait3A_555 : memref<1x128x128xf32, #tpu.memory_space<vmem>> -> memref<128x128xf32, #tpu.memory_space<vmem>>
      %dma_wait3A_557 = arith.constant 0 : i32
      %dma_wait3A_558 = tpu.memref_slice %arg6[%dma_wait3A_550, %dma_wait3A_551, %dma_wait3A_557] : memref<8x2x128xi32, #tpu.memory_space<vmem>> -> memref<1x1x128xi32, #tpu.memory_space<vmem>>
      %dma_wait3A_559 = tpu.memref_squeeze %dma_wait3A_558 : memref<1x1x128xi32, #tpu.memory_space<vmem>> -> memref<128xi32, #tpu.memory_space<vmem>>
      %dma_wait3A_560 = arith.constant 0 : i32
      %dma_wait3A_561 = arith.constant 0 : i32
      %dma_wait3A_562 = tpu.memref_slice %arg2[%dma_wait3A_560, %dma_wait3A_561] : memref<10000x128xf32, #tpu.memory_space<hbm>> -> memref<10000x128xf32, #tpu.memory_space<hbm>>
      tpu.wait_indirect_dma semaphore(%arg18 : memref<!tpu.dma_semaphore, #tpu.memory_space<semaphore_mem>>) src(%dma_wait3A_562 : memref<10000x128xf32, #tpu.memory_space<hbm>>) dst(%dma_wait3A_556 : memref<128x128xf32, #tpu.memory_space<vmem>>)
      %dma_start3A_563 = arith.constant 1 : i32
      %dma_start3A_564 = arith.constant 7 : i32
      %dma_start3A_565 = arith.constant 1 : i32
      %dma_start3A_566 = arith.constant 0 : i32
      %dma_start3A_567 = arith.constant 0 : i32
      %dma_start3A_568 = tpu.memref_slice %arg7[%dma_start3A_563, %dma_start3A_566, %dma_start3A_567] : memref<2x128x128xf32, #tpu.memory_space<vmem>> -> memref<1x128x128xf32, #tpu.memory_space<vmem>>
      %dma_start3A_569 = tpu.memref_squeeze %dma_start3A_568 : memref<1x128x128xf32, #tpu.memory_space<vmem>> -> memref<128x128xf32, #tpu.memory_space<vmem>>
      %dma_start3A_570 = arith.constant 0 : i32
      %dma_start3A_571 = tpu.memref_slice %arg6[%dma_start3A_564, %dma_start3A_565, %dma_start3A_570] : memref<8x2x128xi32, #tpu.memory_space<vmem>> -> memref<1x1x128xi32, #tpu.memory_space<vmem>>
      %dma_start3A_572 = tpu.memref_squeeze %dma_start3A_571 : memref<1x1x128xi32, #tpu.memory_space<vmem>> -> memref<128xi32, #tpu.memory_space<vmem>>
      %dma_start3A_573 = arith.constant 0 : i32
      %dma_start3A_574 = arith.constant 0 : i32
      %dma_start3A_575 = tpu.memref_slice %arg8[%dma_start3A_573, %dma_start3A_574] : memref<10512x128xf32, #tpu.memory_space<vmem_shared>> -> memref<10512x128xf32, #tpu.memory_space<vmem_shared>>
      tpu.enqueue_indirect_dma source(%dma_start3A_569 : memref<128x128xf32, #tpu.memory_space<vmem>>) target(%dma_start3A_575 : memref<10512x128xf32, #tpu.memory_space<vmem_shared>>) offsets(%dma_start3A_572 : memref<128xi32, #tpu.memory_space<vmem>>) semaphore(%arg20 : memref<!tpu.dma_semaphore, #tpu.memory_space<semaphore_mem>>) {add = true}
      %add3A_576 = arith.constant 4 : i32
      %add3A_577 = arith.addi %add3A_530, %add3A_576 : i32
      %lt3A_578 = arith.constant 80 : i32
      %lt3A_579 = arith.cmpi slt, %add3A_577, %lt3A_578 : i32
      %convert_element_type3A_580 = arith.extui %lt3A_579 : i1 to i32
      %cond3A_581 = arith.constant 0 : i32
      %cond3A_582 = arith.cmpi ne, %convert_element_type3A_580, %cond3A_581 : i32
      scf.if %cond3A_582 {
        %add3A_583 = arith.constant 4 : i32
        %add3A_584 = arith.addi %add3A_530, %add3A_583 : i32
        %dma_start3A_585 = arith.constant 3 : i32
        %dma_start3A_586 = arith.constant 0 : i32
        %dma_start3A_587 = arith.constant 0 : i32
        %dma_start3A_588 = tpu.memref_slice %arg6[%dma_start3A_585, %dma_start3A_586, %dma_start3A_587] : memref<8x2x128xi32, #tpu.memory_space<vmem>> -> memref<1x2x128xi32, #tpu.memory_space<vmem>>
        %dma_start3A_589 = tpu.memref_squeeze %dma_start3A_588 : memref<1x2x128xi32, #tpu.memory_space<vmem>> -> memref<2x128xi32, #tpu.memory_space<vmem>>
        %dma_start3A_590 = arith.constant 0 : i32
        %dma_start3A_591 = arith.constant 0 : i32
        %dma_start3A_592 = tpu.memref_slice %arg3[%add3A, %add3A_584, %dma_start3A_590, %dma_start3A_591] : memref<32x80x2x128xi32, #tpu.memory_space<hbm>> -> memref<1x1x2x128xi32, #tpu.memory_space<hbm>>
        %dma_start3A_593 = tpu.memref_squeeze %dma_start3A_592 : memref<1x1x2x128xi32, #tpu.memory_space<hbm>> -> memref<2x128xi32, #tpu.memory_space<hbm>>
        %dma_start3A_594 = arith.constant 0 : i32
        %dma_start3A_595 = arith.constant 0 : i32
        %dma_start3A_596 = tpu.memref_slice %arg6[%dma_start3A_585, %dma_start3A_594, %dma_start3A_595] : memref<8x2x128xi32, #tpu.memory_space<vmem>> -> memref<1x2x128xi32, #tpu.memory_space<vmem>>
        %dma_start3A_597 = tpu.memref_squeeze %dma_start3A_596 : memref<1x2x128xi32, #tpu.memory_space<vmem>> -> memref<2x128xi32, #tpu.memory_space<vmem>>
        %dma_start3A_598 = arith.constant 0 : i32
        %dma_start3A_599 = arith.constant 0 : i32
        %dma_start3A_600 = tpu.memref_slice %arg3[%add3A, %add3A_584, %dma_start3A_598, %dma_start3A_599] : memref<32x80x2x128xi32, #tpu.memory_space<hbm>> -> memref<1x1x2x128xi32, #tpu.memory_space<hbm>>
        %dma_start3A_601 = tpu.memref_squeeze %dma_start3A_600 : memref<1x1x2x128xi32, #tpu.memory_space<hbm>> -> memref<2x128xi32, #tpu.memory_space<hbm>>
        tpu.enqueue_dma source(%dma_start3A_601 : memref<2x128xi32, #tpu.memory_space<hbm>>) target(%dma_start3A_597 : memref<2x128xi32, #tpu.memory_space<vmem>>) target_semaphore(%arg12 : memref<!tpu.dma_semaphore, #tpu.memory_space<semaphore_mem>>)
      } else {
      }
    }
    %scan3A_112 = arith.constant 10 : i32
    %dma_wait3A_113 = arith.constant 1 : i32
    %dma_wait3A_114 = arith.constant 7 : i32
    %dma_wait3A_115 = arith.constant 1 : i32
    %dma_wait3A_116 = arith.constant 0 : i32
    %dma_wait3A_117 = arith.constant 0 : i32
    %dma_wait3A_118 = tpu.memref_slice %arg7[%dma_wait3A_113, %dma_wait3A_116, %dma_wait3A_117] : memref<2x128x128xf32, #tpu.memory_space<vmem>> -> memref<1x128x128xf32, #tpu.memory_space<vmem>>
    %dma_wait3A_119 = tpu.memref_squeeze %dma_wait3A_118 : memref<1x128x128xf32, #tpu.memory_space<vmem>> -> memref<128x128xf32, #tpu.memory_space<vmem>>
    %dma_wait3A_120 = arith.constant 0 : i32
    %dma_wait3A_121 = tpu.memref_slice %arg6[%dma_wait3A_114, %dma_wait3A_115, %dma_wait3A_120] : memref<8x2x128xi32, #tpu.memory_space<vmem>> -> memref<1x1x128xi32, #tpu.memory_space<vmem>>
    %dma_wait3A_122 = tpu.memref_squeeze %dma_wait3A_121 : memref<1x1x128xi32, #tpu.memory_space<vmem>> -> memref<128xi32, #tpu.memory_space<vmem>>
    %dma_wait3A_123 = arith.constant 0 : i32
    %dma_wait3A_124 = arith.constant 0 : i32
    %dma_wait3A_125 = tpu.memref_slice %arg8[%dma_wait3A_123, %dma_wait3A_124] : memref<10512x128xf32, #tpu.memory_space<vmem_shared>> -> memref<10512x128xf32, #tpu.memory_space<vmem_shared>>
    tpu.wait_indirect_dma semaphore(%arg20 : memref<!tpu.dma_semaphore, #tpu.memory_space<semaphore_mem>>) src(%dma_wait3A_119 : memref<128x128xf32, #tpu.memory_space<vmem>>) dst(%dma_wait3A_125 : memref<10512x128xf32, #tpu.memory_space<vmem_shared>>)
    %barrier3A_126 = arith.constant 0 : index
    tpu.barrier barrier_id(%barrier3A_126)
    %mul3A_127 = arith.constant 624 : i32
    %mul3A_128 = arith.muli %arg1, %mul3A_127 : i32
    %mul3A_129 = arith.constant 624 : i32
    %mul3A_130 = arith.muli %arg1, %mul3A_129 : i32
    "tpu.region"() ({
      %run_scoped3A = tpu.sem_alloc : memref<!tpu.dma_semaphore, #tpu.memory_space<semaphore_mem>>
      %dma_start3A_136 = arith.constant 0 : i32
      %dma_start3A_137 = tpu.memref_slice %arg5[%arg0, %mul3A_130, %dma_start3A_136] : memref<2x10000x128xf32, #tpu.memory_space<hbm>> -> memref<1x624x128xf32, #tpu.memory_space<hbm>>
      %dma_start3A_138 = tpu.memref_squeeze %dma_start3A_137 : memref<1x624x128xf32, #tpu.memory_space<hbm>> -> memref<624x128xf32, #tpu.memory_space<hbm>>
      %dma_start3A_139 = arith.constant 0 : i32
      %dma_start3A_140 = tpu.memref_slice %arg8[%mul3A_128, %dma_start3A_139] : memref<10512x128xf32, #tpu.memory_space<vmem_shared>> -> memref<624x128xf32, #tpu.memory_space<vmem_shared>>
      tpu.enqueue_dma source(%dma_start3A_140 : memref<624x128xf32, #tpu.memory_space<vmem_shared>>) target(%dma_start3A_138 : memref<624x128xf32, #tpu.memory_space<hbm>>) target_semaphore(%run_scoped3A : memref<!tpu.dma_semaphore, #tpu.memory_space<semaphore_mem>>)
      %dma_wait3A_141 = arith.constant 0 : i32
      %dma_wait3A_142 = tpu.memref_slice %arg5[%arg0, %mul3A_130, %dma_wait3A_141] : memref<2x10000x128xf32, #tpu.memory_space<hbm>> -> memref<1x624x128xf32, #tpu.memory_space<hbm>>
      %dma_wait3A_143 = tpu.memref_squeeze %dma_wait3A_142 : memref<1x624x128xf32, #tpu.memory_space<hbm>> -> memref<624x128xf32, #tpu.memory_space<hbm>>
      %dma_wait3A_144 = arith.constant 0 : i32
      %dma_wait3A_145 = tpu.memref_slice %arg8[%mul3A_128, %dma_wait3A_144] : memref<10512x128xf32, #tpu.memory_space<vmem_shared>> -> memref<624x128xf32, #tpu.memory_space<vmem_shared>>
      tpu.wait_dma2 semaphore(%run_scoped3A : memref<!tpu.dma_semaphore, #tpu.memory_space<semaphore_mem>>) src(%dma_wait3A_145 : memref<624x128xf32, #tpu.memory_space<vmem_shared>>) dst(%dma_wait3A_143 : memref<624x128xf32, #tpu.memory_space<hbm>>)
      tpu.yield
    }) : () -> ()
    %eq3A_131 = arith.constant 0 : i32
    %eq3A_132 = arith.cmpi eq, %arg1, %eq3A_131 : i32
    %convert_element_type3A_133 = arith.extui %eq3A_132 : i1 to i32
    %cond3A_134 = arith.constant 0 : i32
    %cond3A_135 = arith.cmpi ne, %convert_element_type3A_133, %cond3A_134 : i32
    scf.if %cond3A_135 {
      "tpu.region"() ({
        %run_scoped3A = tpu.sem_alloc : memref<!tpu.dma_semaphore, #tpu.memory_space<semaphore_mem>>
        %dma_start3A_136 = arith.constant 9984 : i32
        %dma_start3A_137 = arith.constant 0 : i32
        %dma_start3A_138 = tpu.memref_slice %arg5[%arg0, %dma_start3A_136, %dma_start3A_137] : memref<2x10000x128xf32, #tpu.memory_space<hbm>> -> memref<1x16x128xf32, #tpu.memory_space<hbm>>
        %dma_start3A_139 = tpu.memref_squeeze %dma_start3A_138 : memref<1x16x128xf32, #tpu.memory_space<hbm>> -> memref<16x128xf32, #tpu.memory_space<hbm>>
        %dma_start3A_140 = arith.constant 9984 : i32
        %dma_start3A_141 = arith.constant 0 : i32
        %dma_start3A_142 = tpu.memref_slice %arg8[%dma_start3A_140, %dma_start3A_141] : memref<10512x128xf32, #tpu.memory_space<vmem_shared>> -> memref<16x128xf32, #tpu.memory_space<vmem_shared>>
        tpu.enqueue_dma source(%dma_start3A_142 : memref<16x128xf32, #tpu.memory_space<vmem_shared>>) target(%dma_start3A_139 : memref<16x128xf32, #tpu.memory_space<hbm>>) target_semaphore(%run_scoped3A : memref<!tpu.dma_semaphore, #tpu.memory_space<semaphore_mem>>)
        %dma_wait3A_143 = arith.constant 9984 : i32
        %dma_wait3A_144 = arith.constant 0 : i32
        %dma_wait3A_145 = tpu.memref_slice %arg5[%arg0, %dma_wait3A_143, %dma_wait3A_144] : memref<2x10000x128xf32, #tpu.memory_space<hbm>> -> memref<1x16x128xf32, #tpu.memory_space<hbm>>
        %dma_wait3A_146 = tpu.memref_squeeze %dma_wait3A_145 : memref<1x16x128xf32, #tpu.memory_space<hbm>> -> memref<16x128xf32, #tpu.memory_space<hbm>>
        %dma_wait3A_147 = arith.constant 9984 : i32
        %dma_wait3A_148 = arith.constant 0 : i32
        %dma_wait3A_149 = tpu.memref_slice %arg8[%dma_wait3A_147, %dma_wait3A_148] : memref<10512x128xf32, #tpu.memory_space<vmem_shared>> -> memref<16x128xf32, #tpu.memory_space<vmem_shared>>
        tpu.wait_dma2 semaphore(%run_scoped3A : memref<!tpu.dma_semaphore, #tpu.memory_space<semaphore_mem>>) src(%dma_wait3A_149 : memref<16x128xf32, #tpu.memory_space<vmem_shared>>) dst(%dma_wait3A_146 : memref<16x128xf32, #tpu.memory_space<hbm>>)
        tpu.yield
      }) : () -> ()
    } else {
    }
    return
  }
}

#map = affine_map<(d0, d1) -> (0, 0)>
#map1 = affine_map<(d0, d1) -> (0)>
#map2 = affine_map<(d0, d1) -> (0, 0, 0)>
module attributes {stable_mosaic.version = 14 : i64} {
  func.func @body(%arg0: i32, %arg1: i32, %arg2: memref<10000x128xf32, #tpu.memory_space<hbm>>, %arg3: memref<10000xi32, #tpu.memory_space<hbm>>, %arg4: memref<512x128xf32, #tpu.memory_space<hbm>>, %arg5: memref<2x512x128xf32, #tpu.memory_space<hbm>>, %arg6: memref<1x80xi32, #tpu.memory_space<vmem>>, %arg7: memref<80x128xf32, #tpu.memory_space<vmem>>, %arg8: memref<512x128xf32, #tpu.memory_space<vmem_shared>>, %arg9: memref<!tpu.dma_semaphore, #tpu.memory_space<semaphore_mem>>) attributes {dimension_semantics = [#tpu.dimension_semantics<core_parallel>, #tpu.dimension_semantics<subcore_parallel>], iteration_bounds = array<i64: 2, 16>, scalar_prefetch = 0 : i64, scratch_operands = 4 : i64, tpu.core_type = #tpu.core_type<sc_vector_subcore>, window_params = [{transform_indices = #map}, {transform_indices = #map1}, {transform_indices = #map}, {transform_indices = #map2}]} {
    %mul3A = arith.constant 2 : i32
    %mul3A_0 = arith.muli %arg1, %mul3A : i32
    %add3A = arith.addi %mul3A_0, %arg0 : i32
    %mul3A_1 = arith.constant 32 : i32
    %mul3A_2 = arith.muli %arg1, %mul3A_1 : i32
    %mul3A_3 = arith.constant 32 : i32
    %mul3A_4 = arith.muli %arg1, %mul3A_3 : i32
    "tpu.region"() ({
      %run_scoped3A = tpu.sem_alloc : memref<!tpu.dma_semaphore, #tpu.memory_space<semaphore_mem>>
      %dma_start3A = arith.constant 0 : i32
      %dma_start3A_41 = tpu.memref_slice %arg8[%mul3A_4, %dma_start3A] : memref<512x128xf32, #tpu.memory_space<vmem_shared>> -> memref<32x128xf32, #tpu.memory_space<vmem_shared>>
      %dma_start3A_42 = arith.constant 0 : i32
      %dma_start3A_43 = tpu.memref_slice %arg4[%mul3A_2, %dma_start3A_42] : memref<512x128xf32, #tpu.memory_space<hbm>> -> memref<32x128xf32, #tpu.memory_space<hbm>>
      tpu.enqueue_dma source(%dma_start3A_43 : memref<32x128xf32, #tpu.memory_space<hbm>>) target(%dma_start3A_41 : memref<32x128xf32, #tpu.memory_space<vmem_shared>>) target_semaphore(%run_scoped3A : memref<!tpu.dma_semaphore, #tpu.memory_space<semaphore_mem>>)
      %dma_wait3A = arith.constant 0 : i32
      %dma_wait3A_44 = tpu.memref_slice %arg8[%mul3A_4, %dma_wait3A] : memref<512x128xf32, #tpu.memory_space<vmem_shared>> -> memref<32x128xf32, #tpu.memory_space<vmem_shared>>
      %dma_wait3A_45 = arith.constant 0 : i32
      %dma_wait3A_46 = tpu.memref_slice %arg4[%mul3A_2, %dma_wait3A_45] : memref<512x128xf32, #tpu.memory_space<hbm>> -> memref<32x128xf32, #tpu.memory_space<hbm>>
      tpu.wait_dma2 semaphore(%run_scoped3A : memref<!tpu.dma_semaphore, #tpu.memory_space<semaphore_mem>>) src(%dma_wait3A_46 : memref<32x128xf32, #tpu.memory_space<hbm>>) dst(%dma_wait3A_44 : memref<32x128xf32, #tpu.memory_space<vmem_shared>>)
      tpu.yield
    }) : () -> ()
    %barrier3A = arith.constant 0 : index
    tpu.barrier barrier_id(%barrier3A)
    %sub3A = arith.constant 125 : i32
    %sub3A_5 = arith.subi %sub3A, %add3A : i32
    %add3A_6 = arith.constant 32 : i32
    %add3A_7 = arith.addi %sub3A_5, %add3A_6 : i32
    %sub3A_8 = arith.constant 1 : i32
    %sub3A_9 = arith.subi %add3A_7, %sub3A_8 : i32
    %jit3A = arith.constant 32 : i32
    %div3A = arith.divsi %sub3A_9, %jit3A : i32
    %sign3A = arith.constant 0 : i32
    %sign3A_10 = arith.cmpi sgt, %sub3A_9, %sign3A : i32
    %sign3A_11 = arith.extui %sign3A_10 : i1 to i32
    %sign3A_12 = arith.constant 0 : i32
    %sign3A_13 = arith.cmpi slt, %sub3A_9, %sign3A_12 : i32
    %sign3A_14 = arith.extui %sign3A_13 : i1 to i32
    %sign3A_15 = arith.subi %sign3A_11, %sign3A_14 : i32
    %sign3A_16 = arith.constant 0 : i32
    %sign3A_17 = arith.cmpi sgt, %jit3A, %sign3A_16 : i32
    %sign3A_18 = arith.extui %sign3A_17 : i1 to i32
    %sign3A_19 = arith.constant 0 : i32
    %sign3A_20 = arith.cmpi slt, %jit3A, %sign3A_19 : i32
    %sign3A_21 = arith.extui %sign3A_20 : i1 to i32
    %sign3A_22 = arith.subi %sign3A_18, %sign3A_21 : i32
    %ne3A = arith.cmpi ne, %sign3A_15, %sign3A_22 : i32
    %rem3A = arith.remsi %sub3A_9, %jit3A : i32
    %ne3A_23 = arith.constant 0 : i32
    %ne3A_24 = arith.cmpi ne, %rem3A, %ne3A_23 : i32
    %and3A = arith.andi %ne3A, %ne3A_24 : i1
    %sub3A_25 = arith.constant 1 : i32
    %sub3A_26 = arith.subi %div3A, %sub3A_25 : i32
    %select_n3A = arith.select %and3A, %sub3A_26, %div3A : i32
    %while3A = arith.constant 0 : i32
    %while3A_27 = arith.constant 0 : i32
    %while3A_28 = arith.subi %select_n3A, %while3A_27 : i32
    %while3A_29 = arith.addi %while3A_27, %while3A_28 : i32
    %while3A_30 = arith.constant 1 : i32
    %while3A_31 = arith.divsi %while3A_28, %while3A_30 : i32
    %while3A_32 = arith.muli %while3A_31, %while3A_30 : i32
    %while3A_33 = arith.addi %while3A_27, %while3A_32 : i32
    %while3A_34 = arith.constant 1 : i32
    scf.for %while3A_41 = %while3A_27 to %while3A_33 step %while3A_34  : i32 {
      %mul3A_42 = arith.constant 32 : i32
      %mul3A_43 = arith.muli %while3A_41, %mul3A_42 : i32
      %add3A_44 = arith.addi %add3A, %mul3A_43 : i32
      %mul3A_45 = arith.constant 80 : i32
      %mul3A_46 = arith.muli %add3A_44, %mul3A_45 : i32
      %run_scoped3A = arith.constant 0 : i32
      "tpu.region"() ({
        %run_scoped3A_48 = tpu.sem_alloc : memref<!tpu.dma_semaphore, #tpu.memory_space<semaphore_mem>>
        %dma_start3A = arith.constant 0 : i32
        %dma_start3A_49 = tpu.memref_slice %arg6[%run_scoped3A, %dma_start3A] : memref<1x80xi32, #tpu.memory_space<vmem>> -> memref<1x80xi32, #tpu.memory_space<vmem>>
        %dma_start3A_50 = tpu.memref_squeeze %dma_start3A_49 : memref<1x80xi32, #tpu.memory_space<vmem>> -> memref<80xi32, #tpu.memory_space<vmem>>
        %dma_start3A_51 = tpu.memref_slice %arg3[%mul3A_46] : memref<10000xi32, #tpu.memory_space<hbm>> -> memref<80xi32, #tpu.memory_space<hbm>>
        %dma_start3A_52 = arith.constant 0 : i32
        %dma_start3A_53 = tpu.memref_slice %arg6[%run_scoped3A, %dma_start3A_52] : memref<1x80xi32, #tpu.memory_space<vmem>> -> memref<1x80xi32, #tpu.memory_space<vmem>>
        %dma_start3A_54 = tpu.memref_squeeze %dma_start3A_53 : memref<1x80xi32, #tpu.memory_space<vmem>> -> memref<80xi32, #tpu.memory_space<vmem>>
        %dma_start3A_55 = tpu.memref_slice %arg3[%mul3A_46] : memref<10000xi32, #tpu.memory_space<hbm>> -> memref<80xi32, #tpu.memory_space<hbm>>
        tpu.enqueue_dma source(%dma_start3A_55 : memref<80xi32, #tpu.memory_space<hbm>>) target(%dma_start3A_54 : memref<80xi32, #tpu.memory_space<vmem>>) target_semaphore(%run_scoped3A_48 : memref<!tpu.dma_semaphore, #tpu.memory_space<semaphore_mem>>)
        %dma_wait3A = arith.constant 0 : i32
        %dma_wait3A_56 = tpu.memref_slice %arg6[%run_scoped3A, %dma_wait3A] : memref<1x80xi32, #tpu.memory_space<vmem>> -> memref<1x80xi32, #tpu.memory_space<vmem>>
        %dma_wait3A_57 = tpu.memref_squeeze %dma_wait3A_56 : memref<1x80xi32, #tpu.memory_space<vmem>> -> memref<80xi32, #tpu.memory_space<vmem>>
        %dma_wait3A_58 = tpu.memref_slice %arg3[%mul3A_46] : memref<10000xi32, #tpu.memory_space<hbm>> -> memref<80xi32, #tpu.memory_space<hbm>>
        %dma_wait3A_59 = arith.constant 0 : i32
        %dma_wait3A_60 = tpu.memref_slice %arg6[%run_scoped3A, %dma_wait3A_59] : memref<1x80xi32, #tpu.memory_space<vmem>> -> memref<1x80xi32, #tpu.memory_space<vmem>>
        %dma_wait3A_61 = tpu.memref_squeeze %dma_wait3A_60 : memref<1x80xi32, #tpu.memory_space<vmem>> -> memref<80xi32, #tpu.memory_space<vmem>>
        %dma_wait3A_62 = tpu.memref_slice %arg3[%mul3A_46] : memref<10000xi32, #tpu.memory_space<hbm>> -> memref<80xi32, #tpu.memory_space<hbm>>
        tpu.wait_dma2 semaphore(%run_scoped3A_48 : memref<!tpu.dma_semaphore, #tpu.memory_space<semaphore_mem>>) src(%dma_wait3A_62 : memref<80xi32, #tpu.memory_space<hbm>>) dst(%dma_wait3A_61 : memref<80xi32, #tpu.memory_space<vmem>>)
        tpu.yield
      }) : () -> ()
      "tpu.region"() ({
        %run_scoped3A_48 = tpu.sem_alloc : memref<!tpu.dma_semaphore, #tpu.memory_space<semaphore_mem>>
        %dma_start3A = arith.constant 0 : i32
        %dma_start3A_49 = tpu.memref_slice %arg2[%mul3A_46, %dma_start3A] : memref<10000x128xf32, #tpu.memory_space<hbm>> -> memref<80x128xf32, #tpu.memory_space<hbm>>
        %dma_start3A_50 = arith.constant 0 : i32
        %dma_start3A_51 = tpu.memref_slice %arg2[%mul3A_46, %dma_start3A_50] : memref<10000x128xf32, #tpu.memory_space<hbm>> -> memref<80x128xf32, #tpu.memory_space<hbm>>
        tpu.enqueue_dma source(%dma_start3A_51 : memref<80x128xf32, #tpu.memory_space<hbm>>) target(%arg7 : memref<80x128xf32, #tpu.memory_space<vmem>>) target_semaphore(%run_scoped3A_48 : memref<!tpu.dma_semaphore, #tpu.memory_space<semaphore_mem>>)
        %dma_wait3A = arith.constant 0 : i32
        %dma_wait3A_52 = tpu.memref_slice %arg2[%mul3A_46, %dma_wait3A] : memref<10000x128xf32, #tpu.memory_space<hbm>> -> memref<80x128xf32, #tpu.memory_space<hbm>>
        %dma_wait3A_53 = arith.constant 0 : i32
        %dma_wait3A_54 = tpu.memref_slice %arg2[%mul3A_46, %dma_wait3A_53] : memref<10000x128xf32, #tpu.memory_space<hbm>> -> memref<80x128xf32, #tpu.memory_space<hbm>>
        tpu.wait_dma2 semaphore(%run_scoped3A_48 : memref<!tpu.dma_semaphore, #tpu.memory_space<semaphore_mem>>) src(%dma_wait3A_54 : memref<80x128xf32, #tpu.memory_space<hbm>>) dst(%arg7 : memref<80x128xf32, #tpu.memory_space<vmem>>)
        tpu.yield
      }) : () -> ()
      %run_scoped3A_47 = arith.constant 0 : i32
      "tpu.region"() ({
        %run_scoped3A_48 = tpu.sem_alloc : memref<!tpu.dma_semaphore, #tpu.memory_space<semaphore_mem>>
        %dma_start3A = arith.constant 0 : i32
        %dma_start3A_49 = tpu.memref_slice %arg6[%run_scoped3A_47, %dma_start3A] : memref<1x80xi32, #tpu.memory_space<vmem>> -> memref<1x80xi32, #tpu.memory_space<vmem>>
        %dma_start3A_50 = tpu.memref_squeeze %dma_start3A_49 : memref<1x80xi32, #tpu.memory_space<vmem>> -> memref<80xi32, #tpu.memory_space<vmem>>
        %dma_start3A_51 = arith.constant 0 : i32
        %dma_start3A_52 = arith.constant 0 : i32
        %dma_start3A_53 = tpu.memref_slice %arg8[%dma_start3A_51, %dma_start3A_52] : memref<512x128xf32, #tpu.memory_space<vmem_shared>> -> memref<512x128xf32, #tpu.memory_space<vmem_shared>>
        tpu.enqueue_indirect_dma source(%arg7 : memref<80x128xf32, #tpu.memory_space<vmem>>) target(%dma_start3A_53 : memref<512x128xf32, #tpu.memory_space<vmem_shared>>) offsets(%dma_start3A_50 : memref<80xi32, #tpu.memory_space<vmem>>) semaphore(%run_scoped3A_48 : memref<!tpu.dma_semaphore, #tpu.memory_space<semaphore_mem>>) {add = true}
        %dma_wait3A = arith.constant 0 : i32
        %dma_wait3A_54 = tpu.memref_slice %arg6[%run_scoped3A_47, %dma_wait3A] : memref<1x80xi32, #tpu.memory_space<vmem>> -> memref<1x80xi32, #tpu.memory_space<vmem>>
        %dma_wait3A_55 = tpu.memref_squeeze %dma_wait3A_54 : memref<1x80xi32, #tpu.memory_space<vmem>> -> memref<80xi32, #tpu.memory_space<vmem>>
        %dma_wait3A_56 = arith.constant 0 : i32
        %dma_wait3A_57 = arith.constant 0 : i32
        %dma_wait3A_58 = tpu.memref_slice %arg8[%dma_wait3A_56, %dma_wait3A_57] : memref<512x128xf32, #tpu.memory_space<vmem_shared>> -> memref<512x128xf32, #tpu.memory_space<vmem_shared>>
        tpu.wait_indirect_dma semaphore(%run_scoped3A_48 : memref<!tpu.dma_semaphore, #tpu.memory_space<semaphore_mem>>) src(%arg7 : memref<80x128xf32, #tpu.memory_space<vmem>>) dst(%dma_wait3A_58 : memref<512x128xf32, #tpu.memory_space<vmem_shared>>)
        tpu.yield
      }) : () -> ()
    }
    %while3A_35 = arith.constant 1 : i32
    scf.for %while3A_41 = %while3A_33 to %while3A_29 step %while3A_35  : i32 {
      %mul3A_42 = arith.constant 32 : i32
      %mul3A_43 = arith.muli %while3A_41, %mul3A_42 : i32
      %add3A_44 = arith.addi %add3A, %mul3A_43 : i32
      %mul3A_45 = arith.constant 80 : i32
      %mul3A_46 = arith.muli %add3A_44, %mul3A_45 : i32
      %run_scoped3A = arith.constant 0 : i32
      "tpu.region"() ({
        %run_scoped3A_48 = tpu.sem_alloc : memref<!tpu.dma_semaphore, #tpu.memory_space<semaphore_mem>>
        %dma_start3A = arith.constant 0 : i32
        %dma_start3A_49 = tpu.memref_slice %arg6[%run_scoped3A, %dma_start3A] : memref<1x80xi32, #tpu.memory_space<vmem>> -> memref<1x80xi32, #tpu.memory_space<vmem>>
        %dma_start3A_50 = tpu.memref_squeeze %dma_start3A_49 : memref<1x80xi32, #tpu.memory_space<vmem>> -> memref<80xi32, #tpu.memory_space<vmem>>
        %dma_start3A_51 = tpu.memref_slice %arg3[%mul3A_46] : memref<10000xi32, #tpu.memory_space<hbm>> -> memref<80xi32, #tpu.memory_space<hbm>>
        %dma_start3A_52 = arith.constant 0 : i32
        %dma_start3A_53 = tpu.memref_slice %arg6[%run_scoped3A, %dma_start3A_52] : memref<1x80xi32, #tpu.memory_space<vmem>> -> memref<1x80xi32, #tpu.memory_space<vmem>>
        %dma_start3A_54 = tpu.memref_squeeze %dma_start3A_53 : memref<1x80xi32, #tpu.memory_space<vmem>> -> memref<80xi32, #tpu.memory_space<vmem>>
        %dma_start3A_55 = tpu.memref_slice %arg3[%mul3A_46] : memref<10000xi32, #tpu.memory_space<hbm>> -> memref<80xi32, #tpu.memory_space<hbm>>
        tpu.enqueue_dma source(%dma_start3A_55 : memref<80xi32, #tpu.memory_space<hbm>>) target(%dma_start3A_54 : memref<80xi32, #tpu.memory_space<vmem>>) target_semaphore(%run_scoped3A_48 : memref<!tpu.dma_semaphore, #tpu.memory_space<semaphore_mem>>)
        %dma_wait3A = arith.constant 0 : i32
        %dma_wait3A_56 = tpu.memref_slice %arg6[%run_scoped3A, %dma_wait3A] : memref<1x80xi32, #tpu.memory_space<vmem>> -> memref<1x80xi32, #tpu.memory_space<vmem>>
        %dma_wait3A_57 = tpu.memref_squeeze %dma_wait3A_56 : memref<1x80xi32, #tpu.memory_space<vmem>> -> memref<80xi32, #tpu.memory_space<vmem>>
        %dma_wait3A_58 = tpu.memref_slice %arg3[%mul3A_46] : memref<10000xi32, #tpu.memory_space<hbm>> -> memref<80xi32, #tpu.memory_space<hbm>>
        %dma_wait3A_59 = arith.constant 0 : i32
        %dma_wait3A_60 = tpu.memref_slice %arg6[%run_scoped3A, %dma_wait3A_59] : memref<1x80xi32, #tpu.memory_space<vmem>> -> memref<1x80xi32, #tpu.memory_space<vmem>>
        %dma_wait3A_61 = tpu.memref_squeeze %dma_wait3A_60 : memref<1x80xi32, #tpu.memory_space<vmem>> -> memref<80xi32, #tpu.memory_space<vmem>>
        %dma_wait3A_62 = tpu.memref_slice %arg3[%mul3A_46] : memref<10000xi32, #tpu.memory_space<hbm>> -> memref<80xi32, #tpu.memory_space<hbm>>
        tpu.wait_dma2 semaphore(%run_scoped3A_48 : memref<!tpu.dma_semaphore, #tpu.memory_space<semaphore_mem>>) src(%dma_wait3A_62 : memref<80xi32, #tpu.memory_space<hbm>>) dst(%dma_wait3A_61 : memref<80xi32, #tpu.memory_space<vmem>>)
        tpu.yield
      }) : () -> ()
      "tpu.region"() ({
        %run_scoped3A_48 = tpu.sem_alloc : memref<!tpu.dma_semaphore, #tpu.memory_space<semaphore_mem>>
        %dma_start3A = arith.constant 0 : i32
        %dma_start3A_49 = tpu.memref_slice %arg2[%mul3A_46, %dma_start3A] : memref<10000x128xf32, #tpu.memory_space<hbm>> -> memref<80x128xf32, #tpu.memory_space<hbm>>
        %dma_start3A_50 = arith.constant 0 : i32
        %dma_start3A_51 = tpu.memref_slice %arg2[%mul3A_46, %dma_start3A_50] : memref<10000x128xf32, #tpu.memory_space<hbm>> -> memref<80x128xf32, #tpu.memory_space<hbm>>
        tpu.enqueue_dma source(%dma_start3A_51 : memref<80x128xf32, #tpu.memory_space<hbm>>) target(%arg7 : memref<80x128xf32, #tpu.memory_space<vmem>>) target_semaphore(%run_scoped3A_48 : memref<!tpu.dma_semaphore, #tpu.memory_space<semaphore_mem>>)
        %dma_wait3A = arith.constant 0 : i32
        %dma_wait3A_52 = tpu.memref_slice %arg2[%mul3A_46, %dma_wait3A] : memref<10000x128xf32, #tpu.memory_space<hbm>> -> memref<80x128xf32, #tpu.memory_space<hbm>>
        %dma_wait3A_53 = arith.constant 0 : i32
        %dma_wait3A_54 = tpu.memref_slice %arg2[%mul3A_46, %dma_wait3A_53] : memref<10000x128xf32, #tpu.memory_space<hbm>> -> memref<80x128xf32, #tpu.memory_space<hbm>>
        tpu.wait_dma2 semaphore(%run_scoped3A_48 : memref<!tpu.dma_semaphore, #tpu.memory_space<semaphore_mem>>) src(%dma_wait3A_54 : memref<80x128xf32, #tpu.memory_space<hbm>>) dst(%arg7 : memref<80x128xf32, #tpu.memory_space<vmem>>)
        tpu.yield
      }) : () -> ()
      %run_scoped3A_47 = arith.constant 0 : i32
      "tpu.region"() ({
        %run_scoped3A_48 = tpu.sem_alloc : memref<!tpu.dma_semaphore, #tpu.memory_space<semaphore_mem>>
        %dma_start3A = arith.constant 0 : i32
        %dma_start3A_49 = tpu.memref_slice %arg6[%run_scoped3A_47, %dma_start3A] : memref<1x80xi32, #tpu.memory_space<vmem>> -> memref<1x80xi32, #tpu.memory_space<vmem>>
        %dma_start3A_50 = tpu.memref_squeeze %dma_start3A_49 : memref<1x80xi32, #tpu.memory_space<vmem>> -> memref<80xi32, #tpu.memory_space<vmem>>
        %dma_start3A_51 = arith.constant 0 : i32
        %dma_start3A_52 = arith.constant 0 : i32
        %dma_start3A_53 = tpu.memref_slice %arg8[%dma_start3A_51, %dma_start3A_52] : memref<512x128xf32, #tpu.memory_space<vmem_shared>> -> memref<512x128xf32, #tpu.memory_space<vmem_shared>>
        tpu.enqueue_indirect_dma source(%arg7 : memref<80x128xf32, #tpu.memory_space<vmem>>) target(%dma_start3A_53 : memref<512x128xf32, #tpu.memory_space<vmem_shared>>) offsets(%dma_start3A_50 : memref<80xi32, #tpu.memory_space<vmem>>) semaphore(%run_scoped3A_48 : memref<!tpu.dma_semaphore, #tpu.memory_space<semaphore_mem>>) {add = true}
        %dma_wait3A = arith.constant 0 : i32
        %dma_wait3A_54 = tpu.memref_slice %arg6[%run_scoped3A_47, %dma_wait3A] : memref<1x80xi32, #tpu.memory_space<vmem>> -> memref<1x80xi32, #tpu.memory_space<vmem>>
        %dma_wait3A_55 = tpu.memref_squeeze %dma_wait3A_54 : memref<1x80xi32, #tpu.memory_space<vmem>> -> memref<80xi32, #tpu.memory_space<vmem>>
        %dma_wait3A_56 = arith.constant 0 : i32
        %dma_wait3A_57 = arith.constant 0 : i32
        %dma_wait3A_58 = tpu.memref_slice %arg8[%dma_wait3A_56, %dma_wait3A_57] : memref<512x128xf32, #tpu.memory_space<vmem_shared>> -> memref<512x128xf32, #tpu.memory_space<vmem_shared>>
        tpu.wait_indirect_dma semaphore(%run_scoped3A_48 : memref<!tpu.dma_semaphore, #tpu.memory_space<semaphore_mem>>) src(%arg7 : memref<80x128xf32, #tpu.memory_space<vmem>>) dst(%dma_wait3A_58 : memref<512x128xf32, #tpu.memory_space<vmem_shared>>)
        tpu.yield
      }) : () -> ()
    }
    %barrier3A_36 = arith.constant 0 : index
    tpu.barrier barrier_id(%barrier3A_36)
    %mul3A_37 = arith.constant 32 : i32
    %mul3A_38 = arith.muli %arg1, %mul3A_37 : i32
    %mul3A_39 = arith.constant 32 : i32
    %mul3A_40 = arith.muli %arg1, %mul3A_39 : i32
    "tpu.region"() ({
      %run_scoped3A = tpu.sem_alloc : memref<!tpu.dma_semaphore, #tpu.memory_space<semaphore_mem>>
      %dma_start3A = arith.constant 0 : i32
      %dma_start3A_41 = tpu.memref_slice %arg5[%arg0, %mul3A_40, %dma_start3A] : memref<2x512x128xf32, #tpu.memory_space<hbm>> -> memref<1x32x128xf32, #tpu.memory_space<hbm>>
      %dma_start3A_42 = tpu.memref_squeeze %dma_start3A_41 : memref<1x32x128xf32, #tpu.memory_space<hbm>> -> memref<32x128xf32, #tpu.memory_space<hbm>>
      %dma_start3A_43 = arith.constant 0 : i32
      %dma_start3A_44 = tpu.memref_slice %arg8[%mul3A_38, %dma_start3A_43] : memref<512x128xf32, #tpu.memory_space<vmem_shared>> -> memref<32x128xf32, #tpu.memory_space<vmem_shared>>
      tpu.enqueue_dma source(%dma_start3A_44 : memref<32x128xf32, #tpu.memory_space<vmem_shared>>) target(%dma_start3A_42 : memref<32x128xf32, #tpu.memory_space<hbm>>) target_semaphore(%run_scoped3A : memref<!tpu.dma_semaphore, #tpu.memory_space<semaphore_mem>>)
      %dma_wait3A = arith.constant 0 : i32
      %dma_wait3A_45 = tpu.memref_slice %arg5[%arg0, %mul3A_40, %dma_wait3A] : memref<2x512x128xf32, #tpu.memory_space<hbm>> -> memref<1x32x128xf32, #tpu.memory_space<hbm>>
      %dma_wait3A_46 = tpu.memref_squeeze %dma_wait3A_45 : memref<1x32x128xf32, #tpu.memory_space<hbm>> -> memref<32x128xf32, #tpu.memory_space<hbm>>
      %dma_wait3A_47 = arith.constant 0 : i32
      %dma_wait3A_48 = tpu.memref_slice %arg8[%mul3A_38, %dma_wait3A_47] : memref<512x128xf32, #tpu.memory_space<vmem_shared>> -> memref<32x128xf32, #tpu.memory_space<vmem_shared>>
      tpu.wait_dma2 semaphore(%run_scoped3A : memref<!tpu.dma_semaphore, #tpu.memory_space<semaphore_mem>>) src(%dma_wait3A_48 : memref<32x128xf32, #tpu.memory_space<vmem_shared>>) dst(%dma_wait3A_46 : memref<32x128xf32, #tpu.memory_space<hbm>>)
      tpu.yield
    }) : () -> ()
    return
  }
}

module attributes {stable_mosaic.version = 14 : i64} {
  func.func @body(%arg0: memref<1xf32, #tpu.memory_space<smem>>, %arg1: memref<10000x128xf32, #tpu.memory_space<vmem>>, %arg2: memref<2x10000x128xf32, #tpu.memory_space<vmem>>, %arg3: memref<128x128xf32, #tpu.memory_space<vmem>>, %arg4: memref<1x128xf32, #tpu.memory_space<vmem>>, %arg5: memref<128x128xf32, #tpu.memory_space<vmem>>, %arg6: memref<1x128xf32, #tpu.memory_space<vmem>>, %arg7: memref<1x128xf32, #tpu.memory_space<vmem>>, %arg8: memref<1x128xf32, #tpu.memory_space<vmem>>, %arg9: memref<10000x128xf32, #tpu.memory_space<vmem>>) attributes {dimension_semantics = [], scalar_prefetch = 0 : i64, scratch_operands = 0 : i64, tpu.core_type = #tpu.core_type<tc>} {
    %get3A = arith.constant 0 : index
    %get3A_0 = arith.constant 0 : index
    %get3A_1 = vector.load %arg1[%get3A, %get3A_0] : memref<10000x128xf32, #tpu.memory_space<vmem>>, vector<10000x128xf32>
    %get3A_2 = arith.constant 0 : index
    %get3A_3 = memref.load %arg0[%get3A_2] : memref<1xf32, #tpu.memory_space<smem>>
    %mul3A = vector.broadcast %get3A_3 : f32 to vector<10000x128xf32>
    %mul3A_4 = arith.mulf %mul3A, %get3A_1 : vector<10000x128xf32>
    %add3A = arith.addf %get3A_1, %mul3A_4 : vector<10000x128xf32>
    %get3A_5 = arith.constant 0 : index
    %get3A_6 = arith.constant 0 : index
    %get3A_7 = arith.constant 0 : index
    %get3A_8 = vector.load %arg2[%get3A_5, %get3A_6, %get3A_7] : memref<2x10000x128xf32, #tpu.memory_space<vmem>>, vector<1x10000x128xf32>
    %get3A_9 = vector.shape_cast %get3A_8 : vector<1x10000x128xf32> to vector<10000x128xf32>
    %add3A_10 = arith.addf %add3A, %get3A_9 : vector<10000x128xf32>
    %get3A_11 = arith.constant 1 : index
    %get3A_12 = arith.constant 0 : index
    %get3A_13 = arith.constant 0 : index
    %get3A_14 = vector.load %arg2[%get3A_11, %get3A_12, %get3A_13] : memref<2x10000x128xf32, #tpu.memory_space<vmem>>, vector<1x10000x128xf32>
    %get3A_15 = vector.shape_cast %get3A_14 : vector<1x10000x128xf32> to vector<10000x128xf32>
    %add3A_16 = arith.addf %add3A_10, %get3A_15 : vector<10000x128xf32>
    %get3A_17 = arith.constant 0 : index
    %get3A_18 = arith.constant 0 : index
    %get3A_19 = vector.load %arg3[%get3A_17, %get3A_18] : memref<128x128xf32, #tpu.memory_space<vmem>>, vector<128x128xf32>
    %dot_general3A = arith.constant dense<0.000000e+00> : vector<10000x128xf32>
    %dot_general3A_20 = tpu.matmul %add3A_16, %get3A_19, %dot_general3A {dimension_numbers = #tpu.dot_dimension_numbers<[1], [0], [0], [1], [0, 0, 1, 1], [], []>, precision = #tpu.contract_precision<fp32>, transpose_lhs_hint = false} : vector<10000x128xf32>, vector<128x128xf32>, vector<10000x128xf32> -> vector<10000x128xf32>
    %get3A_21 = arith.constant 0 : index
    %get3A_22 = arith.constant 0 : index
    %get3A_23 = vector.load %arg4[%get3A_21, %get3A_22] : memref<1x128xf32, #tpu.memory_space<vmem>>, vector<1x128xf32>
    %add3A_24 = vector.broadcast %get3A_23 : vector<1x128xf32> to vector<10000x128xf32>
    %add3A_25 = arith.addf %dot_general3A_20, %add3A_24 : vector<10000x128xf32>
    %max3A = arith.constant 0.000000e+00 : f32
    %max3A_26 = vector.broadcast %max3A : f32 to vector<10000x128xf32>
    %max3A_27 = arith.maximumf %add3A_25, %max3A_26 : vector<10000x128xf32>
    %get3A_28 = arith.constant 0 : index
    %get3A_29 = arith.constant 0 : index
    %get3A_30 = vector.load %arg5[%get3A_28, %get3A_29] : memref<128x128xf32, #tpu.memory_space<vmem>>, vector<128x128xf32>
    %dot_general3A_31 = arith.constant dense<0.000000e+00> : vector<10000x128xf32>
    %dot_general3A_32 = tpu.matmul %max3A_27, %get3A_30, %dot_general3A_31 {dimension_numbers = #tpu.dot_dimension_numbers<[1], [0], [0], [1], [0, 0, 1, 1], [], []>, precision = #tpu.contract_precision<fp32>, transpose_lhs_hint = false} : vector<10000x128xf32>, vector<128x128xf32>, vector<10000x128xf32> -> vector<10000x128xf32>
    %get3A_33 = arith.constant 0 : index
    %get3A_34 = arith.constant 0 : index
    %get3A_35 = vector.load %arg6[%get3A_33, %get3A_34] : memref<1x128xf32, #tpu.memory_space<vmem>>, vector<1x128xf32>
    %add3A_36 = vector.broadcast %get3A_35 : vector<1x128xf32> to vector<10000x128xf32>
    %add3A_37 = arith.addf %dot_general3A_32, %add3A_36 : vector<10000x128xf32>
    %reduce_sum3A = arith.constant dense<0.000000e+00> : vector<128xf32>
    %reduce_sum3A_38 = vector.multi_reduction <add>, %add3A_37, %reduce_sum3A [0] : vector<10000x128xf32> to vector<128xf32>
    %broadcast_in_dim3A = vector.shape_cast %reduce_sum3A_38 : vector<128xf32> to vector<1x128xf32>
    %div3A = arith.constant 1.000000e+04 : f32
    %div3A_39 = vector.broadcast %div3A : f32 to vector<1x128xf32>
    %div3A_40 = arith.divf %broadcast_in_dim3A, %div3A_39 : vector<1x128xf32>
    %mul3A_41 = arith.mulf %add3A_37, %add3A_37 : vector<10000x128xf32>
    %reduce_sum3A_42 = arith.constant dense<0.000000e+00> : vector<128xf32>
    %reduce_sum3A_43 = vector.multi_reduction <add>, %mul3A_41, %reduce_sum3A_42 [0] : vector<10000x128xf32> to vector<128xf32>
    %broadcast_in_dim3A_44 = vector.shape_cast %reduce_sum3A_43 : vector<128xf32> to vector<1x128xf32>
    %div3A_45 = arith.constant 1.000000e+04 : f32
    %div3A_46 = vector.broadcast %div3A_45 : f32 to vector<1x128xf32>
    %div3A_47 = arith.divf %broadcast_in_dim3A_44, %div3A_46 : vector<1x128xf32>
    %mul3A_48 = arith.mulf %div3A_40, %div3A_40 : vector<1x128xf32>
    %sub3A = arith.subf %div3A_47, %mul3A_48 : vector<1x128xf32>
    %sub3A_49 = vector.broadcast %div3A_40 : vector<1x128xf32> to vector<10000x128xf32>
    %sub3A_50 = arith.subf %add3A_37, %sub3A_49 : vector<10000x128xf32>
    %add3A_51 = arith.constant 9.99999974E-6 : f32
    %add3A_52 = vector.broadcast %add3A_51 : f32 to vector<1x128xf32>
    %add3A_53 = arith.addf %sub3A, %add3A_52 : vector<1x128xf32>
    %rsqrt3A = math.rsqrt %add3A_53 : vector<1x128xf32>
    %mul3A_54 = vector.broadcast %rsqrt3A : vector<1x128xf32> to vector<10000x128xf32>
    %mul3A_55 = arith.mulf %sub3A_50, %mul3A_54 : vector<10000x128xf32>
    %get3A_56 = arith.constant 0 : index
    %get3A_57 = arith.constant 0 : index
    %get3A_58 = vector.load %arg7[%get3A_56, %get3A_57] : memref<1x128xf32, #tpu.memory_space<vmem>>, vector<1x128xf32>
    %mul3A_59 = vector.broadcast %get3A_58 : vector<1x128xf32> to vector<10000x128xf32>
    %mul3A_60 = arith.mulf %mul3A_55, %mul3A_59 : vector<10000x128xf32>
    %get3A_61 = arith.constant 0 : index
    %get3A_62 = arith.constant 0 : index
    %get3A_63 = vector.load %arg8[%get3A_61, %get3A_62] : memref<1x128xf32, #tpu.memory_space<vmem>>, vector<1x128xf32>
    %add3A_64 = vector.broadcast %get3A_63 : vector<1x128xf32> to vector<10000x128xf32>
    %add3A_65 = arith.addf %mul3A_60, %add3A_64 : vector<10000x128xf32>
    %max3A_66 = arith.constant 0.000000e+00 : f32
    %max3A_67 = vector.broadcast %max3A_66 : f32 to vector<10000x128xf32>
    %max3A_68 = arith.maximumf %add3A_65, %max3A_67 : vector<10000x128xf32>
    %add3A_69 = arith.addf %max3A_68, %get3A_1 : vector<10000x128xf32>
    %swap3A = arith.constant 0 : index
    %swap3A_70 = arith.constant 0 : index
    %swap3A_71 = vector.load %arg9[%swap3A, %swap3A_70] : memref<10000x128xf32, #tpu.memory_space<vmem>>, vector<10000x128xf32>
    tpu.vector_store %arg9[%swap3A, %swap3A_70], %add3A_69 {strides = array<i32>} : memref<10000x128xf32, #tpu.memory_space<vmem>>, vector<10000x128xf32>,
    return
  }
}

module attributes {stable_mosaic.version = 14 : i64} {
  func.func @body(%arg0: memref<2x512x128xf32, #tpu.memory_space<vmem>>, %arg1: memref<128x128xf32, #tpu.memory_space<vmem>>, %arg2: memref<1x128xf32, #tpu.memory_space<vmem>>, %arg3: memref<128x16xf32, #tpu.memory_space<vmem>>, %arg4: memref<1x16xf32, #tpu.memory_space<vmem>>, %arg5: memref<512x16xf32, #tpu.memory_space<vmem>>) attributes {dimension_semantics = [], scalar_prefetch = 0 : i64, scratch_operands = 0 : i64, tpu.core_type = #tpu.core_type<tc>} {
    %get3A = arith.constant 0 : index
    %get3A_0 = arith.constant 0 : index
    %get3A_1 = arith.constant 0 : index
    %get3A_2 = vector.load %arg0[%get3A, %get3A_0, %get3A_1] : memref<2x512x128xf32, #tpu.memory_space<vmem>>, vector<1x512x128xf32>
    %get3A_3 = vector.shape_cast %get3A_2 : vector<1x512x128xf32> to vector<512x128xf32>
    %get3A_4 = arith.constant 1 : index
    %get3A_5 = arith.constant 0 : index
    %get3A_6 = arith.constant 0 : index
    %get3A_7 = vector.load %arg0[%get3A_4, %get3A_5, %get3A_6] : memref<2x512x128xf32, #tpu.memory_space<vmem>>, vector<1x512x128xf32>
    %get3A_8 = vector.shape_cast %get3A_7 : vector<1x512x128xf32> to vector<512x128xf32>
    %add3A = arith.addf %get3A_3, %get3A_8 : vector<512x128xf32>
    %get3A_9 = arith.constant 0 : index
    %get3A_10 = arith.constant 0 : index
    %get3A_11 = vector.load %arg1[%get3A_9, %get3A_10] : memref<128x128xf32, #tpu.memory_space<vmem>>, vector<128x128xf32>
    %dot_general3A = arith.constant dense<0.000000e+00> : vector<512x128xf32>
    %dot_general3A_12 = tpu.matmul %add3A, %get3A_11, %dot_general3A {dimension_numbers = #tpu.dot_dimension_numbers<[1], [0], [0], [1], [0, 0, 1, 1], [], []>, precision = #tpu.contract_precision<fp32>, transpose_lhs_hint = false} : vector<512x128xf32>, vector<128x128xf32>, vector<512x128xf32> -> vector<512x128xf32>
    %get3A_13 = arith.constant 0 : index
    %get3A_14 = arith.constant 0 : index
    %get3A_15 = vector.load %arg2[%get3A_13, %get3A_14] : memref<1x128xf32, #tpu.memory_space<vmem>>, vector<1x128xf32>
    %add3A_16 = vector.broadcast %get3A_15 : vector<1x128xf32> to vector<512x128xf32>
    %add3A_17 = arith.addf %dot_general3A_12, %add3A_16 : vector<512x128xf32>
    %max3A = arith.constant 0.000000e+00 : f32
    %max3A_18 = vector.broadcast %max3A : f32 to vector<512x128xf32>
    %max3A_19 = arith.maximumf %add3A_17, %max3A_18 : vector<512x128xf32>
    %get3A_20 = arith.constant 0 : index
    %get3A_21 = arith.constant 0 : index
    %get3A_22 = vector.load %arg3[%get3A_20, %get3A_21] : memref<128x16xf32, #tpu.memory_space<vmem>>, vector<128x16xf32>
    %dot_general3A_23 = arith.constant dense<0.000000e+00> : vector<512x16xf32>
    %dot_general3A_24 = tpu.matmul %max3A_19, %get3A_22, %dot_general3A_23 {dimension_numbers = #tpu.dot_dimension_numbers<[1], [0], [0], [1], [0, 0, 1, 1], [], []>, precision = #tpu.contract_precision<fp32>, transpose_lhs_hint = false} : vector<512x128xf32>, vector<128x16xf32>, vector<512x16xf32> -> vector<512x16xf32>
    %get3A_25 = arith.constant 0 : index
    %get3A_26 = arith.constant 0 : index
    %get3A_27 = vector.load %arg4[%get3A_25, %get3A_26] : memref<1x16xf32, #tpu.memory_space<vmem>>, vector<1x16xf32>
    %add3A_28 = vector.broadcast %get3A_27 : vector<1x16xf32> to vector<512x16xf32>
    %add3A_29 = arith.addf %dot_general3A_24, %add3A_28 : vector<512x16xf32>
    %swap3A = arith.constant 0 : index
    %swap3A_30 = arith.constant 0 : index
    %swap3A_31 = vector.load %arg5[%swap3A, %swap3A_30] : memref<512x16xf32, #tpu.memory_space<vmem>>, vector<512x16xf32>
    tpu.vector_store %arg5[%swap3A, %swap3A_30], %add3A_29 {strides = array<i32>} : memref<512x16xf32, #tpu.memory_space<vmem>>, vector<512x16xf32>,
    return
  }
}

</mosaic_0001>

<sc_bundles>
// kernel: kernel.10.cloned.1.call-start
scs
__scs_entry_jumppad:
0x0: {  	(pc) =	sbr.rel $0x88, $3  }
0x1: {  	(tag) =	ssettag $0x0;
	lr =	simm.s32 $0x1  }
0x2: {  	[smem:$0x3F85] =	sst lr;
	_ =	strace $0xD0000000  }
0x3: {  	_ = 	snop  }
0x4: {  	_ = 	snop  }
0x5: {  	_ = 	snop  }
0x6: {  	_ = 	snop  }
0x7: {  	_ = 	snop  }
__scs_overlays_trampoline_lowered:
0x8: {  	[smem:$0x3F94] =	sst s0  }
0x9: {  	[smem:$0x3F95] =	sst s1  }
0xa: {  	[smem:$0x3F96] =	sst s2  }
0xb: {  	[smem:$0x3F97] =	sst s3  }
0xc: {  	[smem:$0x3F98] =	sst s4  }
0xd: {  	[smem:$0x3F99] =	sst s5  }
0xe: {  	[smem:$0x3F9A] =	sst s6  }
0xf: {  	[smem:$0x3F9B] =	sst s7  }
0x10: {  	[smem:$0x3F9C] =	sst s8  }
0x11: {  	[smem:$0x3F9D] =	sst s9;
	s0 =	simm.s32 @!p0 $0x0  }
0x12: {  	s1 =	sld [smem:$0x3F83];
	s0 =	simm.s32 @p0 $0x1  }
0x13: {  	[smem:$0x3F9E] =	sst s0;
	s0 =	simm.s32 @!p1 $0x0  }
0x14: {  	s2 =	sld [smem:$0x3F82];
	s0 =	simm.s32 @p1 $0x1  }
0x15: {  	[smem:$0x3F9F] =	sst s0;
	s0 =	simm.s32 @!p2 $0x0  }
0x16: {  	s3 =	sld [smem:$0x3FDB];
	s0 =	simm.s32 @p2 $0x1  }
0x17: {  	s4 =	simm.s32 $0x1BF5;
	[smem:$0x3FA1] =	sst s0  }
0x18: {  	s0 =	sld [smem:$0x3F84];
	_ =	swait.ge [sflag:s4], $0x0  }
0x19: {  	s7 =	sld [smem:$0x3F85]  }
0x1a: {  	s8 =	sadd.s32 $0xFFFFE003, lr  }
0x1b: {  	s9 =	sadd.s32 $0xFFFFFEF7, lr;
	s5 =	simm.s32 $0xFFFFFFFF;
	p2 =	slt.u32 s8, $0xFFFFF086  }
0x1c: {  	p1 =	slt.u32 s9, $0xF7A;
	s5 =	simm.s32 @!p2 $0x0  }
0x1d: {  	s5 =	simm.s32 @p1 $0x1;
	p0 =	seq.s32 s7, s2  }
0x1e: {  	s7 =	smul.u32 @!p0 $0xF7A, s2;
	p2 =	seq.s32 @!p0 s5, $0x0  }
0x1f: {  	s9 =	smul.u32 $0xF7A, s1;
	s8 =	simm.s32 @!p0 $0x1BF5;
	p2 =	por !p2, p0  }
0x20: {  	[sflag:s8] =	ssyncset.s32 @!p0 $0xFFFFF086;
	s6 =	sadd.s32 @!p0 s3, s7;
	s7 =	simm.s32 @!p0 $0x108  }
0x21: {  	s3 =	sadd.s32 s3, s9;
	s6 =	sadd.s32 @!p0 $0x88, s6;
	s7 =	simm.s32 @p2 $0x1082  }
0x22: {  	[simem:s7], [sflag:s8] =	dma.local @!p0 [hbm:s6], $0xF7A  }
0x23: {  	s9 =	sor.u32 $0xD0000000, s2;
	s6 =	simm.s32 $0x108;
	_ =	swait.ge @!p0 [sflag:s8], $0x0  }
0x24: {  	s3 =	sadd.s32 $0x88, s3;
	s6 =	simm.s32 @!p1 $0x1082;
	[sflag:s4] =	ssyncset.s32 $0xFFFFF086  }
0x25: {  	[simem:s6], [sflag:s4] =	dma.local [hbm:s3], $0xF7A  }
0x26: {  	[smem:$0x3F85] =	sst s1;
	(tag) =	ssettag s2;
	_ =	strace s9  }
0x27: {  	s1 =	sld [smem:$0x3F95]  }
0x28: {  	s2 =	sld [smem:$0x3F96]  }
0x29: {  	s4 =	sld [smem:$0x3F98]  }
0x2a: {  	p0 =	seq.s32 s5, $0x0;
	s5 =	sld [smem:$0x3F99]  }
0x2b: {  	s6 =	sld [smem:$0x3F9A]  }
0x2c: {  	s7 =	sld [smem:$0x3F9B]  }
0x2d: {  	s3 =	simm.s32 $0x108;
	s8 =	sld [smem:$0x3F9C]  }
0x2e: {  	s3 =	simm.s32 @!p0 $0x1082;
	s9 =	sld [smem:$0x3F9D]  }
0x2f: {  	lr =	sadd.s32 s0, s3;
	s0 =	sld [smem:$0x3F94]  }
0x30: {  	s3 =	sld [smem:$0x3F97]  }
0x31: {  	[smem:$0x3FA0] =	sst s10  }
0x32: {  	s10 =	sld [smem:$0x3F9E];
	_ =	sdelay $0x3  }
0x33: {  	p0 =	seq.s32 s10, $0x1;
	s10 =	sld [smem:$0x3FA0];
	_ =	sdelay $0x3  }
0x34: {  	[smem:$0x3FA0] =	sst s10  }
0x35: {  	s10 =	sld [smem:$0x3F9F];
	_ =	sdelay $0x3  }
0x36: {  	p1 =	seq.s32 s10, $0x1;
	s10 =	sld [smem:$0x3FA0];
	_ =	sdelay $0x3  }
0x37: {  	[smem:$0x3FA0] =	sst s10  }
0x38: {  	s10 =	sld [smem:$0x3FA1]  }
0x39: {  	_ = 	snop;
	(pc) =	sbr.ind lr, $3  }
0x3a: {  	_ = 	snop  }
0x3b: {  	_ = 	snop  }
0x3c: {  	p2 =	seq.s32 s10, $0x1;
	s10 =	sld [smem:$0x3FA0]  }
0x3d: {  	_ =	shalt  }
0x3e: {  	_ =	shalt  }
0x3f: {  	_ =	shalt  }
0x40: {  	_ =	shalt  }
0x41: {  	_ =	shalt  }
0x42: {  	_ =	shalt  }
0x43: {  	_ =	shalt  }
0x44: {  	_ =	shalt  }
0x45: {  	_ =	shalt  }
0x46: {  	_ =	shalt  }
0x47: {  	_ =	shalt  }
0x48: {  	_ =	shalt  }
0x49: {  	_ =	shalt  }
0x4a: {  	_ =	shalt  }
0x4b: {  	_ =	shalt  }
0x4c: {  	_ =	shalt  }
0x4d: {  	_ =	shalt  }
0x4e: {  	_ =	shalt  }
0x4f: {  	_ =	shalt  }
0x50: {  	_ =	shalt  }
0x51: {  	_ =	shalt  }
0x52: {  	_ =	shalt  }
0x53: {  	_ =	shalt  }
0x54: {  	_ =	shalt  }
0x55: {  	_ =	shalt  }
0x56: {  	_ =	shalt  }
0x57: {  	_ =	shalt  }
0x58: {  	_ =	shalt  }
0x59: {  	_ =	shalt  }
0x5a: {  	_ =	shalt  }
0x5b: {  	_ =	shalt  }
0x5c: {  	_ =	shalt  }
0x5d: {  	_ =	shalt  }
0x5e: {  	_ =	shalt  }
0x5f: {  	_ =	shalt  }
0x60: {  	_ =	shalt  }
0x61: {  	_ =	shalt  }
0x62: {  	_ =	shalt  }
0x63: {  	_ =	shalt  }
0x64: {  	_ =	shalt  }
0x65: {  	_ =	shalt  }
0x66: {  	_ =	shalt  }
0x67: {  	_ =	shalt  }
0x68: {  	_ =	shalt  }
0x69: {  	_ =	shalt  }
0x6a: {  	_ =	shalt  }
0x6b: {  	_ =	shalt  }
0x6c: {  	_ =	shalt  }
0x6d: {  	_ =	shalt  }
0x6e: {  	_ =	shalt  }
0x6f: {  	_ =	shalt  }
0x70: {  	_ =	shalt  }
0x71: {  	_ =	shalt  }
0x72: {  	_ =	shalt  }
0x73: {  	_ =	shalt  }
0x74: {  	_ =	shalt  }
0x75: {  	_ =	shalt  }
0x76: {  	_ =	shalt  }
0x77: {  	_ =	shalt  }
0x78: {  	_ =	shalt  }
0x79: {  	_ =	shalt  }
0x7a: {  	_ =	shalt  }
0x7b: {  	_ =	shalt  }
0x7c: {  	_ =	shalt  }
0x7d: {  	_ =	shalt  }
0x7e: {  	_ =	shalt  }
0x7f: {  	_ =	shalt  }
0x80: {  	_ =	shalt  }
0x81: {  	_ =	shalt  }
0x82: {  	_ =	shalt  }
0x83: {  	_ =	shalt  }
0x84: {  	_ =	shalt  }
0x85: {  	_ =	shalt  }
0x86: {  	_ =	shalt  }
0x87: {  	_ =	shalt  }
.Lfunc_end0:
.L_simem_size_0:
called_computation_lowered:
.L_overlay_start_0:
0x88: {  	s2 =	sld [smem:$0x3FD9]  }
0x89: {  	s3 =	sld [smem:$0x3FFE];
	_ =	sdelay $0x1  }
0x8a: {  	s1 =	srdreg.scid  }
0x8b: {  	s0 =	sand.u32 $0x1, s1  }
0x8c: {  	s17 =	sshll.u32 s0, $0xA;
	s2 =	sadd.s32 s3, s2  }
0x8d: {  	s2 =	sadd.s32 s2, s17  }
0x8e: {  	[smem:$0x3FAC] =	sst s2  }
0x8f: {  	_ = 	snop  }
0x90: {  	s2 =	sld [smem:$0x3FC9];
	(tm) =	ssettm $0x1  }
0x91: {  	s18 =	sld [smem:$0x3FFB];
	_ =	sdelay $0x3  }
0x92: {  	_ =	strace s18  }
0x93: {  	s3 =	sld [smem:$0x3FFC];
	_ =	sdelay $0x3  }
0x94: {  	_ =	strace s3  }
0x95: {  	s3 =	sld [smem:$0x3FFD];
	_ =	sdelay $0x3  }
0x96: {  	_ =	strace s3  }
0x97: {  	_ =	strace $0x8FFFFFFF  }
0x98: {  	s19 =	sld [smem:$0x3FDB];
	_ =	sdelay $0x1  }
0x99: {  	s4 =	simm.s32 $_scs_section_size  }
0x9a: {  	s5 =	simm.s32 $_size__tile_overlayer_lowered;
	s6 =	simm.s32 $_tile_overlayer_lowered  }
0x9b: {  	s22 =	simm.s32 $0x1BFF;
	s21 =	sshll.u32 s6, $0x1;
	s3 =	sadd.s32 s4, s19  }
0x9c: {  	s7 =	simm.s32 $0x0;
	s20 =	sshll.u32 s5, $0x1;
	s5 =	sadd.s32 s21, s3  }
0x9d: {  	[timem:s7], [sflag:s22] =	dma.local [hbm:s5], s20  }
0x9e: {  	_ =	swait.ge [sflag:s22], s20  }
0x9f: {  	s4 =	ssub.s32 $0x0, s20;
	[sflag:s22] =	ssyncset.done $0x0  }
0xa0: {  	[sflag:s22] =	ssyncadd.s32 s4;
	_ =	sdelay $0x1  }
0xa1: {  	s23 =	simm.s32 $0x1B8B  }
0xa2: {  	_ =	swait.ge [sflag:s23], $0x1  }
0xa3: {  	[sflag:s23] =	ssyncset.done $0x0  }
0xa4: {  	s25 =	simm.s32 $0x1B8E;
	s24 =	sld [smem:$0x3FFE];
	[sflag:s23] =	ssyncadd.s32 $0xFFFFFFFF  }
0xa5: {  	s26 =	simm.s32 $execute0_lowered;
	[smem:$0x3FD2] =	sst s25  }
0xa6: {  	s5 =	sshll.u32 s26, $0x1;
	_ =	strace $0x80000046;
	[dreg:$0x1] =	wrdreg $0xFFFFFFFF  }
0xa7: {  	s28 =	simm.s32 $_size_execute0_lowered;
	s3 =	sadd.s32 s3, s5;
	[dreg:$0x0] =	wrdreg $0x0  }
0xa8: {  	s5 =	sshll.u32 s28, $0x1;
	[dreg:$0x2] =	wrdreg s3  }
0xa9: {  	[dreg:$0x3] =	wrdreg s5  }
0xaa: {  	[dreg:$0x4] =	wrdreg $0xC0  }
0xab: {  	_ =	task [dreg:s7], $0x5FFFF  }
0xac: {  	[dreg:$0x1] =	wrdreg $0xFFFFFFFF  }
0xad: {  	[dreg:$0x0] =	wrdreg $0x60  }
0xae: {  	[dreg:$0x2] =	wrdreg s2  }
0xaf: {  	[dreg:$0x3] =	wrdreg s24  }
0xb0: {  	[dreg:$0x4] =	wrdreg $0x88000  }
0xb1: {  	[dreg:$0x5] =	wrdreg $0x9  }
0xb2: {  	_ =	task.clear_ibuf [dreg:s7], $0x6FFFF;
	_ =	strace $0x90000046  }
0xb3: {  	s29 =	simm.s32 $0x9;
	_ =	strace $0x80000048  }
0xb4: {  	_ =	swait.ge [sflag:s29], $0x1  }
0xb5: {  	[sflag:s29] =	ssyncadd.s32 $0xFFFFFFFF  }
0xb6: {  	_ =	strace $0x90000048  }
0xb7: {  	_ =	sfence  }
0xb8: {  	s30 =	sld [smem:$0x0];
	_ =	sdelay $0x2  }
0xb9: {  	s31 =	sshll.u32 s1, $0xD;
	s1 =	sshrl.u32 s1, $0x2  }
0xba: {  	s3 =	sand.u32 $0x4000, s31;
	s1 =	sadd.s32 s1, s30  }
0xbb: {  	s0 =	sor.u32 s3, s0;
	s1 =	sshll.u32 s1, $0x11  }
0xbc: {  	s0 =	sor.u32 s1, s0  }
0xbd: {  	s0 =	sadd.s32 $0x8F2B, s0  }
0xbe: {  	[sflag:s0] =	ssyncadd.remote.s32 $0x1  }
0xbf: {  	_ =	sfence.sel $0xFFFF  }
0xc0: {  	[dreg:$0x0] =	wrdreg $0xFFFFFFFF;
	(pc) =	sbr.abs _section_cstart, $3  }
0xc1: {  	[dreg:$0x1] =	wrdreg $0xFFFFFFFF  }
0xc2: {  	_ =	task.clear_ibuf [dreg:s7], $0x2FFFF;
	_ =	strace $0x9FFFFFFF  }
0xc3: {  	(tm) =	ssettm $0x7FFFFFFF  }
tec
execute0_lowered:
.L_overlay_start_1:
0x0: {  	(tag) =	ssettag $0x1  }
0x1: {  	s0 =	rddreg [dreg:$0x0]  }
0x2: {  	s4 =	rddreg [dreg:$0x1]  }
0x3: {  	s1 =	rddreg [dreg:$0x2]  }
0x4: {  	s2 =	stileid.u32;
	s3 =	srdreg.scid  }
0x5: {  	s30 =	simm.s32 $0x80;
	s31 =	simm.s32 $0x800;
	s29 =	simm.s32 $0x600  }
0x6: {  	s28 =	simm.s32 $0x5;
	s5 =	smul.u32 $0x13800, s2;
	s6 =	sand.u32 $0x1, s3  }
0x7: {  	s7 =	sshll.u32 s2, $0x1;
	s3 =	simm.s32 $0x0;
	s9 =	sadd.s32 $0x5000, s4  }
0x8: {  	s10 =	sadd.s32 $0x42200, s4;
	s25 =	smul.u32 $0x4E000, s2;
	s17 =	sshll.u32 s2, $0x6  }
0x9: {  	s18 =	smul.u32 $0xA000, s2;
	s19 =	sadd.s32 $0x138000, s1;
	p0 =	sne.s32 s2, $0x0  }
0xa: {  	s2 =	simm.s32 $0x2;
	s7 =	sor.u32 s6, s7;
	s16 =	smul.u32 $0x138800, s6  }
0xb: {  	[smem:$0x7FF] =	sst s3;
	s11 =	ssub.s32 $0x2, s6;
	s6 =	smul.u32 $0x5000, s6  }
0xc: {  	s8 =	sshrl.u32 s5, $0x3;
	s7 =	smul.u32 $0x5000, s7;
	_ =	strace $0x80000047  }
0xd: {  	s12 =	sshrl.u32 s11, $0x1;
	[dreg:$0xb] =	wrdreg s19;
	s8 =	sadd.s32 s8, s4  }
0xe: {  	s11 =	ssub.s32 s11, s12;
	s4 =	sadd.s32 $0x40000, s4;
	s20 =	sadd.s32 s5, s16  }
0xf: {  	s21 =	sshrl.u32 s16, $0x3;
	s6 =	sadd.s32 s6, s18;
	s18 =	simm.s32 $0xD  }
0x10: {  	s7 =	sshrl.u32 s7, $0x3;
	s8 =	sadd.s32 $0x19000, s8;
	[dreg:$0xc] =	wrdreg s4  }
0x11: {  	s4 =	sshrl.u32 s20, $0x3;
	s22 =	sadd.s32 s10, s21;
	s23 =	sor.u32 $0xB00, s6  }
0x12: {  	s12 =	sor.u32 $0x700, s6;
	s13 =	sadd.s32 s9, s7;
	s7 =	sshrl.u32 s25, $0x2  }
0x13: {  	[dreg:$0x9] =	wrdreg s8;
	s4 =	sadd.s32 s10, s4;
	s24 =	sshrl.u32 s23, $0x3  }
0x14: {  	s25 =	sor.u32 $0xA00, s6;
	s10 =	sor.u32 $0x900, s6;
	[dreg:$0x4] =	wrdreg s13  }
0x15: {  	s26 =	sadd.s32 $0x20, s13;
	s14 =	sadd.s32 $0x40, s13;
	[dreg:$0xd] =	wrdreg s4  }
0x16: {  	s15 =	sadd.s32 $0x60, s13;
	s7 =	sadd.s32 s7, s1;
	[dreg:$0x5] =	wrdreg s26  }
0x17: {  	s4 =	sadd.s32 $0x27000, s22;
	s8 =	sshrl.u32 s25, $0x3;
	[dreg:$0x6] =	wrdreg s14  }
0x18: {  	s13 =	sshrl.u32 s12, $0x3;
	s25 =	simm.s32 $0x6;
	[dreg:$0x7] =	wrdreg s15  }
0x19: {  	s12 =	simm.s32 $0x8;
	[dreg:$0x8] =	wrdreg s7;
	s7 =	sor.u32 $0x1C0D, s17  }
0x1a: {  	[dreg:$0xe] =	wrdreg s4;
	s26 =	smax.u32 s11, $0x1;
	s4 =	sadd.s32 s24, s9  }
0x1b: {  	s11 =	sor.u32 $0x800, s6;
	s20 =	sadd.s32 s13, s9;
	s14 =	sor.u32 $0x600, s6  }
0x1c: {  	s15 =	sor.u32 $0x500, s6;
	s6 =	sor.u32 $0x400, s6;
	[dreg:$0xa] =	wrdreg s7  }
0x1d: {  	s13 =	simm.s32 $0x500;
	s24 =	simm.s32 $0x700;
	[dreg:$0xf] =	wrdreg s26  }
0x1e: {  	s17 =	simm.s32 $0x0;
	[dreg:$0x10] =	wrdreg s4;
	s4 =	sadd.s32 s8, s9  }
0x1f: {  	s5 =	sshrl.u32 s11, $0x3;
	s16 =	sshrl.u32 s6, $0x3;
	s26 =	simm.s32 $0x300  }
0x20: {  	s6 =	simm.s32 $0x9;
	s7 =	simm.s32 $0x400;
	[dreg:$0x13] =	wrdreg s17  }
0x21: {  	s8 =	simm.s32 $0x3;
	s11 =	simm.s32 $0xA;
	[dreg:$0x11] =	wrdreg s4  }
.Ltmp0:
0x22: {  	s4 =	sshrl.u32 s10, $0x3;
	s19 =	sadd.s32 s5, s9;
	(pc) =	sbr.rel .LBB2_1-.Ltmp0, $4  }
0x23: {  	s5 =	sshrl.u32 s15, $0x3;
	s23 =	sadd.s32 s16, s9;
	s15 =	simm.s32 $0x7  }
0x24: {  	s4 =	sadd.s32 s4, s9;
	s22 =	sadd.s32 s5, s9;
	s5 =	simm.s32 $0x4800  }
0x25: {  	[dreg:$0x12] =	wrdreg s4;
	s4 =	sshrl.u32 s14, $0x3;
	s14 =	simm.s32 $0xC  }
0x26: {  	s21 =	sadd.s32 s4, s9;
	s9 =	simm.s32 $0xB;
	s4 =	simm.s32 $0x4  }
.LBB2_4:
0x27: {  	_ =	swait.ge [sflag:s14], $0x4000  }
0x28: {  	[sflag:s14] =	ssyncset.done $0x0  }
0x29: {  	[sflag:s14] =	ssyncadd.s32 $0xFFFFC000  }
0x2a: {  	[bflag:$0x0] =	sbarrier.arrive $0xFFFF  }
0x2b: {  	s17 =	rddreg [dreg:$0xa]  }
0x2c: {  	s10 =	rddreg [dreg:$0xd]  }
0x2d: {  	s18 =	simm.s32 $0xD;
	s16 =	rddreg [dreg:$0x14]  }
0x2e: {  	[hbm:s10], [sflag:s17] =	dma.local [spmem:s16], $0x2700  }
0x2f: {  	_ =	swait.ge [sflag:s18], $0x2700  }
0x30: {  	[sflag:s18] =	ssyncset.done $0x0;
	s10 =	rddreg [dreg:$0xe]  }
0x31: {  	s16 =	rddreg [dreg:$0x15];
	[sflag:s18] =	ssyncadd.s32 $0xFFFFD900  }
0x32: {  	[hbm:s10], [sflag:s17] =	dma.local @!p0 [spmem:s16], $0x100  }
0x33: {  	s10 =	simm.s32 @!p0 $0xD  }
0x34: {  	_ =	swait.ge @!p0 [sflag:s10], $0x100  }
0x35: {  	s17 =	rddreg [dreg:$0x13]  }
0x36: {  	s16 =	sadd.s32 $0x1, s17;
	s17 =	rddreg [dreg:$0xf]  }
0x37: {  	p1 =	sne.s32 s16, s17  }
.Ltmp1:
0x38: {  	_ = 	snop;
	(pc) =	sbr.rel @!p1 .LBB2_5-.Ltmp1, $3  }
0x39: {  	_ =	sdelay $0x1  }
0x3a: {  	[sflag:s10] =	ssyncset.done @!p0 $0x0  }
0x3b: {  	[sflag:s10] =	ssyncadd.s32 @!p0 $0xFFFFFF00;
	[dreg:$0x13] =	wrdreg s16  }
.LBB2_1:
0x3c: {  	s10 =	rddreg [dreg:$0x4]  }
0x3d: {  	s16 =	rddreg [dreg:$0x5]  }
0x3e: {  	[tilespmem:s3], [sflag:$0x1] =	stream.linear.gather [hbm4b:s10+s3], $0x100, $0x38;
	[tilespmem:$0x1D080] =	vst v63  }
0x3f: {  	s17 =	simm.s32 $0x100;
	s10 =	rddreg [dreg:$0x9]  }
0x40: {  	[tilespmem:s17], [sflag:$0x2] =	stream.linear.gather [hbm4b:s16+s3], $0x100, $0x38;
	[tilespmem:$0x1D080] =	vst v63  }
0x41: {  	s17 =	rddreg [dreg:$0x6];
	s16 =	simm.s32 $0x200  }
0x42: {  	[tilespmem:s16], [sflag:$0x3] =	stream.linear.gather [hbm4b:s17+s3], $0x100, $0x38;
	[tilespmem:$0x1D080] =	vst v63  }
0x43: {  	s16 =	rddreg [dreg:$0x7]  }
0x44: {  	s17 =	rddreg [dreg:$0x8]  }
0x45: {  	[tilespmem:s26], [sflag:$0x4] =	stream.linear.gather [hbm4b:s16+s3], $0x100, $0x38;
	[tilespmem:$0x1D080] =	vst v63  }
0x46: {  	s16 =	sshrl.u32 s17, $0x3;
	s17 =	rddreg [dreg:$0xa]  }
0x47: {  	[dreg:$0x14] =	wrdreg s16  }
0x48: {  	[spmem:s16], [sflag:s17] =	dma.local [hbm:s10], $0x2700  }
0x49: {  	_ =	swait.ge [sflag:s18], $0x2700  }
0x4a: {  	s10 =	rddreg [dreg:$0xb]  }
0x4b: {  	[sflag:s18] =	ssyncset.done $0x0;
	s16 =	sshrl.u32 @!p0 s10, $0x3;
	s10 =	rddreg [dreg:$0xc]  }
0x4c: {  	[sflag:s18] =	ssyncadd.s32 $0xFFFFD900;
	[dreg:$0x15] =	wrdreg s16  }
0x4d: {  	[spmem:s16], [sflag:s17] =	dma.local @!p0 [hbm:s10], $0x2100  }
0x4e: {  	s10 =	simm.s32 @!p0 $0xD  }
0x4f: {  	_ =	swait.ge @!p0 [sflag:s10], $0x2100  }
0x50: {  	[sflag:s10] =	ssyncset.done @!p0 $0x0  }
0x51: {  	[sflag:s10] =	ssyncadd.s32 @!p0 $0xFFFFDF00  }
0x52: {  	s18 =	simm.s32 $0x1;
	[bflag:$0x0] =	sbarrier.arrive $0xFFFF  }
0x53: {  	_ =	swait.ge [sflag:s18], $0x100  }
0x54: {  	[sflag:s18] =	ssyncset.done $0x0  }
0x55: {  	s10 =	simm.s32 $0x0;
	[sflag:s18] =	ssyncadd.s32 $0xFFFFFF00  }
0x56: {  	[tilespmem:s31], [sflag:$0x9] =	stream.indirect.gather [hbm4b:s0+s30], $0x80, s3, s30, $0xb8;
	[tilespmem:$0x1D080] =	vst v63  }
.LBB2_2:
0x57: {  	_ =	swait.ge [sflag:s2], $0x100  }
0x58: {  	p1 =	seq.s32 s10, $0x0;
	[sflag:s2] =	ssyncset.done $0x0  }
0x59: {  	s16 =	simm.s32 @!p1 $0xC;
	[sflag:s2] =	ssyncadd.s32 $0xFFFFFF00  }
0x5a: {  	_ =	swait.ge @!p1 [sflag:s16], $0x4000  }
0x5b: {  	[sflag:s16] =	ssyncset.done @!p1 $0x0  }
0x5c: {  	s18 =	simm.s32 $0x100;
	[sflag:s16] =	ssyncadd.s32 @!p1 $0xFFFFC000  }
0x5d: {  	[tilespmem:s5], [sflag:$0xA] =	stream.indirect.gather [hbm4b:s0+s30], $0x80, s18, s30, $0xb8;
	[tilespmem:$0x1D080] =	vst v63  }
0x5e: {  	_ =	swait.ge [sflag:s6], $0x4000  }
0x5f: {  	[sflag:s6] =	ssyncset.done $0x0  }
0x60: {  	[sflag:s6] =	ssyncadd.s32 $0xFFFFC000  }
0x61: {  	[spmem:s1] =	stream.indirect.scatter.add.f32 [tilespmem:s31], [sflag:$0xB], $0x80, s30, s30, $0xb8;
	[tilespmem:$0x1D080] =	vst v63  }
0x62: {  	s17 =	sadd.s32 s10, s23  }
0x63: {  	[tilespmem:s7], [sflag:$0x5] =	stream.linear.gather [hbm4b:s17+s3], $0x100, $0x38;
	[tilespmem:$0x1D080] =	vst v63  }
0x64: {  	_ =	swait.ge [sflag:s8], $0x100  }
0x65: {  	[sflag:s8] =	ssyncset.done $0x0  }
0x66: {  	[sflag:s8] =	ssyncadd.s32 $0xFFFFFF00  }
0x67: {  	_ =	swait.ge [sflag:s9], $0x4000  }
0x68: {  	[sflag:s9] =	ssyncset.done $0x0  }
0x69: {  	s18 =	simm.s32 $0x200;
	[sflag:s9] =	ssyncadd.s32 $0xFFFFC000  }
0x6a: {  	[tilespmem:s31], [sflag:$0x9] =	stream.indirect.gather [hbm4b:s0+s30], $0x80, s18, s30, $0xb8;
	[tilespmem:$0x1D080] =	vst v63  }
0x6b: {  	_ =	swait.ge [sflag:s11], $0x4000  }
0x6c: {  	[sflag:s11] =	ssyncset.done $0x0  }
0x6d: {  	s17 =	simm.s32 $0x180;
	[sflag:s11] =	ssyncadd.s32 $0xFFFFC000  }
0x6e: {  	[spmem:s1] =	stream.indirect.scatter.add.f32 [tilespmem:s5], [sflag:$0xC], $0x80, s17, s30, $0xb8;
	[tilespmem:$0x1D080] =	vst v63  }
0x6f: {  	s18 =	sadd.s32 s10, s22  }
0x70: {  	[tilespmem:s13], [sflag:$0x6] =	stream.linear.gather [hbm4b:s18+s3], $0x100, $0x38;
	[tilespmem:$0x1D080] =	vst v63  }
0x71: {  	_ =	swait.ge [sflag:s4], $0x100  }
0x72: {  	[sflag:s4] =	ssyncset.done $0x0  }
0x73: {  	[sflag:s4] =	ssyncadd.s32 $0xFFFFFF00  }
0x74: {  	_ =	swait.ge [sflag:s14], $0x4000  }
0x75: {  	[sflag:s14] =	ssyncset.done $0x0  }
0x76: {  	[sflag:s14] =	ssyncadd.s32 $0xFFFFC000  }
0x77: {  	[tilespmem:s5], [sflag:$0xA] =	stream.indirect.gather [hbm4b:s0+s30], $0x80, s26, s30, $0xb8;
	[tilespmem:$0x1D080] =	vst v63  }
0x78: {  	_ =	swait.ge [sflag:s6], $0x4000  }
0x79: {  	[sflag:s6] =	ssyncset.done $0x0  }
0x7a: {  	s17 =	simm.s32 $0x280;
	[sflag:s6] =	ssyncadd.s32 $0xFFFFC000  }
0x7b: {  	[spmem:s1] =	stream.indirect.scatter.add.f32 [tilespmem:s31], [sflag:$0xB], $0x80, s17, s30, $0xb8;
	[tilespmem:$0x1D080] =	vst v63  }
0x7c: {  	s18 =	sadd.s32 s10, s21  }
0x7d: {  	[tilespmem:s29], [sflag:$0x7] =	stream.linear.gather [hbm4b:s18+s3], $0x100, $0x38;
	[tilespmem:$0x1D080] =	vst v63  }
0x7e: {  	_ =	swait.ge [sflag:s28], $0x100  }
0x7f: {  	[sflag:s28] =	ssyncset.done $0x0  }
0x80: {  	[sflag:s28] =	ssyncadd.s32 $0xFFFFFF00  }
0x81: {  	_ =	swait.ge [sflag:s9], $0x4000  }
0x82: {  	[sflag:s9] =	ssyncset.done $0x0  }
0x83: {  	[sflag:s9] =	ssyncadd.s32 $0xFFFFC000  }
0x84: {  	[tilespmem:s31], [sflag:$0x9] =	stream.indirect.gather [hbm4b:s0+s30], $0x80, s7, s30, $0xb8;
	[tilespmem:$0x1D080] =	vst v63  }
0x85: {  	_ =	swait.ge [sflag:s11], $0x4000  }
0x86: {  	[sflag:s11] =	ssyncset.done $0x0  }
0x87: {  	s17 =	simm.s32 $0x380;
	[sflag:s11] =	ssyncadd.s32 $0xFFFFC000  }
0x88: {  	[spmem:s1] =	stream.indirect.scatter.add.f32 [tilespmem:s5], [sflag:$0xC], $0x80, s17, s30, $0xb8;
	[tilespmem:$0x1D080] =	vst v63  }
0x89: {  	s18 =	sadd.s32 s10, s20  }
0x8a: {  	[tilespmem:s24], [sflag:$0x8] =	stream.linear.gather [hbm4b:s18+s3], $0x100, $0x38;
	[tilespmem:$0x1D080] =	vst v63  }
0x8b: {  	_ =	swait.ge [sflag:s25], $0x100  }
0x8c: {  	[sflag:s25] =	ssyncset.done $0x0  }
0x8d: {  	[sflag:s25] =	ssyncadd.s32 $0xFFFFFF00  }
0x8e: {  	_ =	swait.ge [sflag:s14], $0x4000  }
0x8f: {  	[sflag:s14] =	ssyncset.done $0x0  }
0x90: {  	[sflag:s14] =	ssyncadd.s32 $0xFFFFC000  }
0x91: {  	[tilespmem:s5], [sflag:$0xA] =	stream.indirect.gather [hbm4b:s0+s30], $0x80, s13, s30, $0xb8;
	[tilespmem:$0x1D080] =	vst v63  }
0x92: {  	_ =	swait.ge [sflag:s6], $0x4000  }
0x93: {  	[sflag:s6] =	ssyncset.done $0x0  }
0x94: {  	p1 =	seq.s32 s10, $0x900;
	s17 =	simm.s32 $0x480;
	[sflag:s6] =	ssyncadd.s32 $0xFFFFC000  }
0x95: {  	[spmem:s1] =	stream.indirect.scatter.add.f32 [tilespmem:s31], [sflag:$0xB], $0x80, s17, s30, $0xb8;
	[tilespmem:$0x1D080] =	vst v63  }
0x96: {  	s16 =	sadd.s32 @!p1 s10, s19;
	s17 =	simm.s32 @!p1 $0x0  }
0x97: {  	[tilespmem:s17], [sflag:$0x1] =	stream.linear.gather @!p1 [hbm4b:s16+s17], $0x100, $0x38;
	[tilespmem:$0x1D080] =	vst v63  }
0x98: {  	_ =	swait.ge [sflag:s15], $0x100  }
0x99: {  	[sflag:s15] =	ssyncset.done $0x0  }
0x9a: {  	[sflag:s15] =	ssyncadd.s32 $0xFFFFFF00  }
0x9b: {  	_ =	swait.ge [sflag:s9], $0x4000  }
0x9c: {  	[sflag:s9] =	ssyncset.done $0x0  }
0x9d: {  	[sflag:s9] =	ssyncadd.s32 $0xFFFFC000  }
0x9e: {  	[tilespmem:s31], [sflag:$0x9] =	stream.indirect.gather [hbm4b:s0+s30], $0x80, s29, s30, $0xb8;
	[tilespmem:$0x1D080] =	vst v63  }
0x9f: {  	_ =	swait.ge [sflag:s11], $0x4000  }
0xa0: {  	[sflag:s11] =	ssyncset.done $0x0  }
0xa1: {  	s18 =	simm.s32 $0x580;
	s16 =	rddreg [dreg:$0x12];
	[sflag:s11] =	ssyncadd.s32 $0xFFFFC000  }
0xa2: {  	[spmem:s1] =	stream.indirect.scatter.add.f32 [tilespmem:s5], [sflag:$0xC], $0x80, s18, s30, $0xb8;
	[tilespmem:$0x1D080] =	vst v63  }
0xa3: {  	s16 =	sadd.s32 @!p1 s10, s16;
	s18 =	simm.s32 @!p1 $0x100  }
0xa4: {  	[tilespmem:s18], [sflag:$0x2] =	stream.linear.gather @!p1 [hbm4b:s16+s17], $0x100, $0x38;
	[tilespmem:$0x1D080] =	vst v63  }
0xa5: {  	_ =	swait.ge [sflag:s12], $0x100  }
0xa6: {  	[sflag:s12] =	ssyncset.done $0x0  }
0xa7: {  	[sflag:s12] =	ssyncadd.s32 $0xFFFFFF00  }
0xa8: {  	_ =	swait.ge [sflag:s14], $0x4000  }
0xa9: {  	[sflag:s14] =	ssyncset.done $0x0  }
0xaa: {  	[sflag:s14] =	ssyncadd.s32 $0xFFFFC000  }
0xab: {  	[tilespmem:s5], [sflag:$0xA] =	stream.indirect.gather [hbm4b:s0+s30], $0x80, s24, s30, $0xb8;
	[tilespmem:$0x1D080] =	vst v63  }
0xac: {  	_ =	swait.ge [sflag:s6], $0x4000  }
0xad: {  	[sflag:s6] =	ssyncset.done $0x0  }
0xae: {  	s18 =	simm.s32 $0x680;
	s16 =	simm.s32 @p1 $0xB;
	[sflag:s6] =	ssyncadd.s32 $0xFFFFC000  }
0xaf: {  	[spmem:s1] =	stream.indirect.scatter.add.f32 [tilespmem:s31], [sflag:$0xB], $0x80, s18, s30, $0xb8;
	[tilespmem:$0x1D080] =	vst v63  }
0xb0: {  	_ =	swait.ge @p1 [sflag:s16], $0x4000  }
0xb1: {  	[sflag:s16] =	ssyncset.done @p1 $0x0  }
0xb2: {  	[sflag:s16] =	ssyncadd.s32 @p1 $0xFFFFC000;
	s16 =	rddreg [dreg:$0x11]  }
0xb3: {  	s18 =	simm.s32 @!p1 $0x200;
	s16 =	sadd.s32 @!p1 s10, s16  }
0xb4: {  	[tilespmem:s18], [sflag:$0x3] =	stream.linear.gather @!p1 [hbm4b:s16+s17], $0x100, $0x38;
	[tilespmem:$0x1D080] =	vst v63  }
0xb5: {  	s16 =	simm.s32 @!p1 $0x1  }
0xb6: {  	_ =	swait.ge @!p1 [sflag:s16], $0x100  }
0xb7: {  	[sflag:s16] =	ssyncset.done @!p1 $0x0  }
0xb8: {  	[sflag:s16] =	ssyncadd.s32 @!p1 $0xFFFFFF00;
	s16 =	simm.s32 @!p1 $0xB  }
0xb9: {  	_ =	swait.ge @!p1 [sflag:s16], $0x4000  }
0xba: {  	[sflag:s16] =	ssyncset.done @!p1 $0x0  }
0xbb: {  	s18 =	simm.s32 @!p1 $0x800;
	[sflag:s16] =	ssyncadd.s32 @!p1 $0xFFFFC000;
	s16 =	simm.s32 @!p1 $0x80  }
0xbc: {  	[tilespmem:s18], [sflag:$0x9] =	stream.indirect.gather @!p1 [hbm4b:s0+s16], $0x80, s17, s16, $0xb8;
	[tilespmem:$0x1D080] =	vst v63  }
.Ltmp2:
0xbd: {  	_ = 	snop;
	(pc) =	sbr.rel @p1 .LBB2_4-.Ltmp2, $4  }
0xbe: {  	_ =	swait.ge [sflag:s11], $0x4000  }
0xbf: {  	[sflag:s11] =	ssyncset.done $0x0  }
0xc0: {  	s18 =	simm.s32 $0x780;
	[sflag:s11] =	ssyncadd.s32 $0xFFFFC000  }
0xc1: {  	[spmem:s1] =	stream.indirect.scatter.add.f32 [tilespmem:s5], [sflag:$0xC], $0x80, s18, s30, $0xb8;
	[tilespmem:$0x1D080] =	vst v63  }
.Ltmp3:
0xc2: {  	(pc) =	sbr.rel .LBB2_2-.Ltmp3, $4  }
0xc3: {  	_ = 	snop  }
0xc4: {  	s16 =	rddreg [dreg:$0x10]  }
0xc5: {  	s16 =	sadd.s32 s10, s16;
	s10 =	sadd.s32 $0x100, s10  }
0xc6: {  	[tilespmem:s26], [sflag:$0x4] =	stream.linear.gather [hbm4b:s16+s3], $0x100, $0x38;
	[tilespmem:$0x1D080] =	vst v63  }
.LBB2_5:
0xc7: {  	_ =	sfence.sel $0x180000  }
0xc8: {  	[bflag:$0x0] =	sbarrier.arrive $0xFFFF  }
0xc9: {  	_ =	strace $0x90000047  }
0xca: {  	[bflag:$0x2] =	sbarrier.arrive $0xFFFF  }
0xcb: {  	s0 =	rddreg [dreg:$0x3]  }
0xcc: {  	s0 =	sadd.s32 @!p0 $0x100000, s0  }
0xcd: {  	[sflag:s0] =	ssyncadd.tile.s32 @!p0 $0x1;
	_ =	shalt  }
.Lfunc_end2:
_tile_overlayer_lowered:
.L_overlay_start_2:
0xce: {  	(tag) =	ssettag $0x2  }
0xcf: {  	s0 =	rddreg [dreg:$0x0];
	s2 =	stileid.u32  }
0xd0: {  	s1 =	rddreg [dreg:$0x1];
	p0 =	sne.s32 s2, $0x0  }
0xd1: {  	s3 =	rddreg [dreg:$0x2];
	[bflag:$0x3] =	sbarrier.arrive $0xFFFF;
	s2 =	simm.s32 @!p0 $0x1C0D  }
0xd2: {  	[timem:s3], [sflag:s2] =	dma.local @!p0 [hbm:s0], s1  }
0xd3: {  	s0 =	simm.s32 @!p0 $0xD  }
0xd4: {  	_ =	swait.ge @!p0 [sflag:s0], s1  }
0xd5: {  	s1 =	ssub.s32 @!p0 $0x0, s1;
	[sflag:s0] =	ssyncset.done @!p0 $0x0  }
0xd6: {  	[sflag:s0] =	ssyncadd.s32 @!p0 s1  }
0xd7: {  	[bflag:$0x3] =	sbarrier.arrive $0xFFFF  }
0xd8: {  	_ =	shalt  }

// kernel: kernel.13.cloned.1.call-start
scs
__scs_entry_jumppad:
0x0: {  	(pc) =	sbr.rel $0x88, $3  }
0x1: {  	(tag) =	ssettag $0x0;
	lr =	simm.s32 $0x1  }
0x2: {  	[smem:$0x3F85] =	sst lr;
	_ =	strace $0xD0000000  }
0x3: {  	_ = 	snop  }
0x4: {  	_ = 	snop  }
0x5: {  	_ = 	snop  }
0x6: {  	_ = 	snop  }
0x7: {  	_ = 	snop  }
__scs_overlays_trampoline_lowered:
0x8: {  	[smem:$0x3F94] =	sst s0  }
0x9: {  	[smem:$0x3F95] =	sst s1  }
0xa: {  	[smem:$0x3F96] =	sst s2  }
0xb: {  	[smem:$0x3F97] =	sst s3  }
0xc: {  	[smem:$0x3F98] =	sst s4  }
0xd: {  	[smem:$0x3F99] =	sst s5  }
0xe: {  	[smem:$0x3F9A] =	sst s6  }
0xf: {  	[smem:$0x3F9B] =	sst s7  }
0x10: {  	[smem:$0x3F9C] =	sst s8  }
0x11: {  	[smem:$0x3F9D] =	sst s9;
	s0 =	simm.s32 @!p0 $0x0  }
0x12: {  	s1 =	sld [smem:$0x3F83];
	s0 =	simm.s32 @p0 $0x1  }
0x13: {  	[smem:$0x3F9E] =	sst s0;
	s0 =	simm.s32 @!p1 $0x0  }
0x14: {  	s2 =	sld [smem:$0x3F82];
	s0 =	simm.s32 @p1 $0x1  }
0x15: {  	[smem:$0x3F9F] =	sst s0;
	s0 =	simm.s32 @!p2 $0x0  }
0x16: {  	s3 =	sld [smem:$0x3FDB];
	s0 =	simm.s32 @p2 $0x1  }
0x17: {  	s4 =	simm.s32 $0x1BF5;
	[smem:$0x3FA1] =	sst s0  }
0x18: {  	s0 =	sld [smem:$0x3F84];
	_ =	swait.ge [sflag:s4], $0x0  }
0x19: {  	s7 =	sld [smem:$0x3F85]  }
0x1a: {  	s8 =	sadd.s32 $0xFFFFE003, lr  }
0x1b: {  	s9 =	sadd.s32 $0xFFFFFEF7, lr;
	s5 =	simm.s32 $0xFFFFFFFF;
	p2 =	slt.u32 s8, $0xFFFFF086  }
0x1c: {  	p1 =	slt.u32 s9, $0xF7A;
	s5 =	simm.s32 @!p2 $0x0  }
0x1d: {  	s5 =	simm.s32 @p1 $0x1;
	p0 =	seq.s32 s7, s2  }
0x1e: {  	s7 =	smul.u32 @!p0 $0xF7A, s2;
	p2 =	seq.s32 @!p0 s5, $0x0  }
0x1f: {  	s9 =	smul.u32 $0xF7A, s1;
	s8 =	simm.s32 @!p0 $0x1BF5;
	p2 =	por !p2, p0  }
0x20: {  	[sflag:s8] =	ssyncset.s32 @!p0 $0xFFFFF086;
	s6 =	sadd.s32 @!p0 s3, s7;
	s7 =	simm.s32 @!p0 $0x108  }
0x21: {  	s3 =	sadd.s32 s3, s9;
	s6 =	sadd.s32 @!p0 $0x88, s6;
	s7 =	simm.s32 @p2 $0x1082  }
0x22: {  	[simem:s7], [sflag:s8] =	dma.local @!p0 [hbm:s6], $0xF7A  }
0x23: {  	s9 =	sor.u32 $0xD0000000, s2;
	s6 =	simm.s32 $0x108;
	_ =	swait.ge @!p0 [sflag:s8], $0x0  }
0x24: {  	s3 =	sadd.s32 $0x88, s3;
	s6 =	simm.s32 @!p1 $0x1082;
	[sflag:s4] =	ssyncset.s32 $0xFFFFF086  }
0x25: {  	[simem:s6], [sflag:s4] =	dma.local [hbm:s3], $0xF7A  }
0x26: {  	[smem:$0x3F85] =	sst s1;
	(tag) =	ssettag s2;
	_ =	strace s9  }
0x27: {  	s1 =	sld [smem:$0x3F95]  }
0x28: {  	s2 =	sld [smem:$0x3F96]  }
0x29: {  	s4 =	sld [smem:$0x3F98]  }
0x2a: {  	p0 =	seq.s32 s5, $0x0;
	s5 =	sld [smem:$0x3F99]  }
0x2b: {  	s6 =	sld [smem:$0x3F9A]  }
0x2c: {  	s7 =	sld [smem:$0x3F9B]  }
0x2d: {  	s3 =	simm.s32 $0x108;
	s8 =	sld [smem:$0x3F9C]  }
0x2e: {  	s3 =	simm.s32 @!p0 $0x1082;
	s9 =	sld [smem:$0x3F9D]  }
0x2f: {  	lr =	sadd.s32 s0, s3;
	s0 =	sld [smem:$0x3F94]  }
0x30: {  	s3 =	sld [smem:$0x3F97]  }
0x31: {  	[smem:$0x3FA0] =	sst s10  }
0x32: {  	s10 =	sld [smem:$0x3F9E];
	_ =	sdelay $0x3  }
0x33: {  	p0 =	seq.s32 s10, $0x1;
	s10 =	sld [smem:$0x3FA0];
	_ =	sdelay $0x3  }
0x34: {  	[smem:$0x3FA0] =	sst s10  }
0x35: {  	s10 =	sld [smem:$0x3F9F];
	_ =	sdelay $0x3  }
0x36: {  	p1 =	seq.s32 s10, $0x1;
	s10 =	sld [smem:$0x3FA0];
	_ =	sdelay $0x3  }
0x37: {  	[smem:$0x3FA0] =	sst s10  }
0x38: {  	s10 =	sld [smem:$0x3FA1]  }
0x39: {  	_ = 	snop;
	(pc) =	sbr.ind lr, $3  }
0x3a: {  	_ = 	snop  }
0x3b: {  	_ = 	snop  }
0x3c: {  	p2 =	seq.s32 s10, $0x1;
	s10 =	sld [smem:$0x3FA0]  }
0x3d: {  	_ =	shalt  }
0x3e: {  	_ =	shalt  }
0x3f: {  	_ =	shalt  }
0x40: {  	_ =	shalt  }
0x41: {  	_ =	shalt  }
0x42: {  	_ =	shalt  }
0x43: {  	_ =	shalt  }
0x44: {  	_ =	shalt  }
0x45: {  	_ =	shalt  }
0x46: {  	_ =	shalt  }
0x47: {  	_ =	shalt  }
0x48: {  	_ =	shalt  }
0x49: {  	_ =	shalt  }
0x4a: {  	_ =	shalt  }
0x4b: {  	_ =	shalt  }
0x4c: {  	_ =	shalt  }
0x4d: {  	_ =	shalt  }
0x4e: {  	_ =	shalt  }
0x4f: {  	_ =	shalt  }
0x50: {  	_ =	shalt  }
0x51: {  	_ =	shalt  }
0x52: {  	_ =	shalt  }
0x53: {  	_ =	shalt  }
0x54: {  	_ =	shalt  }
0x55: {  	_ =	shalt  }
0x56: {  	_ =	shalt  }
0x57: {  	_ =	shalt  }
0x58: {  	_ =	shalt  }
0x59: {  	_ =	shalt  }
0x5a: {  	_ =	shalt  }
0x5b: {  	_ =	shalt  }
0x5c: {  	_ =	shalt  }
0x5d: {  	_ =	shalt  }
0x5e: {  	_ =	shalt  }
0x5f: {  	_ =	shalt  }
0x60: {  	_ =	shalt  }
0x61: {  	_ =	shalt  }
0x62: {  	_ =	shalt  }
0x63: {  	_ =	shalt  }
0x64: {  	_ =	shalt  }
0x65: {  	_ =	shalt  }
0x66: {  	_ =	shalt  }
0x67: {  	_ =	shalt  }
0x68: {  	_ =	shalt  }
0x69: {  	_ =	shalt  }
0x6a: {  	_ =	shalt  }
0x6b: {  	_ =	shalt  }
0x6c: {  	_ =	shalt  }
0x6d: {  	_ =	shalt  }
0x6e: {  	_ =	shalt  }
0x6f: {  	_ =	shalt  }
0x70: {  	_ =	shalt  }
0x71: {  	_ =	shalt  }
0x72: {  	_ =	shalt  }
0x73: {  	_ =	shalt  }
0x74: {  	_ =	shalt  }
0x75: {  	_ =	shalt  }
0x76: {  	_ =	shalt  }
0x77: {  	_ =	shalt  }
0x78: {  	_ =	shalt  }
0x79: {  	_ =	shalt  }
0x7a: {  	_ =	shalt  }
0x7b: {  	_ =	shalt  }
0x7c: {  	_ =	shalt  }
0x7d: {  	_ =	shalt  }
0x7e: {  	_ =	shalt  }
0x7f: {  	_ =	shalt  }
0x80: {  	_ =	shalt  }
0x81: {  	_ =	shalt  }
0x82: {  	_ =	shalt  }
0x83: {  	_ =	shalt  }
0x84: {  	_ =	shalt  }
0x85: {  	_ =	shalt  }
0x86: {  	_ =	shalt  }
0x87: {  	_ =	shalt  }
.Lfunc_end0:
.L_simem_size_0:
called_computation.1_lowered:
.L_overlay_start_0:
0x88: {  	s2 =	sld [smem:$0x3FD9]  }
0x89: {  	s3 =	sld [smem:$0x3FFE];
	_ =	sdelay $0x1  }
0x8a: {  	s1 =	srdreg.scid  }
0x8b: {  	s0 =	sand.u32 $0x1, s1  }
0x8c: {  	s16 =	sshll.u32 s0, $0xA;
	s2 =	sadd.s32 s3, s2  }
0x8d: {  	s2 =	sadd.s32 s2, s16  }
0x8e: {  	[smem:$0x3FAC] =	sst s2  }
0x8f: {  	_ = 	snop  }
0x90: {  	(tm) =	ssettm $0x1  }
0x91: {  	s17 =	sld [smem:$0x3FFB];
	_ =	sdelay $0x3  }
0x92: {  	_ =	strace s17  }
0x93: {  	s2 =	sld [smem:$0x3FFC];
	_ =	sdelay $0x3  }
0x94: {  	_ =	strace s2  }
0x95: {  	s2 =	sld [smem:$0x3FFD];
	_ =	sdelay $0x3  }
0x96: {  	_ =	strace s2  }
0x97: {  	_ =	strace $0x8FFFFFFF  }
0x98: {  	s18 =	sld [smem:$0x3FDB];
	_ =	sdelay $0x1  }
0x99: {  	s19 =	simm.s32 $_scs_section_size  }
0x9a: {  	s4 =	simm.s32 $_size__tile_overlayer_lowered;
	s5 =	simm.s32 $_tile_overlayer_lowered  }
0x9b: {  	s22 =	simm.s32 $0x1BFF;
	s21 =	sshll.u32 s5, $0x1;
	s2 =	sadd.s32 s19, s18  }
0x9c: {  	s6 =	simm.s32 $0x0;
	s20 =	sshll.u32 s4, $0x1;
	s4 =	sadd.s32 s21, s2  }
0x9d: {  	[timem:s6], [sflag:s22] =	dma.local [hbm:s4], s20  }
0x9e: {  	_ =	swait.ge [sflag:s22], s20  }
0x9f: {  	s3 =	ssub.s32 $0x0, s20;
	[sflag:s22] =	ssyncset.done $0x0  }
0xa0: {  	[sflag:s22] =	ssyncadd.s32 s3;
	_ =	sdelay $0x1  }
0xa1: {  	s23 =	simm.s32 $0x1B8B  }
0xa2: {  	_ =	swait.ge [sflag:s23], $0x1  }
0xa3: {  	[sflag:s23] =	ssyncset.done $0x0  }
0xa4: {  	s25 =	simm.s32 $0x1B8E;
	s24 =	sld [smem:$0x3FFE];
	[sflag:s23] =	ssyncadd.s32 $0xFFFFFFFF  }
0xa5: {  	s26 =	simm.s32 $execute0_lowered;
	[smem:$0x3FD2] =	sst s25  }
0xa6: {  	s4 =	sshll.u32 s26, $0x1;
	_ =	strace $0x80000049;
	[dreg:$0x1] =	wrdreg $0xFFFFFFFF  }
0xa7: {  	s28 =	simm.s32 $_size_execute0_lowered;
	s2 =	sadd.s32 s2, s4;
	[dreg:$0x0] =	wrdreg $0x0  }
0xa8: {  	s4 =	sshll.u32 s28, $0x1;
	[dreg:$0x2] =	wrdreg s2  }
0xa9: {  	[dreg:$0x3] =	wrdreg s4  }
0xaa: {  	[dreg:$0x4] =	wrdreg $0xC0  }
0xab: {  	_ =	task [dreg:s6], $0x5FFFF  }
0xac: {  	[dreg:$0x1] =	wrdreg $0xFFFFFFFF  }
0xad: {  	[dreg:$0x0] =	wrdreg $0x60  }
0xae: {  	[dreg:$0x2] =	wrdreg s24  }
0xaf: {  	[dreg:$0x3] =	wrdreg $0x88000  }
0xb0: {  	[dreg:$0x4] =	wrdreg $0x9  }
0xb1: {  	_ =	task.clear_ibuf [dreg:s6], $0x5FFFF;
	_ =	strace $0x90000049  }
0xb2: {  	s29 =	simm.s32 $0x9;
	_ =	strace $0x8000004B  }
0xb3: {  	_ =	swait.ge [sflag:s29], $0x1  }
0xb4: {  	[sflag:s29] =	ssyncadd.s32 $0xFFFFFFFF  }
0xb5: {  	_ =	strace $0x9000004B  }
0xb6: {  	_ =	sfence  }
0xb7: {  	s30 =	sld [smem:$0x0];
	_ =	sdelay $0x2  }
0xb8: {  	s31 =	sshll.u32 s1, $0xD;
	s1 =	sshrl.u32 s1, $0x2  }
0xb9: {  	s3 =	sand.u32 $0x4000, s31;
	s1 =	sadd.s32 s1, s30  }
0xba: {  	s0 =	sor.u32 s3, s0;
	s1 =	sshll.u32 s1, $0x11  }
0xbb: {  	s0 =	sor.u32 s1, s0  }
0xbc: {  	s0 =	sadd.s32 $0x8F2B, s0  }
0xbd: {  	[sflag:s0] =	ssyncadd.remote.s32 $0x1  }
0xbe: {  	_ =	sfence.sel $0xFFFF  }
0xbf: {  	[dreg:$0x0] =	wrdreg $0xFFFFFFFF;
	(pc) =	sbr.abs _section_cstart, $3  }
0xc0: {  	[dreg:$0x1] =	wrdreg $0xFFFFFFFF  }
0xc1: {  	_ =	task.clear_ibuf [dreg:s6], $0x2FFFF;
	_ =	strace $0x9FFFFFFF  }
0xc2: {  	(tm) =	ssettm $0x7FFFFFFF  }
0xc3: {  	_ =	shalt  }
tec
execute0_lowered:
.L_overlay_start_1:
0x0: {  	(tag) =	ssettag $0x1  }
0x1: {  	s4 =	rddreg [dreg:$0x0]  }
0x2: {  	s1 =	rddreg [dreg:$0x1]  }
0x3: {  	s2 =	simm.s32 $0x0;
	s0 =	stileid.u32;
	s3 =	srdreg.scid  }
0x4: {  	s30 =	simm.s32 $0x80;
	s31 =	simm.s32 $0x800;
	s29 =	simm.s32 $0x600  }
0x5: {  	s28 =	simm.s32 $0x5;
	s5 =	smul.u32 $0x13800, s0;
	s6 =	sand.u32 $0x1, s3  }
0x6: {  	s23 =	sshll.u32 s0, $0x1;
	[smem:$0x7FF] =	sst s2;
	s9 =	sadd.s32 $0x5000, s4  }
0x7: {  	s10 =	sadd.s32 $0x69400, s4;
	s24 =	smul.u32 $0x4E000, s0;
	s16 =	sshll.u32 s0, $0x6  }
0x8: {  	s17 =	smul.u32 $0xA000, s0;
	s19 =	sadd.s32 $0x138000, s1;
	p0 =	sne.s32 s0, $0x0  }
0x9: {  	s0 =	simm.s32 $0x2;
	s3 =	sor.u32 s6, s23;
	_ =	strace $0x8000004A  }
0xa: {  	s11 =	ssub.s32 $0x2, s6;
	s15 =	smul.u32 $0x138800, s6;
	s18 =	sor.u32 $0x1C0D, s16  }
0xb: {  	s6 =	smul.u32 $0x5000, s6;
	[dreg:$0xa] =	wrdreg s19;
	s7 =	sshrl.u32 s5, $0x3  }
0xc: {  	s8 =	smul.u32 $0x5000, s3;
	s3 =	sadd.s32 $0x42200, s4;
	s12 =	sshrl.u32 s11, $0x1  }
0xd: {  	[dreg:$0x9] =	wrdreg s18;
	s18 =	simm.s32 $0xD;
	s7 =	sadd.s32 s7, s4  }
0xe: {  	s11 =	ssub.s32 s11, s12;
	s4 =	sadd.s32 $0x40000, s4;
	s20 =	sadd.s32 s5, s15  }
0xf: {  	s21 =	sshrl.u32 s15, $0x3;
	s6 =	sadd.s32 s6, s17;
	s17 =	simm.s32 $0x0  }
0x10: {  	s8 =	sshrl.u32 s8, $0x3;
	s7 =	sadd.s32 $0x19000, s7;
	[dreg:$0xb] =	wrdreg s4  }
0x11: {  	s4 =	sshrl.u32 s20, $0x3;
	s22 =	sadd.s32 s10, s21;
	[dreg:$0x12] =	wrdreg s17  }
0x12: {  	s23 =	sor.u32 $0xB00, s6;
	s13 =	sadd.s32 s9, s8;
	[dreg:$0x8] =	wrdreg s7  }
0x13: {  	s12 =	sor.u32 $0x700, s6;
	s4 =	sadd.s32 s10, s4;
	[dreg:$0x3] =	wrdreg s13  }
0x14: {  	s15 =	sor.u32 $0x500, s6;
	s25 =	sadd.s32 $0x20, s13;
	[dreg:$0xc] =	wrdreg s4  }
0x15: {  	s8 =	sshrl.u32 s24, $0x2;
	s26 =	sadd.s32 $0x40, s13;
	[dreg:$0x4] =	wrdreg s25  }
0x16: {  	s24 =	sshrl.u32 s23, $0x3;
	s14 =	sadd.s32 $0x60, s13;
	[dreg:$0x5] =	wrdreg s26  }
0x17: {  	s10 =	sor.u32 $0x900, s6;
	s8 =	sadd.s32 s8, s1;
	[dreg:$0x6] =	wrdreg s14  }
0x18: {  	s7 =	simm.s32 $0x400;
	s4 =	sadd.s32 $0x27000, s22;
	[dreg:$0x7] =	wrdreg s8  }
0x19: {  	s13 =	sshrl.u32 s12, $0x3;
	s12 =	simm.s32 $0x8;
	[dreg:$0xd] =	wrdreg s4  }
0x1a: {  	s25 =	sor.u32 $0xA00, s6;
	s26 =	smax.u32 s11, $0x1;
	s4 =	sadd.s32 s24, s9  }
0x1b: {  	s11 =	sor.u32 $0x800, s6;
	s20 =	sadd.s32 s13, s9;
	s14 =	sor.u32 $0x600, s6  }
0x1c: {  	s6 =	sor.u32 $0x400, s6;
	s13 =	simm.s32 $0x500;
	[dreg:$0xe] =	wrdreg s26  }
0x1d: {  	s24 =	simm.s32 $0x700;
	[dreg:$0xf] =	wrdreg s4;
	s8 =	sshrl.u32 s25, $0x3  }
0x1e: {  	s5 =	sshrl.u32 s11, $0x3;
	s16 =	sshrl.u32 s6, $0x3;
	s26 =	simm.s32 $0x300  }
0x1f: {  	s6 =	simm.s32 $0x9;
	s11 =	simm.s32 $0xA;
	s25 =	simm.s32 $0x6  }
0x20: {  	s4 =	sadd.s32 s8, s9;
	s19 =	sadd.s32 s5, s9;
	s5 =	sshrl.u32 s15, $0x3  }
.Ltmp0:
0x21: {  	s23 =	sadd.s32 s16, s9;
	s8 =	simm.s32 $0x3;
	(pc) =	sbr.rel .LBB2_1-.Ltmp0, $4  }
0x22: {  	s15 =	simm.s32 $0x7;
	[dreg:$0x10] =	wrdreg s4;
	s4 =	sshrl.u32 s10, $0x3  }
0x23: {  	s22 =	sadd.s32 s5, s9;
	s5 =	simm.s32 $0x4800;
	s4 =	sadd.s32 s4, s9  }
0x24: {  	[dreg:$0x11] =	wrdreg s4;
	s4 =	sshrl.u32 s14, $0x3;
	s14 =	simm.s32 $0xC  }
0x25: {  	s21 =	sadd.s32 s4, s9;
	s9 =	simm.s32 $0xB;
	s4 =	simm.s32 $0x4  }
.LBB2_4:
0x26: {  	_ =	swait.ge [sflag:s14], $0x4000  }
0x27: {  	[sflag:s14] =	ssyncset.done $0x0  }
0x28: {  	[sflag:s14] =	ssyncadd.s32 $0xFFFFC000  }
0x29: {  	[bflag:$0x0] =	sbarrier.arrive $0xFFFF  }
0x2a: {  	s17 =	rddreg [dreg:$0x9]  }
0x2b: {  	s10 =	rddreg [dreg:$0xc]  }
0x2c: {  	s18 =	simm.s32 $0xD;
	s16 =	rddreg [dreg:$0x13]  }
0x2d: {  	[hbm:s10], [sflag:s17] =	dma.local [spmem:s16], $0x2700  }
0x2e: {  	_ =	swait.ge [sflag:s18], $0x2700  }
0x2f: {  	[sflag:s18] =	ssyncset.done $0x0;
	s10 =	rddreg [dreg:$0xd]  }
0x30: {  	s16 =	rddreg [dreg:$0x14];
	[sflag:s18] =	ssyncadd.s32 $0xFFFFD900  }
0x31: {  	[hbm:s10], [sflag:s17] =	dma.local @!p0 [spmem:s16], $0x100  }
0x32: {  	s10 =	simm.s32 @!p0 $0xD  }
0x33: {  	_ =	swait.ge @!p0 [sflag:s10], $0x100  }
0x34: {  	s17 =	rddreg [dreg:$0x12]  }
0x35: {  	s16 =	sadd.s32 $0x1, s17;
	s17 =	rddreg [dreg:$0xe]  }
0x36: {  	p1 =	sne.s32 s16, s17  }
.Ltmp1:
0x37: {  	_ = 	snop;
	(pc) =	sbr.rel @!p1 .LBB2_5-.Ltmp1, $3  }
0x38: {  	_ =	sdelay $0x1  }
0x39: {  	[sflag:s10] =	ssyncset.done @!p0 $0x0  }
0x3a: {  	[sflag:s10] =	ssyncadd.s32 @!p0 $0xFFFFFF00;
	[dreg:$0x12] =	wrdreg s16  }
.LBB2_1:
0x3b: {  	s10 =	rddreg [dreg:$0x3]  }
0x3c: {  	s16 =	rddreg [dreg:$0x4]  }
0x3d: {  	[tilespmem:s2], [sflag:$0x1] =	stream.linear.gather [hbm4b:s10+s2], $0x100, $0x38;
	[tilespmem:$0x1D080] =	vst v63  }
0x3e: {  	s17 =	simm.s32 $0x100;
	s10 =	rddreg [dreg:$0x8]  }
0x3f: {  	[tilespmem:s17], [sflag:$0x2] =	stream.linear.gather [hbm4b:s16+s2], $0x100, $0x38;
	[tilespmem:$0x1D080] =	vst v63  }
0x40: {  	s17 =	rddreg [dreg:$0x5];
	s16 =	simm.s32 $0x200  }
0x41: {  	[tilespmem:s16], [sflag:$0x3] =	stream.linear.gather [hbm4b:s17+s2], $0x100, $0x38;
	[tilespmem:$0x1D080] =	vst v63  }
0x42: {  	s16 =	rddreg [dreg:$0x6]  }
0x43: {  	s17 =	rddreg [dreg:$0x7]  }
0x44: {  	[tilespmem:s26], [sflag:$0x4] =	stream.linear.gather [hbm4b:s16+s2], $0x100, $0x38;
	[tilespmem:$0x1D080] =	vst v63  }
0x45: {  	s16 =	sshrl.u32 s17, $0x3;
	s17 =	rddreg [dreg:$0x9]  }
0x46: {  	[dreg:$0x13] =	wrdreg s16  }
0x47: {  	[spmem:s16], [sflag:s17] =	dma.local [hbm:s10], $0x2700  }
0x48: {  	_ =	swait.ge [sflag:s18], $0x2700  }
0x49: {  	s10 =	rddreg [dreg:$0xa]  }
0x4a: {  	[sflag:s18] =	ssyncset.done $0x0;
	s16 =	sshrl.u32 @!p0 s10, $0x3;
	s10 =	rddreg [dreg:$0xb]  }
0x4b: {  	[sflag:s18] =	ssyncadd.s32 $0xFFFFD900;
	[dreg:$0x14] =	wrdreg s16  }
0x4c: {  	[spmem:s16], [sflag:s17] =	dma.local @!p0 [hbm:s10], $0x2100  }
0x4d: {  	s10 =	simm.s32 @!p0 $0xD  }
0x4e: {  	_ =	swait.ge @!p0 [sflag:s10], $0x2100  }
0x4f: {  	[sflag:s10] =	ssyncset.done @!p0 $0x0  }
0x50: {  	[sflag:s10] =	ssyncadd.s32 @!p0 $0xFFFFDF00  }
0x51: {  	s18 =	simm.s32 $0x1;
	[bflag:$0x0] =	sbarrier.arrive $0xFFFF  }
0x52: {  	_ =	swait.ge [sflag:s18], $0x100  }
0x53: {  	[sflag:s18] =	ssyncset.done $0x0  }
0x54: {  	s10 =	simm.s32 $0x0;
	[sflag:s18] =	ssyncadd.s32 $0xFFFFFF00  }
0x55: {  	[tilespmem:s31], [sflag:$0x9] =	stream.indirect.gather [hbm4b:s3+s30], $0x80, s2, s30, $0xb8;
	[tilespmem:$0x1D080] =	vst v63  }
.LBB2_2:
0x56: {  	_ =	swait.ge [sflag:s0], $0x100  }
0x57: {  	p1 =	seq.s32 s10, $0x0;
	[sflag:s0] =	ssyncset.done $0x0  }
0x58: {  	s16 =	simm.s32 @!p1 $0xC;
	[sflag:s0] =	ssyncadd.s32 $0xFFFFFF00  }
0x59: {  	_ =	swait.ge @!p1 [sflag:s16], $0x4000  }
0x5a: {  	[sflag:s16] =	ssyncset.done @!p1 $0x0  }
0x5b: {  	s18 =	simm.s32 $0x100;
	[sflag:s16] =	ssyncadd.s32 @!p1 $0xFFFFC000  }
0x5c: {  	[tilespmem:s5], [sflag:$0xA] =	stream.indirect.gather [hbm4b:s3+s30], $0x80, s18, s30, $0xb8;
	[tilespmem:$0x1D080] =	vst v63  }
0x5d: {  	_ =	swait.ge [sflag:s6], $0x4000  }
0x5e: {  	[sflag:s6] =	ssyncset.done $0x0  }
0x5f: {  	[sflag:s6] =	ssyncadd.s32 $0xFFFFC000  }
0x60: {  	[spmem:s1] =	stream.indirect.scatter.add.f32 [tilespmem:s31], [sflag:$0xB], $0x80, s30, s30, $0xb8;
	[tilespmem:$0x1D080] =	vst v63  }
0x61: {  	s17 =	sadd.s32 s10, s23  }
0x62: {  	[tilespmem:s7], [sflag:$0x5] =	stream.linear.gather [hbm4b:s17+s2], $0x100, $0x38;
	[tilespmem:$0x1D080] =	vst v63  }
0x63: {  	_ =	swait.ge [sflag:s8], $0x100  }
0x64: {  	[sflag:s8] =	ssyncset.done $0x0  }
0x65: {  	[sflag:s8] =	ssyncadd.s32 $0xFFFFFF00  }
0x66: {  	_ =	swait.ge [sflag:s9], $0x4000  }
0x67: {  	[sflag:s9] =	ssyncset.done $0x0  }
0x68: {  	s18 =	simm.s32 $0x200;
	[sflag:s9] =	ssyncadd.s32 $0xFFFFC000  }
0x69: {  	[tilespmem:s31], [sflag:$0x9] =	stream.indirect.gather [hbm4b:s3+s30], $0x80, s18, s30, $0xb8;
	[tilespmem:$0x1D080] =	vst v63  }
0x6a: {  	_ =	swait.ge [sflag:s11], $0x4000  }
0x6b: {  	[sflag:s11] =	ssyncset.done $0x0  }
0x6c: {  	s17 =	simm.s32 $0x180;
	[sflag:s11] =	ssyncadd.s32 $0xFFFFC000  }
0x6d: {  	[spmem:s1] =	stream.indirect.scatter.add.f32 [tilespmem:s5], [sflag:$0xC], $0x80, s17, s30, $0xb8;
	[tilespmem:$0x1D080] =	vst v63  }
0x6e: {  	s18 =	sadd.s32 s10, s22  }
0x6f: {  	[tilespmem:s13], [sflag:$0x6] =	stream.linear.gather [hbm4b:s18+s2], $0x100, $0x38;
	[tilespmem:$0x1D080] =	vst v63  }
0x70: {  	_ =	swait.ge [sflag:s4], $0x100  }
0x71: {  	[sflag:s4] =	ssyncset.done $0x0  }
0x72: {  	[sflag:s4] =	ssyncadd.s32 $0xFFFFFF00  }
0x73: {  	_ =	swait.ge [sflag:s14], $0x4000  }
0x74: {  	[sflag:s14] =	ssyncset.done $0x0  }
0x75: {  	[sflag:s14] =	ssyncadd.s32 $0xFFFFC000  }
0x76: {  	[tilespmem:s5], [sflag:$0xA] =	stream.indirect.gather [hbm4b:s3+s30], $0x80, s26, s30, $0xb8;
	[tilespmem:$0x1D080] =	vst v63  }
0x77: {  	_ =	swait.ge [sflag:s6], $0x4000  }
0x78: {  	[sflag:s6] =	ssyncset.done $0x0  }
0x79: {  	s17 =	simm.s32 $0x280;
	[sflag:s6] =	ssyncadd.s32 $0xFFFFC000  }
0x7a: {  	[spmem:s1] =	stream.indirect.scatter.add.f32 [tilespmem:s31], [sflag:$0xB], $0x80, s17, s30, $0xb8;
	[tilespmem:$0x1D080] =	vst v63  }
0x7b: {  	s18 =	sadd.s32 s10, s21  }
0x7c: {  	[tilespmem:s29], [sflag:$0x7] =	stream.linear.gather [hbm4b:s18+s2], $0x100, $0x38;
	[tilespmem:$0x1D080] =	vst v63  }
0x7d: {  	_ =	swait.ge [sflag:s28], $0x100  }
0x7e: {  	[sflag:s28] =	ssyncset.done $0x0  }
0x7f: {  	[sflag:s28] =	ssyncadd.s32 $0xFFFFFF00  }
0x80: {  	_ =	swait.ge [sflag:s9], $0x4000  }
0x81: {  	[sflag:s9] =	ssyncset.done $0x0  }
0x82: {  	[sflag:s9] =	ssyncadd.s32 $0xFFFFC000  }
0x83: {  	[tilespmem:s31], [sflag:$0x9] =	stream.indirect.gather [hbm4b:s3+s30], $0x80, s7, s30, $0xb8;
	[tilespmem:$0x1D080] =	vst v63  }
0x84: {  	_ =	swait.ge [sflag:s11], $0x4000  }
0x85: {  	[sflag:s11] =	ssyncset.done $0x0  }
0x86: {  	s17 =	simm.s32 $0x380;
	[sflag:s11] =	ssyncadd.s32 $0xFFFFC000  }
0x87: {  	[spmem:s1] =	stream.indirect.scatter.add.f32 [tilespmem:s5], [sflag:$0xC], $0x80, s17, s30, $0xb8;
	[tilespmem:$0x1D080] =	vst v63  }
0x88: {  	s18 =	sadd.s32 s10, s20  }
0x89: {  	[tilespmem:s24], [sflag:$0x8] =	stream.linear.gather [hbm4b:s18+s2], $0x100, $0x38;
	[tilespmem:$0x1D080] =	vst v63  }
0x8a: {  	_ =	swait.ge [sflag:s25], $0x100  }
0x8b: {  	[sflag:s25] =	ssyncset.done $0x0  }
0x8c: {  	[sflag:s25] =	ssyncadd.s32 $0xFFFFFF00  }
0x8d: {  	_ =	swait.ge [sflag:s14], $0x4000  }
0x8e: {  	[sflag:s14] =	ssyncset.done $0x0  }
0x8f: {  	[sflag:s14] =	ssyncadd.s32 $0xFFFFC000  }
0x90: {  	[tilespmem:s5], [sflag:$0xA] =	stream.indirect.gather [hbm4b:s3+s30], $0x80, s13, s30, $0xb8;
	[tilespmem:$0x1D080] =	vst v63  }
0x91: {  	_ =	swait.ge [sflag:s6], $0x4000  }
0x92: {  	[sflag:s6] =	ssyncset.done $0x0  }
0x93: {  	p1 =	seq.s32 s10, $0x900;
	s17 =	simm.s32 $0x480;
	[sflag:s6] =	ssyncadd.s32 $0xFFFFC000  }
0x94: {  	[spmem:s1] =	stream.indirect.scatter.add.f32 [tilespmem:s31], [sflag:$0xB], $0x80, s17, s30, $0xb8;
	[tilespmem:$0x1D080] =	vst v63  }
0x95: {  	s16 =	sadd.s32 @!p1 s10, s19;
	s17 =	simm.s32 @!p1 $0x0  }
0x96: {  	[tilespmem:s17], [sflag:$0x1] =	stream.linear.gather @!p1 [hbm4b:s16+s17], $0x100, $0x38;
	[tilespmem:$0x1D080] =	vst v63  }
0x97: {  	_ =	swait.ge [sflag:s15], $0x100  }
0x98: {  	[sflag:s15] =	ssyncset.done $0x0  }
0x99: {  	[sflag:s15] =	ssyncadd.s32 $0xFFFFFF00  }
0x9a: {  	_ =	swait.ge [sflag:s9], $0x4000  }
0x9b: {  	[sflag:s9] =	ssyncset.done $0x0  }
0x9c: {  	[sflag:s9] =	ssyncadd.s32 $0xFFFFC000  }
0x9d: {  	[tilespmem:s31], [sflag:$0x9] =	stream.indirect.gather [hbm4b:s3+s30], $0x80, s29, s30, $0xb8;
	[tilespmem:$0x1D080] =	vst v63  }
0x9e: {  	_ =	swait.ge [sflag:s11], $0x4000  }
0x9f: {  	[sflag:s11] =	ssyncset.done $0x0  }
0xa0: {  	s18 =	simm.s32 $0x580;
	s16 =	rddreg [dreg:$0x11];
	[sflag:s11] =	ssyncadd.s32 $0xFFFFC000  }
0xa1: {  	[spmem:s1] =	stream.indirect.scatter.add.f32 [tilespmem:s5], [sflag:$0xC], $0x80, s18, s30, $0xb8;
	[tilespmem:$0x1D080] =	vst v63  }
0xa2: {  	s16 =	sadd.s32 @!p1 s10, s16;
	s18 =	simm.s32 @!p1 $0x100  }
0xa3: {  	[tilespmem:s18], [sflag:$0x2] =	stream.linear.gather @!p1 [hbm4b:s16+s17], $0x100, $0x38;
	[tilespmem:$0x1D080] =	vst v63  }
0xa4: {  	_ =	swait.ge [sflag:s12], $0x100  }
0xa5: {  	[sflag:s12] =	ssyncset.done $0x0  }
0xa6: {  	[sflag:s12] =	ssyncadd.s32 $0xFFFFFF00  }
0xa7: {  	_ =	swait.ge [sflag:s14], $0x4000  }
0xa8: {  	[sflag:s14] =	ssyncset.done $0x0  }
0xa9: {  	[sflag:s14] =	ssyncadd.s32 $0xFFFFC000  }
0xaa: {  	[tilespmem:s5], [sflag:$0xA] =	stream.indirect.gather [hbm4b:s3+s30], $0x80, s24, s30, $0xb8;
	[tilespmem:$0x1D080] =	vst v63  }
0xab: {  	_ =	swait.ge [sflag:s6], $0x4000  }
0xac: {  	[sflag:s6] =	ssyncset.done $0x0  }
0xad: {  	s18 =	simm.s32 $0x680;
	s16 =	simm.s32 @p1 $0xB;
	[sflag:s6] =	ssyncadd.s32 $0xFFFFC000  }
0xae: {  	[spmem:s1] =	stream.indirect.scatter.add.f32 [tilespmem:s31], [sflag:$0xB], $0x80, s18, s30, $0xb8;
	[tilespmem:$0x1D080] =	vst v63  }
0xaf: {  	_ =	swait.ge @p1 [sflag:s16], $0x4000  }
0xb0: {  	[sflag:s16] =	ssyncset.done @p1 $0x0  }
0xb1: {  	[sflag:s16] =	ssyncadd.s32 @p1 $0xFFFFC000;
	s16 =	rddreg [dreg:$0x10]  }
0xb2: {  	s18 =	simm.s32 @!p1 $0x200;
	s16 =	sadd.s32 @!p1 s10, s16  }
0xb3: {  	[tilespmem:s18], [sflag:$0x3] =	stream.linear.gather @!p1 [hbm4b:s16+s17], $0x100, $0x38;
	[tilespmem:$0x1D080] =	vst v63  }
0xb4: {  	s16 =	simm.s32 @!p1 $0x1  }
0xb5: {  	_ =	swait.ge @!p1 [sflag:s16], $0x100  }
0xb6: {  	[sflag:s16] =	ssyncset.done @!p1 $0x0  }
0xb7: {  	[sflag:s16] =	ssyncadd.s32 @!p1 $0xFFFFFF00;
	s16 =	simm.s32 @!p1 $0xB  }
0xb8: {  	_ =	swait.ge @!p1 [sflag:s16], $0x4000  }
0xb9: {  	[sflag:s16] =	ssyncset.done @!p1 $0x0  }
0xba: {  	s18 =	simm.s32 @!p1 $0x800;
	[sflag:s16] =	ssyncadd.s32 @!p1 $0xFFFFC000;
	s16 =	simm.s32 @!p1 $0x80  }
0xbb: {  	[tilespmem:s18], [sflag:$0x9] =	stream.indirect.gather @!p1 [hbm4b:s3+s16], $0x80, s17, s16, $0xb8;
	[tilespmem:$0x1D080] =	vst v63  }
.Ltmp2:
0xbc: {  	_ = 	snop;
	(pc) =	sbr.rel @p1 .LBB2_4-.Ltmp2, $4  }
0xbd: {  	_ =	swait.ge [sflag:s11], $0x4000  }
0xbe: {  	[sflag:s11] =	ssyncset.done $0x0  }
0xbf: {  	s18 =	simm.s32 $0x780;
	[sflag:s11] =	ssyncadd.s32 $0xFFFFC000  }
0xc0: {  	[spmem:s1] =	stream.indirect.scatter.add.f32 [tilespmem:s5], [sflag:$0xC], $0x80, s18, s30, $0xb8;
	[tilespmem:$0x1D080] =	vst v63  }
.Ltmp3:
0xc1: {  	(pc) =	sbr.rel .LBB2_2-.Ltmp3, $4  }
0xc2: {  	_ = 	snop  }
0xc3: {  	s16 =	rddreg [dreg:$0xf]  }
0xc4: {  	s16 =	sadd.s32 s10, s16;
	s10 =	sadd.s32 $0x100, s10  }
0xc5: {  	[tilespmem:s26], [sflag:$0x4] =	stream.linear.gather [hbm4b:s16+s2], $0x100, $0x38;
	[tilespmem:$0x1D080] =	vst v63  }
.LBB2_5:
0xc6: {  	_ =	sfence.sel $0x180000  }
0xc7: {  	[bflag:$0x0] =	sbarrier.arrive $0xFFFF  }
0xc8: {  	_ =	strace $0x9000004A  }
0xc9: {  	[bflag:$0x2] =	sbarrier.arrive $0xFFFF  }
0xca: {  	s0 =	rddreg [dreg:$0x2]  }
0xcb: {  	s0 =	sadd.s32 @!p0 $0x100000, s0  }
0xcc: {  	[sflag:s0] =	ssyncadd.tile.s32 @!p0 $0x1;
	_ =	shalt  }
.Lfunc_end2:
_tile_overlayer_lowered:
.L_overlay_start_2:
0xcd: {  	(tag) =	ssettag $0x2  }
0xce: {  	s0 =	rddreg [dreg:$0x0];
	s2 =	stileid.u32  }
0xcf: {  	s1 =	rddreg [dreg:$0x1];
	p0 =	sne.s32 s2, $0x0  }
0xd0: {  	s3 =	rddreg [dreg:$0x2];
	[bflag:$0x3] =	sbarrier.arrive $0xFFFF;
	s2 =	simm.s32 @!p0 $0x1C0D  }
0xd1: {  	[timem:s3], [sflag:s2] =	dma.local @!p0 [hbm:s0], s1  }
0xd2: {  	s0 =	simm.s32 @!p0 $0xD  }
0xd3: {  	_ =	swait.ge @!p0 [sflag:s0], s1  }
0xd4: {  	s1 =	ssub.s32 @!p0 $0x0, s1;
	[sflag:s0] =	ssyncset.done @!p0 $0x0  }
0xd5: {  	[sflag:s0] =	ssyncadd.s32 @!p0 s1  }
0xd6: {  	[bflag:$0x3] =	sbarrier.arrive $0xFFFF  }
0xd7: {  	_ =	shalt  }

// kernel: kernel.16.cloned.1.call-start
scs
__scs_entry_jumppad:
0x0: {  	(pc) =	sbr.rel $0x88, $3  }
0x1: {  	(tag) =	ssettag $0x0;
	lr =	simm.s32 $0x1  }
0x2: {  	[smem:$0x3F85] =	sst lr;
	_ =	strace $0xD0000000  }
0x3: {  	_ = 	snop  }
0x4: {  	_ = 	snop  }
0x5: {  	_ = 	snop  }
0x6: {  	_ = 	snop  }
0x7: {  	_ = 	snop  }
__scs_overlays_trampoline_lowered:
0x8: {  	[smem:$0x3F94] =	sst s0  }
0x9: {  	[smem:$0x3F95] =	sst s1  }
0xa: {  	[smem:$0x3F96] =	sst s2  }
0xb: {  	[smem:$0x3F97] =	sst s3  }
0xc: {  	[smem:$0x3F98] =	sst s4  }
0xd: {  	[smem:$0x3F99] =	sst s5  }
0xe: {  	[smem:$0x3F9A] =	sst s6  }
0xf: {  	[smem:$0x3F9B] =	sst s7  }
0x10: {  	[smem:$0x3F9C] =	sst s8  }
0x11: {  	[smem:$0x3F9D] =	sst s9;
	s0 =	simm.s32 @!p0 $0x0  }
0x12: {  	s1 =	sld [smem:$0x3F83];
	s0 =	simm.s32 @p0 $0x1  }
0x13: {  	[smem:$0x3F9E] =	sst s0;
	s0 =	simm.s32 @!p1 $0x0  }
0x14: {  	s2 =	sld [smem:$0x3F82];
	s0 =	simm.s32 @p1 $0x1  }
0x15: {  	[smem:$0x3F9F] =	sst s0;
	s0 =	simm.s32 @!p2 $0x0  }
0x16: {  	s3 =	sld [smem:$0x3FDB];
	s0 =	simm.s32 @p2 $0x1  }
0x17: {  	s4 =	simm.s32 $0x1BF5;
	[smem:$0x3FA1] =	sst s0  }
0x18: {  	s0 =	sld [smem:$0x3F84];
	_ =	swait.ge [sflag:s4], $0x0  }
0x19: {  	s7 =	sld [smem:$0x3F85]  }
0x1a: {  	s8 =	sadd.s32 $0xFFFFE003, lr  }
0x1b: {  	s9 =	sadd.s32 $0xFFFFFEF7, lr;
	s5 =	simm.s32 $0xFFFFFFFF;
	p2 =	slt.u32 s8, $0xFFFFF086  }
0x1c: {  	p1 =	slt.u32 s9, $0xF7A;
	s5 =	simm.s32 @!p2 $0x0  }
0x1d: {  	s5 =	simm.s32 @p1 $0x1;
	p0 =	seq.s32 s7, s2  }
0x1e: {  	s7 =	smul.u32 @!p0 $0xF7A, s2;
	p2 =	seq.s32 @!p0 s5, $0x0  }
0x1f: {  	s9 =	smul.u32 $0xF7A, s1;
	s8 =	simm.s32 @!p0 $0x1BF5;
	p2 =	por !p2, p0  }
0x20: {  	[sflag:s8] =	ssyncset.s32 @!p0 $0xFFFFF086;
	s6 =	sadd.s32 @!p0 s3, s7;
	s7 =	simm.s32 @!p0 $0x108  }
0x21: {  	s3 =	sadd.s32 s3, s9;
	s6 =	sadd.s32 @!p0 $0x88, s6;
	s7 =	simm.s32 @p2 $0x1082  }
0x22: {  	[simem:s7], [sflag:s8] =	dma.local @!p0 [hbm:s6], $0xF7A  }
0x23: {  	s9 =	sor.u32 $0xD0000000, s2;
	s6 =	simm.s32 $0x108;
	_ =	swait.ge @!p0 [sflag:s8], $0x0  }
0x24: {  	s3 =	sadd.s32 $0x88, s3;
	s6 =	simm.s32 @!p1 $0x1082;
	[sflag:s4] =	ssyncset.s32 $0xFFFFF086  }
0x25: {  	[simem:s6], [sflag:s4] =	dma.local [hbm:s3], $0xF7A  }
0x26: {  	[smem:$0x3F85] =	sst s1;
	(tag) =	ssettag s2;
	_ =	strace s9  }
0x27: {  	s1 =	sld [smem:$0x3F95]  }
0x28: {  	s2 =	sld [smem:$0x3F96]  }
0x29: {  	s4 =	sld [smem:$0x3F98]  }
0x2a: {  	p0 =	seq.s32 s5, $0x0;
	s5 =	sld [smem:$0x3F99]  }
0x2b: {  	s6 =	sld [smem:$0x3F9A]  }
0x2c: {  	s7 =	sld [smem:$0x3F9B]  }
0x2d: {  	s3 =	simm.s32 $0x108;
	s8 =	sld [smem:$0x3F9C]  }
0x2e: {  	s3 =	simm.s32 @!p0 $0x1082;
	s9 =	sld [smem:$0x3F9D]  }
0x2f: {  	lr =	sadd.s32 s0, s3;
	s0 =	sld [smem:$0x3F94]  }
0x30: {  	s3 =	sld [smem:$0x3F97]  }
0x31: {  	[smem:$0x3FA0] =	sst s10  }
0x32: {  	s10 =	sld [smem:$0x3F9E];
	_ =	sdelay $0x3  }
0x33: {  	p0 =	seq.s32 s10, $0x1;
	s10 =	sld [smem:$0x3FA0];
	_ =	sdelay $0x3  }
0x34: {  	[smem:$0x3FA0] =	sst s10  }
0x35: {  	s10 =	sld [smem:$0x3F9F];
	_ =	sdelay $0x3  }
0x36: {  	p1 =	seq.s32 s10, $0x1;
	s10 =	sld [smem:$0x3FA0];
	_ =	sdelay $0x3  }
0x37: {  	[smem:$0x3FA0] =	sst s10  }
0x38: {  	s10 =	sld [smem:$0x3FA1]  }
0x39: {  	_ = 	snop;
	(pc) =	sbr.ind lr, $3  }
0x3a: {  	_ = 	snop  }
0x3b: {  	_ = 	snop  }
0x3c: {  	p2 =	seq.s32 s10, $0x1;
	s10 =	sld [smem:$0x3FA0]  }
0x3d: {  	_ =	shalt  }
0x3e: {  	_ =	shalt  }
0x3f: {  	_ =	shalt  }
0x40: {  	_ =	shalt  }
0x41: {  	_ =	shalt  }
0x42: {  	_ =	shalt  }
0x43: {  	_ =	shalt  }
0x44: {  	_ =	shalt  }
0x45: {  	_ =	shalt  }
0x46: {  	_ =	shalt  }
0x47: {  	_ =	shalt  }
0x48: {  	_ =	shalt  }
0x49: {  	_ =	shalt  }
0x4a: {  	_ =	shalt  }
0x4b: {  	_ =	shalt  }
0x4c: {  	_ =	shalt  }
0x4d: {  	_ =	shalt  }
0x4e: {  	_ =	shalt  }
0x4f: {  	_ =	shalt  }
0x50: {  	_ =	shalt  }
0x51: {  	_ =	shalt  }
0x52: {  	_ =	shalt  }
0x53: {  	_ =	shalt  }
0x54: {  	_ =	shalt  }
0x55: {  	_ =	shalt  }
0x56: {  	_ =	shalt  }
0x57: {  	_ =	shalt  }
0x58: {  	_ =	shalt  }
0x59: {  	_ =	shalt  }
0x5a: {  	_ =	shalt  }
0x5b: {  	_ =	shalt  }
0x5c: {  	_ =	shalt  }
0x5d: {  	_ =	shalt  }
0x5e: {  	_ =	shalt  }
0x5f: {  	_ =	shalt  }
0x60: {  	_ =	shalt  }
0x61: {  	_ =	shalt  }
0x62: {  	_ =	shalt  }
0x63: {  	_ =	shalt  }
0x64: {  	_ =	shalt  }
0x65: {  	_ =	shalt  }
0x66: {  	_ =	shalt  }
0x67: {  	_ =	shalt  }
0x68: {  	_ =	shalt  }
0x69: {  	_ =	shalt  }
0x6a: {  	_ =	shalt  }
0x6b: {  	_ =	shalt  }
0x6c: {  	_ =	shalt  }
0x6d: {  	_ =	shalt  }
0x6e: {  	_ =	shalt  }
0x6f: {  	_ =	shalt  }
0x70: {  	_ =	shalt  }
0x71: {  	_ =	shalt  }
0x72: {  	_ =	shalt  }
0x73: {  	_ =	shalt  }
0x74: {  	_ =	shalt  }
0x75: {  	_ =	shalt  }
0x76: {  	_ =	shalt  }
0x77: {  	_ =	shalt  }
0x78: {  	_ =	shalt  }
0x79: {  	_ =	shalt  }
0x7a: {  	_ =	shalt  }
0x7b: {  	_ =	shalt  }
0x7c: {  	_ =	shalt  }
0x7d: {  	_ =	shalt  }
0x7e: {  	_ =	shalt  }
0x7f: {  	_ =	shalt  }
0x80: {  	_ =	shalt  }
0x81: {  	_ =	shalt  }
0x82: {  	_ =	shalt  }
0x83: {  	_ =	shalt  }
0x84: {  	_ =	shalt  }
0x85: {  	_ =	shalt  }
0x86: {  	_ =	shalt  }
0x87: {  	_ =	shalt  }
.Lfunc_end0:
.L_simem_size_0:
called_computation.2_lowered:
.L_overlay_start_0:
0x88: {  	s2 =	sld [smem:$0x3FD9]  }
0x89: {  	s3 =	sld [smem:$0x3FFE];
	_ =	sdelay $0x1  }
0x8a: {  	s1 =	srdreg.scid  }
0x8b: {  	s0 =	sand.u32 $0x1, s1  }
0x8c: {  	s16 =	sshll.u32 s0, $0xA;
	s2 =	sadd.s32 s3, s2  }
0x8d: {  	s2 =	sadd.s32 s2, s16  }
0x8e: {  	[smem:$0x3FAC] =	sst s2  }
0x8f: {  	_ = 	snop  }
0x90: {  	(tm) =	ssettm $0x1  }
0x91: {  	s17 =	sld [smem:$0x3FFB];
	_ =	sdelay $0x3  }
0x92: {  	_ =	strace s17  }
0x93: {  	s2 =	sld [smem:$0x3FFC];
	_ =	sdelay $0x3  }
0x94: {  	_ =	strace s2  }
0x95: {  	s2 =	sld [smem:$0x3FFD];
	_ =	sdelay $0x3  }
0x96: {  	_ =	strace s2  }
0x97: {  	_ =	strace $0x8FFFFFFF  }
0x98: {  	s18 =	sld [smem:$0x3FDB];
	_ =	sdelay $0x1  }
0x99: {  	s19 =	simm.s32 $_scs_section_size  }
0x9a: {  	s4 =	simm.s32 $_size__tile_overlayer_lowered;
	s5 =	simm.s32 $_tile_overlayer_lowered  }
0x9b: {  	s22 =	simm.s32 $0x1BFF;
	s21 =	sshll.u32 s5, $0x1;
	s2 =	sadd.s32 s19, s18  }
0x9c: {  	s6 =	simm.s32 $0x0;
	s20 =	sshll.u32 s4, $0x1;
	s4 =	sadd.s32 s21, s2  }
0x9d: {  	[timem:s6], [sflag:s22] =	dma.local [hbm:s4], s20  }
0x9e: {  	_ =	swait.ge [sflag:s22], s20  }
0x9f: {  	s3 =	ssub.s32 $0x0, s20;
	[sflag:s22] =	ssyncset.done $0x0  }
0xa0: {  	[sflag:s22] =	ssyncadd.s32 s3;
	_ =	sdelay $0x1  }
0xa1: {  	s23 =	simm.s32 $0x1B8B  }
0xa2: {  	_ =	swait.ge [sflag:s23], $0x1  }
0xa3: {  	[sflag:s23] =	ssyncset.done $0x0  }
0xa4: {  	s25 =	simm.s32 $0x1B8E;
	s24 =	sld [smem:$0x3FFE];
	[sflag:s23] =	ssyncadd.s32 $0xFFFFFFFF  }
0xa5: {  	s26 =	simm.s32 $execute0_lowered;
	[smem:$0x3FD2] =	sst s25  }
0xa6: {  	s4 =	sshll.u32 s26, $0x1;
	_ =	strace $0x8000004C;
	[dreg:$0x1] =	wrdreg $0xFFFFFFFF  }
0xa7: {  	s28 =	simm.s32 $_size_execute0_lowered;
	s2 =	sadd.s32 s2, s4;
	[dreg:$0x0] =	wrdreg $0x0  }
0xa8: {  	s4 =	sshll.u32 s28, $0x1;
	[dreg:$0x2] =	wrdreg s2  }
0xa9: {  	[dreg:$0x3] =	wrdreg s4  }
0xaa: {  	[dreg:$0x4] =	wrdreg $0xC0  }
0xab: {  	_ =	task [dreg:s6], $0x5FFFF  }
0xac: {  	[dreg:$0x1] =	wrdreg $0xFFFFFFFF  }
0xad: {  	[dreg:$0x0] =	wrdreg $0x60  }
0xae: {  	[dreg:$0x2] =	wrdreg s24  }
0xaf: {  	[dreg:$0x3] =	wrdreg $0x88000  }
0xb0: {  	[dreg:$0x4] =	wrdreg $0x9  }
0xb1: {  	_ =	task.clear_ibuf [dreg:s6], $0x5FFFF;
	_ =	strace $0x9000004C  }
0xb2: {  	s29 =	simm.s32 $0x9;
	_ =	strace $0x8000004E  }
0xb3: {  	_ =	swait.ge [sflag:s29], $0x1  }
0xb4: {  	[sflag:s29] =	ssyncadd.s32 $0xFFFFFFFF  }
0xb5: {  	_ =	strace $0x9000004E  }
0xb6: {  	_ =	sfence  }
0xb7: {  	s30 =	sld [smem:$0x0];
	_ =	sdelay $0x2  }
0xb8: {  	s31 =	sshll.u32 s1, $0xD;
	s1 =	sshrl.u32 s1, $0x2  }
0xb9: {  	s3 =	sand.u32 $0x4000, s31;
	s1 =	sadd.s32 s1, s30  }
0xba: {  	s0 =	sor.u32 s3, s0;
	s1 =	sshll.u32 s1, $0x11  }
0xbb: {  	s0 =	sor.u32 s1, s0  }
0xbc: {  	s0 =	sadd.s32 $0x8F2B, s0  }
0xbd: {  	[sflag:s0] =	ssyncadd.remote.s32 $0x1  }
0xbe: {  	_ =	sfence.sel $0xFFFF  }
0xbf: {  	[dreg:$0x0] =	wrdreg $0xFFFFFFFF;
	(pc) =	sbr.abs _section_cstart, $3  }
0xc0: {  	[dreg:$0x1] =	wrdreg $0xFFFFFFFF  }
0xc1: {  	_ =	task.clear_ibuf [dreg:s6], $0x2FFFF;
	_ =	strace $0x9FFFFFFF  }
0xc2: {  	(tm) =	ssettm $0x7FFFFFFF  }
0xc3: {  	_ =	shalt  }
tec
execute0_lowered:
.L_overlay_start_1:
0x0: {  	(tag) =	ssettag $0x1  }
0x1: {  	s4 =	rddreg [dreg:$0x0]  }
0x2: {  	s1 =	rddreg [dreg:$0x1]  }
0x3: {  	s2 =	simm.s32 $0x0;
	s0 =	stileid.u32;
	s3 =	srdreg.scid  }
0x4: {  	s30 =	simm.s32 $0x80;
	s31 =	simm.s32 $0x800;
	s29 =	simm.s32 $0x600  }
0x5: {  	s28 =	simm.s32 $0x5;
	s5 =	smul.u32 $0x13800, s0;
	s6 =	sand.u32 $0x1, s3  }
0x6: {  	s23 =	sshll.u32 s0, $0x1;
	[smem:$0x7FF] =	sst s2;
	s9 =	sadd.s32 $0x5000, s4  }
0x7: {  	s10 =	sadd.s32 $0x69400, s4;
	s24 =	smul.u32 $0x4E000, s0;
	s16 =	sshll.u32 s0, $0x6  }
0x8: {  	s17 =	smul.u32 $0xA000, s0;
	s19 =	sadd.s32 $0x138000, s1;
	p0 =	sne.s32 s0, $0x0  }
0x9: {  	s0 =	simm.s32 $0x2;
	s3 =	sor.u32 s6, s23;
	_ =	strace $0x8000004D  }
0xa: {  	s11 =	ssub.s32 $0x2, s6;
	s15 =	smul.u32 $0x138800, s6;
	s18 =	sor.u32 $0x1C0D, s16  }
0xb: {  	s6 =	smul.u32 $0x5000, s6;
	[dreg:$0xa] =	wrdreg s19;
	s7 =	sshrl.u32 s5, $0x3  }
0xc: {  	s8 =	smul.u32 $0x5000, s3;
	s3 =	sadd.s32 $0x42200, s4;
	s12 =	sshrl.u32 s11, $0x1  }
0xd: {  	[dreg:$0x9] =	wrdreg s18;
	s18 =	simm.s32 $0xD;
	s7 =	sadd.s32 s7, s4  }
0xe: {  	s11 =	ssub.s32 s11, s12;
	s4 =	sadd.s32 $0x40000, s4;
	s20 =	sadd.s32 s5, s15  }
0xf: {  	s21 =	sshrl.u32 s15, $0x3;
	s6 =	sadd.s32 s6, s17;
	s17 =	simm.s32 $0x0  }
0x10: {  	s8 =	sshrl.u32 s8, $0x3;
	s7 =	sadd.s32 $0x19000, s7;
	[dreg:$0xb] =	wrdreg s4  }
0x11: {  	s4 =	sshrl.u32 s20, $0x3;
	s22 =	sadd.s32 s10, s21;
	[dreg:$0x12] =	wrdreg s17  }
0x12: {  	s23 =	sor.u32 $0xB00, s6;
	s13 =	sadd.s32 s9, s8;
	[dreg:$0x8] =	wrdreg s7  }
0x13: {  	s12 =	sor.u32 $0x700, s6;
	s4 =	sadd.s32 s10, s4;
	[dreg:$0x3] =	wrdreg s13  }
0x14: {  	s15 =	sor.u32 $0x500, s6;
	s25 =	sadd.s32 $0x20, s13;
	[dreg:$0xc] =	wrdreg s4  }
0x15: {  	s8 =	sshrl.u32 s24, $0x2;
	s26 =	sadd.s32 $0x40, s13;
	[dreg:$0x4] =	wrdreg s25  }
0x16: {  	s24 =	sshrl.u32 s23, $0x3;
	s14 =	sadd.s32 $0x60, s13;
	[dreg:$0x5] =	wrdreg s26  }
0x17: {  	s10 =	sor.u32 $0x900, s6;
	s8 =	sadd.s32 s8, s1;
	[dreg:$0x6] =	wrdreg s14  }
0x18: {  	s7 =	simm.s32 $0x400;
	s4 =	sadd.s32 $0x27000, s22;
	[dreg:$0x7] =	wrdreg s8  }
0x19: {  	s13 =	sshrl.u32 s12, $0x3;
	s12 =	simm.s32 $0x8;
	[dreg:$0xd] =	wrdreg s4  }
0x1a: {  	s25 =	sor.u32 $0xA00, s6;
	s26 =	smax.u32 s11, $0x1;
	s4 =	sadd.s32 s24, s9  }
0x1b: {  	s11 =	sor.u32 $0x800, s6;
	s20 =	sadd.s32 s13, s9;
	s14 =	sor.u32 $0x600, s6  }
0x1c: {  	s6 =	sor.u32 $0x400, s6;
	s13 =	simm.s32 $0x500;
	[dreg:$0xe] =	wrdreg s26  }
0x1d: {  	s24 =	simm.s32 $0x700;
	[dreg:$0xf] =	wrdreg s4;
	s8 =	sshrl.u32 s25, $0x3  }
0x1e: {  	s5 =	sshrl.u32 s11, $0x3;
	s16 =	sshrl.u32 s6, $0x3;
	s26 =	simm.s32 $0x300  }
0x1f: {  	s6 =	simm.s32 $0x9;
	s11 =	simm.s32 $0xA;
	s25 =	simm.s32 $0x6  }
0x20: {  	s4 =	sadd.s32 s8, s9;
	s19 =	sadd.s32 s5, s9;
	s5 =	sshrl.u32 s15, $0x3  }
.Ltmp0:
0x21: {  	s23 =	sadd.s32 s16, s9;
	s8 =	simm.s32 $0x3;
	(pc) =	sbr.rel .LBB2_1-.Ltmp0, $4  }
0x22: {  	s15 =	simm.s32 $0x7;
	[dreg:$0x10] =	wrdreg s4;
	s4 =	sshrl.u32 s10, $0x3  }
0x23: {  	s22 =	sadd.s32 s5, s9;
	s5 =	simm.s32 $0x4800;
	s4 =	sadd.s32 s4, s9  }
0x24: {  	[dreg:$0x11] =	wrdreg s4;
	s4 =	sshrl.u32 s14, $0x3;
	s14 =	simm.s32 $0xC  }
0x25: {  	s21 =	sadd.s32 s4, s9;
	s9 =	simm.s32 $0xB;
	s4 =	simm.s32 $0x4  }
.LBB2_4:
0x26: {  	_ =	swait.ge [sflag:s14], $0x4000  }
0x27: {  	[sflag:s14] =	ssyncset.done $0x0  }
0x28: {  	[sflag:s14] =	ssyncadd.s32 $0xFFFFC000  }
0x29: {  	[bflag:$0x0] =	sbarrier.arrive $0xFFFF  }
0x2a: {  	s17 =	rddreg [dreg:$0x9]  }
0x2b: {  	s10 =	rddreg [dreg:$0xc]  }
0x2c: {  	s18 =	simm.s32 $0xD;
	s16 =	rddreg [dreg:$0x13]  }
0x2d: {  	[hbm:s10], [sflag:s17] =	dma.local [spmem:s16], $0x2700  }
0x2e: {  	_ =	swait.ge [sflag:s18], $0x2700  }
0x2f: {  	[sflag:s18] =	ssyncset.done $0x0;
	s10 =	rddreg [dreg:$0xd]  }
0x30: {  	s16 =	rddreg [dreg:$0x14];
	[sflag:s18] =	ssyncadd.s32 $0xFFFFD900  }
0x31: {  	[hbm:s10], [sflag:s17] =	dma.local @!p0 [spmem:s16], $0x100  }
0x32: {  	s10 =	simm.s32 @!p0 $0xD  }
0x33: {  	_ =	swait.ge @!p0 [sflag:s10], $0x100  }
0x34: {  	s17 =	rddreg [dreg:$0x12]  }
0x35: {  	s16 =	sadd.s32 $0x1, s17;
	s17 =	rddreg [dreg:$0xe]  }
0x36: {  	p1 =	sne.s32 s16, s17  }
.Ltmp1:
0x37: {  	_ = 	snop;
	(pc) =	sbr.rel @!p1 .LBB2_5-.Ltmp1, $3  }
0x38: {  	_ =	sdelay $0x1  }
0x39: {  	[sflag:s10] =	ssyncset.done @!p0 $0x0  }
0x3a: {  	[sflag:s10] =	ssyncadd.s32 @!p0 $0xFFFFFF00;
	[dreg:$0x12] =	wrdreg s16  }
.LBB2_1:
0x3b: {  	s10 =	rddreg [dreg:$0x3]  }
0x3c: {  	s16 =	rddreg [dreg:$0x4]  }
0x3d: {  	[tilespmem:s2], [sflag:$0x1] =	stream.linear.gather [hbm4b:s10+s2], $0x100, $0x38;
	[tilespmem:$0x1D080] =	vst v63  }
0x3e: {  	s17 =	simm.s32 $0x100;
	s10 =	rddreg [dreg:$0x8]  }
0x3f: {  	[tilespmem:s17], [sflag:$0x2] =	stream.linear.gather [hbm4b:s16+s2], $0x100, $0x38;
	[tilespmem:$0x1D080] =	vst v63  }
0x40: {  	s17 =	rddreg [dreg:$0x5];
	s16 =	simm.s32 $0x200  }
0x41: {  	[tilespmem:s16], [sflag:$0x3] =	stream.linear.gather [hbm4b:s17+s2], $0x100, $0x38;
	[tilespmem:$0x1D080] =	vst v63  }
0x42: {  	s16 =	rddreg [dreg:$0x6]  }
0x43: {  	s17 =	rddreg [dreg:$0x7]  }
0x44: {  	[tilespmem:s26], [sflag:$0x4] =	stream.linear.gather [hbm4b:s16+s2], $0x100, $0x38;
	[tilespmem:$0x1D080] =	vst v63  }
0x45: {  	s16 =	sshrl.u32 s17, $0x3;
	s17 =	rddreg [dreg:$0x9]  }
0x46: {  	[dreg:$0x13] =	wrdreg s16  }
0x47: {  	[spmem:s16], [sflag:s17] =	dma.local [hbm:s10], $0x2700  }
0x48: {  	_ =	swait.ge [sflag:s18], $0x2700  }
0x49: {  	s10 =	rddreg [dreg:$0xa]  }
0x4a: {  	[sflag:s18] =	ssyncset.done $0x0;
	s16 =	sshrl.u32 @!p0 s10, $0x3;
	s10 =	rddreg [dreg:$0xb]  }
0x4b: {  	[sflag:s18] =	ssyncadd.s32 $0xFFFFD900;
	[dreg:$0x14] =	wrdreg s16  }
0x4c: {  	[spmem:s16], [sflag:s17] =	dma.local @!p0 [hbm:s10], $0x2100  }
0x4d: {  	s10 =	simm.s32 @!p0 $0xD  }
0x4e: {  	_ =	swait.ge @!p0 [sflag:s10], $0x2100  }
0x4f: {  	[sflag:s10] =	ssyncset.done @!p0 $0x0  }
0x50: {  	[sflag:s10] =	ssyncadd.s32 @!p0 $0xFFFFDF00  }
0x51: {  	s18 =	simm.s32 $0x1;
	[bflag:$0x0] =	sbarrier.arrive $0xFFFF  }
0x52: {  	_ =	swait.ge [sflag:s18], $0x100  }
0x53: {  	[sflag:s18] =	ssyncset.done $0x0  }
0x54: {  	s10 =	simm.s32 $0x0;
	[sflag:s18] =	ssyncadd.s32 $0xFFFFFF00  }
0x55: {  	[tilespmem:s31], [sflag:$0x9] =	stream.indirect.gather [hbm4b:s3+s30], $0x80, s2, s30, $0xb8;
	[tilespmem:$0x1D080] =	vst v63  }
.LBB2_2:
0x56: {  	_ =	swait.ge [sflag:s0], $0x100  }
0x57: {  	p1 =	seq.s32 s10, $0x0;
	[sflag:s0] =	ssyncset.done $0x0  }
0x58: {  	s16 =	simm.s32 @!p1 $0xC;
	[sflag:s0] =	ssyncadd.s32 $0xFFFFFF00  }
0x59: {  	_ =	swait.ge @!p1 [sflag:s16], $0x4000  }
0x5a: {  	[sflag:s16] =	ssyncset.done @!p1 $0x0  }
0x5b: {  	s18 =	simm.s32 $0x100;
	[sflag:s16] =	ssyncadd.s32 @!p1 $0xFFFFC000  }
0x5c: {  	[tilespmem:s5], [sflag:$0xA] =	stream.indirect.gather [hbm4b:s3+s30], $0x80, s18, s30, $0xb8;
	[tilespmem:$0x1D080] =	vst v63  }
0x5d: {  	_ =	swait.ge [sflag:s6], $0x4000  }
0x5e: {  	[sflag:s6] =	ssyncset.done $0x0  }
0x5f: {  	[sflag:s6] =	ssyncadd.s32 $0xFFFFC000  }
0x60: {  	[spmem:s1] =	stream.indirect.scatter.add.f32 [tilespmem:s31], [sflag:$0xB], $0x80, s30, s30, $0xb8;
	[tilespmem:$0x1D080] =	vst v63  }
0x61: {  	s17 =	sadd.s32 s10, s23  }
0x62: {  	[tilespmem:s7], [sflag:$0x5] =	stream.linear.gather [hbm4b:s17+s2], $0x100, $0x38;
	[tilespmem:$0x1D080] =	vst v63  }
0x63: {  	_ =	swait.ge [sflag:s8], $0x100  }
0x64: {  	[sflag:s8] =	ssyncset.done $0x0  }
0x65: {  	[sflag:s8] =	ssyncadd.s32 $0xFFFFFF00  }
0x66: {  	_ =	swait.ge [sflag:s9], $0x4000  }
0x67: {  	[sflag:s9] =	ssyncset.done $0x0  }
0x68: {  	s18 =	simm.s32 $0x200;
	[sflag:s9] =	ssyncadd.s32 $0xFFFFC000  }
0x69: {  	[tilespmem:s31], [sflag:$0x9] =	stream.indirect.gather [hbm4b:s3+s30], $0x80, s18, s30, $0xb8;
	[tilespmem:$0x1D080] =	vst v63  }
0x6a: {  	_ =	swait.ge [sflag:s11], $0x4000  }
0x6b: {  	[sflag:s11] =	ssyncset.done $0x0  }
0x6c: {  	s17 =	simm.s32 $0x180;
	[sflag:s11] =	ssyncadd.s32 $0xFFFFC000  }
0x6d: {  	[spmem:s1] =	stream.indirect.scatter.add.f32 [tilespmem:s5], [sflag:$0xC], $0x80, s17, s30, $0xb8;
	[tilespmem:$0x1D080] =	vst v63  }
0x6e: {  	s18 =	sadd.s32 s10, s22  }
0x6f: {  	[tilespmem:s13], [sflag:$0x6] =	stream.linear.gather [hbm4b:s18+s2], $0x100, $0x38;
	[tilespmem:$0x1D080] =	vst v63  }
0x70: {  	_ =	swait.ge [sflag:s4], $0x100  }
0x71: {  	[sflag:s4] =	ssyncset.done $0x0  }
0x72: {  	[sflag:s4] =	ssyncadd.s32 $0xFFFFFF00  }
0x73: {  	_ =	swait.ge [sflag:s14], $0x4000  }
0x74: {  	[sflag:s14] =	ssyncset.done $0x0  }
0x75: {  	[sflag:s14] =	ssyncadd.s32 $0xFFFFC000  }
0x76: {  	[tilespmem:s5], [sflag:$0xA] =	stream.indirect.gather [hbm4b:s3+s30], $0x80, s26, s30, $0xb8;
	[tilespmem:$0x1D080] =	vst v63  }
0x77: {  	_ =	swait.ge [sflag:s6], $0x4000  }
0x78: {  	[sflag:s6] =	ssyncset.done $0x0  }
0x79: {  	s17 =	simm.s32 $0x280;
	[sflag:s6] =	ssyncadd.s32 $0xFFFFC000  }
0x7a: {  	[spmem:s1] =	stream.indirect.scatter.add.f32 [tilespmem:s31], [sflag:$0xB], $0x80, s17, s30, $0xb8;
	[tilespmem:$0x1D080] =	vst v63  }
0x7b: {  	s18 =	sadd.s32 s10, s21  }
0x7c: {  	[tilespmem:s29], [sflag:$0x7] =	stream.linear.gather [hbm4b:s18+s2], $0x100, $0x38;
	[tilespmem:$0x1D080] =	vst v63  }
0x7d: {  	_ =	swait.ge [sflag:s28], $0x100  }
0x7e: {  	[sflag:s28] =	ssyncset.done $0x0  }
0x7f: {  	[sflag:s28] =	ssyncadd.s32 $0xFFFFFF00  }
0x80: {  	_ =	swait.ge [sflag:s9], $0x4000  }
0x81: {  	[sflag:s9] =	ssyncset.done $0x0  }
0x82: {  	[sflag:s9] =	ssyncadd.s32 $0xFFFFC000  }
0x83: {  	[tilespmem:s31], [sflag:$0x9] =	stream.indirect.gather [hbm4b:s3+s30], $0x80, s7, s30, $0xb8;
	[tilespmem:$0x1D080] =	vst v63  }
0x84: {  	_ =	swait.ge [sflag:s11], $0x4000  }
0x85: {  	[sflag:s11] =	ssyncset.done $0x0  }
0x86: {  	s17 =	simm.s32 $0x380;
	[sflag:s11] =	ssyncadd.s32 $0xFFFFC000  }
0x87: {  	[spmem:s1] =	stream.indirect.scatter.add.f32 [tilespmem:s5], [sflag:$0xC], $0x80, s17, s30, $0xb8;
	[tilespmem:$0x1D080] =	vst v63  }
0x88: {  	s18 =	sadd.s32 s10, s20  }
0x89: {  	[tilespmem:s24], [sflag:$0x8] =	stream.linear.gather [hbm4b:s18+s2], $0x100, $0x38;
	[tilespmem:$0x1D080] =	vst v63  }
0x8a: {  	_ =	swait.ge [sflag:s25], $0x100  }
0x8b: {  	[sflag:s25] =	ssyncset.done $0x0  }
0x8c: {  	[sflag:s25] =	ssyncadd.s32 $0xFFFFFF00  }
0x8d: {  	_ =	swait.ge [sflag:s14], $0x4000  }
0x8e: {  	[sflag:s14] =	ssyncset.done $0x0  }
0x8f: {  	[sflag:s14] =	ssyncadd.s32 $0xFFFFC000  }
0x90: {  	[tilespmem:s5], [sflag:$0xA] =	stream.indirect.gather [hbm4b:s3+s30], $0x80, s13, s30, $0xb8;
	[tilespmem:$0x1D080] =	vst v63  }
0x91: {  	_ =	swait.ge [sflag:s6], $0x4000  }
0x92: {  	[sflag:s6] =	ssyncset.done $0x0  }
0x93: {  	p1 =	seq.s32 s10, $0x900;
	s17 =	simm.s32 $0x480;
	[sflag:s6] =	ssyncadd.s32 $0xFFFFC000  }
0x94: {  	[spmem:s1] =	stream.indirect.scatter.add.f32 [tilespmem:s31], [sflag:$0xB], $0x80, s17, s30, $0xb8;
	[tilespmem:$0x1D080] =	vst v63  }
0x95: {  	s16 =	sadd.s32 @!p1 s10, s19;
	s17 =	simm.s32 @!p1 $0x0  }
0x96: {  	[tilespmem:s17], [sflag:$0x1] =	stream.linear.gather @!p1 [hbm4b:s16+s17], $0x100, $0x38;
	[tilespmem:$0x1D080] =	vst v63  }
0x97: {  	_ =	swait.ge [sflag:s15], $0x100  }
0x98: {  	[sflag:s15] =	ssyncset.done $0x0  }
0x99: {  	[sflag:s15] =	ssyncadd.s32 $0xFFFFFF00  }
0x9a: {  	_ =	swait.ge [sflag:s9], $0x4000  }
0x9b: {  	[sflag:s9] =	ssyncset.done $0x0  }
0x9c: {  	[sflag:s9] =	ssyncadd.s32 $0xFFFFC000  }
0x9d: {  	[tilespmem:s31], [sflag:$0x9] =	stream.indirect.gather [hbm4b:s3+s30], $0x80, s29, s30, $0xb8;
	[tilespmem:$0x1D080] =	vst v63  }
0x9e: {  	_ =	swait.ge [sflag:s11], $0x4000  }
0x9f: {  	[sflag:s11] =	ssyncset.done $0x0  }
0xa0: {  	s18 =	simm.s32 $0x580;
	s16 =	rddreg [dreg:$0x11];
	[sflag:s11] =	ssyncadd.s32 $0xFFFFC000  }
0xa1: {  	[spmem:s1] =	stream.indirect.scatter.add.f32 [tilespmem:s5], [sflag:$0xC], $0x80, s18, s30, $0xb8;
	[tilespmem:$0x1D080] =	vst v63  }
0xa2: {  	s16 =	sadd.s32 @!p1 s10, s16;
	s18 =	simm.s32 @!p1 $0x100  }
0xa3: {  	[tilespmem:s18], [sflag:$0x2] =	stream.linear.gather @!p1 [hbm4b:s16+s17], $0x100, $0x38;
	[tilespmem:$0x1D080] =	vst v63  }
0xa4: {  	_ =	swait.ge [sflag:s12], $0x100  }
0xa5: {  	[sflag:s12] =	ssyncset.done $0x0  }
0xa6: {  	[sflag:s12] =	ssyncadd.s32 $0xFFFFFF00  }
0xa7: {  	_ =	swait.ge [sflag:s14], $0x4000  }
0xa8: {  	[sflag:s14] =	ssyncset.done $0x0  }
0xa9: {  	[sflag:s14] =	ssyncadd.s32 $0xFFFFC000  }
0xaa: {  	[tilespmem:s5], [sflag:$0xA] =	stream.indirect.gather [hbm4b:s3+s30], $0x80, s24, s30, $0xb8;
	[tilespmem:$0x1D080] =	vst v63  }
0xab: {  	_ =	swait.ge [sflag:s6], $0x4000  }
0xac: {  	[sflag:s6] =	ssyncset.done $0x0  }
0xad: {  	s18 =	simm.s32 $0x680;
	s16 =	simm.s32 @p1 $0xB;
	[sflag:s6] =	ssyncadd.s32 $0xFFFFC000  }
0xae: {  	[spmem:s1] =	stream.indirect.scatter.add.f32 [tilespmem:s31], [sflag:$0xB], $0x80, s18, s30, $0xb8;
	[tilespmem:$0x1D080] =	vst v63  }
0xaf: {  	_ =	swait.ge @p1 [sflag:s16], $0x4000  }
0xb0: {  	[sflag:s16] =	ssyncset.done @p1 $0x0  }
0xb1: {  	[sflag:s16] =	ssyncadd.s32 @p1 $0xFFFFC000;
	s16 =	rddreg [dreg:$0x10]  }
0xb2: {  	s18 =	simm.s32 @!p1 $0x200;
	s16 =	sadd.s32 @!p1 s10, s16  }
0xb3: {  	[tilespmem:s18], [sflag:$0x3] =	stream.linear.gather @!p1 [hbm4b:s16+s17], $0x100, $0x38;
	[tilespmem:$0x1D080] =	vst v63  }
0xb4: {  	s16 =	simm.s32 @!p1 $0x1  }
0xb5: {  	_ =	swait.ge @!p1 [sflag:s16], $0x100  }
0xb6: {  	[sflag:s16] =	ssyncset.done @!p1 $0x0  }
0xb7: {  	[sflag:s16] =	ssyncadd.s32 @!p1 $0xFFFFFF00;
	s16 =	simm.s32 @!p1 $0xB  }
0xb8: {  	_ =	swait.ge @!p1 [sflag:s16], $0x4000  }
0xb9: {  	[sflag:s16] =	ssyncset.done @!p1 $0x0  }
0xba: {  	s18 =	simm.s32 @!p1 $0x800;
	[sflag:s16] =	ssyncadd.s32 @!p1 $0xFFFFC000;
	s16 =	simm.s32 @!p1 $0x80  }
0xbb: {  	[tilespmem:s18], [sflag:$0x9] =	stream.indirect.gather @!p1 [hbm4b:s3+s16], $0x80, s17, s16, $0xb8;
	[tilespmem:$0x1D080] =	vst v63  }
.Ltmp2:
0xbc: {  	_ = 	snop;
	(pc) =	sbr.rel @p1 .LBB2_4-.Ltmp2, $4  }
0xbd: {  	_ =	swait.ge [sflag:s11], $0x4000  }
0xbe: {  	[sflag:s11] =	ssyncset.done $0x0  }
0xbf: {  	s18 =	simm.s32 $0x780;
	[sflag:s11] =	ssyncadd.s32 $0xFFFFC000  }
0xc0: {  	[spmem:s1] =	stream.indirect.scatter.add.f32 [tilespmem:s5], [sflag:$0xC], $0x80, s18, s30, $0xb8;
	[tilespmem:$0x1D080] =	vst v63  }
.Ltmp3:
0xc1: {  	(pc) =	sbr.rel .LBB2_2-.Ltmp3, $4  }
0xc2: {  	_ = 	snop  }
0xc3: {  	s16 =	rddreg [dreg:$0xf]  }
0xc4: {  	s16 =	sadd.s32 s10, s16;
	s10 =	sadd.s32 $0x100, s10  }
0xc5: {  	[tilespmem:s26], [sflag:$0x4] =	stream.linear.gather [hbm4b:s16+s2], $0x100, $0x38;
	[tilespmem:$0x1D080] =	vst v63  }
.LBB2_5:
0xc6: {  	_ =	sfence.sel $0x180000  }
0xc7: {  	[bflag:$0x0] =	sbarrier.arrive $0xFFFF  }
0xc8: {  	_ =	strace $0x9000004D  }
0xc9: {  	[bflag:$0x2] =	sbarrier.arrive $0xFFFF  }
0xca: {  	s0 =	rddreg [dreg:$0x2]  }
0xcb: {  	s0 =	sadd.s32 @!p0 $0x100000, s0  }
0xcc: {  	[sflag:s0] =	ssyncadd.tile.s32 @!p0 $0x1;
	_ =	shalt  }
.Lfunc_end2:
_tile_overlayer_lowered:
.L_overlay_start_2:
0xcd: {  	(tag) =	ssettag $0x2  }
0xce: {  	s0 =	rddreg [dreg:$0x0];
	s2 =	stileid.u32  }
0xcf: {  	s1 =	rddreg [dreg:$0x1];
	p0 =	sne.s32 s2, $0x0  }
0xd0: {  	s3 =	rddreg [dreg:$0x2];
	[bflag:$0x3] =	sbarrier.arrive $0xFFFF;
	s2 =	simm.s32 @!p0 $0x1C0D  }
0xd1: {  	[timem:s3], [sflag:s2] =	dma.local @!p0 [hbm:s0], s1  }
0xd2: {  	s0 =	simm.s32 @!p0 $0xD  }
0xd3: {  	_ =	swait.ge @!p0 [sflag:s0], s1  }
0xd4: {  	s1 =	ssub.s32 @!p0 $0x0, s1;
	[sflag:s0] =	ssyncset.done @!p0 $0x0  }
0xd5: {  	[sflag:s0] =	ssyncadd.s32 @!p0 s1  }
0xd6: {  	[bflag:$0x3] =	sbarrier.arrive $0xFFFF  }
0xd7: {  	_ =	shalt  }

// kernel: kernel.19.cloned.1.call-start
scs
__scs_entry_jumppad:
0x0: {  	(pc) =	sbr.rel $0x88, $3  }
0x1: {  	(tag) =	ssettag $0x0;
	lr =	simm.s32 $0x1  }
0x2: {  	[smem:$0x3F85] =	sst lr;
	_ =	strace $0xD0000000  }
0x3: {  	_ = 	snop  }
0x4: {  	_ = 	snop  }
0x5: {  	_ = 	snop  }
0x6: {  	_ = 	snop  }
0x7: {  	_ = 	snop  }
__scs_overlays_trampoline_lowered:
0x8: {  	[smem:$0x3F94] =	sst s0  }
0x9: {  	[smem:$0x3F95] =	sst s1  }
0xa: {  	[smem:$0x3F96] =	sst s2  }
0xb: {  	[smem:$0x3F97] =	sst s3  }
0xc: {  	[smem:$0x3F98] =	sst s4  }
0xd: {  	[smem:$0x3F99] =	sst s5  }
0xe: {  	[smem:$0x3F9A] =	sst s6  }
0xf: {  	[smem:$0x3F9B] =	sst s7  }
0x10: {  	[smem:$0x3F9C] =	sst s8  }
0x11: {  	[smem:$0x3F9D] =	sst s9;
	s0 =	simm.s32 @!p0 $0x0  }
0x12: {  	s1 =	sld [smem:$0x3F83];
	s0 =	simm.s32 @p0 $0x1  }
0x13: {  	[smem:$0x3F9E] =	sst s0;
	s0 =	simm.s32 @!p1 $0x0  }
0x14: {  	s2 =	sld [smem:$0x3F82];
	s0 =	simm.s32 @p1 $0x1  }
0x15: {  	[smem:$0x3F9F] =	sst s0;
	s0 =	simm.s32 @!p2 $0x0  }
0x16: {  	s3 =	sld [smem:$0x3FDB];
	s0 =	simm.s32 @p2 $0x1  }
0x17: {  	s4 =	simm.s32 $0x1BF5;
	[smem:$0x3FA1] =	sst s0  }
0x18: {  	s0 =	sld [smem:$0x3F84];
	_ =	swait.ge [sflag:s4], $0x0  }
0x19: {  	s7 =	sld [smem:$0x3F85]  }
0x1a: {  	s8 =	sadd.s32 $0xFFFFE003, lr  }
0x1b: {  	s9 =	sadd.s32 $0xFFFFFEF7, lr;
	s5 =	simm.s32 $0xFFFFFFFF;
	p2 =	slt.u32 s8, $0xFFFFF086  }
0x1c: {  	p1 =	slt.u32 s9, $0xF7A;
	s5 =	simm.s32 @!p2 $0x0  }
0x1d: {  	s5 =	simm.s32 @p1 $0x1;
	p0 =	seq.s32 s7, s2  }
0x1e: {  	s7 =	smul.u32 @!p0 $0xF7A, s2;
	p2 =	seq.s32 @!p0 s5, $0x0  }
0x1f: {  	s9 =	smul.u32 $0xF7A, s1;
	s8 =	simm.s32 @!p0 $0x1BF5;
	p2 =	por !p2, p0  }
0x20: {  	[sflag:s8] =	ssyncset.s32 @!p0 $0xFFFFF086;
	s6 =	sadd.s32 @!p0 s3, s7;
	s7 =	simm.s32 @!p0 $0x108  }
0x21: {  	s3 =	sadd.s32 s3, s9;
	s6 =	sadd.s32 @!p0 $0x88, s6;
	s7 =	simm.s32 @p2 $0x1082  }
0x22: {  	[simem:s7], [sflag:s8] =	dma.local @!p0 [hbm:s6], $0xF7A  }
0x23: {  	s9 =	sor.u32 $0xD0000000, s2;
	s6 =	simm.s32 $0x108;
	_ =	swait.ge @!p0 [sflag:s8], $0x0  }
0x24: {  	s3 =	sadd.s32 $0x88, s3;
	s6 =	simm.s32 @!p1 $0x1082;
	[sflag:s4] =	ssyncset.s32 $0xFFFFF086  }
0x25: {  	[simem:s6], [sflag:s4] =	dma.local [hbm:s3], $0xF7A  }
0x26: {  	[smem:$0x3F85] =	sst s1;
	(tag) =	ssettag s2;
	_ =	strace s9  }
0x27: {  	s1 =	sld [smem:$0x3F95]  }
0x28: {  	s2 =	sld [smem:$0x3F96]  }
0x29: {  	s4 =	sld [smem:$0x3F98]  }
0x2a: {  	p0 =	seq.s32 s5, $0x0;
	s5 =	sld [smem:$0x3F99]  }
0x2b: {  	s6 =	sld [smem:$0x3F9A]  }
0x2c: {  	s7 =	sld [smem:$0x3F9B]  }
0x2d: {  	s3 =	simm.s32 $0x108;
	s8 =	sld [smem:$0x3F9C]  }
0x2e: {  	s3 =	simm.s32 @!p0 $0x1082;
	s9 =	sld [smem:$0x3F9D]  }
0x2f: {  	lr =	sadd.s32 s0, s3;
	s0 =	sld [smem:$0x3F94]  }
0x30: {  	s3 =	sld [smem:$0x3F97]  }
0x31: {  	[smem:$0x3FA0] =	sst s10  }
0x32: {  	s10 =	sld [smem:$0x3F9E];
	_ =	sdelay $0x3  }
0x33: {  	p0 =	seq.s32 s10, $0x1;
	s10 =	sld [smem:$0x3FA0];
	_ =	sdelay $0x3  }
0x34: {  	[smem:$0x3FA0] =	sst s10  }
0x35: {  	s10 =	sld [smem:$0x3F9F];
	_ =	sdelay $0x3  }
0x36: {  	p1 =	seq.s32 s10, $0x1;
	s10 =	sld [smem:$0x3FA0];
	_ =	sdelay $0x3  }
0x37: {  	[smem:$0x3FA0] =	sst s10  }
0x38: {  	s10 =	sld [smem:$0x3FA1]  }
0x39: {  	_ = 	snop;
	(pc) =	sbr.ind lr, $3  }
0x3a: {  	_ = 	snop  }
0x3b: {  	_ = 	snop  }
0x3c: {  	p2 =	seq.s32 s10, $0x1;
	s10 =	sld [smem:$0x3FA0]  }
0x3d: {  	_ =	shalt  }
0x3e: {  	_ =	shalt  }
0x3f: {  	_ =	shalt  }
0x40: {  	_ =	shalt  }
0x41: {  	_ =	shalt  }
0x42: {  	_ =	shalt  }
0x43: {  	_ =	shalt  }
0x44: {  	_ =	shalt  }
0x45: {  	_ =	shalt  }
0x46: {  	_ =	shalt  }
0x47: {  	_ =	shalt  }
0x48: {  	_ =	shalt  }
0x49: {  	_ =	shalt  }
0x4a: {  	_ =	shalt  }
0x4b: {  	_ =	shalt  }
0x4c: {  	_ =	shalt  }
0x4d: {  	_ =	shalt  }
0x4e: {  	_ =	shalt  }
0x4f: {  	_ =	shalt  }
0x50: {  	_ =	shalt  }
0x51: {  	_ =	shalt  }
0x52: {  	_ =	shalt  }
0x53: {  	_ =	shalt  }
0x54: {  	_ =	shalt  }
0x55: {  	_ =	shalt  }
0x56: {  	_ =	shalt  }
0x57: {  	_ =	shalt  }
0x58: {  	_ =	shalt  }
0x59: {  	_ =	shalt  }
0x5a: {  	_ =	shalt  }
0x5b: {  	_ =	shalt  }
0x5c: {  	_ =	shalt  }
0x5d: {  	_ =	shalt  }
0x5e: {  	_ =	shalt  }
0x5f: {  	_ =	shalt  }
0x60: {  	_ =	shalt  }
0x61: {  	_ =	shalt  }
0x62: {  	_ =	shalt  }
0x63: {  	_ =	shalt  }
0x64: {  	_ =	shalt  }
0x65: {  	_ =	shalt  }
0x66: {  	_ =	shalt  }
0x67: {  	_ =	shalt  }
0x68: {  	_ =	shalt  }
0x69: {  	_ =	shalt  }
0x6a: {  	_ =	shalt  }
0x6b: {  	_ =	shalt  }
0x6c: {  	_ =	shalt  }
0x6d: {  	_ =	shalt  }
0x6e: {  	_ =	shalt  }
0x6f: {  	_ =	shalt  }
0x70: {  	_ =	shalt  }
0x71: {  	_ =	shalt  }
0x72: {  	_ =	shalt  }
0x73: {  	_ =	shalt  }
0x74: {  	_ =	shalt  }
0x75: {  	_ =	shalt  }
0x76: {  	_ =	shalt  }
0x77: {  	_ =	shalt  }
0x78: {  	_ =	shalt  }
0x79: {  	_ =	shalt  }
0x7a: {  	_ =	shalt  }
0x7b: {  	_ =	shalt  }
0x7c: {  	_ =	shalt  }
0x7d: {  	_ =	shalt  }
0x7e: {  	_ =	shalt  }
0x7f: {  	_ =	shalt  }
0x80: {  	_ =	shalt  }
0x81: {  	_ =	shalt  }
0x82: {  	_ =	shalt  }
0x83: {  	_ =	shalt  }
0x84: {  	_ =	shalt  }
0x85: {  	_ =	shalt  }
0x86: {  	_ =	shalt  }
0x87: {  	_ =	shalt  }
.Lfunc_end0:
.L_simem_size_0:
called_computation.3_lowered:
.L_overlay_start_0:
0x88: {  	s2 =	sld [smem:$0x3FD9]  }
0x89: {  	s3 =	sld [smem:$0x3FFE];
	_ =	sdelay $0x1  }
0x8a: {  	s1 =	srdreg.scid  }
0x8b: {  	s0 =	sand.u32 $0x1, s1  }
0x8c: {  	s17 =	sshll.u32 s0, $0xA;
	s2 =	sadd.s32 s3, s2  }
0x8d: {  	s2 =	sadd.s32 s2, s17  }
0x8e: {  	[smem:$0x3FAC] =	sst s2  }
0x8f: {  	_ = 	snop  }
0x90: {  	s2 =	sld [smem:$0x3FC7];
	(tm) =	ssettm $0x1  }
0x91: {  	s18 =	sld [smem:$0x3FFB];
	_ =	sdelay $0x3  }
0x92: {  	_ =	strace s18  }
0x93: {  	s3 =	sld [smem:$0x3FFC];
	_ =	sdelay $0x3  }
0x94: {  	_ =	strace s3  }
0x95: {  	s3 =	sld [smem:$0x3FFD];
	_ =	sdelay $0x3  }
0x96: {  	_ =	strace s3  }
0x97: {  	_ =	strace $0x8FFFFFFF  }
0x98: {  	s19 =	sld [smem:$0x3FDB];
	_ =	sdelay $0x1  }
0x99: {  	s4 =	simm.s32 $_scs_section_size  }
0x9a: {  	s5 =	simm.s32 $_size__tile_overlayer_lowered;
	s6 =	simm.s32 $_tile_overlayer_lowered  }
0x9b: {  	s22 =	simm.s32 $0x1BFF;
	s21 =	sshll.u32 s6, $0x1;
	s3 =	sadd.s32 s4, s19  }
0x9c: {  	s7 =	simm.s32 $0x0;
	s20 =	sshll.u32 s5, $0x1;
	s5 =	sadd.s32 s21, s3  }
0x9d: {  	[timem:s7], [sflag:s22] =	dma.local [hbm:s5], s20  }
0x9e: {  	_ =	swait.ge [sflag:s22], s20  }
0x9f: {  	s4 =	ssub.s32 $0x0, s20;
	[sflag:s22] =	ssyncset.done $0x0  }
0xa0: {  	[sflag:s22] =	ssyncadd.s32 s4;
	_ =	sdelay $0x1  }
0xa1: {  	s23 =	simm.s32 $0x1B8B  }
0xa2: {  	_ =	swait.ge [sflag:s23], $0x1  }
0xa3: {  	[sflag:s23] =	ssyncset.done $0x0  }
0xa4: {  	s25 =	simm.s32 $0x1B8E;
	s24 =	sld [smem:$0x3FFE];
	[sflag:s23] =	ssyncadd.s32 $0xFFFFFFFF  }
0xa5: {  	s26 =	simm.s32 $execute0_lowered;
	[smem:$0x3FD2] =	sst s25  }
0xa6: {  	s5 =	sshll.u32 s26, $0x1;
	_ =	strace $0x8000004F;
	[dreg:$0x1] =	wrdreg $0xFFFFFFFF  }
0xa7: {  	s28 =	simm.s32 $_size_execute0_lowered;
	s3 =	sadd.s32 s3, s5;
	[dreg:$0x0] =	wrdreg $0x0  }
0xa8: {  	s5 =	sshll.u32 s28, $0x1;
	[dreg:$0x2] =	wrdreg s3  }
0xa9: {  	[dreg:$0x3] =	wrdreg s5  }
0xaa: {  	[dreg:$0x4] =	wrdreg $0xC0  }
0xab: {  	_ =	task [dreg:s7], $0x5FFFF  }
0xac: {  	[dreg:$0x1] =	wrdreg $0xFFFFFFFF  }
0xad: {  	[dreg:$0x0] =	wrdreg $0x60  }
0xae: {  	[dreg:$0x2] =	wrdreg s24  }
0xaf: {  	[dreg:$0x3] =	wrdreg s2  }
0xb0: {  	[dreg:$0x4] =	wrdreg $0x28800  }
0xb1: {  	[dreg:$0x5] =	wrdreg $0x9  }
0xb2: {  	_ =	task.clear_ibuf [dreg:s7], $0x6FFFF;
	_ =	strace $0x9000004F  }
0xb3: {  	s29 =	simm.s32 $0x9;
	_ =	strace $0x80000051  }
0xb4: {  	_ =	swait.ge [sflag:s29], $0x1  }
0xb5: {  	[sflag:s29] =	ssyncadd.s32 $0xFFFFFFFF  }
0xb6: {  	_ =	strace $0x90000051  }
0xb7: {  	_ =	sfence  }
0xb8: {  	s30 =	sld [smem:$0x0];
	_ =	sdelay $0x2  }
0xb9: {  	s31 =	sshll.u32 s1, $0xD;
	s1 =	sshrl.u32 s1, $0x2  }
0xba: {  	s3 =	sand.u32 $0x4000, s31;
	s1 =	sadd.s32 s1, s30  }
0xbb: {  	s0 =	sor.u32 s3, s0;
	s1 =	sshll.u32 s1, $0x11  }
0xbc: {  	s0 =	sor.u32 s1, s0  }
0xbd: {  	s0 =	sadd.s32 $0x8F2B, s0  }
0xbe: {  	[sflag:s0] =	ssyncadd.remote.s32 $0x1  }
0xbf: {  	_ =	sfence.sel $0xFFFF  }
0xc0: {  	[dreg:$0x0] =	wrdreg $0xFFFFFFFF;
	(pc) =	sbr.abs _section_cstart, $3  }
0xc1: {  	[dreg:$0x1] =	wrdreg $0xFFFFFFFF  }
0xc2: {  	_ =	task.clear_ibuf [dreg:s7], $0x2FFFF;
	_ =	strace $0x9FFFFFFF  }
0xc3: {  	(tm) =	ssettm $0x7FFFFFFF  }
tec
execute0_lowered:
.L_overlay_start_1:
0x0: {  	(tag) =	ssettag $0x1  }
0x1: {  	s6 =	rddreg [dreg:$0x0]  }
0x2: {  	s1 =	rddreg [dreg:$0x1]  }
0x3: {  	s2 =	rddreg [dreg:$0x2]  }
0x4: {  	s0 =	rddreg [dreg:$0x3]  }
0x5: {  	s4 =	simm.s32 $0x0;
	s5 =	srdreg.scid;
	s3 =	stileid.u32  }
0x6: {  	s17 =	simm.s32 $0x0;
	[smem:$0x7FF] =	sst s4;
	s9 =	sand.u32 $0x1, s5  }
0x7: {  	s5 =	sadd.s32 $0x5000, s6;
	s7 =	sshll.u32 s3, $0x9;
	s25 =	sshll.u32 s3, $0xC  }
0x8: {  	s26 =	sshll.u32 s3, $0x1;
	s28 =	sshll.u32 s3, $0x6;
	s12 =	smul.u32 $0xA0, s3  }
0x9: {  	s16 =	smul.u32 $0x5000, s3;
	_ =	strace $0x80000050;
	s8 =	ssub.s32 $0x2, s9  }
0xa: {  	s10 =	sadd.s32 s7, s6;
	s13 =	sadd.s32 s25, s2;
	s7 =	sor.u32 $0x1C01, s28  }
0xb: {  	s14 =	sshll.u32 s9, $0xD;
	s15 =	smul.u32 $0x50, s9;
	s29 =	sor.u32 s26, s9  }
0xc: {  	s31 =	smul.u32 $0x2800, s9;
	s24 =	sshrl.u32 s8, $0x1;
	s6 =	sadd.s32 $0x2C200, s10  }
0xd: {  	s10 =	sadd.s32 s14, s10;
	s30 =	ssub.s32 $0x9C, s29;
	s13 =	sshrl.u32 s13, $0x3  }
0xe: {  	s14 =	simm.s32 $0x1;
	s11 =	ssub.s32 s8, s24;
	s8 =	sadd.s32 $0x2E200, s10  }
0xf: {  	s10 =	sshrl.u32 s30, $0x5;
	s9 =	smax.u32 s11, $0x1;
	s11 =	sadd.s32 s15, s12  }
0x10: {  	s12 =	sadd.s32 s31, s16;
	s15 =	simm.s32 $0x80;
	s16 =	simm.s32 $0x50  }
.LBB2_1:
0x11: {  	[spmem:s13], [sflag:s7] =	dma.local [hbm:s6], $0x200  }
0x12: {  	p1 =	sne.s32 s10, $0x1  }
.Ltmp0:
0x13: {  	_ =	swait.ge [sflag:s14], $0x200;
	(pc) =	sbr.rel @!p1 .LBB2_2-.Ltmp0, $4  }
0x14: {  	[sflag:s14] =	ssyncset.done $0x0  }
0x15: {  	[sflag:s14] =	ssyncadd.s32 $0xFFFFFE00  }
0x16: {  	[bflag:$0x0] =	sbarrier.arrive $0xFFFF  }
0x17: {  	s18 =	sadd.s32 $0xFFFFFFFF, s10;
	s21 =	sshrl.u32 s11, $0x3;
	p0 =	por $0x0, $0x0  }
0x18: {  	s19 =	sadd.s32 s1, s21  }
0x19: {  	[tilespmem:s4], [sflag:$0x1] =	stream.linear.gather [hbm4b:s19+s4], $0x50, $0x38;
	[tilespmem:$0x3880] =	vst v63  }
0x1a: {  	_ =	swait.ge [sflag:s14], $0x50  }
0x1b: {  	s31 =	sshrl.u32 s12, $0x3;
	[sflag:s14] =	ssyncset.done $0x0  }
0x1c: {  	s19 =	sadd.s32 s5, s31;
	[sflag:s14] =	ssyncadd.s32 $0xFFFFFFB0  }
0x1d: {  	[tilespmem:s15], [sflag:$0x1] =	stream.linear.gather [hbm4b:s19+s4], $0x2800, $0x38;
	[tilespmem:$0x3880] =	vst v63  }
0x1e: {  	p1 =	sne.s32 s18, $0x1;
	_ =	swait.ge [sflag:s14], $0x2800  }
.Ltmp1:
0x1f: {  	[sflag:s14] =	ssyncset.done $0x0;
	(pc) =	sbr.rel @!p1 .LBB2_4-.Ltmp1, $4  }
0x20: {  	s20 =	sadd.s32 $0xA00, s11;
	[sflag:s14] =	ssyncadd.s32 $0xFFFFD800  }
0x21: {  	[spmem:s2] =	stream.indirect.scatter.add.f32 [tilespmem:s15], [sflag:$0x1], $0x80, s4, s16, $0xb8;
	[tilespmem:$0x3880] =	vst v63  }
0x22: {  	p0 =	por $0x1, $0x1;
	s21 =	sshrl.u32 s20, $0x3;
	_ =	swait.ge [sflag:s14], $0x2800  }
0x23: {  	s19 =	sadd.s32 $0xFFFFFFFF, s18;
	s18 =	smov.u32 s12;
	[sflag:s14] =	ssyncset.done $0x0  }
.LBB2_5:
0x24: {  	s21 =	sadd.s32 s1, s21;
	[sflag:s14] =	ssyncadd.s32 $0xFFFFD800;
	s18 =	sadd.s32 $0x50000, s18  }
0x25: {  	[tilespmem:s4], [sflag:$0x1] =	stream.linear.gather [hbm4b:s21+s4], $0x50, $0x38;
	[tilespmem:$0x3880] =	vst v63  }
0x26: {  	p1 =	sne.s32 s19, $0x1;
	s19 =	sadd.s32 $0xFFFFFFFF, s19;
	_ =	swait.ge [sflag:s14], $0x50  }
0x27: {  	s21 =	sshrl.u32 s18, $0x3;
	[sflag:s14] =	ssyncset.done $0x0  }
0x28: {  	s21 =	sadd.s32 s5, s21;
	[sflag:s14] =	ssyncadd.s32 $0xFFFFFFB0  }
0x29: {  	[tilespmem:s15], [sflag:$0x1] =	stream.linear.gather [hbm4b:s21+s4], $0x2800, $0x38;
	[tilespmem:$0x3880] =	vst v63  }
0x2a: {  	_ =	swait.ge [sflag:s14], $0x2800  }
.Ltmp2:
0x2b: {  	[sflag:s14] =	ssyncset.done $0x0;
	(pc) =	sbr.rel @p1 .LBB2_5-.Ltmp2, $4  }
0x2c: {  	[sflag:s14] =	ssyncadd.s32 $0xFFFFD800  }
0x2d: {  	[spmem:s2] =	stream.indirect.scatter.add.f32 [tilespmem:s15], [sflag:$0x1], $0x80, s4, s16, $0xb8;
	[tilespmem:$0x3880] =	vst v63  }
0x2e: {  	s20 =	sadd.s32 $0xA00, s20;
	_ =	swait.ge [sflag:s14], $0x2800  }
0x2f: {  	s21 =	sshrl.u32 s20, $0x3;
	[sflag:s14] =	ssyncset.done $0x0  }
.LBB2_6:
0x30: {  	s19 =	sadd.s32 s1, s21;
	[sflag:s14] =	ssyncadd.s32 @p0 $0xFFFFD800  }
0x31: {  	[tilespmem:s4], [sflag:$0x1] =	stream.linear.gather [hbm4b:s19+s4], $0x50, $0x38;
	[tilespmem:$0x3880] =	vst v63  }
0x32: {  	s18 =	sadd.s32 @p0 $0x50000, s18;
	s19 =	smov.u32 s12  }
0x33: {  	_ =	swait.ge [sflag:s14], $0x50;
	s19 =	smov.u32 @p0 s18  }
0x34: {  	[sflag:s14] =	ssyncset.done $0x0;
	s18 =	sshrl.u32 s19, $0x3  }
0x35: {  	[sflag:s14] =	ssyncadd.s32 $0xFFFFFFB0;
	s18 =	sadd.s32 s5, s18  }
0x36: {  	[tilespmem:s15], [sflag:$0x1] =	stream.linear.gather [hbm4b:s18+s4], $0x2800, $0x38;
	[tilespmem:$0x3880] =	vst v63  }
0x37: {  	_ =	swait.ge [sflag:s14], $0x2800  }
0x38: {  	[sflag:s14] =	ssyncset.done $0x0  }
0x39: {  	[sflag:s14] =	ssyncadd.s32 $0xFFFFD800  }
0x3a: {  	[spmem:s2] =	stream.indirect.scatter.add.f32 [tilespmem:s15], [sflag:$0x1], $0x80, s4, s16, $0xb8;
	[tilespmem:$0x3880] =	vst v63  }
0x3b: {  	_ =	swait.ge [sflag:s14], $0x2800  }
0x3c: {  	[sflag:s14] =	ssyncset.done $0x0  }
0x3d: {  	s17 =	sadd.s32 $0x1, s17;
	[sflag:s14] =	ssyncadd.s32 $0xFFFFD800  }
0x3e: {  	p0 =	sne.s32 s17, s9;
	[bflag:$0x0] =	sbarrier.arrive $0xFFFF  }
0x3f: {  	[hbm:s8], [sflag:s7] =	dma.local [spmem:s13], $0x200  }
.Ltmp3:
0x40: {  	_ = 	snop;
	(pc) =	sbr.rel @p0 .LBB2_1-.Ltmp3, $4  }
.Ltmp4:
0x41: {  	_ = 	snop;
	(pc) =	sbr.rel @!p0 .LBB2_7-.Ltmp4, $4  }
0x42: {  	_ =	swait.ge [sflag:s14], $0x200  }
0x43: {  	[sflag:s14] =	ssyncset.done $0x0  }
0x44: {  	[sflag:s14] =	ssyncadd.s32 $0xFFFFFE00  }
0x45: {  	_ = 	snop  }
.LBB2_2:
.Ltmp5:
0x46: {  	(pc) =	sbr.rel .LBB2_6-.Ltmp5, $2  }
0x47: {  	_ =	sdelay $0x2  }
0x48: {  	s18 =	smov.u32 s12  }
.LBB2_4:
.Ltmp6:
0x49: {  	(pc) =	sbr.rel .LBB2_6-.Ltmp6, $2  }
0x4a: {  	_ =	sdelay $0x2  }
0x4b: {  	s18 =	smov.u32 s12  }
.LBB2_7:
0x4c: {  	_ =	sfence.sel $0x180000  }
0x4d: {  	[bflag:$0x0] =	sbarrier.arrive $0xFFFF  }
0x4e: {  	p0 =	sne.s32 s3, $0x0;
	_ =	strace $0x90000050  }
0x4f: {  	s0 =	sadd.s32 @!p0 $0x100000, s0;
	[bflag:$0x2] =	sbarrier.arrive $0xFFFF  }
0x50: {  	[sflag:s0] =	ssyncadd.tile.s32 @!p0 $0x1;
	_ =	shalt  }
.Lfunc_end2:
_tile_overlayer_lowered:
.L_overlay_start_2:
0x51: {  	(tag) =	ssettag $0x2  }
0x52: {  	s0 =	rddreg [dreg:$0x0];
	s2 =	stileid.u32  }
0x53: {  	s1 =	rddreg [dreg:$0x1];
	p0 =	sne.s32 s2, $0x0  }
0x54: {  	s3 =	rddreg [dreg:$0x2];
	[bflag:$0x3] =	sbarrier.arrive $0xFFFF;
	s2 =	simm.s32 @!p0 $0x1C01  }
0x55: {  	[timem:s3], [sflag:s2] =	dma.local @!p0 [hbm:s0], s1  }
0x56: {  	s0 =	simm.s32 @!p0 $0x1  }
0x57: {  	_ =	swait.ge @!p0 [sflag:s0], s1  }
0x58: {  	s1 =	ssub.s32 @!p0 $0x0, s1;
	[sflag:s0] =	ssyncset.done @!p0 $0x0  }
0x59: {  	[sflag:s0] =	ssyncadd.s32 @!p0 s1  }
0x5a: {  	[bflag:$0x3] =	sbarrier.arrive $0xFFFF  }
0x5b: {  	_ =	shalt  }

</sc_bundles>
